<compile_context>
chip_gen: v7x
topology: tpu7x:2x2x1
jax: 0.10.2.dev20260603
libtpu: 0.0.44.dev20260713+nightly
codegen_flags: <defaults>
</compile_context>

<pallas_src>
import functools

import jax
import jax.numpy as jnp
from jax import lax
from jax.experimental import pallas as pl
from jax.experimental.pallas import tpu as pltpu
from jax.experimental.pallas import tpu_sc as plsc

_SEQ = 16384
_T = 50
_B = _SEQ * _T
_D = 64
_NC = 2
_NS = 16
_NW = _NC * _NS
_BPW = _B // _NW
_CH = 200
_SCH = _CH // _T
_NCH = _BPW // _CH
_NSLOT = 8
_NROUNDS = _NCH // _NSLOT


def _embedding_gather(idx, table):
    mesh = plsc.VectorSubcoreMesh(core_axis_name="c", subcore_axis_name="s")

    @functools.partial(
        pl.kernel,
        mesh=mesh,
        compiler_params=pltpu.CompilerParams(use_tc_tiling_on_sc=False),
        out_type=jax.ShapeDtypeStruct((_SEQ, _T, _D), jnp.float32),
        scratch_types=[
            pltpu.VMEM((_BPW,), jnp.int32),
            pltpu.VMEM((_NSLOT, _CH, _D), jnp.float32),
            pltpu.SemaphoreType.DMA((_NSLOT,)),
            pltpu.SemaphoreType.DMA((_NSLOT,)),
        ],
    )
    def k(idx_hbm, table_hbm, out_hbm, idx_v, bufs, gsem, wsem):
        wid = lax.axis_index("s") * _NC + lax.axis_index("c")
        base = wid * _BPW
        seq_base = wid * (_BPW // _T)
        pltpu.sync_copy(idx_hbm.at[pl.ds(base, _BPW)], idx_v)

        def gather_desc(c, b):
            return pltpu.make_async_copy(
                table_hbm.at[idx_v.at[pl.ds(c * _CH, _CH)]],
                bufs.at[b],
                gsem.at[b],
            )

        def wb_desc(c, b, s):
            return pltpu.make_async_copy(
                bufs.at[b].at[pl.ds(s * _T, _T)],
                out_hbm.at[seq_base + c * _SCH + s],
                wsem.at[b],
            )

        def wb_start(c, b):
            for s in range(_SCH):
                wb_desc(c, b, s).start()

        def wb_wait(c, b):
            for s in range(_SCH):
                wb_desc(c, b, s).wait()

        for b in range(_NSLOT):
            gather_desc(b, b).start()

        @pl.loop(0, _NROUNDS)
        def _round(g):
            c0 = g * _NSLOT
            for b in range(_NSLOT):
                gather_desc(c0 + b, b).wait()
                wb_start(c0 + b, b)

            @pl.when(g < _NROUNDS - 1)
            def _prefetch():
                for b in range(_NSLOT):
                    wb_wait(c0 + b, b)
                    gather_desc(c0 + _NSLOT + b, b).start()

        cl = (_NROUNDS - 1) * _NSLOT
        for b in range(_NSLOT):
            wb_wait(cl + b, b)

    return k(idx, table)


def kernel(tokens, table):
    idx = tokens.reshape(-1).astype(jnp.int32)
    return _embedding_gather(idx, table)

# --- scband reference (transcript-rebuilt; emitter-appended) ---
"""Pipeline reference for scband-token-embedding-3521873183311 (READ-ONLY COPY).

The authoritative reference and input builder live on the scoring server;
editing this copy changes nothing except your own understanding.
"""

import jax, jax.numpy as jnp
import numpy as np

VOCAB = 1000000
EMB = 64
PAD_IDX = 0

def setup_inputs(seed: int = 0) -> dict:
    key = jax.random.key(seed)
    k_tok, k_tab = jax.random.split(key)
    tokens = jax.random.randint(k_tok, (16384, 50), 0, VOCAB, dtype=jnp.int64 if jax.config.jax_enable_x64 else jnp.int32)
    table = jax.random.normal(k_tab, (VOCAB, EMB), dtype=jnp.float32)
    # nn.Embedding with padding_idx zero-initializes that row
    table = table.at[PAD_IDX].set(0.0)
    return {"tokens": tokens, "table": table}

def reference(tokens, table):
    # nn.Embedding forward: gather rows of table by token ids
    tokens = tokens.astype(jnp.int32)
    out = jnp.take(table, tokens, axis=0)
    return out

if __name__ == "__main__":
    import jax
    _d = setup_inputs()
    print(jax.jit(kernel)(*tuple(_d.values())))

</pallas_src>

<mosaic_0001>
#map = affine_map<(d0, d1) -> (0)>
#map1 = affine_map<(d0, d1) -> (0, 0)>
#map2 = affine_map<(d0, d1) -> (0, 0, 0)>
module attributes {stable_mosaic.version = 14 : i64} {
  func.func @k(%arg0: i32, %arg1: i32, %arg2: memref<819200xi32, #tpu.memory_space<hbm>>, %arg3: memref<1000000x64xf32, #tpu.memory_space<hbm>>, %arg4: memref<16384x50x64xf32, #tpu.memory_space<hbm>>, %arg5: memref<25600xi32, #tpu.memory_space<vmem>>, %arg6: memref<8x200x64xf32, #tpu.memory_space<vmem>>, %arg7: memref<8x!tpu.dma_semaphore, #tpu.memory_space<semaphore_mem>>, %arg8: memref<8x!tpu.dma_semaphore, #tpu.memory_space<semaphore_mem>>) attributes {dimension_semantics = [#tpu.dimension_semantics<core_parallel>, #tpu.dimension_semantics<subcore_parallel>], iteration_bounds = array<i64: 2, 16>, scalar_prefetch = 0 : i64, scratch_operands = 4 : i64, tpu.core_type = #tpu.core_type<sc_vector_subcore>, window_params = [{transform_indices = #map}, {transform_indices = #map1}, {transform_indices = #map2}]} {
    %mul3A = arith.constant 2 : i32
    %mul3A_0 = arith.muli %arg1, %mul3A : i32
    %add3A = arith.addi %mul3A_0, %arg0 : i32
    %mul3A_1 = arith.constant 25600 : i32
    %mul3A_2 = arith.muli %add3A, %mul3A_1 : i32
    %mul3A_3 = arith.constant 512 : i32
    %mul3A_4 = arith.muli %add3A, %mul3A_3 : i32
    "tpu.region"() ({
      %run_scoped3A = tpu.sem_alloc : memref<!tpu.dma_semaphore, #tpu.memory_space<semaphore_mem>>
      %dma_start3A_1071 = tpu.memref_slice %arg2[%mul3A_2] : memref<819200xi32, #tpu.memory_space<hbm>> -> memref<25600xi32, #tpu.memory_space<hbm>>
      %dma_start3A_1072 = tpu.memref_slice %arg2[%mul3A_2] : memref<819200xi32, #tpu.memory_space<hbm>> -> memref<25600xi32, #tpu.memory_space<hbm>>
      tpu.enqueue_dma source(%dma_start3A_1072 : memref<25600xi32, #tpu.memory_space<hbm>>) target(%arg5 : memref<25600xi32, #tpu.memory_space<vmem>>) target_semaphore(%run_scoped3A : memref<!tpu.dma_semaphore, #tpu.memory_space<semaphore_mem>>)
      %dma_wait3A_1073 = tpu.memref_slice %arg2[%mul3A_2] : memref<819200xi32, #tpu.memory_space<hbm>> -> memref<25600xi32, #tpu.memory_space<hbm>>
      %dma_wait3A_1074 = tpu.memref_slice %arg2[%mul3A_2] : memref<819200xi32, #tpu.memory_space<hbm>> -> memref<25600xi32, #tpu.memory_space<hbm>>
      tpu.wait_dma2 semaphore(%run_scoped3A : memref<!tpu.dma_semaphore, #tpu.memory_space<semaphore_mem>>) src(%dma_wait3A_1074 : memref<25600xi32, #tpu.memory_space<hbm>>) dst(%arg5 : memref<25600xi32, #tpu.memory_space<vmem>>)
      tpu.yield
    }) : () -> ()
    %dma_start3A = arith.constant 0 : i32
    %dma_start3A_5 = arith.constant 0 : i32
    %dma_start3A_6 = arith.constant 0 : i32
    %dma_start3A_7 = arith.constant 0 : i32
    %dma_start3A_8 = tpu.memref_slice %arg6[%dma_start3A, %dma_start3A_6, %dma_start3A_7] : memref<8x200x64xf32, #tpu.memory_space<vmem>> -> memref<1x200x64xf32, #tpu.memory_space<vmem>>
    %dma_start3A_9 = tpu.memref_squeeze %dma_start3A_8 : memref<1x200x64xf32, #tpu.memory_space<vmem>> -> memref<200x64xf32, #tpu.memory_space<vmem>>
    %dma_start3A_10 = arith.constant 0 : i32
    %dma_start3A_11 = tpu.memref_slice %arg5[%dma_start3A_10] : memref<25600xi32, #tpu.memory_space<vmem>> -> memref<200xi32, #tpu.memory_space<vmem>>
    %dma_start3A_12 = arith.constant 0 : i32
    %dma_start3A_13 = arith.constant 0 : i32
    %dma_start3A_14 = tpu.memref_slice %arg3[%dma_start3A_12, %dma_start3A_13] : memref<1000000x64xf32, #tpu.memory_space<hbm>> -> memref<1000000x64xf32, #tpu.memory_space<hbm>>
    %dma_start3A_15 = tpu.memref_slice %arg7[%dma_start3A_5] : memref<8x!tpu.dma_semaphore, #tpu.memory_space<semaphore_mem>> -> memref<1x!tpu.dma_semaphore, #tpu.memory_space<semaphore_mem>>
    %dma_start3A_16 = tpu.memref_squeeze %dma_start3A_15 : memref<1x!tpu.dma_semaphore, #tpu.memory_space<semaphore_mem>> -> memref<!tpu.dma_semaphore, #tpu.memory_space<semaphore_mem>>
    tpu.enqueue_indirect_dma source(%dma_start3A_14 : memref<1000000x64xf32, #tpu.memory_space<hbm>>) target(%dma_start3A_9 : memref<200x64xf32, #tpu.memory_space<vmem>>) offsets(%dma_start3A_11 : memref<200xi32, #tpu.memory_space<vmem>>) semaphore(%dma_start3A_16 : memref<!tpu.dma_semaphore, #tpu.memory_space<semaphore_mem>>)
    %dma_start3A_17 = arith.constant 1 : i32
    %dma_start3A_18 = arith.constant 1 : i32
    %dma_start3A_19 = arith.constant 0 : i32
    %dma_start3A_20 = arith.constant 0 : i32
    %dma_start3A_21 = tpu.memref_slice %arg6[%dma_start3A_17, %dma_start3A_19, %dma_start3A_20] : memref<8x200x64xf32, #tpu.memory_space<vmem>> -> memref<1x200x64xf32, #tpu.memory_space<vmem>>
    %dma_start3A_22 = tpu.memref_squeeze %dma_start3A_21 : memref<1x200x64xf32, #tpu.memory_space<vmem>> -> memref<200x64xf32, #tpu.memory_space<vmem>>
    %dma_start3A_23 = arith.constant 200 : i32
    %dma_start3A_24 = tpu.memref_slice %arg5[%dma_start3A_23] : memref<25600xi32, #tpu.memory_space<vmem>> -> memref<200xi32, #tpu.memory_space<vmem>>
    %dma_start3A_25 = arith.constant 0 : i32
    %dma_start3A_26 = arith.constant 0 : i32
    %dma_start3A_27 = tpu.memref_slice %arg3[%dma_start3A_25, %dma_start3A_26] : memref<1000000x64xf32, #tpu.memory_space<hbm>> -> memref<1000000x64xf32, #tpu.memory_space<hbm>>
    %dma_start3A_28 = tpu.memref_slice %arg7[%dma_start3A_18] : memref<8x!tpu.dma_semaphore, #tpu.memory_space<semaphore_mem>> -> memref<1x!tpu.dma_semaphore, #tpu.memory_space<semaphore_mem>>
    %dma_start3A_29 = tpu.memref_squeeze %dma_start3A_28 : memref<1x!tpu.dma_semaphore, #tpu.memory_space<semaphore_mem>> -> memref<!tpu.dma_semaphore, #tpu.memory_space<semaphore_mem>>
    tpu.enqueue_indirect_dma source(%dma_start3A_27 : memref<1000000x64xf32, #tpu.memory_space<hbm>>) target(%dma_start3A_22 : memref<200x64xf32, #tpu.memory_space<vmem>>) offsets(%dma_start3A_24 : memref<200xi32, #tpu.memory_space<vmem>>) semaphore(%dma_start3A_29 : memref<!tpu.dma_semaphore, #tpu.memory_space<semaphore_mem>>)
    %dma_start3A_30 = arith.constant 2 : i32
    %dma_start3A_31 = arith.constant 2 : i32
    %dma_start3A_32 = arith.constant 0 : i32
    %dma_start3A_33 = arith.constant 0 : i32
    %dma_start3A_34 = tpu.memref_slice %arg6[%dma_start3A_30, %dma_start3A_32, %dma_start3A_33] : memref<8x200x64xf32, #tpu.memory_space<vmem>> -> memref<1x200x64xf32, #tpu.memory_space<vmem>>
    %dma_start3A_35 = tpu.memref_squeeze %dma_start3A_34 : memref<1x200x64xf32, #tpu.memory_space<vmem>> -> memref<200x64xf32, #tpu.memory_space<vmem>>
    %dma_start3A_36 = arith.constant 400 : i32
    %dma_start3A_37 = tpu.memref_slice %arg5[%dma_start3A_36] : memref<25600xi32, #tpu.memory_space<vmem>> -> memref<200xi32, #tpu.memory_space<vmem>>
    %dma_start3A_38 = arith.constant 0 : i32
    %dma_start3A_39 = arith.constant 0 : i32
    %dma_start3A_40 = tpu.memref_slice %arg3[%dma_start3A_38, %dma_start3A_39] : memref<1000000x64xf32, #tpu.memory_space<hbm>> -> memref<1000000x64xf32, #tpu.memory_space<hbm>>
    %dma_start3A_41 = tpu.memref_slice %arg7[%dma_start3A_31] : memref<8x!tpu.dma_semaphore, #tpu.memory_space<semaphore_mem>> -> memref<1x!tpu.dma_semaphore, #tpu.memory_space<semaphore_mem>>
    %dma_start3A_42 = tpu.memref_squeeze %dma_start3A_41 : memref<1x!tpu.dma_semaphore, #tpu.memory_space<semaphore_mem>> -> memref<!tpu.dma_semaphore, #tpu.memory_space<semaphore_mem>>
    tpu.enqueue_indirect_dma source(%dma_start3A_40 : memref<1000000x64xf32, #tpu.memory_space<hbm>>) target(%dma_start3A_35 : memref<200x64xf32, #tpu.memory_space<vmem>>) offsets(%dma_start3A_37 : memref<200xi32, #tpu.memory_space<vmem>>) semaphore(%dma_start3A_42 : memref<!tpu.dma_semaphore, #tpu.memory_space<semaphore_mem>>)
    %dma_start3A_43 = arith.constant 3 : i32
    %dma_start3A_44 = arith.constant 3 : i32
    %dma_start3A_45 = arith.constant 0 : i32
    %dma_start3A_46 = arith.constant 0 : i32
    %dma_start3A_47 = tpu.memref_slice %arg6[%dma_start3A_43, %dma_start3A_45, %dma_start3A_46] : memref<8x200x64xf32, #tpu.memory_space<vmem>> -> memref<1x200x64xf32, #tpu.memory_space<vmem>>
    %dma_start3A_48 = tpu.memref_squeeze %dma_start3A_47 : memref<1x200x64xf32, #tpu.memory_space<vmem>> -> memref<200x64xf32, #tpu.memory_space<vmem>>
    %dma_start3A_49 = arith.constant 600 : i32
    %dma_start3A_50 = tpu.memref_slice %arg5[%dma_start3A_49] : memref<25600xi32, #tpu.memory_space<vmem>> -> memref<200xi32, #tpu.memory_space<vmem>>
    %dma_start3A_51 = arith.constant 0 : i32
    %dma_start3A_52 = arith.constant 0 : i32
    %dma_start3A_53 = tpu.memref_slice %arg3[%dma_start3A_51, %dma_start3A_52] : memref<1000000x64xf32, #tpu.memory_space<hbm>> -> memref<1000000x64xf32, #tpu.memory_space<hbm>>
    %dma_start3A_54 = tpu.memref_slice %arg7[%dma_start3A_44] : memref<8x!tpu.dma_semaphore, #tpu.memory_space<semaphore_mem>> -> memref<1x!tpu.dma_semaphore, #tpu.memory_space<semaphore_mem>>
    %dma_start3A_55 = tpu.memref_squeeze %dma_start3A_54 : memref<1x!tpu.dma_semaphore, #tpu.memory_space<semaphore_mem>> -> memref<!tpu.dma_semaphore, #tpu.memory_space<semaphore_mem>>
    tpu.enqueue_indirect_dma source(%dma_start3A_53 : memref<1000000x64xf32, #tpu.memory_space<hbm>>) target(%dma_start3A_48 : memref<200x64xf32, #tpu.memory_space<vmem>>) offsets(%dma_start3A_50 : memref<200xi32, #tpu.memory_space<vmem>>) semaphore(%dma_start3A_55 : memref<!tpu.dma_semaphore, #tpu.memory_space<semaphore_mem>>)
    %dma_start3A_56 = arith.constant 4 : i32
    %dma_start3A_57 = arith.constant 4 : i32
    %dma_start3A_58 = arith.constant 0 : i32
    %dma_start3A_59 = arith.constant 0 : i32
    %dma_start3A_60 = tpu.memref_slice %arg6[%dma_start3A_56, %dma_start3A_58, %dma_start3A_59] : memref<8x200x64xf32, #tpu.memory_space<vmem>> -> memref<1x200x64xf32, #tpu.memory_space<vmem>>
    %dma_start3A_61 = tpu.memref_squeeze %dma_start3A_60 : memref<1x200x64xf32, #tpu.memory_space<vmem>> -> memref<200x64xf32, #tpu.memory_space<vmem>>
    %dma_start3A_62 = arith.constant 800 : i32
    %dma_start3A_63 = tpu.memref_slice %arg5[%dma_start3A_62] : memref<25600xi32, #tpu.memory_space<vmem>> -> memref<200xi32, #tpu.memory_space<vmem>>
    %dma_start3A_64 = arith.constant 0 : i32
    %dma_start3A_65 = arith.constant 0 : i32
    %dma_start3A_66 = tpu.memref_slice %arg3[%dma_start3A_64, %dma_start3A_65] : memref<1000000x64xf32, #tpu.memory_space<hbm>> -> memref<1000000x64xf32, #tpu.memory_space<hbm>>
    %dma_start3A_67 = tpu.memref_slice %arg7[%dma_start3A_57] : memref<8x!tpu.dma_semaphore, #tpu.memory_space<semaphore_mem>> -> memref<1x!tpu.dma_semaphore, #tpu.memory_space<semaphore_mem>>
    %dma_start3A_68 = tpu.memref_squeeze %dma_start3A_67 : memref<1x!tpu.dma_semaphore, #tpu.memory_space<semaphore_mem>> -> memref<!tpu.dma_semaphore, #tpu.memory_space<semaphore_mem>>
    tpu.enqueue_indirect_dma source(%dma_start3A_66 : memref<1000000x64xf32, #tpu.memory_space<hbm>>) target(%dma_start3A_61 : memref<200x64xf32, #tpu.memory_space<vmem>>) offsets(%dma_start3A_63 : memref<200xi32, #tpu.memory_space<vmem>>) semaphore(%dma_start3A_68 : memref<!tpu.dma_semaphore, #tpu.memory_space<semaphore_mem>>)
    %dma_start3A_69 = arith.constant 5 : i32
    %dma_start3A_70 = arith.constant 5 : i32
    %dma_start3A_71 = arith.constant 0 : i32
    %dma_start3A_72 = arith.constant 0 : i32
    %dma_start3A_73 = tpu.memref_slice %arg6[%dma_start3A_69, %dma_start3A_71, %dma_start3A_72] : memref<8x200x64xf32, #tpu.memory_space<vmem>> -> memref<1x200x64xf32, #tpu.memory_space<vmem>>
    %dma_start3A_74 = tpu.memref_squeeze %dma_start3A_73 : memref<1x200x64xf32, #tpu.memory_space<vmem>> -> memref<200x64xf32, #tpu.memory_space<vmem>>
    %dma_start3A_75 = arith.constant 1000 : i32
    %dma_start3A_76 = tpu.memref_slice %arg5[%dma_start3A_75] : memref<25600xi32, #tpu.memory_space<vmem>> -> memref<200xi32, #tpu.memory_space<vmem>>
    %dma_start3A_77 = arith.constant 0 : i32
    %dma_start3A_78 = arith.constant 0 : i32
    %dma_start3A_79 = tpu.memref_slice %arg3[%dma_start3A_77, %dma_start3A_78] : memref<1000000x64xf32, #tpu.memory_space<hbm>> -> memref<1000000x64xf32, #tpu.memory_space<hbm>>
    %dma_start3A_80 = tpu.memref_slice %arg7[%dma_start3A_70] : memref<8x!tpu.dma_semaphore, #tpu.memory_space<semaphore_mem>> -> memref<1x!tpu.dma_semaphore, #tpu.memory_space<semaphore_mem>>
    %dma_start3A_81 = tpu.memref_squeeze %dma_start3A_80 : memref<1x!tpu.dma_semaphore, #tpu.memory_space<semaphore_mem>> -> memref<!tpu.dma_semaphore, #tpu.memory_space<semaphore_mem>>
    tpu.enqueue_indirect_dma source(%dma_start3A_79 : memref<1000000x64xf32, #tpu.memory_space<hbm>>) target(%dma_start3A_74 : memref<200x64xf32, #tpu.memory_space<vmem>>) offsets(%dma_start3A_76 : memref<200xi32, #tpu.memory_space<vmem>>) semaphore(%dma_start3A_81 : memref<!tpu.dma_semaphore, #tpu.memory_space<semaphore_mem>>)
    %dma_start3A_82 = arith.constant 6 : i32
    %dma_start3A_83 = arith.constant 6 : i32
    %dma_start3A_84 = arith.constant 0 : i32
    %dma_start3A_85 = arith.constant 0 : i32
    %dma_start3A_86 = tpu.memref_slice %arg6[%dma_start3A_82, %dma_start3A_84, %dma_start3A_85] : memref<8x200x64xf32, #tpu.memory_space<vmem>> -> memref<1x200x64xf32, #tpu.memory_space<vmem>>
    %dma_start3A_87 = tpu.memref_squeeze %dma_start3A_86 : memref<1x200x64xf32, #tpu.memory_space<vmem>> -> memref<200x64xf32, #tpu.memory_space<vmem>>
    %dma_start3A_88 = arith.constant 1200 : i32
    %dma_start3A_89 = tpu.memref_slice %arg5[%dma_start3A_88] : memref<25600xi32, #tpu.memory_space<vmem>> -> memref<200xi32, #tpu.memory_space<vmem>>
    %dma_start3A_90 = arith.constant 0 : i32
    %dma_start3A_91 = arith.constant 0 : i32
    %dma_start3A_92 = tpu.memref_slice %arg3[%dma_start3A_90, %dma_start3A_91] : memref<1000000x64xf32, #tpu.memory_space<hbm>> -> memref<1000000x64xf32, #tpu.memory_space<hbm>>
    %dma_start3A_93 = tpu.memref_slice %arg7[%dma_start3A_83] : memref<8x!tpu.dma_semaphore, #tpu.memory_space<semaphore_mem>> -> memref<1x!tpu.dma_semaphore, #tpu.memory_space<semaphore_mem>>
    %dma_start3A_94 = tpu.memref_squeeze %dma_start3A_93 : memref<1x!tpu.dma_semaphore, #tpu.memory_space<semaphore_mem>> -> memref<!tpu.dma_semaphore, #tpu.memory_space<semaphore_mem>>
    tpu.enqueue_indirect_dma source(%dma_start3A_92 : memref<1000000x64xf32, #tpu.memory_space<hbm>>) target(%dma_start3A_87 : memref<200x64xf32, #tpu.memory_space<vmem>>) offsets(%dma_start3A_89 : memref<200xi32, #tpu.memory_space<vmem>>) semaphore(%dma_start3A_94 : memref<!tpu.dma_semaphore, #tpu.memory_space<semaphore_mem>>)
    %dma_start3A_95 = arith.constant 7 : i32
    %dma_start3A_96 = arith.constant 7 : i32
    %dma_start3A_97 = arith.constant 0 : i32
    %dma_start3A_98 = arith.constant 0 : i32
    %dma_start3A_99 = tpu.memref_slice %arg6[%dma_start3A_95, %dma_start3A_97, %dma_start3A_98] : memref<8x200x64xf32, #tpu.memory_space<vmem>> -> memref<1x200x64xf32, #tpu.memory_space<vmem>>
    %dma_start3A_100 = tpu.memref_squeeze %dma_start3A_99 : memref<1x200x64xf32, #tpu.memory_space<vmem>> -> memref<200x64xf32, #tpu.memory_space<vmem>>
    %dma_start3A_101 = arith.constant 1400 : i32
    %dma_start3A_102 = tpu.memref_slice %arg5[%dma_start3A_101] : memref<25600xi32, #tpu.memory_space<vmem>> -> memref<200xi32, #tpu.memory_space<vmem>>
    %dma_start3A_103 = arith.constant 0 : i32
    %dma_start3A_104 = arith.constant 0 : i32
    %dma_start3A_105 = tpu.memref_slice %arg3[%dma_start3A_103, %dma_start3A_104] : memref<1000000x64xf32, #tpu.memory_space<hbm>> -> memref<1000000x64xf32, #tpu.memory_space<hbm>>
    %dma_start3A_106 = tpu.memref_slice %arg7[%dma_start3A_96] : memref<8x!tpu.dma_semaphore, #tpu.memory_space<semaphore_mem>> -> memref<1x!tpu.dma_semaphore, #tpu.memory_space<semaphore_mem>>
    %dma_start3A_107 = tpu.memref_squeeze %dma_start3A_106 : memref<1x!tpu.dma_semaphore, #tpu.memory_space<semaphore_mem>> -> memref<!tpu.dma_semaphore, #tpu.memory_space<semaphore_mem>>
    tpu.enqueue_indirect_dma source(%dma_start3A_105 : memref<1000000x64xf32, #tpu.memory_space<hbm>>) target(%dma_start3A_100 : memref<200x64xf32, #tpu.memory_space<vmem>>) offsets(%dma_start3A_102 : memref<200xi32, #tpu.memory_space<vmem>>) semaphore(%dma_start3A_107 : memref<!tpu.dma_semaphore, #tpu.memory_space<semaphore_mem>>)
    %scan3A = arith.constant 0 : i32
    %scan3A_108 = arith.constant 16 : i32
    %scan3A_109 = arith.addi %scan3A, %scan3A_108 : i32
    %scan3A_110 = arith.constant 1 : i32
    scf.for %scan3A_1071 = %scan3A to %scan3A_109 step %scan3A_110  : i32 {
      %mul3A_1072 = arith.constant 1 : i32
      %mul3A_1073 = arith.muli %scan3A_1071, %mul3A_1072 : i32
      %add3A_1074 = arith.constant 0 : i32
      %add3A_1075 = arith.addi %add3A_1074, %mul3A_1073 : i32
      %mul3A_1076 = arith.constant 8 : i32
      %mul3A_1077 = arith.muli %add3A_1075, %mul3A_1076 : i32
      %add3A_1078 = arith.constant 0 : i32
      %add3A_1079 = arith.addi %mul3A_1077, %add3A_1078 : i32
      %mul3A_1080 = arith.constant 200 : i32
      %mul3A_1081 = arith.muli %add3A_1079, %mul3A_1080 : i32
      %dma_wait3A_1082 = arith.constant 0 : i32
      %dma_wait3A_1083 = arith.constant 0 : i32
      %dma_wait3A_1084 = arith.constant 0 : i32
      %dma_wait3A_1085 = arith.constant 0 : i32
      %dma_wait3A_1086 = tpu.memref_slice %arg6[%dma_wait3A_1082, %dma_wait3A_1084, %dma_wait3A_1085] : memref<8x200x64xf32, #tpu.memory_space<vmem>> -> memref<1x200x64xf32, #tpu.memory_space<vmem>>
      %dma_wait3A_1087 = tpu.memref_squeeze %dma_wait3A_1086 : memref<1x200x64xf32, #tpu.memory_space<vmem>> -> memref<200x64xf32, #tpu.memory_space<vmem>>
      %dma_wait3A_1088 = tpu.memref_slice %arg5[%mul3A_1081] : memref<25600xi32, #tpu.memory_space<vmem>> -> memref<200xi32, #tpu.memory_space<vmem>>
      %dma_wait3A_1089 = arith.constant 0 : i32
      %dma_wait3A_1090 = arith.constant 0 : i32
      %dma_wait3A_1091 = tpu.memref_slice %arg3[%dma_wait3A_1089, %dma_wait3A_1090] : memref<1000000x64xf32, #tpu.memory_space<hbm>> -> memref<1000000x64xf32, #tpu.memory_space<hbm>>
      %dma_wait3A_1092 = tpu.memref_slice %arg7[%dma_wait3A_1083] : memref<8x!tpu.dma_semaphore, #tpu.memory_space<semaphore_mem>> -> memref<1x!tpu.dma_semaphore, #tpu.memory_space<semaphore_mem>>
      %dma_wait3A_1093 = tpu.memref_squeeze %dma_wait3A_1092 : memref<1x!tpu.dma_semaphore, #tpu.memory_space<semaphore_mem>> -> memref<!tpu.dma_semaphore, #tpu.memory_space<semaphore_mem>>
      tpu.wait_indirect_dma semaphore(%dma_wait3A_1093 : memref<!tpu.dma_semaphore, #tpu.memory_space<semaphore_mem>>) src(%dma_wait3A_1091 : memref<1000000x64xf32, #tpu.memory_space<hbm>>) dst(%dma_wait3A_1087 : memref<200x64xf32, #tpu.memory_space<vmem>>)
      %add3A_1094 = arith.constant 0 : i32
      %add3A_1095 = arith.addi %mul3A_1077, %add3A_1094 : i32
      %mul3A_1096 = arith.constant 4 : i32
      %mul3A_1097 = arith.muli %add3A_1095, %mul3A_1096 : i32
      %add3A_1098 = arith.addi %mul3A_4, %mul3A_1097 : i32
      %add3A_1099 = arith.constant 0 : i32
      %add3A_1100 = arith.addi %add3A_1098, %add3A_1099 : i32
      %dma_start3A_1101 = arith.constant 0 : i32
      %dma_start3A_1102 = arith.constant 0 : i32
      %dma_start3A_1103 = arith.constant 0 : i32
      %dma_start3A_1104 = arith.constant 0 : i32
      %dma_start3A_1105 = tpu.memref_slice %arg6[%dma_start3A_1101, %dma_start3A_1103, %dma_start3A_1104] : memref<8x200x64xf32, #tpu.memory_space<vmem>> -> memref<1x200x64xf32, #tpu.memory_space<vmem>>
      %dma_start3A_1106 = tpu.memref_squeeze %dma_start3A_1105 : memref<1x200x64xf32, #tpu.memory_space<vmem>> -> memref<200x64xf32, #tpu.memory_space<vmem>>
      %dma_start3A_1107 = arith.constant 0 : i32
      %dma_start3A_1108 = arith.constant 0 : i32
      %dma_start3A_1109 = tpu.memref_slice %dma_start3A_1106[%dma_start3A_1107, %dma_start3A_1108] : memref<200x64xf32, #tpu.memory_space<vmem>> -> memref<50x64xf32, #tpu.memory_space<vmem>>
      %dma_start3A_1110 = arith.constant 0 : i32
      %dma_start3A_1111 = arith.constant 0 : i32
      %dma_start3A_1112 = tpu.memref_slice %arg4[%add3A_1100, %dma_start3A_1110, %dma_start3A_1111] : memref<16384x50x64xf32, #tpu.memory_space<hbm>> -> memref<1x50x64xf32, #tpu.memory_space<hbm>>
      %dma_start3A_1113 = tpu.memref_squeeze %dma_start3A_1112 : memref<1x50x64xf32, #tpu.memory_space<hbm>> -> memref<50x64xf32, #tpu.memory_space<hbm>>
      %dma_start3A_1114 = tpu.memref_slice %arg8[%dma_start3A_1102] : memref<8x!tpu.dma_semaphore, #tpu.memory_space<semaphore_mem>> -> memref<1x!tpu.dma_semaphore, #tpu.memory_space<semaphore_mem>>
      %dma_start3A_1115 = tpu.memref_squeeze %dma_start3A_1114 : memref<1x!tpu.dma_semaphore, #tpu.memory_space<semaphore_mem>> -> memref<!tpu.dma_semaphore, #tpu.memory_space<semaphore_mem>>
      %dma_start3A_1116 = arith.constant 0 : i32
      %dma_start3A_1117 = arith.constant 0 : i32
      %dma_start3A_1118 = tpu.memref_slice %arg4[%add3A_1100, %dma_start3A_1116, %dma_start3A_1117] : memref<16384x50x64xf32, #tpu.memory_space<hbm>> -> memref<1x50x64xf32, #tpu.memory_space<hbm>>
      %dma_start3A_1119 = tpu.memref_squeeze %dma_start3A_1118 : memref<1x50x64xf32, #tpu.memory_space<hbm>> -> memref<50x64xf32, #tpu.memory_space<hbm>>
      %dma_start3A_1120 = arith.constant 0 : i32
      %dma_start3A_1121 = arith.constant 0 : i32
      %dma_start3A_1122 = tpu.memref_slice %arg6[%dma_start3A_1101, %dma_start3A_1120, %dma_start3A_1121] : memref<8x200x64xf32, #tpu.memory_space<vmem>> -> memref<1x200x64xf32, #tpu.memory_space<vmem>>
      %dma_start3A_1123 = tpu.memref_squeeze %dma_start3A_1122 : memref<1x200x64xf32, #tpu.memory_space<vmem>> -> memref<200x64xf32, #tpu.memory_space<vmem>>
      %dma_start3A_1124 = arith.constant 0 : i32
      %dma_start3A_1125 = arith.constant 0 : i32
      %dma_start3A_1126 = tpu.memref_slice %dma_start3A_1123[%dma_start3A_1124, %dma_start3A_1125] : memref<200x64xf32, #tpu.memory_space<vmem>> -> memref<50x64xf32, #tpu.memory_space<vmem>>
      tpu.enqueue_dma source(%dma_start3A_1126 : memref<50x64xf32, #tpu.memory_space<vmem>>) target(%dma_start3A_1119 : memref<50x64xf32, #tpu.memory_space<hbm>>) target_semaphore(%dma_start3A_1115 : memref<!tpu.dma_semaphore, #tpu.memory_space<semaphore_mem>>)
      %mul3A_1127 = arith.constant 4 : i32
      %mul3A_1128 = arith.muli %add3A_1095, %mul3A_1127 : i32
      %add3A_1129 = arith.addi %mul3A_4, %mul3A_1128 : i32
      %add3A_1130 = arith.constant 1 : i32
      %add3A_1131 = arith.addi %add3A_1129, %add3A_1130 : i32
      %dma_start3A_1132 = arith.constant 0 : i32
      %dma_start3A_1133 = arith.constant 0 : i32
      %dma_start3A_1134 = arith.constant 0 : i32
      %dma_start3A_1135 = arith.constant 0 : i32
      %dma_start3A_1136 = tpu.memref_slice %arg6[%dma_start3A_1132, %dma_start3A_1134, %dma_start3A_1135] : memref<8x200x64xf32, #tpu.memory_space<vmem>> -> memref<1x200x64xf32, #tpu.memory_space<vmem>>
      %dma_start3A_1137 = tpu.memref_squeeze %dma_start3A_1136 : memref<1x200x64xf32, #tpu.memory_space<vmem>> -> memref<200x64xf32, #tpu.memory_space<vmem>>
      %dma_start3A_1138 = arith.constant 50 : i32
      %dma_start3A_1139 = arith.constant 0 : i32
      %dma_start3A_1140 = tpu.memref_slice %dma_start3A_1137[%dma_start3A_1138, %dma_start3A_1139] : memref<200x64xf32, #tpu.memory_space<vmem>> -> memref<50x64xf32, #tpu.memory_space<vmem>>
      %dma_start3A_1141 = arith.constant 0 : i32
      %dma_start3A_1142 = arith.constant 0 : i32
      %dma_start3A_1143 = tpu.memref_slice %arg4[%add3A_1131, %dma_start3A_1141, %dma_start3A_1142] : memref<16384x50x64xf32, #tpu.memory_space<hbm>> -> memref<1x50x64xf32, #tpu.memory_space<hbm>>
      %dma_start3A_1144 = tpu.memref_squeeze %dma_start3A_1143 : memref<1x50x64xf32, #tpu.memory_space<hbm>> -> memref<50x64xf32, #tpu.memory_space<hbm>>
      %dma_start3A_1145 = tpu.memref_slice %arg8[%dma_start3A_1133] : memref<8x!tpu.dma_semaphore, #tpu.memory_space<semaphore_mem>> -> memref<1x!tpu.dma_semaphore, #tpu.memory_space<semaphore_mem>>
      %dma_start3A_1146 = tpu.memref_squeeze %dma_start3A_1145 : memref<1x!tpu.dma_semaphore, #tpu.memory_space<semaphore_mem>> -> memref<!tpu.dma_semaphore, #tpu.memory_space<semaphore_mem>>
      %dma_start3A_1147 = arith.constant 0 : i32
      %dma_start3A_1148 = arith.constant 0 : i32
      %dma_start3A_1149 = tpu.memref_slice %arg4[%add3A_1131, %dma_start3A_1147, %dma_start3A_1148] : memref<16384x50x64xf32, #tpu.memory_space<hbm>> -> memref<1x50x64xf32, #tpu.memory_space<hbm>>
      %dma_start3A_1150 = tpu.memref_squeeze %dma_start3A_1149 : memref<1x50x64xf32, #tpu.memory_space<hbm>> -> memref<50x64xf32, #tpu.memory_space<hbm>>
      %dma_start3A_1151 = arith.constant 0 : i32
      %dma_start3A_1152 = arith.constant 0 : i32
      %dma_start3A_1153 = tpu.memref_slice %arg6[%dma_start3A_1132, %dma_start3A_1151, %dma_start3A_1152] : memref<8x200x64xf32, #tpu.memory_space<vmem>> -> memref<1x200x64xf32, #tpu.memory_space<vmem>>
      %dma_start3A_1154 = tpu.memref_squeeze %dma_start3A_1153 : memref<1x200x64xf32, #tpu.memory_space<vmem>> -> memref<200x64xf32, #tpu.memory_space<vmem>>
      %dma_start3A_1155 = arith.constant 50 : i32
      %dma_start3A_1156 = arith.constant 0 : i32
      %dma_start3A_1157 = tpu.memref_slice %dma_start3A_1154[%dma_start3A_1155, %dma_start3A_1156] : memref<200x64xf32, #tpu.memory_space<vmem>> -> memref<50x64xf32, #tpu.memory_space<vmem>>
      tpu.enqueue_dma source(%dma_start3A_1157 : memref<50x64xf32, #tpu.memory_space<vmem>>) target(%dma_start3A_1150 : memref<50x64xf32, #tpu.memory_space<hbm>>) target_semaphore(%dma_start3A_1146 : memref<!tpu.dma_semaphore, #tpu.memory_space<semaphore_mem>>)
      %mul3A_1158 = arith.constant 4 : i32
      %mul3A_1159 = arith.muli %add3A_1095, %mul3A_1158 : i32
      %add3A_1160 = arith.addi %mul3A_4, %mul3A_1159 : i32
      %add3A_1161 = arith.constant 2 : i32
      %add3A_1162 = arith.addi %add3A_1160, %add3A_1161 : i32
      %dma_start3A_1163 = arith.constant 0 : i32
      %dma_start3A_1164 = arith.constant 0 : i32
      %dma_start3A_1165 = arith.constant 0 : i32
      %dma_start3A_1166 = arith.constant 0 : i32
      %dma_start3A_1167 = tpu.memref_slice %arg6[%dma_start3A_1163, %dma_start3A_1165, %dma_start3A_1166] : memref<8x200x64xf32, #tpu.memory_space<vmem>> -> memref<1x200x64xf32, #tpu.memory_space<vmem>>
      %dma_start3A_1168 = tpu.memref_squeeze %dma_start3A_1167 : memref<1x200x64xf32, #tpu.memory_space<vmem>> -> memref<200x64xf32, #tpu.memory_space<vmem>>
      %dma_start3A_1169 = arith.constant 100 : i32
      %dma_start3A_1170 = arith.constant 0 : i32
      %dma_start3A_1171 = tpu.memref_slice %dma_start3A_1168[%dma_start3A_1169, %dma_start3A_1170] : memref<200x64xf32, #tpu.memory_space<vmem>> -> memref<50x64xf32, #tpu.memory_space<vmem>>
      %dma_start3A_1172 = arith.constant 0 : i32
      %dma_start3A_1173 = arith.constant 0 : i32
      %dma_start3A_1174 = tpu.memref_slice %arg4[%add3A_1162, %dma_start3A_1172, %dma_start3A_1173] : memref<16384x50x64xf32, #tpu.memory_space<hbm>> -> memref<1x50x64xf32, #tpu.memory_space<hbm>>
      %dma_start3A_1175 = tpu.memref_squeeze %dma_start3A_1174 : memref<1x50x64xf32, #tpu.memory_space<hbm>> -> memref<50x64xf32, #tpu.memory_space<hbm>>
      %dma_start3A_1176 = tpu.memref_slice %arg8[%dma_start3A_1164] : memref<8x!tpu.dma_semaphore, #tpu.memory_space<semaphore_mem>> -> memref<1x!tpu.dma_semaphore, #tpu.memory_space<semaphore_mem>>
      %dma_start3A_1177 = tpu.memref_squeeze %dma_start3A_1176 : memref<1x!tpu.dma_semaphore, #tpu.memory_space<semaphore_mem>> -> memref<!tpu.dma_semaphore, #tpu.memory_space<semaphore_mem>>
      %dma_start3A_1178 = arith.constant 0 : i32
      %dma_start3A_1179 = arith.constant 0 : i32
      %dma_start3A_1180 = tpu.memref_slice %arg4[%add3A_1162, %dma_start3A_1178, %dma_start3A_1179] : memref<16384x50x64xf32, #tpu.memory_space<hbm>> -> memref<1x50x64xf32, #tpu.memory_space<hbm>>
      %dma_start3A_1181 = tpu.memref_squeeze %dma_start3A_1180 : memref<1x50x64xf32, #tpu.memory_space<hbm>> -> memref<50x64xf32, #tpu.memory_space<hbm>>
      %dma_start3A_1182 = arith.constant 0 : i32
      %dma_start3A_1183 = arith.constant 0 : i32
      %dma_start3A_1184 = tpu.memref_slice %arg6[%dma_start3A_1163, %dma_start3A_1182, %dma_start3A_1183] : memref<8x200x64xf32, #tpu.memory_space<vmem>> -> memref<1x200x64xf32, #tpu.memory_space<vmem>>
      %dma_start3A_1185 = tpu.memref_squeeze %dma_start3A_1184 : memref<1x200x64xf32, #tpu.memory_space<vmem>> -> memref<200x64xf32, #tpu.memory_space<vmem>>
      %dma_start3A_1186 = arith.constant 100 : i32
      %dma_start3A_1187 = arith.constant 0 : i32
      %dma_start3A_1188 = tpu.memref_slice %dma_start3A_1185[%dma_start3A_1186, %dma_start3A_1187] : memref<200x64xf32, #tpu.memory_space<vmem>> -> memref<50x64xf32, #tpu.memory_space<vmem>>
      tpu.enqueue_dma source(%dma_start3A_1188 : memref<50x64xf32, #tpu.memory_space<vmem>>) target(%dma_start3A_1181 : memref<50x64xf32, #tpu.memory_space<hbm>>) target_semaphore(%dma_start3A_1177 : memref<!tpu.dma_semaphore, #tpu.memory_space<semaphore_mem>>)
      %mul3A_1189 = arith.constant 4 : i32
      %mul3A_1190 = arith.muli %add3A_1095, %mul3A_1189 : i32
      %add3A_1191 = arith.addi %mul3A_4, %mul3A_1190 : i32
      %add3A_1192 = arith.constant 3 : i32
      %add3A_1193 = arith.addi %add3A_1191, %add3A_1192 : i32
      %dma_start3A_1194 = arith.constant 0 : i32
      %dma_start3A_1195 = arith.constant 0 : i32
      %dma_start3A_1196 = arith.constant 0 : i32
      %dma_start3A_1197 = arith.constant 0 : i32
      %dma_start3A_1198 = tpu.memref_slice %arg6[%dma_start3A_1194, %dma_start3A_1196, %dma_start3A_1197] : memref<8x200x64xf32, #tpu.memory_space<vmem>> -> memref<1x200x64xf32, #tpu.memory_space<vmem>>
      %dma_start3A_1199 = tpu.memref_squeeze %dma_start3A_1198 : memref<1x200x64xf32, #tpu.memory_space<vmem>> -> memref<200x64xf32, #tpu.memory_space<vmem>>
      %dma_start3A_1200 = arith.constant 150 : i32
      %dma_start3A_1201 = arith.constant 0 : i32
      %dma_start3A_1202 = tpu.memref_slice %dma_start3A_1199[%dma_start3A_1200, %dma_start3A_1201] : memref<200x64xf32, #tpu.memory_space<vmem>> -> memref<50x64xf32, #tpu.memory_space<vmem>>
      %dma_start3A_1203 = arith.constant 0 : i32
      %dma_start3A_1204 = arith.constant 0 : i32
      %dma_start3A_1205 = tpu.memref_slice %arg4[%add3A_1193, %dma_start3A_1203, %dma_start3A_1204] : memref<16384x50x64xf32, #tpu.memory_space<hbm>> -> memref<1x50x64xf32, #tpu.memory_space<hbm>>
      %dma_start3A_1206 = tpu.memref_squeeze %dma_start3A_1205 : memref<1x50x64xf32, #tpu.memory_space<hbm>> -> memref<50x64xf32, #tpu.memory_space<hbm>>
      %dma_start3A_1207 = tpu.memref_slice %arg8[%dma_start3A_1195] : memref<8x!tpu.dma_semaphore, #tpu.memory_space<semaphore_mem>> -> memref<1x!tpu.dma_semaphore, #tpu.memory_space<semaphore_mem>>
      %dma_start3A_1208 = tpu.memref_squeeze %dma_start3A_1207 : memref<1x!tpu.dma_semaphore, #tpu.memory_space<semaphore_mem>> -> memref<!tpu.dma_semaphore, #tpu.memory_space<semaphore_mem>>
      %dma_start3A_1209 = arith.constant 0 : i32
      %dma_start3A_1210 = arith.constant 0 : i32
      %dma_start3A_1211 = tpu.memref_slice %arg4[%add3A_1193, %dma_start3A_1209, %dma_start3A_1210] : memref<16384x50x64xf32, #tpu.memory_space<hbm>> -> memref<1x50x64xf32, #tpu.memory_space<hbm>>
      %dma_start3A_1212 = tpu.memref_squeeze %dma_start3A_1211 : memref<1x50x64xf32, #tpu.memory_space<hbm>> -> memref<50x64xf32, #tpu.memory_space<hbm>>
      %dma_start3A_1213 = arith.constant 0 : i32
      %dma_start3A_1214 = arith.constant 0 : i32
      %dma_start3A_1215 = tpu.memref_slice %arg6[%dma_start3A_1194, %dma_start3A_1213, %dma_start3A_1214] : memref<8x200x64xf32, #tpu.memory_space<vmem>> -> memref<1x200x64xf32, #tpu.memory_space<vmem>>
      %dma_start3A_1216 = tpu.memref_squeeze %dma_start3A_1215 : memref<1x200x64xf32, #tpu.memory_space<vmem>> -> memref<200x64xf32, #tpu.memory_space<vmem>>
      %dma_start3A_1217 = arith.constant 150 : i32
      %dma_start3A_1218 = arith.constant 0 : i32
      %dma_start3A_1219 = tpu.memref_slice %dma_start3A_1216[%dma_start3A_1217, %dma_start3A_1218] : memref<200x64xf32, #tpu.memory_space<vmem>> -> memref<50x64xf32, #tpu.memory_space<vmem>>
      tpu.enqueue_dma source(%dma_start3A_1219 : memref<50x64xf32, #tpu.memory_space<vmem>>) target(%dma_start3A_1212 : memref<50x64xf32, #tpu.memory_space<hbm>>) target_semaphore(%dma_start3A_1208 : memref<!tpu.dma_semaphore, #tpu.memory_space<semaphore_mem>>)
      %add3A_1220 = arith.constant 1 : i32
      %add3A_1221 = arith.addi %mul3A_1077, %add3A_1220 : i32
      %mul3A_1222 = arith.constant 200 : i32
      %mul3A_1223 = arith.muli %add3A_1221, %mul3A_1222 : i32
      %dma_wait3A_1224 = arith.constant 1 : i32
      %dma_wait3A_1225 = arith.constant 1 : i32
      %dma_wait3A_1226 = arith.constant 0 : i32
      %dma_wait3A_1227 = arith.constant 0 : i32
      %dma_wait3A_1228 = tpu.memref_slice %arg6[%dma_wait3A_1224, %dma_wait3A_1226, %dma_wait3A_1227] : memref<8x200x64xf32, #tpu.memory_space<vmem>> -> memref<1x200x64xf32, #tpu.memory_space<vmem>>
      %dma_wait3A_1229 = tpu.memref_squeeze %dma_wait3A_1228 : memref<1x200x64xf32, #tpu.memory_space<vmem>> -> memref<200x64xf32, #tpu.memory_space<vmem>>
      %dma_wait3A_1230 = tpu.memref_slice %arg5[%mul3A_1223] : memref<25600xi32, #tpu.memory_space<vmem>> -> memref<200xi32, #tpu.memory_space<vmem>>
      %dma_wait3A_1231 = arith.constant 0 : i32
      %dma_wait3A_1232 = arith.constant 0 : i32
      %dma_wait3A_1233 = tpu.memref_slice %arg3[%dma_wait3A_1231, %dma_wait3A_1232] : memref<1000000x64xf32, #tpu.memory_space<hbm>> -> memref<1000000x64xf32, #tpu.memory_space<hbm>>
      %dma_wait3A_1234 = tpu.memref_slice %arg7[%dma_wait3A_1225] : memref<8x!tpu.dma_semaphore, #tpu.memory_space<semaphore_mem>> -> memref<1x!tpu.dma_semaphore, #tpu.memory_space<semaphore_mem>>
      %dma_wait3A_1235 = tpu.memref_squeeze %dma_wait3A_1234 : memref<1x!tpu.dma_semaphore, #tpu.memory_space<semaphore_mem>> -> memref<!tpu.dma_semaphore, #tpu.memory_space<semaphore_mem>>
      tpu.wait_indirect_dma semaphore(%dma_wait3A_1235 : memref<!tpu.dma_semaphore, #tpu.memory_space<semaphore_mem>>) src(%dma_wait3A_1233 : memref<1000000x64xf32, #tpu.memory_space<hbm>>) dst(%dma_wait3A_1229 : memref<200x64xf32, #tpu.memory_space<vmem>>)
      %add3A_1236 = arith.constant 1 : i32
      %add3A_1237 = arith.addi %mul3A_1077, %add3A_1236 : i32
      %mul3A_1238 = arith.constant 4 : i32
      %mul3A_1239 = arith.muli %add3A_1237, %mul3A_1238 : i32
      %add3A_1240 = arith.addi %mul3A_4, %mul3A_1239 : i32
      %add3A_1241 = arith.constant 0 : i32
      %add3A_1242 = arith.addi %add3A_1240, %add3A_1241 : i32
      %dma_start3A_1243 = arith.constant 1 : i32
      %dma_start3A_1244 = arith.constant 1 : i32
      %dma_start3A_1245 = arith.constant 0 : i32
      %dma_start3A_1246 = arith.constant 0 : i32
      %dma_start3A_1247 = tpu.memref_slice %arg6[%dma_start3A_1243, %dma_start3A_1245, %dma_start3A_1246] : memref<8x200x64xf32, #tpu.memory_space<vmem>> -> memref<1x200x64xf32, #tpu.memory_space<vmem>>
      %dma_start3A_1248 = tpu.memref_squeeze %dma_start3A_1247 : memref<1x200x64xf32, #tpu.memory_space<vmem>> -> memref<200x64xf32, #tpu.memory_space<vmem>>
      %dma_start3A_1249 = arith.constant 0 : i32
      %dma_start3A_1250 = arith.constant 0 : i32
      %dma_start3A_1251 = tpu.memref_slice %dma_start3A_1248[%dma_start3A_1249, %dma_start3A_1250] : memref<200x64xf32, #tpu.memory_space<vmem>> -> memref<50x64xf32, #tpu.memory_space<vmem>>
      %dma_start3A_1252 = arith.constant 0 : i32
      %dma_start3A_1253 = arith.constant 0 : i32
      %dma_start3A_1254 = tpu.memref_slice %arg4[%add3A_1242, %dma_start3A_1252, %dma_start3A_1253] : memref<16384x50x64xf32, #tpu.memory_space<hbm>> -> memref<1x50x64xf32, #tpu.memory_space<hbm>>
      %dma_start3A_1255 = tpu.memref_squeeze %dma_start3A_1254 : memref<1x50x64xf32, #tpu.memory_space<hbm>> -> memref<50x64xf32, #tpu.memory_space<hbm>>
      %dma_start3A_1256 = tpu.memref_slice %arg8[%dma_start3A_1244] : memref<8x!tpu.dma_semaphore, #tpu.memory_space<semaphore_mem>> -> memref<1x!tpu.dma_semaphore, #tpu.memory_space<semaphore_mem>>
      %dma_start3A_1257 = tpu.memref_squeeze %dma_start3A_1256 : memref<1x!tpu.dma_semaphore, #tpu.memory_space<semaphore_mem>> -> memref<!tpu.dma_semaphore, #tpu.memory_space<semaphore_mem>>
      %dma_start3A_1258 = arith.constant 0 : i32
      %dma_start3A_1259 = arith.constant 0 : i32
      %dma_start3A_1260 = tpu.memref_slice %arg4[%add3A_1242, %dma_start3A_1258, %dma_start3A_1259] : memref<16384x50x64xf32, #tpu.memory_space<hbm>> -> memref<1x50x64xf32, #tpu.memory_space<hbm>>
      %dma_start3A_1261 = tpu.memref_squeeze %dma_start3A_1260 : memref<1x50x64xf32, #tpu.memory_space<hbm>> -> memref<50x64xf32, #tpu.memory_space<hbm>>
      %dma_start3A_1262 = arith.constant 0 : i32
      %dma_start3A_1263 = arith.constant 0 : i32
      %dma_start3A_1264 = tpu.memref_slice %arg6[%dma_start3A_1243, %dma_start3A_1262, %dma_start3A_1263] : memref<8x200x64xf32, #tpu.memory_space<vmem>> -> memref<1x200x64xf32, #tpu.memory_space<vmem>>
      %dma_start3A_1265 = tpu.memref_squeeze %dma_start3A_1264 : memref<1x200x64xf32, #tpu.memory_space<vmem>> -> memref<200x64xf32, #tpu.memory_space<vmem>>
      %dma_start3A_1266 = arith.constant 0 : i32
      %dma_start3A_1267 = arith.constant 0 : i32
      %dma_start3A_1268 = tpu.memref_slice %dma_start3A_1265[%dma_start3A_1266, %dma_start3A_1267] : memref<200x64xf32, #tpu.memory_space<vmem>> -> memref<50x64xf32, #tpu.memory_space<vmem>>
      tpu.enqueue_dma source(%dma_start3A_1268 : memref<50x64xf32, #tpu.memory_space<vmem>>) target(%dma_start3A_1261 : memref<50x64xf32, #tpu.memory_space<hbm>>) target_semaphore(%dma_start3A_1257 : memref<!tpu.dma_semaphore, #tpu.memory_space<semaphore_mem>>)
      %mul3A_1269 = arith.constant 4 : i32
      %mul3A_1270 = arith.muli %add3A_1237, %mul3A_1269 : i32
      %add3A_1271 = arith.addi %mul3A_4, %mul3A_1270 : i32
      %add3A_1272 = arith.constant 1 : i32
      %add3A_1273 = arith.addi %add3A_1271, %add3A_1272 : i32
      %dma_start3A_1274 = arith.constant 1 : i32
      %dma_start3A_1275 = arith.constant 1 : i32
      %dma_start3A_1276 = arith.constant 0 : i32
      %dma_start3A_1277 = arith.constant 0 : i32
      %dma_start3A_1278 = tpu.memref_slice %arg6[%dma_start3A_1274, %dma_start3A_1276, %dma_start3A_1277] : memref<8x200x64xf32, #tpu.memory_space<vmem>> -> memref<1x200x64xf32, #tpu.memory_space<vmem>>
      %dma_start3A_1279 = tpu.memref_squeeze %dma_start3A_1278 : memref<1x200x64xf32, #tpu.memory_space<vmem>> -> memref<200x64xf32, #tpu.memory_space<vmem>>
      %dma_start3A_1280 = arith.constant 50 : i32
      %dma_start3A_1281 = arith.constant 0 : i32
      %dma_start3A_1282 = tpu.memref_slice %dma_start3A_1279[%dma_start3A_1280, %dma_start3A_1281] : memref<200x64xf32, #tpu.memory_space<vmem>> -> memref<50x64xf32, #tpu.memory_space<vmem>>
      %dma_start3A_1283 = arith.constant 0 : i32
      %dma_start3A_1284 = arith.constant 0 : i32
      %dma_start3A_1285 = tpu.memref_slice %arg4[%add3A_1273, %dma_start3A_1283, %dma_start3A_1284] : memref<16384x50x64xf32, #tpu.memory_space<hbm>> -> memref<1x50x64xf32, #tpu.memory_space<hbm>>
      %dma_start3A_1286 = tpu.memref_squeeze %dma_start3A_1285 : memref<1x50x64xf32, #tpu.memory_space<hbm>> -> memref<50x64xf32, #tpu.memory_space<hbm>>
      %dma_start3A_1287 = tpu.memref_slice %arg8[%dma_start3A_1275] : memref<8x!tpu.dma_semaphore, #tpu.memory_space<semaphore_mem>> -> memref<1x!tpu.dma_semaphore, #tpu.memory_space<semaphore_mem>>
      %dma_start3A_1288 = tpu.memref_squeeze %dma_start3A_1287 : memref<1x!tpu.dma_semaphore, #tpu.memory_space<semaphore_mem>> -> memref<!tpu.dma_semaphore, #tpu.memory_space<semaphore_mem>>
      %dma_start3A_1289 = arith.constant 0 : i32
      %dma_start3A_1290 = arith.constant 0 : i32
      %dma_start3A_1291 = tpu.memref_slice %arg4[%add3A_1273, %dma_start3A_1289, %dma_start3A_1290] : memref<16384x50x64xf32, #tpu.memory_space<hbm>> -> memref<1x50x64xf32, #tpu.memory_space<hbm>>
      %dma_start3A_1292 = tpu.memref_squeeze %dma_start3A_1291 : memref<1x50x64xf32, #tpu.memory_space<hbm>> -> memref<50x64xf32, #tpu.memory_space<hbm>>
      %dma_start3A_1293 = arith.constant 0 : i32
      %dma_start3A_1294 = arith.constant 0 : i32
      %dma_start3A_1295 = tpu.memref_slice %arg6[%dma_start3A_1274, %dma_start3A_1293, %dma_start3A_1294] : memref<8x200x64xf32, #tpu.memory_space<vmem>> -> memref<1x200x64xf32, #tpu.memory_space<vmem>>
      %dma_start3A_1296 = tpu.memref_squeeze %dma_start3A_1295 : memref<1x200x64xf32, #tpu.memory_space<vmem>> -> memref<200x64xf32, #tpu.memory_space<vmem>>
      %dma_start3A_1297 = arith.constant 50 : i32
      %dma_start3A_1298 = arith.constant 0 : i32
      %dma_start3A_1299 = tpu.memref_slice %dma_start3A_1296[%dma_start3A_1297, %dma_start3A_1298] : memref<200x64xf32, #tpu.memory_space<vmem>> -> memref<50x64xf32, #tpu.memory_space<vmem>>
      tpu.enqueue_dma source(%dma_start3A_1299 : memref<50x64xf32, #tpu.memory_space<vmem>>) target(%dma_start3A_1292 : memref<50x64xf32, #tpu.memory_space<hbm>>) target_semaphore(%dma_start3A_1288 : memref<!tpu.dma_semaphore, #tpu.memory_space<semaphore_mem>>)
      %mul3A_1300 = arith.constant 4 : i32
      %mul3A_1301 = arith.muli %add3A_1237, %mul3A_1300 : i32
      %add3A_1302 = arith.addi %mul3A_4, %mul3A_1301 : i32
      %add3A_1303 = arith.constant 2 : i32
      %add3A_1304 = arith.addi %add3A_1302, %add3A_1303 : i32
      %dma_start3A_1305 = arith.constant 1 : i32
      %dma_start3A_1306 = arith.constant 1 : i32
      %dma_start3A_1307 = arith.constant 0 : i32
      %dma_start3A_1308 = arith.constant 0 : i32
      %dma_start3A_1309 = tpu.memref_slice %arg6[%dma_start3A_1305, %dma_start3A_1307, %dma_start3A_1308] : memref<8x200x64xf32, #tpu.memory_space<vmem>> -> memref<1x200x64xf32, #tpu.memory_space<vmem>>
      %dma_start3A_1310 = tpu.memref_squeeze %dma_start3A_1309 : memref<1x200x64xf32, #tpu.memory_space<vmem>> -> memref<200x64xf32, #tpu.memory_space<vmem>>
      %dma_start3A_1311 = arith.constant 100 : i32
      %dma_start3A_1312 = arith.constant 0 : i32
      %dma_start3A_1313 = tpu.memref_slice %dma_start3A_1310[%dma_start3A_1311, %dma_start3A_1312] : memref<200x64xf32, #tpu.memory_space<vmem>> -> memref<50x64xf32, #tpu.memory_space<vmem>>
      %dma_start3A_1314 = arith.constant 0 : i32
      %dma_start3A_1315 = arith.constant 0 : i32
      %dma_start3A_1316 = tpu.memref_slice %arg4[%add3A_1304, %dma_start3A_1314, %dma_start3A_1315] : memref<16384x50x64xf32, #tpu.memory_space<hbm>> -> memref<1x50x64xf32, #tpu.memory_space<hbm>>
      %dma_start3A_1317 = tpu.memref_squeeze %dma_start3A_1316 : memref<1x50x64xf32, #tpu.memory_space<hbm>> -> memref<50x64xf32, #tpu.memory_space<hbm>>
      %dma_start3A_1318 = tpu.memref_slice %arg8[%dma_start3A_1306] : memref<8x!tpu.dma_semaphore, #tpu.memory_space<semaphore_mem>> -> memref<1x!tpu.dma_semaphore, #tpu.memory_space<semaphore_mem>>
      %dma_start3A_1319 = tpu.memref_squeeze %dma_start3A_1318 : memref<1x!tpu.dma_semaphore, #tpu.memory_space<semaphore_mem>> -> memref<!tpu.dma_semaphore, #tpu.memory_space<semaphore_mem>>
      %dma_start3A_1320 = arith.constant 0 : i32
      %dma_start3A_1321 = arith.constant 0 : i32
      %dma_start3A_1322 = tpu.memref_slice %arg4[%add3A_1304, %dma_start3A_1320, %dma_start3A_1321] : memref<16384x50x64xf32, #tpu.memory_space<hbm>> -> memref<1x50x64xf32, #tpu.memory_space<hbm>>
      %dma_start3A_1323 = tpu.memref_squeeze %dma_start3A_1322 : memref<1x50x64xf32, #tpu.memory_space<hbm>> -> memref<50x64xf32, #tpu.memory_space<hbm>>
      %dma_start3A_1324 = arith.constant 0 : i32
      %dma_start3A_1325 = arith.constant 0 : i32
      %dma_start3A_1326 = tpu.memref_slice %arg6[%dma_start3A_1305, %dma_start3A_1324, %dma_start3A_1325] : memref<8x200x64xf32, #tpu.memory_space<vmem>> -> memref<1x200x64xf32, #tpu.memory_space<vmem>>
      %dma_start3A_1327 = tpu.memref_squeeze %dma_start3A_1326 : memref<1x200x64xf32, #tpu.memory_space<vmem>> -> memref<200x64xf32, #tpu.memory_space<vmem>>
      %dma_start3A_1328 = arith.constant 100 : i32
      %dma_start3A_1329 = arith.constant 0 : i32
      %dma_start3A_1330 = tpu.memref_slice %dma_start3A_1327[%dma_start3A_1328, %dma_start3A_1329] : memref<200x64xf32, #tpu.memory_space<vmem>> -> memref<50x64xf32, #tpu.memory_space<vmem>>
      tpu.enqueue_dma source(%dma_start3A_1330 : memref<50x64xf32, #tpu.memory_space<vmem>>) target(%dma_start3A_1323 : memref<50x64xf32, #tpu.memory_space<hbm>>) target_semaphore(%dma_start3A_1319 : memref<!tpu.dma_semaphore, #tpu.memory_space<semaphore_mem>>)
      %mul3A_1331 = arith.constant 4 : i32
      %mul3A_1332 = arith.muli %add3A_1237, %mul3A_1331 : i32
      %add3A_1333 = arith.addi %mul3A_4, %mul3A_1332 : i32
      %add3A_1334 = arith.constant 3 : i32
      %add3A_1335 = arith.addi %add3A_1333, %add3A_1334 : i32
      %dma_start3A_1336 = arith.constant 1 : i32
      %dma_start3A_1337 = arith.constant 1 : i32
      %dma_start3A_1338 = arith.constant 0 : i32
      %dma_start3A_1339 = arith.constant 0 : i32
      %dma_start3A_1340 = tpu.memref_slice %arg6[%dma_start3A_1336, %dma_start3A_1338, %dma_start3A_1339] : memref<8x200x64xf32, #tpu.memory_space<vmem>> -> memref<1x200x64xf32, #tpu.memory_space<vmem>>
      %dma_start3A_1341 = tpu.memref_squeeze %dma_start3A_1340 : memref<1x200x64xf32, #tpu.memory_space<vmem>> -> memref<200x64xf32, #tpu.memory_space<vmem>>
      %dma_start3A_1342 = arith.constant 150 : i32
      %dma_start3A_1343 = arith.constant 0 : i32
      %dma_start3A_1344 = tpu.memref_slice %dma_start3A_1341[%dma_start3A_1342, %dma_start3A_1343] : memref<200x64xf32, #tpu.memory_space<vmem>> -> memref<50x64xf32, #tpu.memory_space<vmem>>
      %dma_start3A_1345 = arith.constant 0 : i32
      %dma_start3A_1346 = arith.constant 0 : i32
      %dma_start3A_1347 = tpu.memref_slice %arg4[%add3A_1335, %dma_start3A_1345, %dma_start3A_1346] : memref<16384x50x64xf32, #tpu.memory_space<hbm>> -> memref<1x50x64xf32, #tpu.memory_space<hbm>>
      %dma_start3A_1348 = tpu.memref_squeeze %dma_start3A_1347 : memref<1x50x64xf32, #tpu.memory_space<hbm>> -> memref<50x64xf32, #tpu.memory_space<hbm>>
      %dma_start3A_1349 = tpu.memref_slice %arg8[%dma_start3A_1337] : memref<8x!tpu.dma_semaphore, #tpu.memory_space<semaphore_mem>> -> memref<1x!tpu.dma_semaphore, #tpu.memory_space<semaphore_mem>>
      %dma_start3A_1350 = tpu.memref_squeeze %dma_start3A_1349 : memref<1x!tpu.dma_semaphore, #tpu.memory_space<semaphore_mem>> -> memref<!tpu.dma_semaphore, #tpu.memory_space<semaphore_mem>>
      %dma_start3A_1351 = arith.constant 0 : i32
      %dma_start3A_1352 = arith.constant 0 : i32
      %dma_start3A_1353 = tpu.memref_slice %arg4[%add3A_1335, %dma_start3A_1351, %dma_start3A_1352] : memref<16384x50x64xf32, #tpu.memory_space<hbm>> -> memref<1x50x64xf32, #tpu.memory_space<hbm>>
      %dma_start3A_1354 = tpu.memref_squeeze %dma_start3A_1353 : memref<1x50x64xf32, #tpu.memory_space<hbm>> -> memref<50x64xf32, #tpu.memory_space<hbm>>
      %dma_start3A_1355 = arith.constant 0 : i32
      %dma_start3A_1356 = arith.constant 0 : i32
      %dma_start3A_1357 = tpu.memref_slice %arg6[%dma_start3A_1336, %dma_start3A_1355, %dma_start3A_1356] : memref<8x200x64xf32, #tpu.memory_space<vmem>> -> memref<1x200x64xf32, #tpu.memory_space<vmem>>
      %dma_start3A_1358 = tpu.memref_squeeze %dma_start3A_1357 : memref<1x200x64xf32, #tpu.memory_space<vmem>> -> memref<200x64xf32, #tpu.memory_space<vmem>>
      %dma_start3A_1359 = arith.constant 150 : i32
      %dma_start3A_1360 = arith.constant 0 : i32
      %dma_start3A_1361 = tpu.memref_slice %dma_start3A_1358[%dma_start3A_1359, %dma_start3A_1360] : memref<200x64xf32, #tpu.memory_space<vmem>> -> memref<50x64xf32, #tpu.memory_space<vmem>>
      tpu.enqueue_dma source(%dma_start3A_1361 : memref<50x64xf32, #tpu.memory_space<vmem>>) target(%dma_start3A_1354 : memref<50x64xf32, #tpu.memory_space<hbm>>) target_semaphore(%dma_start3A_1350 : memref<!tpu.dma_semaphore, #tpu.memory_space<semaphore_mem>>)
      %add3A_1362 = arith.constant 2 : i32
      %add3A_1363 = arith.addi %mul3A_1077, %add3A_1362 : i32
      %mul3A_1364 = arith.constant 200 : i32
      %mul3A_1365 = arith.muli %add3A_1363, %mul3A_1364 : i32
      %dma_wait3A_1366 = arith.constant 2 : i32
      %dma_wait3A_1367 = arith.constant 2 : i32
      %dma_wait3A_1368 = arith.constant 0 : i32
      %dma_wait3A_1369 = arith.constant 0 : i32
      %dma_wait3A_1370 = tpu.memref_slice %arg6[%dma_wait3A_1366, %dma_wait3A_1368, %dma_wait3A_1369] : memref<8x200x64xf32, #tpu.memory_space<vmem>> -> memref<1x200x64xf32, #tpu.memory_space<vmem>>
      %dma_wait3A_1371 = tpu.memref_squeeze %dma_wait3A_1370 : memref<1x200x64xf32, #tpu.memory_space<vmem>> -> memref<200x64xf32, #tpu.memory_space<vmem>>
      %dma_wait3A_1372 = tpu.memref_slice %arg5[%mul3A_1365] : memref<25600xi32, #tpu.memory_space<vmem>> -> memref<200xi32, #tpu.memory_space<vmem>>
      %dma_wait3A_1373 = arith.constant 0 : i32
      %dma_wait3A_1374 = arith.constant 0 : i32
      %dma_wait3A_1375 = tpu.memref_slice %arg3[%dma_wait3A_1373, %dma_wait3A_1374] : memref<1000000x64xf32, #tpu.memory_space<hbm>> -> memref<1000000x64xf32, #tpu.memory_space<hbm>>
      %dma_wait3A_1376 = tpu.memref_slice %arg7[%dma_wait3A_1367] : memref<8x!tpu.dma_semaphore, #tpu.memory_space<semaphore_mem>> -> memref<1x!tpu.dma_semaphore, #tpu.memory_space<semaphore_mem>>
      %dma_wait3A_1377 = tpu.memref_squeeze %dma_wait3A_1376 : memref<1x!tpu.dma_semaphore, #tpu.memory_space<semaphore_mem>> -> memref<!tpu.dma_semaphore, #tpu.memory_space<semaphore_mem>>
      tpu.wait_indirect_dma semaphore(%dma_wait3A_1377 : memref<!tpu.dma_semaphore, #tpu.memory_space<semaphore_mem>>) src(%dma_wait3A_1375 : memref<1000000x64xf32, #tpu.memory_space<hbm>>) dst(%dma_wait3A_1371 : memref<200x64xf32, #tpu.memory_space<vmem>>)
      %add3A_1378 = arith.constant 2 : i32
      %add3A_1379 = arith.addi %mul3A_1077, %add3A_1378 : i32
      %mul3A_1380 = arith.constant 4 : i32
      %mul3A_1381 = arith.muli %add3A_1379, %mul3A_1380 : i32
      %add3A_1382 = arith.addi %mul3A_4, %mul3A_1381 : i32
      %add3A_1383 = arith.constant 0 : i32
      %add3A_1384 = arith.addi %add3A_1382, %add3A_1383 : i32
      %dma_start3A_1385 = arith.constant 2 : i32
      %dma_start3A_1386 = arith.constant 2 : i32
      %dma_start3A_1387 = arith.constant 0 : i32
      %dma_start3A_1388 = arith.constant 0 : i32
      %dma_start3A_1389 = tpu.memref_slice %arg6[%dma_start3A_1385, %dma_start3A_1387, %dma_start3A_1388] : memref<8x200x64xf32, #tpu.memory_space<vmem>> -> memref<1x200x64xf32, #tpu.memory_space<vmem>>
      %dma_start3A_1390 = tpu.memref_squeeze %dma_start3A_1389 : memref<1x200x64xf32, #tpu.memory_space<vmem>> -> memref<200x64xf32, #tpu.memory_space<vmem>>
      %dma_start3A_1391 = arith.constant 0 : i32
      %dma_start3A_1392 = arith.constant 0 : i32
      %dma_start3A_1393 = tpu.memref_slice %dma_start3A_1390[%dma_start3A_1391, %dma_start3A_1392] : memref<200x64xf32, #tpu.memory_space<vmem>> -> memref<50x64xf32, #tpu.memory_space<vmem>>
      %dma_start3A_1394 = arith.constant 0 : i32
      %dma_start3A_1395 = arith.constant 0 : i32
      %dma_start3A_1396 = tpu.memref_slice %arg4[%add3A_1384, %dma_start3A_1394, %dma_start3A_1395] : memref<16384x50x64xf32, #tpu.memory_space<hbm>> -> memref<1x50x64xf32, #tpu.memory_space<hbm>>
      %dma_start3A_1397 = tpu.memref_squeeze %dma_start3A_1396 : memref<1x50x64xf32, #tpu.memory_space<hbm>> -> memref<50x64xf32, #tpu.memory_space<hbm>>
      %dma_start3A_1398 = tpu.memref_slice %arg8[%dma_start3A_1386] : memref<8x!tpu.dma_semaphore, #tpu.memory_space<semaphore_mem>> -> memref<1x!tpu.dma_semaphore, #tpu.memory_space<semaphore_mem>>
      %dma_start3A_1399 = tpu.memref_squeeze %dma_start3A_1398 : memref<1x!tpu.dma_semaphore, #tpu.memory_space<semaphore_mem>> -> memref<!tpu.dma_semaphore, #tpu.memory_space<semaphore_mem>>
      %dma_start3A_1400 = arith.constant 0 : i32
      %dma_start3A_1401 = arith.constant 0 : i32
      %dma_start3A_1402 = tpu.memref_slice %arg4[%add3A_1384, %dma_start3A_1400, %dma_start3A_1401] : memref<16384x50x64xf32, #tpu.memory_space<hbm>> -> memref<1x50x64xf32, #tpu.memory_space<hbm>>
      %dma_start3A_1403 = tpu.memref_squeeze %dma_start3A_1402 : memref<1x50x64xf32, #tpu.memory_space<hbm>> -> memref<50x64xf32, #tpu.memory_space<hbm>>
      %dma_start3A_1404 = arith.constant 0 : i32
      %dma_start3A_1405 = arith.constant 0 : i32
      %dma_start3A_1406 = tpu.memref_slice %arg6[%dma_start3A_1385, %dma_start3A_1404, %dma_start3A_1405] : memref<8x200x64xf32, #tpu.memory_space<vmem>> -> memref<1x200x64xf32, #tpu.memory_space<vmem>>
      %dma_start3A_1407 = tpu.memref_squeeze %dma_start3A_1406 : memref<1x200x64xf32, #tpu.memory_space<vmem>> -> memref<200x64xf32, #tpu.memory_space<vmem>>
      %dma_start3A_1408 = arith.constant 0 : i32
      %dma_start3A_1409 = arith.constant 0 : i32
      %dma_start3A_1410 = tpu.memref_slice %dma_start3A_1407[%dma_start3A_1408, %dma_start3A_1409] : memref<200x64xf32, #tpu.memory_space<vmem>> -> memref<50x64xf32, #tpu.memory_space<vmem>>
      tpu.enqueue_dma source(%dma_start3A_1410 : memref<50x64xf32, #tpu.memory_space<vmem>>) target(%dma_start3A_1403 : memref<50x64xf32, #tpu.memory_space<hbm>>) target_semaphore(%dma_start3A_1399 : memref<!tpu.dma_semaphore, #tpu.memory_space<semaphore_mem>>)
      %mul3A_1411 = arith.constant 4 : i32
      %mul3A_1412 = arith.muli %add3A_1379, %mul3A_1411 : i32
      %add3A_1413 = arith.addi %mul3A_4, %mul3A_1412 : i32
      %add3A_1414 = arith.constant 1 : i32
      %add3A_1415 = arith.addi %add3A_1413, %add3A_1414 : i32
      %dma_start3A_1416 = arith.constant 2 : i32
      %dma_start3A_1417 = arith.constant 2 : i32
      %dma_start3A_1418 = arith.constant 0 : i32
      %dma_start3A_1419 = arith.constant 0 : i32
      %dma_start3A_1420 = tpu.memref_slice %arg6[%dma_start3A_1416, %dma_start3A_1418, %dma_start3A_1419] : memref<8x200x64xf32, #tpu.memory_space<vmem>> -> memref<1x200x64xf32, #tpu.memory_space<vmem>>
      %dma_start3A_1421 = tpu.memref_squeeze %dma_start3A_1420 : memref<1x200x64xf32, #tpu.memory_space<vmem>> -> memref<200x64xf32, #tpu.memory_space<vmem>>
      %dma_start3A_1422 = arith.constant 50 : i32
      %dma_start3A_1423 = arith.constant 0 : i32
      %dma_start3A_1424 = tpu.memref_slice %dma_start3A_1421[%dma_start3A_1422, %dma_start3A_1423] : memref<200x64xf32, #tpu.memory_space<vmem>> -> memref<50x64xf32, #tpu.memory_space<vmem>>
      %dma_start3A_1425 = arith.constant 0 : i32
      %dma_start3A_1426 = arith.constant 0 : i32
      %dma_start3A_1427 = tpu.memref_slice %arg4[%add3A_1415, %dma_start3A_1425, %dma_start3A_1426] : memref<16384x50x64xf32, #tpu.memory_space<hbm>> -> memref<1x50x64xf32, #tpu.memory_space<hbm>>
      %dma_start3A_1428 = tpu.memref_squeeze %dma_start3A_1427 : memref<1x50x64xf32, #tpu.memory_space<hbm>> -> memref<50x64xf32, #tpu.memory_space<hbm>>
      %dma_start3A_1429 = tpu.memref_slice %arg8[%dma_start3A_1417] : memref<8x!tpu.dma_semaphore, #tpu.memory_space<semaphore_mem>> -> memref<1x!tpu.dma_semaphore, #tpu.memory_space<semaphore_mem>>
      %dma_start3A_1430 = tpu.memref_squeeze %dma_start3A_1429 : memref<1x!tpu.dma_semaphore, #tpu.memory_space<semaphore_mem>> -> memref<!tpu.dma_semaphore, #tpu.memory_space<semaphore_mem>>
      %dma_start3A_1431 = arith.constant 0 : i32
      %dma_start3A_1432 = arith.constant 0 : i32
      %dma_start3A_1433 = tpu.memref_slice %arg4[%add3A_1415, %dma_start3A_1431, %dma_start3A_1432] : memref<16384x50x64xf32, #tpu.memory_space<hbm>> -> memref<1x50x64xf32, #tpu.memory_space<hbm>>
      %dma_start3A_1434 = tpu.memref_squeeze %dma_start3A_1433 : memref<1x50x64xf32, #tpu.memory_space<hbm>> -> memref<50x64xf32, #tpu.memory_space<hbm>>
      %dma_start3A_1435 = arith.constant 0 : i32
      %dma_start3A_1436 = arith.constant 0 : i32
      %dma_start3A_1437 = tpu.memref_slice %arg6[%dma_start3A_1416, %dma_start3A_1435, %dma_start3A_1436] : memref<8x200x64xf32, #tpu.memory_space<vmem>> -> memref<1x200x64xf32, #tpu.memory_space<vmem>>
      %dma_start3A_1438 = tpu.memref_squeeze %dma_start3A_1437 : memref<1x200x64xf32, #tpu.memory_space<vmem>> -> memref<200x64xf32, #tpu.memory_space<vmem>>
      %dma_start3A_1439 = arith.constant 50 : i32
      %dma_start3A_1440 = arith.constant 0 : i32
      %dma_start3A_1441 = tpu.memref_slice %dma_start3A_1438[%dma_start3A_1439, %dma_start3A_1440] : memref<200x64xf32, #tpu.memory_space<vmem>> -> memref<50x64xf32, #tpu.memory_space<vmem>>
      tpu.enqueue_dma source(%dma_start3A_1441 : memref<50x64xf32, #tpu.memory_space<vmem>>) target(%dma_start3A_1434 : memref<50x64xf32, #tpu.memory_space<hbm>>) target_semaphore(%dma_start3A_1430 : memref<!tpu.dma_semaphore, #tpu.memory_space<semaphore_mem>>)
      %mul3A_1442 = arith.constant 4 : i32
      %mul3A_1443 = arith.muli %add3A_1379, %mul3A_1442 : i32
      %add3A_1444 = arith.addi %mul3A_4, %mul3A_1443 : i32
      %add3A_1445 = arith.constant 2 : i32
      %add3A_1446 = arith.addi %add3A_1444, %add3A_1445 : i32
      %dma_start3A_1447 = arith.constant 2 : i32
      %dma_start3A_1448 = arith.constant 2 : i32
      %dma_start3A_1449 = arith.constant 0 : i32
      %dma_start3A_1450 = arith.constant 0 : i32
      %dma_start3A_1451 = tpu.memref_slice %arg6[%dma_start3A_1447, %dma_start3A_1449, %dma_start3A_1450] : memref<8x200x64xf32, #tpu.memory_space<vmem>> -> memref<1x200x64xf32, #tpu.memory_space<vmem>>
      %dma_start3A_1452 = tpu.memref_squeeze %dma_start3A_1451 : memref<1x200x64xf32, #tpu.memory_space<vmem>> -> memref<200x64xf32, #tpu.memory_space<vmem>>
      %dma_start3A_1453 = arith.constant 100 : i32
      %dma_start3A_1454 = arith.constant 0 : i32
      %dma_start3A_1455 = tpu.memref_slice %dma_start3A_1452[%dma_start3A_1453, %dma_start3A_1454] : memref<200x64xf32, #tpu.memory_space<vmem>> -> memref<50x64xf32, #tpu.memory_space<vmem>>
      %dma_start3A_1456 = arith.constant 0 : i32
      %dma_start3A_1457 = arith.constant 0 : i32
      %dma_start3A_1458 = tpu.memref_slice %arg4[%add3A_1446, %dma_start3A_1456, %dma_start3A_1457] : memref<16384x50x64xf32, #tpu.memory_space<hbm>> -> memref<1x50x64xf32, #tpu.memory_space<hbm>>
      %dma_start3A_1459 = tpu.memref_squeeze %dma_start3A_1458 : memref<1x50x64xf32, #tpu.memory_space<hbm>> -> memref<50x64xf32, #tpu.memory_space<hbm>>
      %dma_start3A_1460 = tpu.memref_slice %arg8[%dma_start3A_1448] : memref<8x!tpu.dma_semaphore, #tpu.memory_space<semaphore_mem>> -> memref<1x!tpu.dma_semaphore, #tpu.memory_space<semaphore_mem>>
      %dma_start3A_1461 = tpu.memref_squeeze %dma_start3A_1460 : memref<1x!tpu.dma_semaphore, #tpu.memory_space<semaphore_mem>> -> memref<!tpu.dma_semaphore, #tpu.memory_space<semaphore_mem>>
      %dma_start3A_1462 = arith.constant 0 : i32
      %dma_start3A_1463 = arith.constant 0 : i32
      %dma_start3A_1464 = tpu.memref_slice %arg4[%add3A_1446, %dma_start3A_1462, %dma_start3A_1463] : memref<16384x50x64xf32, #tpu.memory_space<hbm>> -> memref<1x50x64xf32, #tpu.memory_space<hbm>>
      %dma_start3A_1465 = tpu.memref_squeeze %dma_start3A_1464 : memref<1x50x64xf32, #tpu.memory_space<hbm>> -> memref<50x64xf32, #tpu.memory_space<hbm>>
      %dma_start3A_1466 = arith.constant 0 : i32
      %dma_start3A_1467 = arith.constant 0 : i32
      %dma_start3A_1468 = tpu.memref_slice %arg6[%dma_start3A_1447, %dma_start3A_1466, %dma_start3A_1467] : memref<8x200x64xf32, #tpu.memory_space<vmem>> -> memref<1x200x64xf32, #tpu.memory_space<vmem>>
      %dma_start3A_1469 = tpu.memref_squeeze %dma_start3A_1468 : memref<1x200x64xf32, #tpu.memory_space<vmem>> -> memref<200x64xf32, #tpu.memory_space<vmem>>
      %dma_start3A_1470 = arith.constant 100 : i32
      %dma_start3A_1471 = arith.constant 0 : i32
      %dma_start3A_1472 = tpu.memref_slice %dma_start3A_1469[%dma_start3A_1470, %dma_start3A_1471] : memref<200x64xf32, #tpu.memory_space<vmem>> -> memref<50x64xf32, #tpu.memory_space<vmem>>
      tpu.enqueue_dma source(%dma_start3A_1472 : memref<50x64xf32, #tpu.memory_space<vmem>>) target(%dma_start3A_1465 : memref<50x64xf32, #tpu.memory_space<hbm>>) target_semaphore(%dma_start3A_1461 : memref<!tpu.dma_semaphore, #tpu.memory_space<semaphore_mem>>)
      %mul3A_1473 = arith.constant 4 : i32
      %mul3A_1474 = arith.muli %add3A_1379, %mul3A_1473 : i32
      %add3A_1475 = arith.addi %mul3A_4, %mul3A_1474 : i32
      %add3A_1476 = arith.constant 3 : i32
      %add3A_1477 = arith.addi %add3A_1475, %add3A_1476 : i32
      %dma_start3A_1478 = arith.constant 2 : i32
      %dma_start3A_1479 = arith.constant 2 : i32
      %dma_start3A_1480 = arith.constant 0 : i32
      %dma_start3A_1481 = arith.constant 0 : i32
      %dma_start3A_1482 = tpu.memref_slice %arg6[%dma_start3A_1478, %dma_start3A_1480, %dma_start3A_1481] : memref<8x200x64xf32, #tpu.memory_space<vmem>> -> memref<1x200x64xf32, #tpu.memory_space<vmem>>
      %dma_start3A_1483 = tpu.memref_squeeze %dma_start3A_1482 : memref<1x200x64xf32, #tpu.memory_space<vmem>> -> memref<200x64xf32, #tpu.memory_space<vmem>>
      %dma_start3A_1484 = arith.constant 150 : i32
      %dma_start3A_1485 = arith.constant 0 : i32
      %dma_start3A_1486 = tpu.memref_slice %dma_start3A_1483[%dma_start3A_1484, %dma_start3A_1485] : memref<200x64xf32, #tpu.memory_space<vmem>> -> memref<50x64xf32, #tpu.memory_space<vmem>>
      %dma_start3A_1487 = arith.constant 0 : i32
      %dma_start3A_1488 = arith.constant 0 : i32
      %dma_start3A_1489 = tpu.memref_slice %arg4[%add3A_1477, %dma_start3A_1487, %dma_start3A_1488] : memref<16384x50x64xf32, #tpu.memory_space<hbm>> -> memref<1x50x64xf32, #tpu.memory_space<hbm>>
      %dma_start3A_1490 = tpu.memref_squeeze %dma_start3A_1489 : memref<1x50x64xf32, #tpu.memory_space<hbm>> -> memref<50x64xf32, #tpu.memory_space<hbm>>
      %dma_start3A_1491 = tpu.memref_slice %arg8[%dma_start3A_1479] : memref<8x!tpu.dma_semaphore, #tpu.memory_space<semaphore_mem>> -> memref<1x!tpu.dma_semaphore, #tpu.memory_space<semaphore_mem>>
      %dma_start3A_1492 = tpu.memref_squeeze %dma_start3A_1491 : memref<1x!tpu.dma_semaphore, #tpu.memory_space<semaphore_mem>> -> memref<!tpu.dma_semaphore, #tpu.memory_space<semaphore_mem>>
      %dma_start3A_1493 = arith.constant 0 : i32
      %dma_start3A_1494 = arith.constant 0 : i32
      %dma_start3A_1495 = tpu.memref_slice %arg4[%add3A_1477, %dma_start3A_1493, %dma_start3A_1494] : memref<16384x50x64xf32, #tpu.memory_space<hbm>> -> memref<1x50x64xf32, #tpu.memory_space<hbm>>
      %dma_start3A_1496 = tpu.memref_squeeze %dma_start3A_1495 : memref<1x50x64xf32, #tpu.memory_space<hbm>> -> memref<50x64xf32, #tpu.memory_space<hbm>>
      %dma_start3A_1497 = arith.constant 0 : i32
      %dma_start3A_1498 = arith.constant 0 : i32
      %dma_start3A_1499 = tpu.memref_slice %arg6[%dma_start3A_1478, %dma_start3A_1497, %dma_start3A_1498] : memref<8x200x64xf32, #tpu.memory_space<vmem>> -> memref<1x200x64xf32, #tpu.memory_space<vmem>>
      %dma_start3A_1500 = tpu.memref_squeeze %dma_start3A_1499 : memref<1x200x64xf32, #tpu.memory_space<vmem>> -> memref<200x64xf32, #tpu.memory_space<vmem>>
      %dma_start3A_1501 = arith.constant 150 : i32
      %dma_start3A_1502 = arith.constant 0 : i32
      %dma_start3A_1503 = tpu.memref_slice %dma_start3A_1500[%dma_start3A_1501, %dma_start3A_1502] : memref<200x64xf32, #tpu.memory_space<vmem>> -> memref<50x64xf32, #tpu.memory_space<vmem>>
      tpu.enqueue_dma source(%dma_start3A_1503 : memref<50x64xf32, #tpu.memory_space<vmem>>) target(%dma_start3A_1496 : memref<50x64xf32, #tpu.memory_space<hbm>>) target_semaphore(%dma_start3A_1492 : memref<!tpu.dma_semaphore, #tpu.memory_space<semaphore_mem>>)
      %add3A_1504 = arith.constant 3 : i32
      %add3A_1505 = arith.addi %mul3A_1077, %add3A_1504 : i32
      %mul3A_1506 = arith.constant 200 : i32
      %mul3A_1507 = arith.muli %add3A_1505, %mul3A_1506 : i32
      %dma_wait3A_1508 = arith.constant 3 : i32
      %dma_wait3A_1509 = arith.constant 3 : i32
      %dma_wait3A_1510 = arith.constant 0 : i32
      %dma_wait3A_1511 = arith.constant 0 : i32
      %dma_wait3A_1512 = tpu.memref_slice %arg6[%dma_wait3A_1508, %dma_wait3A_1510, %dma_wait3A_1511] : memref<8x200x64xf32, #tpu.memory_space<vmem>> -> memref<1x200x64xf32, #tpu.memory_space<vmem>>
      %dma_wait3A_1513 = tpu.memref_squeeze %dma_wait3A_1512 : memref<1x200x64xf32, #tpu.memory_space<vmem>> -> memref<200x64xf32, #tpu.memory_space<vmem>>
      %dma_wait3A_1514 = tpu.memref_slice %arg5[%mul3A_1507] : memref<25600xi32, #tpu.memory_space<vmem>> -> memref<200xi32, #tpu.memory_space<vmem>>
      %dma_wait3A_1515 = arith.constant 0 : i32
      %dma_wait3A_1516 = arith.constant 0 : i32
      %dma_wait3A_1517 = tpu.memref_slice %arg3[%dma_wait3A_1515, %dma_wait3A_1516] : memref<1000000x64xf32, #tpu.memory_space<hbm>> -> memref<1000000x64xf32, #tpu.memory_space<hbm>>
      %dma_wait3A_1518 = tpu.memref_slice %arg7[%dma_wait3A_1509] : memref<8x!tpu.dma_semaphore, #tpu.memory_space<semaphore_mem>> -> memref<1x!tpu.dma_semaphore, #tpu.memory_space<semaphore_mem>>
      %dma_wait3A_1519 = tpu.memref_squeeze %dma_wait3A_1518 : memref<1x!tpu.dma_semaphore, #tpu.memory_space<semaphore_mem>> -> memref<!tpu.dma_semaphore, #tpu.memory_space<semaphore_mem>>
      tpu.wait_indirect_dma semaphore(%dma_wait3A_1519 : memref<!tpu.dma_semaphore, #tpu.memory_space<semaphore_mem>>) src(%dma_wait3A_1517 : memref<1000000x64xf32, #tpu.memory_space<hbm>>) dst(%dma_wait3A_1513 : memref<200x64xf32, #tpu.memory_space<vmem>>)
      %add3A_1520 = arith.constant 3 : i32
      %add3A_1521 = arith.addi %mul3A_1077, %add3A_1520 : i32
      %mul3A_1522 = arith.constant 4 : i32
      %mul3A_1523 = arith.muli %add3A_1521, %mul3A_1522 : i32
      %add3A_1524 = arith.addi %mul3A_4, %mul3A_1523 : i32
      %add3A_1525 = arith.constant 0 : i32
      %add3A_1526 = arith.addi %add3A_1524, %add3A_1525 : i32
      %dma_start3A_1527 = arith.constant 3 : i32
      %dma_start3A_1528 = arith.constant 3 : i32
      %dma_start3A_1529 = arith.constant 0 : i32
      %dma_start3A_1530 = arith.constant 0 : i32
      %dma_start3A_1531 = tpu.memref_slice %arg6[%dma_start3A_1527, %dma_start3A_1529, %dma_start3A_1530] : memref<8x200x64xf32, #tpu.memory_space<vmem>> -> memref<1x200x64xf32, #tpu.memory_space<vmem>>
      %dma_start3A_1532 = tpu.memref_squeeze %dma_start3A_1531 : memref<1x200x64xf32, #tpu.memory_space<vmem>> -> memref<200x64xf32, #tpu.memory_space<vmem>>
      %dma_start3A_1533 = arith.constant 0 : i32
      %dma_start3A_1534 = arith.constant 0 : i32
      %dma_start3A_1535 = tpu.memref_slice %dma_start3A_1532[%dma_start3A_1533, %dma_start3A_1534] : memref<200x64xf32, #tpu.memory_space<vmem>> -> memref<50x64xf32, #tpu.memory_space<vmem>>
      %dma_start3A_1536 = arith.constant 0 : i32
      %dma_start3A_1537 = arith.constant 0 : i32
      %dma_start3A_1538 = tpu.memref_slice %arg4[%add3A_1526, %dma_start3A_1536, %dma_start3A_1537] : memref<16384x50x64xf32, #tpu.memory_space<hbm>> -> memref<1x50x64xf32, #tpu.memory_space<hbm>>
      %dma_start3A_1539 = tpu.memref_squeeze %dma_start3A_1538 : memref<1x50x64xf32, #tpu.memory_space<hbm>> -> memref<50x64xf32, #tpu.memory_space<hbm>>
      %dma_start3A_1540 = tpu.memref_slice %arg8[%dma_start3A_1528] : memref<8x!tpu.dma_semaphore, #tpu.memory_space<semaphore_mem>> -> memref<1x!tpu.dma_semaphore, #tpu.memory_space<semaphore_mem>>
      %dma_start3A_1541 = tpu.memref_squeeze %dma_start3A_1540 : memref<1x!tpu.dma_semaphore, #tpu.memory_space<semaphore_mem>> -> memref<!tpu.dma_semaphore, #tpu.memory_space<semaphore_mem>>
      %dma_start3A_1542 = arith.constant 0 : i32
      %dma_start3A_1543 = arith.constant 0 : i32
      %dma_start3A_1544 = tpu.memref_slice %arg4[%add3A_1526, %dma_start3A_1542, %dma_start3A_1543] : memref<16384x50x64xf32, #tpu.memory_space<hbm>> -> memref<1x50x64xf32, #tpu.memory_space<hbm>>
      %dma_start3A_1545 = tpu.memref_squeeze %dma_start3A_1544 : memref<1x50x64xf32, #tpu.memory_space<hbm>> -> memref<50x64xf32, #tpu.memory_space<hbm>>
      %dma_start3A_1546 = arith.constant 0 : i32
      %dma_start3A_1547 = arith.constant 0 : i32
      %dma_start3A_1548 = tpu.memref_slice %arg6[%dma_start3A_1527, %dma_start3A_1546, %dma_start3A_1547] : memref<8x200x64xf32, #tpu.memory_space<vmem>> -> memref<1x200x64xf32, #tpu.memory_space<vmem>>
      %dma_start3A_1549 = tpu.memref_squeeze %dma_start3A_1548 : memref<1x200x64xf32, #tpu.memory_space<vmem>> -> memref<200x64xf32, #tpu.memory_space<vmem>>
      %dma_start3A_1550 = arith.constant 0 : i32
      %dma_start3A_1551 = arith.constant 0 : i32
      %dma_start3A_1552 = tpu.memref_slice %dma_start3A_1549[%dma_start3A_1550, %dma_start3A_1551] : memref<200x64xf32, #tpu.memory_space<vmem>> -> memref<50x64xf32, #tpu.memory_space<vmem>>
      tpu.enqueue_dma source(%dma_start3A_1552 : memref<50x64xf32, #tpu.memory_space<vmem>>) target(%dma_start3A_1545 : memref<50x64xf32, #tpu.memory_space<hbm>>) target_semaphore(%dma_start3A_1541 : memref<!tpu.dma_semaphore, #tpu.memory_space<semaphore_mem>>)
      %mul3A_1553 = arith.constant 4 : i32
      %mul3A_1554 = arith.muli %add3A_1521, %mul3A_1553 : i32
      %add3A_1555 = arith.addi %mul3A_4, %mul3A_1554 : i32
      %add3A_1556 = arith.constant 1 : i32
      %add3A_1557 = arith.addi %add3A_1555, %add3A_1556 : i32
      %dma_start3A_1558 = arith.constant 3 : i32
      %dma_start3A_1559 = arith.constant 3 : i32
      %dma_start3A_1560 = arith.constant 0 : i32
      %dma_start3A_1561 = arith.constant 0 : i32
      %dma_start3A_1562 = tpu.memref_slice %arg6[%dma_start3A_1558, %dma_start3A_1560, %dma_start3A_1561] : memref<8x200x64xf32, #tpu.memory_space<vmem>> -> memref<1x200x64xf32, #tpu.memory_space<vmem>>
      %dma_start3A_1563 = tpu.memref_squeeze %dma_start3A_1562 : memref<1x200x64xf32, #tpu.memory_space<vmem>> -> memref<200x64xf32, #tpu.memory_space<vmem>>
      %dma_start3A_1564 = arith.constant 50 : i32
      %dma_start3A_1565 = arith.constant 0 : i32
      %dma_start3A_1566 = tpu.memref_slice %dma_start3A_1563[%dma_start3A_1564, %dma_start3A_1565] : memref<200x64xf32, #tpu.memory_space<vmem>> -> memref<50x64xf32, #tpu.memory_space<vmem>>
      %dma_start3A_1567 = arith.constant 0 : i32
      %dma_start3A_1568 = arith.constant 0 : i32
      %dma_start3A_1569 = tpu.memref_slice %arg4[%add3A_1557, %dma_start3A_1567, %dma_start3A_1568] : memref<16384x50x64xf32, #tpu.memory_space<hbm>> -> memref<1x50x64xf32, #tpu.memory_space<hbm>>
      %dma_start3A_1570 = tpu.memref_squeeze %dma_start3A_1569 : memref<1x50x64xf32, #tpu.memory_space<hbm>> -> memref<50x64xf32, #tpu.memory_space<hbm>>
      %dma_start3A_1571 = tpu.memref_slice %arg8[%dma_start3A_1559] : memref<8x!tpu.dma_semaphore, #tpu.memory_space<semaphore_mem>> -> memref<1x!tpu.dma_semaphore, #tpu.memory_space<semaphore_mem>>
      %dma_start3A_1572 = tpu.memref_squeeze %dma_start3A_1571 : memref<1x!tpu.dma_semaphore, #tpu.memory_space<semaphore_mem>> -> memref<!tpu.dma_semaphore, #tpu.memory_space<semaphore_mem>>
      %dma_start3A_1573 = arith.constant 0 : i32
      %dma_start3A_1574 = arith.constant 0 : i32
      %dma_start3A_1575 = tpu.memref_slice %arg4[%add3A_1557, %dma_start3A_1573, %dma_start3A_1574] : memref<16384x50x64xf32, #tpu.memory_space<hbm>> -> memref<1x50x64xf32, #tpu.memory_space<hbm>>
      %dma_start3A_1576 = tpu.memref_squeeze %dma_start3A_1575 : memref<1x50x64xf32, #tpu.memory_space<hbm>> -> memref<50x64xf32, #tpu.memory_space<hbm>>
      %dma_start3A_1577 = arith.constant 0 : i32
      %dma_start3A_1578 = arith.constant 0 : i32
      %dma_start3A_1579 = tpu.memref_slice %arg6[%dma_start3A_1558, %dma_start3A_1577, %dma_start3A_1578] : memref<8x200x64xf32, #tpu.memory_space<vmem>> -> memref<1x200x64xf32, #tpu.memory_space<vmem>>
      %dma_start3A_1580 = tpu.memref_squeeze %dma_start3A_1579 : memref<1x200x64xf32, #tpu.memory_space<vmem>> -> memref<200x64xf32, #tpu.memory_space<vmem>>
      %dma_start3A_1581 = arith.constant 50 : i32
      %dma_start3A_1582 = arith.constant 0 : i32
      %dma_start3A_1583 = tpu.memref_slice %dma_start3A_1580[%dma_start3A_1581, %dma_start3A_1582] : memref<200x64xf32, #tpu.memory_space<vmem>> -> memref<50x64xf32, #tpu.memory_space<vmem>>
      tpu.enqueue_dma source(%dma_start3A_1583 : memref<50x64xf32, #tpu.memory_space<vmem>>) target(%dma_start3A_1576 : memref<50x64xf32, #tpu.memory_space<hbm>>) target_semaphore(%dma_start3A_1572 : memref<!tpu.dma_semaphore, #tpu.memory_space<semaphore_mem>>)
      %mul3A_1584 = arith.constant 4 : i32
      %mul3A_1585 = arith.muli %add3A_1521, %mul3A_1584 : i32
      %add3A_1586 = arith.addi %mul3A_4, %mul3A_1585 : i32
      %add3A_1587 = arith.constant 2 : i32
      %add3A_1588 = arith.addi %add3A_1586, %add3A_1587 : i32
      %dma_start3A_1589 = arith.constant 3 : i32
      %dma_start3A_1590 = arith.constant 3 : i32
      %dma_start3A_1591 = arith.constant 0 : i32
      %dma_start3A_1592 = arith.constant 0 : i32
      %dma_start3A_1593 = tpu.memref_slice %arg6[%dma_start3A_1589, %dma_start3A_1591, %dma_start3A_1592] : memref<8x200x64xf32, #tpu.memory_space<vmem>> -> memref<1x200x64xf32, #tpu.memory_space<vmem>>
      %dma_start3A_1594 = tpu.memref_squeeze %dma_start3A_1593 : memref<1x200x64xf32, #tpu.memory_space<vmem>> -> memref<200x64xf32, #tpu.memory_space<vmem>>
      %dma_start3A_1595 = arith.constant 100 : i32
      %dma_start3A_1596 = arith.constant 0 : i32
      %dma_start3A_1597 = tpu.memref_slice %dma_start3A_1594[%dma_start3A_1595, %dma_start3A_1596] : memref<200x64xf32, #tpu.memory_space<vmem>> -> memref<50x64xf32, #tpu.memory_space<vmem>>
      %dma_start3A_1598 = arith.constant 0 : i32
      %dma_start3A_1599 = arith.constant 0 : i32
      %dma_start3A_1600 = tpu.memref_slice %arg4[%add3A_1588, %dma_start3A_1598, %dma_start3A_1599] : memref<16384x50x64xf32, #tpu.memory_space<hbm>> -> memref<1x50x64xf32, #tpu.memory_space<hbm>>
      %dma_start3A_1601 = tpu.memref_squeeze %dma_start3A_1600 : memref<1x50x64xf32, #tpu.memory_space<hbm>> -> memref<50x64xf32, #tpu.memory_space<hbm>>
      %dma_start3A_1602 = tpu.memref_slice %arg8[%dma_start3A_1590] : memref<8x!tpu.dma_semaphore, #tpu.memory_space<semaphore_mem>> -> memref<1x!tpu.dma_semaphore, #tpu.memory_space<semaphore_mem>>
      %dma_start3A_1603 = tpu.memref_squeeze %dma_start3A_1602 : memref<1x!tpu.dma_semaphore, #tpu.memory_space<semaphore_mem>> -> memref<!tpu.dma_semaphore, #tpu.memory_space<semaphore_mem>>
      %dma_start3A_1604 = arith.constant 0 : i32
      %dma_start3A_1605 = arith.constant 0 : i32
      %dma_start3A_1606 = tpu.memref_slice %arg4[%add3A_1588, %dma_start3A_1604, %dma_start3A_1605] : memref<16384x50x64xf32, #tpu.memory_space<hbm>> -> memref<1x50x64xf32, #tpu.memory_space<hbm>>
      %dma_start3A_1607 = tpu.memref_squeeze %dma_start3A_1606 : memref<1x50x64xf32, #tpu.memory_space<hbm>> -> memref<50x64xf32, #tpu.memory_space<hbm>>
      %dma_start3A_1608 = arith.constant 0 : i32
      %dma_start3A_1609 = arith.constant 0 : i32
      %dma_start3A_1610 = tpu.memref_slice %arg6[%dma_start3A_1589, %dma_start3A_1608, %dma_start3A_1609] : memref<8x200x64xf32, #tpu.memory_space<vmem>> -> memref<1x200x64xf32, #tpu.memory_space<vmem>>
      %dma_start3A_1611 = tpu.memref_squeeze %dma_start3A_1610 : memref<1x200x64xf32, #tpu.memory_space<vmem>> -> memref<200x64xf32, #tpu.memory_space<vmem>>
      %dma_start3A_1612 = arith.constant 100 : i32
      %dma_start3A_1613 = arith.constant 0 : i32
      %dma_start3A_1614 = tpu.memref_slice %dma_start3A_1611[%dma_start3A_1612, %dma_start3A_1613] : memref<200x64xf32, #tpu.memory_space<vmem>> -> memref<50x64xf32, #tpu.memory_space<vmem>>
      tpu.enqueue_dma source(%dma_start3A_1614 : memref<50x64xf32, #tpu.memory_space<vmem>>) target(%dma_start3A_1607 : memref<50x64xf32, #tpu.memory_space<hbm>>) target_semaphore(%dma_start3A_1603 : memref<!tpu.dma_semaphore, #tpu.memory_space<semaphore_mem>>)
      %mul3A_1615 = arith.constant 4 : i32
      %mul3A_1616 = arith.muli %add3A_1521, %mul3A_1615 : i32
      %add3A_1617 = arith.addi %mul3A_4, %mul3A_1616 : i32
      %add3A_1618 = arith.constant 3 : i32
      %add3A_1619 = arith.addi %add3A_1617, %add3A_1618 : i32
      %dma_start3A_1620 = arith.constant 3 : i32
      %dma_start3A_1621 = arith.constant 3 : i32
      %dma_start3A_1622 = arith.constant 0 : i32
      %dma_start3A_1623 = arith.constant 0 : i32
      %dma_start3A_1624 = tpu.memref_slice %arg6[%dma_start3A_1620, %dma_start3A_1622, %dma_start3A_1623] : memref<8x200x64xf32, #tpu.memory_space<vmem>> -> memref<1x200x64xf32, #tpu.memory_space<vmem>>
      %dma_start3A_1625 = tpu.memref_squeeze %dma_start3A_1624 : memref<1x200x64xf32, #tpu.memory_space<vmem>> -> memref<200x64xf32, #tpu.memory_space<vmem>>
      %dma_start3A_1626 = arith.constant 150 : i32
      %dma_start3A_1627 = arith.constant 0 : i32
      %dma_start3A_1628 = tpu.memref_slice %dma_start3A_1625[%dma_start3A_1626, %dma_start3A_1627] : memref<200x64xf32, #tpu.memory_space<vmem>> -> memref<50x64xf32, #tpu.memory_space<vmem>>
      %dma_start3A_1629 = arith.constant 0 : i32
      %dma_start3A_1630 = arith.constant 0 : i32
      %dma_start3A_1631 = tpu.memref_slice %arg4[%add3A_1619, %dma_start3A_1629, %dma_start3A_1630] : memref<16384x50x64xf32, #tpu.memory_space<hbm>> -> memref<1x50x64xf32, #tpu.memory_space<hbm>>
      %dma_start3A_1632 = tpu.memref_squeeze %dma_start3A_1631 : memref<1x50x64xf32, #tpu.memory_space<hbm>> -> memref<50x64xf32, #tpu.memory_space<hbm>>
      %dma_start3A_1633 = tpu.memref_slice %arg8[%dma_start3A_1621] : memref<8x!tpu.dma_semaphore, #tpu.memory_space<semaphore_mem>> -> memref<1x!tpu.dma_semaphore, #tpu.memory_space<semaphore_mem>>
      %dma_start3A_1634 = tpu.memref_squeeze %dma_start3A_1633 : memref<1x!tpu.dma_semaphore, #tpu.memory_space<semaphore_mem>> -> memref<!tpu.dma_semaphore, #tpu.memory_space<semaphore_mem>>
      %dma_start3A_1635 = arith.constant 0 : i32
      %dma_start3A_1636 = arith.constant 0 : i32
      %dma_start3A_1637 = tpu.memref_slice %arg4[%add3A_1619, %dma_start3A_1635, %dma_start3A_1636] : memref<16384x50x64xf32, #tpu.memory_space<hbm>> -> memref<1x50x64xf32, #tpu.memory_space<hbm>>
      %dma_start3A_1638 = tpu.memref_squeeze %dma_start3A_1637 : memref<1x50x64xf32, #tpu.memory_space<hbm>> -> memref<50x64xf32, #tpu.memory_space<hbm>>
      %dma_start3A_1639 = arith.constant 0 : i32
      %dma_start3A_1640 = arith.constant 0 : i32
      %dma_start3A_1641 = tpu.memref_slice %arg6[%dma_start3A_1620, %dma_start3A_1639, %dma_start3A_1640] : memref<8x200x64xf32, #tpu.memory_space<vmem>> -> memref<1x200x64xf32, #tpu.memory_space<vmem>>
      %dma_start3A_1642 = tpu.memref_squeeze %dma_start3A_1641 : memref<1x200x64xf32, #tpu.memory_space<vmem>> -> memref<200x64xf32, #tpu.memory_space<vmem>>
      %dma_start3A_1643 = arith.constant 150 : i32
      %dma_start3A_1644 = arith.constant 0 : i32
      %dma_start3A_1645 = tpu.memref_slice %dma_start3A_1642[%dma_start3A_1643, %dma_start3A_1644] : memref<200x64xf32, #tpu.memory_space<vmem>> -> memref<50x64xf32, #tpu.memory_space<vmem>>
      tpu.enqueue_dma source(%dma_start3A_1645 : memref<50x64xf32, #tpu.memory_space<vmem>>) target(%dma_start3A_1638 : memref<50x64xf32, #tpu.memory_space<hbm>>) target_semaphore(%dma_start3A_1634 : memref<!tpu.dma_semaphore, #tpu.memory_space<semaphore_mem>>)
      %add3A_1646 = arith.constant 4 : i32
      %add3A_1647 = arith.addi %mul3A_1077, %add3A_1646 : i32
      %mul3A_1648 = arith.constant 200 : i32
      %mul3A_1649 = arith.muli %add3A_1647, %mul3A_1648 : i32
      %dma_wait3A_1650 = arith.constant 4 : i32
      %dma_wait3A_1651 = arith.constant 4 : i32
      %dma_wait3A_1652 = arith.constant 0 : i32
      %dma_wait3A_1653 = arith.constant 0 : i32
      %dma_wait3A_1654 = tpu.memref_slice %arg6[%dma_wait3A_1650, %dma_wait3A_1652, %dma_wait3A_1653] : memref<8x200x64xf32, #tpu.memory_space<vmem>> -> memref<1x200x64xf32, #tpu.memory_space<vmem>>
      %dma_wait3A_1655 = tpu.memref_squeeze %dma_wait3A_1654 : memref<1x200x64xf32, #tpu.memory_space<vmem>> -> memref<200x64xf32, #tpu.memory_space<vmem>>
      %dma_wait3A_1656 = tpu.memref_slice %arg5[%mul3A_1649] : memref<25600xi32, #tpu.memory_space<vmem>> -> memref<200xi32, #tpu.memory_space<vmem>>
      %dma_wait3A_1657 = arith.constant 0 : i32
      %dma_wait3A_1658 = arith.constant 0 : i32
      %dma_wait3A_1659 = tpu.memref_slice %arg3[%dma_wait3A_1657, %dma_wait3A_1658] : memref<1000000x64xf32, #tpu.memory_space<hbm>> -> memref<1000000x64xf32, #tpu.memory_space<hbm>>
      %dma_wait3A_1660 = tpu.memref_slice %arg7[%dma_wait3A_1651] : memref<8x!tpu.dma_semaphore, #tpu.memory_space<semaphore_mem>> -> memref<1x!tpu.dma_semaphore, #tpu.memory_space<semaphore_mem>>
      %dma_wait3A_1661 = tpu.memref_squeeze %dma_wait3A_1660 : memref<1x!tpu.dma_semaphore, #tpu.memory_space<semaphore_mem>> -> memref<!tpu.dma_semaphore, #tpu.memory_space<semaphore_mem>>
      tpu.wait_indirect_dma semaphore(%dma_wait3A_1661 : memref<!tpu.dma_semaphore, #tpu.memory_space<semaphore_mem>>) src(%dma_wait3A_1659 : memref<1000000x64xf32, #tpu.memory_space<hbm>>) dst(%dma_wait3A_1655 : memref<200x64xf32, #tpu.memory_space<vmem>>)
      %add3A_1662 = arith.constant 4 : i32
      %add3A_1663 = arith.addi %mul3A_1077, %add3A_1662 : i32
      %mul3A_1664 = arith.constant 4 : i32
      %mul3A_1665 = arith.muli %add3A_1663, %mul3A_1664 : i32
      %add3A_1666 = arith.addi %mul3A_4, %mul3A_1665 : i32
      %add3A_1667 = arith.constant 0 : i32
      %add3A_1668 = arith.addi %add3A_1666, %add3A_1667 : i32
      %dma_start3A_1669 = arith.constant 4 : i32
      %dma_start3A_1670 = arith.constant 4 : i32
      %dma_start3A_1671 = arith.constant 0 : i32
      %dma_start3A_1672 = arith.constant 0 : i32
      %dma_start3A_1673 = tpu.memref_slice %arg6[%dma_start3A_1669, %dma_start3A_1671, %dma_start3A_1672] : memref<8x200x64xf32, #tpu.memory_space<vmem>> -> memref<1x200x64xf32, #tpu.memory_space<vmem>>
      %dma_start3A_1674 = tpu.memref_squeeze %dma_start3A_1673 : memref<1x200x64xf32, #tpu.memory_space<vmem>> -> memref<200x64xf32, #tpu.memory_space<vmem>>
      %dma_start3A_1675 = arith.constant 0 : i32
      %dma_start3A_1676 = arith.constant 0 : i32
      %dma_start3A_1677 = tpu.memref_slice %dma_start3A_1674[%dma_start3A_1675, %dma_start3A_1676] : memref<200x64xf32, #tpu.memory_space<vmem>> -> memref<50x64xf32, #tpu.memory_space<vmem>>
      %dma_start3A_1678 = arith.constant 0 : i32
      %dma_start3A_1679 = arith.constant 0 : i32
      %dma_start3A_1680 = tpu.memref_slice %arg4[%add3A_1668, %dma_start3A_1678, %dma_start3A_1679] : memref<16384x50x64xf32, #tpu.memory_space<hbm>> -> memref<1x50x64xf32, #tpu.memory_space<hbm>>
      %dma_start3A_1681 = tpu.memref_squeeze %dma_start3A_1680 : memref<1x50x64xf32, #tpu.memory_space<hbm>> -> memref<50x64xf32, #tpu.memory_space<hbm>>
      %dma_start3A_1682 = tpu.memref_slice %arg8[%dma_start3A_1670] : memref<8x!tpu.dma_semaphore, #tpu.memory_space<semaphore_mem>> -> memref<1x!tpu.dma_semaphore, #tpu.memory_space<semaphore_mem>>
      %dma_start3A_1683 = tpu.memref_squeeze %dma_start3A_1682 : memref<1x!tpu.dma_semaphore, #tpu.memory_space<semaphore_mem>> -> memref<!tpu.dma_semaphore, #tpu.memory_space<semaphore_mem>>
      %dma_start3A_1684 = arith.constant 0 : i32
      %dma_start3A_1685 = arith.constant 0 : i32
      %dma_start3A_1686 = tpu.memref_slice %arg4[%add3A_1668, %dma_start3A_1684, %dma_start3A_1685] : memref<16384x50x64xf32, #tpu.memory_space<hbm>> -> memref<1x50x64xf32, #tpu.memory_space<hbm>>
      %dma_start3A_1687 = tpu.memref_squeeze %dma_start3A_1686 : memref<1x50x64xf32, #tpu.memory_space<hbm>> -> memref<50x64xf32, #tpu.memory_space<hbm>>
      %dma_start3A_1688 = arith.constant 0 : i32
      %dma_start3A_1689 = arith.constant 0 : i32
      %dma_start3A_1690 = tpu.memref_slice %arg6[%dma_start3A_1669, %dma_start3A_1688, %dma_start3A_1689] : memref<8x200x64xf32, #tpu.memory_space<vmem>> -> memref<1x200x64xf32, #tpu.memory_space<vmem>>
      %dma_start3A_1691 = tpu.memref_squeeze %dma_start3A_1690 : memref<1x200x64xf32, #tpu.memory_space<vmem>> -> memref<200x64xf32, #tpu.memory_space<vmem>>
      %dma_start3A_1692 = arith.constant 0 : i32
      %dma_start3A_1693 = arith.constant 0 : i32
      %dma_start3A_1694 = tpu.memref_slice %dma_start3A_1691[%dma_start3A_1692, %dma_start3A_1693] : memref<200x64xf32, #tpu.memory_space<vmem>> -> memref<50x64xf32, #tpu.memory_space<vmem>>
      tpu.enqueue_dma source(%dma_start3A_1694 : memref<50x64xf32, #tpu.memory_space<vmem>>) target(%dma_start3A_1687 : memref<50x64xf32, #tpu.memory_space<hbm>>) target_semaphore(%dma_start3A_1683 : memref<!tpu.dma_semaphore, #tpu.memory_space<semaphore_mem>>)
      %mul3A_1695 = arith.constant 4 : i32
      %mul3A_1696 = arith.muli %add3A_1663, %mul3A_1695 : i32
      %add3A_1697 = arith.addi %mul3A_4, %mul3A_1696 : i32
      %add3A_1698 = arith.constant 1 : i32
      %add3A_1699 = arith.addi %add3A_1697, %add3A_1698 : i32
      %dma_start3A_1700 = arith.constant 4 : i32
      %dma_start3A_1701 = arith.constant 4 : i32
      %dma_start3A_1702 = arith.constant 0 : i32
      %dma_start3A_1703 = arith.constant 0 : i32
      %dma_start3A_1704 = tpu.memref_slice %arg6[%dma_start3A_1700, %dma_start3A_1702, %dma_start3A_1703] : memref<8x200x64xf32, #tpu.memory_space<vmem>> -> memref<1x200x64xf32, #tpu.memory_space<vmem>>
      %dma_start3A_1705 = tpu.memref_squeeze %dma_start3A_1704 : memref<1x200x64xf32, #tpu.memory_space<vmem>> -> memref<200x64xf32, #tpu.memory_space<vmem>>
      %dma_start3A_1706 = arith.constant 50 : i32
      %dma_start3A_1707 = arith.constant 0 : i32
      %dma_start3A_1708 = tpu.memref_slice %dma_start3A_1705[%dma_start3A_1706, %dma_start3A_1707] : memref<200x64xf32, #tpu.memory_space<vmem>> -> memref<50x64xf32, #tpu.memory_space<vmem>>
      %dma_start3A_1709 = arith.constant 0 : i32
      %dma_start3A_1710 = arith.constant 0 : i32
      %dma_start3A_1711 = tpu.memref_slice %arg4[%add3A_1699, %dma_start3A_1709, %dma_start3A_1710] : memref<16384x50x64xf32, #tpu.memory_space<hbm>> -> memref<1x50x64xf32, #tpu.memory_space<hbm>>
      %dma_start3A_1712 = tpu.memref_squeeze %dma_start3A_1711 : memref<1x50x64xf32, #tpu.memory_space<hbm>> -> memref<50x64xf32, #tpu.memory_space<hbm>>
      %dma_start3A_1713 = tpu.memref_slice %arg8[%dma_start3A_1701] : memref<8x!tpu.dma_semaphore, #tpu.memory_space<semaphore_mem>> -> memref<1x!tpu.dma_semaphore, #tpu.memory_space<semaphore_mem>>
      %dma_start3A_1714 = tpu.memref_squeeze %dma_start3A_1713 : memref<1x!tpu.dma_semaphore, #tpu.memory_space<semaphore_mem>> -> memref<!tpu.dma_semaphore, #tpu.memory_space<semaphore_mem>>
      %dma_start3A_1715 = arith.constant 0 : i32
      %dma_start3A_1716 = arith.constant 0 : i32
      %dma_start3A_1717 = tpu.memref_slice %arg4[%add3A_1699, %dma_start3A_1715, %dma_start3A_1716] : memref<16384x50x64xf32, #tpu.memory_space<hbm>> -> memref<1x50x64xf32, #tpu.memory_space<hbm>>
      %dma_start3A_1718 = tpu.memref_squeeze %dma_start3A_1717 : memref<1x50x64xf32, #tpu.memory_space<hbm>> -> memref<50x64xf32, #tpu.memory_space<hbm>>
      %dma_start3A_1719 = arith.constant 0 : i32
      %dma_start3A_1720 = arith.constant 0 : i32
      %dma_start3A_1721 = tpu.memref_slice %arg6[%dma_start3A_1700, %dma_start3A_1719, %dma_start3A_1720] : memref<8x200x64xf32, #tpu.memory_space<vmem>> -> memref<1x200x64xf32, #tpu.memory_space<vmem>>
      %dma_start3A_1722 = tpu.memref_squeeze %dma_start3A_1721 : memref<1x200x64xf32, #tpu.memory_space<vmem>> -> memref<200x64xf32, #tpu.memory_space<vmem>>
      %dma_start3A_1723 = arith.constant 50 : i32
      %dma_start3A_1724 = arith.constant 0 : i32
      %dma_start3A_1725 = tpu.memref_slice %dma_start3A_1722[%dma_start3A_1723, %dma_start3A_1724] : memref<200x64xf32, #tpu.memory_space<vmem>> -> memref<50x64xf32, #tpu.memory_space<vmem>>
      tpu.enqueue_dma source(%dma_start3A_1725 : memref<50x64xf32, #tpu.memory_space<vmem>>) target(%dma_start3A_1718 : memref<50x64xf32, #tpu.memory_space<hbm>>) target_semaphore(%dma_start3A_1714 : memref<!tpu.dma_semaphore, #tpu.memory_space<semaphore_mem>>)
      %mul3A_1726 = arith.constant 4 : i32
      %mul3A_1727 = arith.muli %add3A_1663, %mul3A_1726 : i32
      %add3A_1728 = arith.addi %mul3A_4, %mul3A_1727 : i32
      %add3A_1729 = arith.constant 2 : i32
      %add3A_1730 = arith.addi %add3A_1728, %add3A_1729 : i32
      %dma_start3A_1731 = arith.constant 4 : i32
      %dma_start3A_1732 = arith.constant 4 : i32
      %dma_start3A_1733 = arith.constant 0 : i32
      %dma_start3A_1734 = arith.constant 0 : i32
      %dma_start3A_1735 = tpu.memref_slice %arg6[%dma_start3A_1731, %dma_start3A_1733, %dma_start3A_1734] : memref<8x200x64xf32, #tpu.memory_space<vmem>> -> memref<1x200x64xf32, #tpu.memory_space<vmem>>
      %dma_start3A_1736 = tpu.memref_squeeze %dma_start3A_1735 : memref<1x200x64xf32, #tpu.memory_space<vmem>> -> memref<200x64xf32, #tpu.memory_space<vmem>>
      %dma_start3A_1737 = arith.constant 100 : i32
      %dma_start3A_1738 = arith.constant 0 : i32
      %dma_start3A_1739 = tpu.memref_slice %dma_start3A_1736[%dma_start3A_1737, %dma_start3A_1738] : memref<200x64xf32, #tpu.memory_space<vmem>> -> memref<50x64xf32, #tpu.memory_space<vmem>>
      %dma_start3A_1740 = arith.constant 0 : i32
      %dma_start3A_1741 = arith.constant 0 : i32
      %dma_start3A_1742 = tpu.memref_slice %arg4[%add3A_1730, %dma_start3A_1740, %dma_start3A_1741] : memref<16384x50x64xf32, #tpu.memory_space<hbm>> -> memref<1x50x64xf32, #tpu.memory_space<hbm>>
      %dma_start3A_1743 = tpu.memref_squeeze %dma_start3A_1742 : memref<1x50x64xf32, #tpu.memory_space<hbm>> -> memref<50x64xf32, #tpu.memory_space<hbm>>
      %dma_start3A_1744 = tpu.memref_slice %arg8[%dma_start3A_1732] : memref<8x!tpu.dma_semaphore, #tpu.memory_space<semaphore_mem>> -> memref<1x!tpu.dma_semaphore, #tpu.memory_space<semaphore_mem>>
      %dma_start3A_1745 = tpu.memref_squeeze %dma_start3A_1744 : memref<1x!tpu.dma_semaphore, #tpu.memory_space<semaphore_mem>> -> memref<!tpu.dma_semaphore, #tpu.memory_space<semaphore_mem>>
      %dma_start3A_1746 = arith.constant 0 : i32
      %dma_start3A_1747 = arith.constant 0 : i32
      %dma_start3A_1748 = tpu.memref_slice %arg4[%add3A_1730, %dma_start3A_1746, %dma_start3A_1747] : memref<16384x50x64xf32, #tpu.memory_space<hbm>> -> memref<1x50x64xf32, #tpu.memory_space<hbm>>
      %dma_start3A_1749 = tpu.memref_squeeze %dma_start3A_1748 : memref<1x50x64xf32, #tpu.memory_space<hbm>> -> memref<50x64xf32, #tpu.memory_space<hbm>>
      %dma_start3A_1750 = arith.constant 0 : i32
      %dma_start3A_1751 = arith.constant 0 : i32
      %dma_start3A_1752 = tpu.memref_slice %arg6[%dma_start3A_1731, %dma_start3A_1750, %dma_start3A_1751] : memref<8x200x64xf32, #tpu.memory_space<vmem>> -> memref<1x200x64xf32, #tpu.memory_space<vmem>>
      %dma_start3A_1753 = tpu.memref_squeeze %dma_start3A_1752 : memref<1x200x64xf32, #tpu.memory_space<vmem>> -> memref<200x64xf32, #tpu.memory_space<vmem>>
      %dma_start3A_1754 = arith.constant 100 : i32
      %dma_start3A_1755 = arith.constant 0 : i32
      %dma_start3A_1756 = tpu.memref_slice %dma_start3A_1753[%dma_start3A_1754, %dma_start3A_1755] : memref<200x64xf32, #tpu.memory_space<vmem>> -> memref<50x64xf32, #tpu.memory_space<vmem>>
      tpu.enqueue_dma source(%dma_start3A_1756 : memref<50x64xf32, #tpu.memory_space<vmem>>) target(%dma_start3A_1749 : memref<50x64xf32, #tpu.memory_space<hbm>>) target_semaphore(%dma_start3A_1745 : memref<!tpu.dma_semaphore, #tpu.memory_space<semaphore_mem>>)
      %mul3A_1757 = arith.constant 4 : i32
      %mul3A_1758 = arith.muli %add3A_1663, %mul3A_1757 : i32
      %add3A_1759 = arith.addi %mul3A_4, %mul3A_1758 : i32
      %add3A_1760 = arith.constant 3 : i32
      %add3A_1761 = arith.addi %add3A_1759, %add3A_1760 : i32
      %dma_start3A_1762 = arith.constant 4 : i32
      %dma_start3A_1763 = arith.constant 4 : i32
      %dma_start3A_1764 = arith.constant 0 : i32
      %dma_start3A_1765 = arith.constant 0 : i32
      %dma_start3A_1766 = tpu.memref_slice %arg6[%dma_start3A_1762, %dma_start3A_1764, %dma_start3A_1765] : memref<8x200x64xf32, #tpu.memory_space<vmem>> -> memref<1x200x64xf32, #tpu.memory_space<vmem>>
      %dma_start3A_1767 = tpu.memref_squeeze %dma_start3A_1766 : memref<1x200x64xf32, #tpu.memory_space<vmem>> -> memref<200x64xf32, #tpu.memory_space<vmem>>
      %dma_start3A_1768 = arith.constant 150 : i32
      %dma_start3A_1769 = arith.constant 0 : i32
      %dma_start3A_1770 = tpu.memref_slice %dma_start3A_1767[%dma_start3A_1768, %dma_start3A_1769] : memref<200x64xf32, #tpu.memory_space<vmem>> -> memref<50x64xf32, #tpu.memory_space<vmem>>
      %dma_start3A_1771 = arith.constant 0 : i32
      %dma_start3A_1772 = arith.constant 0 : i32
      %dma_start3A_1773 = tpu.memref_slice %arg4[%add3A_1761, %dma_start3A_1771, %dma_start3A_1772] : memref<16384x50x64xf32, #tpu.memory_space<hbm>> -> memref<1x50x64xf32, #tpu.memory_space<hbm>>
      %dma_start3A_1774 = tpu.memref_squeeze %dma_start3A_1773 : memref<1x50x64xf32, #tpu.memory_space<hbm>> -> memref<50x64xf32, #tpu.memory_space<hbm>>
      %dma_start3A_1775 = tpu.memref_slice %arg8[%dma_start3A_1763] : memref<8x!tpu.dma_semaphore, #tpu.memory_space<semaphore_mem>> -> memref<1x!tpu.dma_semaphore, #tpu.memory_space<semaphore_mem>>
      %dma_start3A_1776 = tpu.memref_squeeze %dma_start3A_1775 : memref<1x!tpu.dma_semaphore, #tpu.memory_space<semaphore_mem>> -> memref<!tpu.dma_semaphore, #tpu.memory_space<semaphore_mem>>
      %dma_start3A_1777 = arith.constant 0 : i32
      %dma_start3A_1778 = arith.constant 0 : i32
      %dma_start3A_1779 = tpu.memref_slice %arg4[%add3A_1761, %dma_start3A_1777, %dma_start3A_1778] : memref<16384x50x64xf32, #tpu.memory_space<hbm>> -> memref<1x50x64xf32, #tpu.memory_space<hbm>>
      %dma_start3A_1780 = tpu.memref_squeeze %dma_start3A_1779 : memref<1x50x64xf32, #tpu.memory_space<hbm>> -> memref<50x64xf32, #tpu.memory_space<hbm>>
      %dma_start3A_1781 = arith.constant 0 : i32
      %dma_start3A_1782 = arith.constant 0 : i32
      %dma_start3A_1783 = tpu.memref_slice %arg6[%dma_start3A_1762, %dma_start3A_1781, %dma_start3A_1782] : memref<8x200x64xf32, #tpu.memory_space<vmem>> -> memref<1x200x64xf32, #tpu.memory_space<vmem>>
      %dma_start3A_1784 = tpu.memref_squeeze %dma_start3A_1783 : memref<1x200x64xf32, #tpu.memory_space<vmem>> -> memref<200x64xf32, #tpu.memory_space<vmem>>
      %dma_start3A_1785 = arith.constant 150 : i32
      %dma_start3A_1786 = arith.constant 0 : i32
      %dma_start3A_1787 = tpu.memref_slice %dma_start3A_1784[%dma_start3A_1785, %dma_start3A_1786] : memref<200x64xf32, #tpu.memory_space<vmem>> -> memref<50x64xf32, #tpu.memory_space<vmem>>
      tpu.enqueue_dma source(%dma_start3A_1787 : memref<50x64xf32, #tpu.memory_space<vmem>>) target(%dma_start3A_1780 : memref<50x64xf32, #tpu.memory_space<hbm>>) target_semaphore(%dma_start3A_1776 : memref<!tpu.dma_semaphore, #tpu.memory_space<semaphore_mem>>)
      %add3A_1788 = arith.constant 5 : i32
      %add3A_1789 = arith.addi %mul3A_1077, %add3A_1788 : i32
      %mul3A_1790 = arith.constant 200 : i32
      %mul3A_1791 = arith.muli %add3A_1789, %mul3A_1790 : i32
      %dma_wait3A_1792 = arith.constant 5 : i32
      %dma_wait3A_1793 = arith.constant 5 : i32
      %dma_wait3A_1794 = arith.constant 0 : i32
      %dma_wait3A_1795 = arith.constant 0 : i32
      %dma_wait3A_1796 = tpu.memref_slice %arg6[%dma_wait3A_1792, %dma_wait3A_1794, %dma_wait3A_1795] : memref<8x200x64xf32, #tpu.memory_space<vmem>> -> memref<1x200x64xf32, #tpu.memory_space<vmem>>
      %dma_wait3A_1797 = tpu.memref_squeeze %dma_wait3A_1796 : memref<1x200x64xf32, #tpu.memory_space<vmem>> -> memref<200x64xf32, #tpu.memory_space<vmem>>
      %dma_wait3A_1798 = tpu.memref_slice %arg5[%mul3A_1791] : memref<25600xi32, #tpu.memory_space<vmem>> -> memref<200xi32, #tpu.memory_space<vmem>>
      %dma_wait3A_1799 = arith.constant 0 : i32
      %dma_wait3A_1800 = arith.constant 0 : i32
      %dma_wait3A_1801 = tpu.memref_slice %arg3[%dma_wait3A_1799, %dma_wait3A_1800] : memref<1000000x64xf32, #tpu.memory_space<hbm>> -> memref<1000000x64xf32, #tpu.memory_space<hbm>>
      %dma_wait3A_1802 = tpu.memref_slice %arg7[%dma_wait3A_1793] : memref<8x!tpu.dma_semaphore, #tpu.memory_space<semaphore_mem>> -> memref<1x!tpu.dma_semaphore, #tpu.memory_space<semaphore_mem>>
      %dma_wait3A_1803 = tpu.memref_squeeze %dma_wait3A_1802 : memref<1x!tpu.dma_semaphore, #tpu.memory_space<semaphore_mem>> -> memref<!tpu.dma_semaphore, #tpu.memory_space<semaphore_mem>>
      tpu.wait_indirect_dma semaphore(%dma_wait3A_1803 : memref<!tpu.dma_semaphore, #tpu.memory_space<semaphore_mem>>) src(%dma_wait3A_1801 : memref<1000000x64xf32, #tpu.memory_space<hbm>>) dst(%dma_wait3A_1797 : memref<200x64xf32, #tpu.memory_space<vmem>>)
      %add3A_1804 = arith.constant 5 : i32
      %add3A_1805 = arith.addi %mul3A_1077, %add3A_1804 : i32
      %mul3A_1806 = arith.constant 4 : i32
      %mul3A_1807 = arith.muli %add3A_1805, %mul3A_1806 : i32
      %add3A_1808 = arith.addi %mul3A_4, %mul3A_1807 : i32
      %add3A_1809 = arith.constant 0 : i32
      %add3A_1810 = arith.addi %add3A_1808, %add3A_1809 : i32
      %dma_start3A_1811 = arith.constant 5 : i32
      %dma_start3A_1812 = arith.constant 5 : i32
      %dma_start3A_1813 = arith.constant 0 : i32
      %dma_start3A_1814 = arith.constant 0 : i32
      %dma_start3A_1815 = tpu.memref_slice %arg6[%dma_start3A_1811, %dma_start3A_1813, %dma_start3A_1814] : memref<8x200x64xf32, #tpu.memory_space<vmem>> -> memref<1x200x64xf32, #tpu.memory_space<vmem>>
      %dma_start3A_1816 = tpu.memref_squeeze %dma_start3A_1815 : memref<1x200x64xf32, #tpu.memory_space<vmem>> -> memref<200x64xf32, #tpu.memory_space<vmem>>
      %dma_start3A_1817 = arith.constant 0 : i32
      %dma_start3A_1818 = arith.constant 0 : i32
      %dma_start3A_1819 = tpu.memref_slice %dma_start3A_1816[%dma_start3A_1817, %dma_start3A_1818] : memref<200x64xf32, #tpu.memory_space<vmem>> -> memref<50x64xf32, #tpu.memory_space<vmem>>
      %dma_start3A_1820 = arith.constant 0 : i32
      %dma_start3A_1821 = arith.constant 0 : i32
      %dma_start3A_1822 = tpu.memref_slice %arg4[%add3A_1810, %dma_start3A_1820, %dma_start3A_1821] : memref<16384x50x64xf32, #tpu.memory_space<hbm>> -> memref<1x50x64xf32, #tpu.memory_space<hbm>>
      %dma_start3A_1823 = tpu.memref_squeeze %dma_start3A_1822 : memref<1x50x64xf32, #tpu.memory_space<hbm>> -> memref<50x64xf32, #tpu.memory_space<hbm>>
      %dma_start3A_1824 = tpu.memref_slice %arg8[%dma_start3A_1812] : memref<8x!tpu.dma_semaphore, #tpu.memory_space<semaphore_mem>> -> memref<1x!tpu.dma_semaphore, #tpu.memory_space<semaphore_mem>>
      %dma_start3A_1825 = tpu.memref_squeeze %dma_start3A_1824 : memref<1x!tpu.dma_semaphore, #tpu.memory_space<semaphore_mem>> -> memref<!tpu.dma_semaphore, #tpu.memory_space<semaphore_mem>>
      %dma_start3A_1826 = arith.constant 0 : i32
      %dma_start3A_1827 = arith.constant 0 : i32
      %dma_start3A_1828 = tpu.memref_slice %arg4[%add3A_1810, %dma_start3A_1826, %dma_start3A_1827] : memref<16384x50x64xf32, #tpu.memory_space<hbm>> -> memref<1x50x64xf32, #tpu.memory_space<hbm>>
      %dma_start3A_1829 = tpu.memref_squeeze %dma_start3A_1828 : memref<1x50x64xf32, #tpu.memory_space<hbm>> -> memref<50x64xf32, #tpu.memory_space<hbm>>
      %dma_start3A_1830 = arith.constant 0 : i32
      %dma_start3A_1831 = arith.constant 0 : i32
      %dma_start3A_1832 = tpu.memref_slice %arg6[%dma_start3A_1811, %dma_start3A_1830, %dma_start3A_1831] : memref<8x200x64xf32, #tpu.memory_space<vmem>> -> memref<1x200x64xf32, #tpu.memory_space<vmem>>
      %dma_start3A_1833 = tpu.memref_squeeze %dma_start3A_1832 : memref<1x200x64xf32, #tpu.memory_space<vmem>> -> memref<200x64xf32, #tpu.memory_space<vmem>>
      %dma_start3A_1834 = arith.constant 0 : i32
      %dma_start3A_1835 = arith.constant 0 : i32
      %dma_start3A_1836 = tpu.memref_slice %dma_start3A_1833[%dma_start3A_1834, %dma_start3A_1835] : memref<200x64xf32, #tpu.memory_space<vmem>> -> memref<50x64xf32, #tpu.memory_space<vmem>>
      tpu.enqueue_dma source(%dma_start3A_1836 : memref<50x64xf32, #tpu.memory_space<vmem>>) target(%dma_start3A_1829 : memref<50x64xf32, #tpu.memory_space<hbm>>) target_semaphore(%dma_start3A_1825 : memref<!tpu.dma_semaphore, #tpu.memory_space<semaphore_mem>>)
      %mul3A_1837 = arith.constant 4 : i32
      %mul3A_1838 = arith.muli %add3A_1805, %mul3A_1837 : i32
      %add3A_1839 = arith.addi %mul3A_4, %mul3A_1838 : i32
      %add3A_1840 = arith.constant 1 : i32
      %add3A_1841 = arith.addi %add3A_1839, %add3A_1840 : i32
      %dma_start3A_1842 = arith.constant 5 : i32
      %dma_start3A_1843 = arith.constant 5 : i32
      %dma_start3A_1844 = arith.constant 0 : i32
      %dma_start3A_1845 = arith.constant 0 : i32
      %dma_start3A_1846 = tpu.memref_slice %arg6[%dma_start3A_1842, %dma_start3A_1844, %dma_start3A_1845] : memref<8x200x64xf32, #tpu.memory_space<vmem>> -> memref<1x200x64xf32, #tpu.memory_space<vmem>>
      %dma_start3A_1847 = tpu.memref_squeeze %dma_start3A_1846 : memref<1x200x64xf32, #tpu.memory_space<vmem>> -> memref<200x64xf32, #tpu.memory_space<vmem>>
      %dma_start3A_1848 = arith.constant 50 : i32
      %dma_start3A_1849 = arith.constant 0 : i32
      %dma_start3A_1850 = tpu.memref_slice %dma_start3A_1847[%dma_start3A_1848, %dma_start3A_1849] : memref<200x64xf32, #tpu.memory_space<vmem>> -> memref<50x64xf32, #tpu.memory_space<vmem>>
      %dma_start3A_1851 = arith.constant 0 : i32
      %dma_start3A_1852 = arith.constant 0 : i32
      %dma_start3A_1853 = tpu.memref_slice %arg4[%add3A_1841, %dma_start3A_1851, %dma_start3A_1852] : memref<16384x50x64xf32, #tpu.memory_space<hbm>> -> memref<1x50x64xf32, #tpu.memory_space<hbm>>
      %dma_start3A_1854 = tpu.memref_squeeze %dma_start3A_1853 : memref<1x50x64xf32, #tpu.memory_space<hbm>> -> memref<50x64xf32, #tpu.memory_space<hbm>>
      %dma_start3A_1855 = tpu.memref_slice %arg8[%dma_start3A_1843] : memref<8x!tpu.dma_semaphore, #tpu.memory_space<semaphore_mem>> -> memref<1x!tpu.dma_semaphore, #tpu.memory_space<semaphore_mem>>
      %dma_start3A_1856 = tpu.memref_squeeze %dma_start3A_1855 : memref<1x!tpu.dma_semaphore, #tpu.memory_space<semaphore_mem>> -> memref<!tpu.dma_semaphore, #tpu.memory_space<semaphore_mem>>
      %dma_start3A_1857 = arith.constant 0 : i32
      %dma_start3A_1858 = arith.constant 0 : i32
      %dma_start3A_1859 = tpu.memref_slice %arg4[%add3A_1841, %dma_start3A_1857, %dma_start3A_1858] : memref<16384x50x64xf32, #tpu.memory_space<hbm>> -> memref<1x50x64xf32, #tpu.memory_space<hbm>>
      %dma_start3A_1860 = tpu.memref_squeeze %dma_start3A_1859 : memref<1x50x64xf32, #tpu.memory_space<hbm>> -> memref<50x64xf32, #tpu.memory_space<hbm>>
      %dma_start3A_1861 = arith.constant 0 : i32
      %dma_start3A_1862 = arith.constant 0 : i32
      %dma_start3A_1863 = tpu.memref_slice %arg6[%dma_start3A_1842, %dma_start3A_1861, %dma_start3A_1862] : memref<8x200x64xf32, #tpu.memory_space<vmem>> -> memref<1x200x64xf32, #tpu.memory_space<vmem>>
      %dma_start3A_1864 = tpu.memref_squeeze %dma_start3A_1863 : memref<1x200x64xf32, #tpu.memory_space<vmem>> -> memref<200x64xf32, #tpu.memory_space<vmem>>
      %dma_start3A_1865 = arith.constant 50 : i32
      %dma_start3A_1866 = arith.constant 0 : i32
      %dma_start3A_1867 = tpu.memref_slice %dma_start3A_1864[%dma_start3A_1865, %dma_start3A_1866] : memref<200x64xf32, #tpu.memory_space<vmem>> -> memref<50x64xf32, #tpu.memory_space<vmem>>
      tpu.enqueue_dma source(%dma_start3A_1867 : memref<50x64xf32, #tpu.memory_space<vmem>>) target(%dma_start3A_1860 : memref<50x64xf32, #tpu.memory_space<hbm>>) target_semaphore(%dma_start3A_1856 : memref<!tpu.dma_semaphore, #tpu.memory_space<semaphore_mem>>)
      %mul3A_1868 = arith.constant 4 : i32
      %mul3A_1869 = arith.muli %add3A_1805, %mul3A_1868 : i32
      %add3A_1870 = arith.addi %mul3A_4, %mul3A_1869 : i32
      %add3A_1871 = arith.constant 2 : i32
      %add3A_1872 = arith.addi %add3A_1870, %add3A_1871 : i32
      %dma_start3A_1873 = arith.constant 5 : i32
      %dma_start3A_1874 = arith.constant 5 : i32
      %dma_start3A_1875 = arith.constant 0 : i32
      %dma_start3A_1876 = arith.constant 0 : i32
      %dma_start3A_1877 = tpu.memref_slice %arg6[%dma_start3A_1873, %dma_start3A_1875, %dma_start3A_1876] : memref<8x200x64xf32, #tpu.memory_space<vmem>> -> memref<1x200x64xf32, #tpu.memory_space<vmem>>
      %dma_start3A_1878 = tpu.memref_squeeze %dma_start3A_1877 : memref<1x200x64xf32, #tpu.memory_space<vmem>> -> memref<200x64xf32, #tpu.memory_space<vmem>>
      %dma_start3A_1879 = arith.constant 100 : i32
      %dma_start3A_1880 = arith.constant 0 : i32
      %dma_start3A_1881 = tpu.memref_slice %dma_start3A_1878[%dma_start3A_1879, %dma_start3A_1880] : memref<200x64xf32, #tpu.memory_space<vmem>> -> memref<50x64xf32, #tpu.memory_space<vmem>>
      %dma_start3A_1882 = arith.constant 0 : i32
      %dma_start3A_1883 = arith.constant 0 : i32
      %dma_start3A_1884 = tpu.memref_slice %arg4[%add3A_1872, %dma_start3A_1882, %dma_start3A_1883] : memref<16384x50x64xf32, #tpu.memory_space<hbm>> -> memref<1x50x64xf32, #tpu.memory_space<hbm>>
      %dma_start3A_1885 = tpu.memref_squeeze %dma_start3A_1884 : memref<1x50x64xf32, #tpu.memory_space<hbm>> -> memref<50x64xf32, #tpu.memory_space<hbm>>
      %dma_start3A_1886 = tpu.memref_slice %arg8[%dma_start3A_1874] : memref<8x!tpu.dma_semaphore, #tpu.memory_space<semaphore_mem>> -> memref<1x!tpu.dma_semaphore, #tpu.memory_space<semaphore_mem>>
      %dma_start3A_1887 = tpu.memref_squeeze %dma_start3A_1886 : memref<1x!tpu.dma_semaphore, #tpu.memory_space<semaphore_mem>> -> memref<!tpu.dma_semaphore, #tpu.memory_space<semaphore_mem>>
      %dma_start3A_1888 = arith.constant 0 : i32
      %dma_start3A_1889 = arith.constant 0 : i32
      %dma_start3A_1890 = tpu.memref_slice %arg4[%add3A_1872, %dma_start3A_1888, %dma_start3A_1889] : memref<16384x50x64xf32, #tpu.memory_space<hbm>> -> memref<1x50x64xf32, #tpu.memory_space<hbm>>
      %dma_start3A_1891 = tpu.memref_squeeze %dma_start3A_1890 : memref<1x50x64xf32, #tpu.memory_space<hbm>> -> memref<50x64xf32, #tpu.memory_space<hbm>>
      %dma_start3A_1892 = arith.constant 0 : i32
      %dma_start3A_1893 = arith.constant 0 : i32
      %dma_start3A_1894 = tpu.memref_slice %arg6[%dma_start3A_1873, %dma_start3A_1892, %dma_start3A_1893] : memref<8x200x64xf32, #tpu.memory_space<vmem>> -> memref<1x200x64xf32, #tpu.memory_space<vmem>>
      %dma_start3A_1895 = tpu.memref_squeeze %dma_start3A_1894 : memref<1x200x64xf32, #tpu.memory_space<vmem>> -> memref<200x64xf32, #tpu.memory_space<vmem>>
      %dma_start3A_1896 = arith.constant 100 : i32
      %dma_start3A_1897 = arith.constant 0 : i32
      %dma_start3A_1898 = tpu.memref_slice %dma_start3A_1895[%dma_start3A_1896, %dma_start3A_1897] : memref<200x64xf32, #tpu.memory_space<vmem>> -> memref<50x64xf32, #tpu.memory_space<vmem>>
      tpu.enqueue_dma source(%dma_start3A_1898 : memref<50x64xf32, #tpu.memory_space<vmem>>) target(%dma_start3A_1891 : memref<50x64xf32, #tpu.memory_space<hbm>>) target_semaphore(%dma_start3A_1887 : memref<!tpu.dma_semaphore, #tpu.memory_space<semaphore_mem>>)
      %mul3A_1899 = arith.constant 4 : i32
      %mul3A_1900 = arith.muli %add3A_1805, %mul3A_1899 : i32
      %add3A_1901 = arith.addi %mul3A_4, %mul3A_1900 : i32
      %add3A_1902 = arith.constant 3 : i32
      %add3A_1903 = arith.addi %add3A_1901, %add3A_1902 : i32
      %dma_start3A_1904 = arith.constant 5 : i32
      %dma_start3A_1905 = arith.constant 5 : i32
      %dma_start3A_1906 = arith.constant 0 : i32
      %dma_start3A_1907 = arith.constant 0 : i32
      %dma_start3A_1908 = tpu.memref_slice %arg6[%dma_start3A_1904, %dma_start3A_1906, %dma_start3A_1907] : memref<8x200x64xf32, #tpu.memory_space<vmem>> -> memref<1x200x64xf32, #tpu.memory_space<vmem>>
      %dma_start3A_1909 = tpu.memref_squeeze %dma_start3A_1908 : memref<1x200x64xf32, #tpu.memory_space<vmem>> -> memref<200x64xf32, #tpu.memory_space<vmem>>
      %dma_start3A_1910 = arith.constant 150 : i32
      %dma_start3A_1911 = arith.constant 0 : i32
      %dma_start3A_1912 = tpu.memref_slice %dma_start3A_1909[%dma_start3A_1910, %dma_start3A_1911] : memref<200x64xf32, #tpu.memory_space<vmem>> -> memref<50x64xf32, #tpu.memory_space<vmem>>
      %dma_start3A_1913 = arith.constant 0 : i32
      %dma_start3A_1914 = arith.constant 0 : i32
      %dma_start3A_1915 = tpu.memref_slice %arg4[%add3A_1903, %dma_start3A_1913, %dma_start3A_1914] : memref<16384x50x64xf32, #tpu.memory_space<hbm>> -> memref<1x50x64xf32, #tpu.memory_space<hbm>>
      %dma_start3A_1916 = tpu.memref_squeeze %dma_start3A_1915 : memref<1x50x64xf32, #tpu.memory_space<hbm>> -> memref<50x64xf32, #tpu.memory_space<hbm>>
      %dma_start3A_1917 = tpu.memref_slice %arg8[%dma_start3A_1905] : memref<8x!tpu.dma_semaphore, #tpu.memory_space<semaphore_mem>> -> memref<1x!tpu.dma_semaphore, #tpu.memory_space<semaphore_mem>>
      %dma_start3A_1918 = tpu.memref_squeeze %dma_start3A_1917 : memref<1x!tpu.dma_semaphore, #tpu.memory_space<semaphore_mem>> -> memref<!tpu.dma_semaphore, #tpu.memory_space<semaphore_mem>>
      %dma_start3A_1919 = arith.constant 0 : i32
      %dma_start3A_1920 = arith.constant 0 : i32
      %dma_start3A_1921 = tpu.memref_slice %arg4[%add3A_1903, %dma_start3A_1919, %dma_start3A_1920] : memref<16384x50x64xf32, #tpu.memory_space<hbm>> -> memref<1x50x64xf32, #tpu.memory_space<hbm>>
      %dma_start3A_1922 = tpu.memref_squeeze %dma_start3A_1921 : memref<1x50x64xf32, #tpu.memory_space<hbm>> -> memref<50x64xf32, #tpu.memory_space<hbm>>
      %dma_start3A_1923 = arith.constant 0 : i32
      %dma_start3A_1924 = arith.constant 0 : i32
      %dma_start3A_1925 = tpu.memref_slice %arg6[%dma_start3A_1904, %dma_start3A_1923, %dma_start3A_1924] : memref<8x200x64xf32, #tpu.memory_space<vmem>> -> memref<1x200x64xf32, #tpu.memory_space<vmem>>
      %dma_start3A_1926 = tpu.memref_squeeze %dma_start3A_1925 : memref<1x200x64xf32, #tpu.memory_space<vmem>> -> memref<200x64xf32, #tpu.memory_space<vmem>>
      %dma_start3A_1927 = arith.constant 150 : i32
      %dma_start3A_1928 = arith.constant 0 : i32
      %dma_start3A_1929 = tpu.memref_slice %dma_start3A_1926[%dma_start3A_1927, %dma_start3A_1928] : memref<200x64xf32, #tpu.memory_space<vmem>> -> memref<50x64xf32, #tpu.memory_space<vmem>>
      tpu.enqueue_dma source(%dma_start3A_1929 : memref<50x64xf32, #tpu.memory_space<vmem>>) target(%dma_start3A_1922 : memref<50x64xf32, #tpu.memory_space<hbm>>) target_semaphore(%dma_start3A_1918 : memref<!tpu.dma_semaphore, #tpu.memory_space<semaphore_mem>>)
      %add3A_1930 = arith.constant 6 : i32
      %add3A_1931 = arith.addi %mul3A_1077, %add3A_1930 : i32
      %mul3A_1932 = arith.constant 200 : i32
      %mul3A_1933 = arith.muli %add3A_1931, %mul3A_1932 : i32
      %dma_wait3A_1934 = arith.constant 6 : i32
      %dma_wait3A_1935 = arith.constant 6 : i32
      %dma_wait3A_1936 = arith.constant 0 : i32
      %dma_wait3A_1937 = arith.constant 0 : i32
      %dma_wait3A_1938 = tpu.memref_slice %arg6[%dma_wait3A_1934, %dma_wait3A_1936, %dma_wait3A_1937] : memref<8x200x64xf32, #tpu.memory_space<vmem>> -> memref<1x200x64xf32, #tpu.memory_space<vmem>>
      %dma_wait3A_1939 = tpu.memref_squeeze %dma_wait3A_1938 : memref<1x200x64xf32, #tpu.memory_space<vmem>> -> memref<200x64xf32, #tpu.memory_space<vmem>>
      %dma_wait3A_1940 = tpu.memref_slice %arg5[%mul3A_1933] : memref<25600xi32, #tpu.memory_space<vmem>> -> memref<200xi32, #tpu.memory_space<vmem>>
      %dma_wait3A_1941 = arith.constant 0 : i32
      %dma_wait3A_1942 = arith.constant 0 : i32
      %dma_wait3A_1943 = tpu.memref_slice %arg3[%dma_wait3A_1941, %dma_wait3A_1942] : memref<1000000x64xf32, #tpu.memory_space<hbm>> -> memref<1000000x64xf32, #tpu.memory_space<hbm>>
      %dma_wait3A_1944 = tpu.memref_slice %arg7[%dma_wait3A_1935] : memref<8x!tpu.dma_semaphore, #tpu.memory_space<semaphore_mem>> -> memref<1x!tpu.dma_semaphore, #tpu.memory_space<semaphore_mem>>
      %dma_wait3A_1945 = tpu.memref_squeeze %dma_wait3A_1944 : memref<1x!tpu.dma_semaphore, #tpu.memory_space<semaphore_mem>> -> memref<!tpu.dma_semaphore, #tpu.memory_space<semaphore_mem>>
      tpu.wait_indirect_dma semaphore(%dma_wait3A_1945 : memref<!tpu.dma_semaphore, #tpu.memory_space<semaphore_mem>>) src(%dma_wait3A_1943 : memref<1000000x64xf32, #tpu.memory_space<hbm>>) dst(%dma_wait3A_1939 : memref<200x64xf32, #tpu.memory_space<vmem>>)
      %add3A_1946 = arith.constant 6 : i32
      %add3A_1947 = arith.addi %mul3A_1077, %add3A_1946 : i32
      %mul3A_1948 = arith.constant 4 : i32
      %mul3A_1949 = arith.muli %add3A_1947, %mul3A_1948 : i32
      %add3A_1950 = arith.addi %mul3A_4, %mul3A_1949 : i32
      %add3A_1951 = arith.constant 0 : i32
      %add3A_1952 = arith.addi %add3A_1950, %add3A_1951 : i32
      %dma_start3A_1953 = arith.constant 6 : i32
      %dma_start3A_1954 = arith.constant 6 : i32
      %dma_start3A_1955 = arith.constant 0 : i32
      %dma_start3A_1956 = arith.constant 0 : i32
      %dma_start3A_1957 = tpu.memref_slice %arg6[%dma_start3A_1953, %dma_start3A_1955, %dma_start3A_1956] : memref<8x200x64xf32, #tpu.memory_space<vmem>> -> memref<1x200x64xf32, #tpu.memory_space<vmem>>
      %dma_start3A_1958 = tpu.memref_squeeze %dma_start3A_1957 : memref<1x200x64xf32, #tpu.memory_space<vmem>> -> memref<200x64xf32, #tpu.memory_space<vmem>>
      %dma_start3A_1959 = arith.constant 0 : i32
      %dma_start3A_1960 = arith.constant 0 : i32
      %dma_start3A_1961 = tpu.memref_slice %dma_start3A_1958[%dma_start3A_1959, %dma_start3A_1960] : memref<200x64xf32, #tpu.memory_space<vmem>> -> memref<50x64xf32, #tpu.memory_space<vmem>>
      %dma_start3A_1962 = arith.constant 0 : i32
      %dma_start3A_1963 = arith.constant 0 : i32
      %dma_start3A_1964 = tpu.memref_slice %arg4[%add3A_1952, %dma_start3A_1962, %dma_start3A_1963] : memref<16384x50x64xf32, #tpu.memory_space<hbm>> -> memref<1x50x64xf32, #tpu.memory_space<hbm>>
      %dma_start3A_1965 = tpu.memref_squeeze %dma_start3A_1964 : memref<1x50x64xf32, #tpu.memory_space<hbm>> -> memref<50x64xf32, #tpu.memory_space<hbm>>
      %dma_start3A_1966 = tpu.memref_slice %arg8[%dma_start3A_1954] : memref<8x!tpu.dma_semaphore, #tpu.memory_space<semaphore_mem>> -> memref<1x!tpu.dma_semaphore, #tpu.memory_space<semaphore_mem>>
      %dma_start3A_1967 = tpu.memref_squeeze %dma_start3A_1966 : memref<1x!tpu.dma_semaphore, #tpu.memory_space<semaphore_mem>> -> memref<!tpu.dma_semaphore, #tpu.memory_space<semaphore_mem>>
      %dma_start3A_1968 = arith.constant 0 : i32
      %dma_start3A_1969 = arith.constant 0 : i32
      %dma_start3A_1970 = tpu.memref_slice %arg4[%add3A_1952, %dma_start3A_1968, %dma_start3A_1969] : memref<16384x50x64xf32, #tpu.memory_space<hbm>> -> memref<1x50x64xf32, #tpu.memory_space<hbm>>
      %dma_start3A_1971 = tpu.memref_squeeze %dma_start3A_1970 : memref<1x50x64xf32, #tpu.memory_space<hbm>> -> memref<50x64xf32, #tpu.memory_space<hbm>>
      %dma_start3A_1972 = arith.constant 0 : i32
      %dma_start3A_1973 = arith.constant 0 : i32
      %dma_start3A_1974 = tpu.memref_slice %arg6[%dma_start3A_1953, %dma_start3A_1972, %dma_start3A_1973] : memref<8x200x64xf32, #tpu.memory_space<vmem>> -> memref<1x200x64xf32, #tpu.memory_space<vmem>>
      %dma_start3A_1975 = tpu.memref_squeeze %dma_start3A_1974 : memref<1x200x64xf32, #tpu.memory_space<vmem>> -> memref<200x64xf32, #tpu.memory_space<vmem>>
      %dma_start3A_1976 = arith.constant 0 : i32
      %dma_start3A_1977 = arith.constant 0 : i32
      %dma_start3A_1978 = tpu.memref_slice %dma_start3A_1975[%dma_start3A_1976, %dma_start3A_1977] : memref<200x64xf32, #tpu.memory_space<vmem>> -> memref<50x64xf32, #tpu.memory_space<vmem>>
      tpu.enqueue_dma source(%dma_start3A_1978 : memref<50x64xf32, #tpu.memory_space<vmem>>) target(%dma_start3A_1971 : memref<50x64xf32, #tpu.memory_space<hbm>>) target_semaphore(%dma_start3A_1967 : memref<!tpu.dma_semaphore, #tpu.memory_space<semaphore_mem>>)
      %mul3A_1979 = arith.constant 4 : i32
      %mul3A_1980 = arith.muli %add3A_1947, %mul3A_1979 : i32
      %add3A_1981 = arith.addi %mul3A_4, %mul3A_1980 : i32
      %add3A_1982 = arith.constant 1 : i32
      %add3A_1983 = arith.addi %add3A_1981, %add3A_1982 : i32
      %dma_start3A_1984 = arith.constant 6 : i32
      %dma_start3A_1985 = arith.constant 6 : i32
      %dma_start3A_1986 = arith.constant 0 : i32
      %dma_start3A_1987 = arith.constant 0 : i32
      %dma_start3A_1988 = tpu.memref_slice %arg6[%dma_start3A_1984, %dma_start3A_1986, %dma_start3A_1987] : memref<8x200x64xf32, #tpu.memory_space<vmem>> -> memref<1x200x64xf32, #tpu.memory_space<vmem>>
      %dma_start3A_1989 = tpu.memref_squeeze %dma_start3A_1988 : memref<1x200x64xf32, #tpu.memory_space<vmem>> -> memref<200x64xf32, #tpu.memory_space<vmem>>
      %dma_start3A_1990 = arith.constant 50 : i32
      %dma_start3A_1991 = arith.constant 0 : i32
      %dma_start3A_1992 = tpu.memref_slice %dma_start3A_1989[%dma_start3A_1990, %dma_start3A_1991] : memref<200x64xf32, #tpu.memory_space<vmem>> -> memref<50x64xf32, #tpu.memory_space<vmem>>
      %dma_start3A_1993 = arith.constant 0 : i32
      %dma_start3A_1994 = arith.constant 0 : i32
      %dma_start3A_1995 = tpu.memref_slice %arg4[%add3A_1983, %dma_start3A_1993, %dma_start3A_1994] : memref<16384x50x64xf32, #tpu.memory_space<hbm>> -> memref<1x50x64xf32, #tpu.memory_space<hbm>>
      %dma_start3A_1996 = tpu.memref_squeeze %dma_start3A_1995 : memref<1x50x64xf32, #tpu.memory_space<hbm>> -> memref<50x64xf32, #tpu.memory_space<hbm>>
      %dma_start3A_1997 = tpu.memref_slice %arg8[%dma_start3A_1985] : memref<8x!tpu.dma_semaphore, #tpu.memory_space<semaphore_mem>> -> memref<1x!tpu.dma_semaphore, #tpu.memory_space<semaphore_mem>>
      %dma_start3A_1998 = tpu.memref_squeeze %dma_start3A_1997 : memref<1x!tpu.dma_semaphore, #tpu.memory_space<semaphore_mem>> -> memref<!tpu.dma_semaphore, #tpu.memory_space<semaphore_mem>>
      %dma_start3A_1999 = arith.constant 0 : i32
      %dma_start3A_2000 = arith.constant 0 : i32
      %dma_start3A_2001 = tpu.memref_slice %arg4[%add3A_1983, %dma_start3A_1999, %dma_start3A_2000] : memref<16384x50x64xf32, #tpu.memory_space<hbm>> -> memref<1x50x64xf32, #tpu.memory_space<hbm>>
      %dma_start3A_2002 = tpu.memref_squeeze %dma_start3A_2001 : memref<1x50x64xf32, #tpu.memory_space<hbm>> -> memref<50x64xf32, #tpu.memory_space<hbm>>
      %dma_start3A_2003 = arith.constant 0 : i32
      %dma_start3A_2004 = arith.constant 0 : i32
      %dma_start3A_2005 = tpu.memref_slice %arg6[%dma_start3A_1984, %dma_start3A_2003, %dma_start3A_2004] : memref<8x200x64xf32, #tpu.memory_space<vmem>> -> memref<1x200x64xf32, #tpu.memory_space<vmem>>
      %dma_start3A_2006 = tpu.memref_squeeze %dma_start3A_2005 : memref<1x200x64xf32, #tpu.memory_space<vmem>> -> memref<200x64xf32, #tpu.memory_space<vmem>>
      %dma_start3A_2007 = arith.constant 50 : i32
      %dma_start3A_2008 = arith.constant 0 : i32
      %dma_start3A_2009 = tpu.memref_slice %dma_start3A_2006[%dma_start3A_2007, %dma_start3A_2008] : memref<200x64xf32, #tpu.memory_space<vmem>> -> memref<50x64xf32, #tpu.memory_space<vmem>>
      tpu.enqueue_dma source(%dma_start3A_2009 : memref<50x64xf32, #tpu.memory_space<vmem>>) target(%dma_start3A_2002 : memref<50x64xf32, #tpu.memory_space<hbm>>) target_semaphore(%dma_start3A_1998 : memref<!tpu.dma_semaphore, #tpu.memory_space<semaphore_mem>>)
      %mul3A_2010 = arith.constant 4 : i32
      %mul3A_2011 = arith.muli %add3A_1947, %mul3A_2010 : i32
      %add3A_2012 = arith.addi %mul3A_4, %mul3A_2011 : i32
      %add3A_2013 = arith.constant 2 : i32
      %add3A_2014 = arith.addi %add3A_2012, %add3A_2013 : i32
      %dma_start3A_2015 = arith.constant 6 : i32
      %dma_start3A_2016 = arith.constant 6 : i32
      %dma_start3A_2017 = arith.constant 0 : i32
      %dma_start3A_2018 = arith.constant 0 : i32
      %dma_start3A_2019 = tpu.memref_slice %arg6[%dma_start3A_2015, %dma_start3A_2017, %dma_start3A_2018] : memref<8x200x64xf32, #tpu.memory_space<vmem>> -> memref<1x200x64xf32, #tpu.memory_space<vmem>>
      %dma_start3A_2020 = tpu.memref_squeeze %dma_start3A_2019 : memref<1x200x64xf32, #tpu.memory_space<vmem>> -> memref<200x64xf32, #tpu.memory_space<vmem>>
      %dma_start3A_2021 = arith.constant 100 : i32
      %dma_start3A_2022 = arith.constant 0 : i32
      %dma_start3A_2023 = tpu.memref_slice %dma_start3A_2020[%dma_start3A_2021, %dma_start3A_2022] : memref<200x64xf32, #tpu.memory_space<vmem>> -> memref<50x64xf32, #tpu.memory_space<vmem>>
      %dma_start3A_2024 = arith.constant 0 : i32
      %dma_start3A_2025 = arith.constant 0 : i32
      %dma_start3A_2026 = tpu.memref_slice %arg4[%add3A_2014, %dma_start3A_2024, %dma_start3A_2025] : memref<16384x50x64xf32, #tpu.memory_space<hbm>> -> memref<1x50x64xf32, #tpu.memory_space<hbm>>
      %dma_start3A_2027 = tpu.memref_squeeze %dma_start3A_2026 : memref<1x50x64xf32, #tpu.memory_space<hbm>> -> memref<50x64xf32, #tpu.memory_space<hbm>>
      %dma_start3A_2028 = tpu.memref_slice %arg8[%dma_start3A_2016] : memref<8x!tpu.dma_semaphore, #tpu.memory_space<semaphore_mem>> -> memref<1x!tpu.dma_semaphore, #tpu.memory_space<semaphore_mem>>
      %dma_start3A_2029 = tpu.memref_squeeze %dma_start3A_2028 : memref<1x!tpu.dma_semaphore, #tpu.memory_space<semaphore_mem>> -> memref<!tpu.dma_semaphore, #tpu.memory_space<semaphore_mem>>
      %dma_start3A_2030 = arith.constant 0 : i32
      %dma_start3A_2031 = arith.constant 0 : i32
      %dma_start3A_2032 = tpu.memref_slice %arg4[%add3A_2014, %dma_start3A_2030, %dma_start3A_2031] : memref<16384x50x64xf32, #tpu.memory_space<hbm>> -> memref<1x50x64xf32, #tpu.memory_space<hbm>>
      %dma_start3A_2033 = tpu.memref_squeeze %dma_start3A_2032 : memref<1x50x64xf32, #tpu.memory_space<hbm>> -> memref<50x64xf32, #tpu.memory_space<hbm>>
      %dma_start3A_2034 = arith.constant 0 : i32
      %dma_start3A_2035 = arith.constant 0 : i32
      %dma_start3A_2036 = tpu.memref_slice %arg6[%dma_start3A_2015, %dma_start3A_2034, %dma_start3A_2035] : memref<8x200x64xf32, #tpu.memory_space<vmem>> -> memref<1x200x64xf32, #tpu.memory_space<vmem>>
      %dma_start3A_2037 = tpu.memref_squeeze %dma_start3A_2036 : memref<1x200x64xf32, #tpu.memory_space<vmem>> -> memref<200x64xf32, #tpu.memory_space<vmem>>
      %dma_start3A_2038 = arith.constant 100 : i32
      %dma_start3A_2039 = arith.constant 0 : i32
      %dma_start3A_2040 = tpu.memref_slice %dma_start3A_2037[%dma_start3A_2038, %dma_start3A_2039] : memref<200x64xf32, #tpu.memory_space<vmem>> -> memref<50x64xf32, #tpu.memory_space<vmem>>
      tpu.enqueue_dma source(%dma_start3A_2040 : memref<50x64xf32, #tpu.memory_space<vmem>>) target(%dma_start3A_2033 : memref<50x64xf32, #tpu.memory_space<hbm>>) target_semaphore(%dma_start3A_2029 : memref<!tpu.dma_semaphore, #tpu.memory_space<semaphore_mem>>)
      %mul3A_2041 = arith.constant 4 : i32
      %mul3A_2042 = arith.muli %add3A_1947, %mul3A_2041 : i32
      %add3A_2043 = arith.addi %mul3A_4, %mul3A_2042 : i32
      %add3A_2044 = arith.constant 3 : i32
      %add3A_2045 = arith.addi %add3A_2043, %add3A_2044 : i32
      %dma_start3A_2046 = arith.constant 6 : i32
      %dma_start3A_2047 = arith.constant 6 : i32
      %dma_start3A_2048 = arith.constant 0 : i32
      %dma_start3A_2049 = arith.constant 0 : i32
      %dma_start3A_2050 = tpu.memref_slice %arg6[%dma_start3A_2046, %dma_start3A_2048, %dma_start3A_2049] : memref<8x200x64xf32, #tpu.memory_space<vmem>> -> memref<1x200x64xf32, #tpu.memory_space<vmem>>
      %dma_start3A_2051 = tpu.memref_squeeze %dma_start3A_2050 : memref<1x200x64xf32, #tpu.memory_space<vmem>> -> memref<200x64xf32, #tpu.memory_space<vmem>>
      %dma_start3A_2052 = arith.constant 150 : i32
      %dma_start3A_2053 = arith.constant 0 : i32
      %dma_start3A_2054 = tpu.memref_slice %dma_start3A_2051[%dma_start3A_2052, %dma_start3A_2053] : memref<200x64xf32, #tpu.memory_space<vmem>> -> memref<50x64xf32, #tpu.memory_space<vmem>>
      %dma_start3A_2055 = arith.constant 0 : i32
      %dma_start3A_2056 = arith.constant 0 : i32
      %dma_start3A_2057 = tpu.memref_slice %arg4[%add3A_2045, %dma_start3A_2055, %dma_start3A_2056] : memref<16384x50x64xf32, #tpu.memory_space<hbm>> -> memref<1x50x64xf32, #tpu.memory_space<hbm>>
      %dma_start3A_2058 = tpu.memref_squeeze %dma_start3A_2057 : memref<1x50x64xf32, #tpu.memory_space<hbm>> -> memref<50x64xf32, #tpu.memory_space<hbm>>
      %dma_start3A_2059 = tpu.memref_slice %arg8[%dma_start3A_2047] : memref<8x!tpu.dma_semaphore, #tpu.memory_space<semaphore_mem>> -> memref<1x!tpu.dma_semaphore, #tpu.memory_space<semaphore_mem>>
      %dma_start3A_2060 = tpu.memref_squeeze %dma_start3A_2059 : memref<1x!tpu.dma_semaphore, #tpu.memory_space<semaphore_mem>> -> memref<!tpu.dma_semaphore, #tpu.memory_space<semaphore_mem>>
      %dma_start3A_2061 = arith.constant 0 : i32
      %dma_start3A_2062 = arith.constant 0 : i32
      %dma_start3A_2063 = tpu.memref_slice %arg4[%add3A_2045, %dma_start3A_2061, %dma_start3A_2062] : memref<16384x50x64xf32, #tpu.memory_space<hbm>> -> memref<1x50x64xf32, #tpu.memory_space<hbm>>
      %dma_start3A_2064 = tpu.memref_squeeze %dma_start3A_2063 : memref<1x50x64xf32, #tpu.memory_space<hbm>> -> memref<50x64xf32, #tpu.memory_space<hbm>>
      %dma_start3A_2065 = arith.constant 0 : i32
      %dma_start3A_2066 = arith.constant 0 : i32
      %dma_start3A_2067 = tpu.memref_slice %arg6[%dma_start3A_2046, %dma_start3A_2065, %dma_start3A_2066] : memref<8x200x64xf32, #tpu.memory_space<vmem>> -> memref<1x200x64xf32, #tpu.memory_space<vmem>>
      %dma_start3A_2068 = tpu.memref_squeeze %dma_start3A_2067 : memref<1x200x64xf32, #tpu.memory_space<vmem>> -> memref<200x64xf32, #tpu.memory_space<vmem>>
      %dma_start3A_2069 = arith.constant 150 : i32
      %dma_start3A_2070 = arith.constant 0 : i32
      %dma_start3A_2071 = tpu.memref_slice %dma_start3A_2068[%dma_start3A_2069, %dma_start3A_2070] : memref<200x64xf32, #tpu.memory_space<vmem>> -> memref<50x64xf32, #tpu.memory_space<vmem>>
      tpu.enqueue_dma source(%dma_start3A_2071 : memref<50x64xf32, #tpu.memory_space<vmem>>) target(%dma_start3A_2064 : memref<50x64xf32, #tpu.memory_space<hbm>>) target_semaphore(%dma_start3A_2060 : memref<!tpu.dma_semaphore, #tpu.memory_space<semaphore_mem>>)
      %add3A_2072 = arith.constant 7 : i32
      %add3A_2073 = arith.addi %mul3A_1077, %add3A_2072 : i32
      %mul3A_2074 = arith.constant 200 : i32
      %mul3A_2075 = arith.muli %add3A_2073, %mul3A_2074 : i32
      %dma_wait3A_2076 = arith.constant 7 : i32
      %dma_wait3A_2077 = arith.constant 7 : i32
      %dma_wait3A_2078 = arith.constant 0 : i32
      %dma_wait3A_2079 = arith.constant 0 : i32
      %dma_wait3A_2080 = tpu.memref_slice %arg6[%dma_wait3A_2076, %dma_wait3A_2078, %dma_wait3A_2079] : memref<8x200x64xf32, #tpu.memory_space<vmem>> -> memref<1x200x64xf32, #tpu.memory_space<vmem>>
      %dma_wait3A_2081 = tpu.memref_squeeze %dma_wait3A_2080 : memref<1x200x64xf32, #tpu.memory_space<vmem>> -> memref<200x64xf32, #tpu.memory_space<vmem>>
      %dma_wait3A_2082 = tpu.memref_slice %arg5[%mul3A_2075] : memref<25600xi32, #tpu.memory_space<vmem>> -> memref<200xi32, #tpu.memory_space<vmem>>
      %dma_wait3A_2083 = arith.constant 0 : i32
      %dma_wait3A_2084 = arith.constant 0 : i32
      %dma_wait3A_2085 = tpu.memref_slice %arg3[%dma_wait3A_2083, %dma_wait3A_2084] : memref<1000000x64xf32, #tpu.memory_space<hbm>> -> memref<1000000x64xf32, #tpu.memory_space<hbm>>
      %dma_wait3A_2086 = tpu.memref_slice %arg7[%dma_wait3A_2077] : memref<8x!tpu.dma_semaphore, #tpu.memory_space<semaphore_mem>> -> memref<1x!tpu.dma_semaphore, #tpu.memory_space<semaphore_mem>>
      %dma_wait3A_2087 = tpu.memref_squeeze %dma_wait3A_2086 : memref<1x!tpu.dma_semaphore, #tpu.memory_space<semaphore_mem>> -> memref<!tpu.dma_semaphore, #tpu.memory_space<semaphore_mem>>
      tpu.wait_indirect_dma semaphore(%dma_wait3A_2087 : memref<!tpu.dma_semaphore, #tpu.memory_space<semaphore_mem>>) src(%dma_wait3A_2085 : memref<1000000x64xf32, #tpu.memory_space<hbm>>) dst(%dma_wait3A_2081 : memref<200x64xf32, #tpu.memory_space<vmem>>)
      %add3A_2088 = arith.constant 7 : i32
      %add3A_2089 = arith.addi %mul3A_1077, %add3A_2088 : i32
      %mul3A_2090 = arith.constant 4 : i32
      %mul3A_2091 = arith.muli %add3A_2089, %mul3A_2090 : i32
      %add3A_2092 = arith.addi %mul3A_4, %mul3A_2091 : i32
      %add3A_2093 = arith.constant 0 : i32
      %add3A_2094 = arith.addi %add3A_2092, %add3A_2093 : i32
      %dma_start3A_2095 = arith.constant 7 : i32
      %dma_start3A_2096 = arith.constant 7 : i32
      %dma_start3A_2097 = arith.constant 0 : i32
      %dma_start3A_2098 = arith.constant 0 : i32
      %dma_start3A_2099 = tpu.memref_slice %arg6[%dma_start3A_2095, %dma_start3A_2097, %dma_start3A_2098] : memref<8x200x64xf32, #tpu.memory_space<vmem>> -> memref<1x200x64xf32, #tpu.memory_space<vmem>>
      %dma_start3A_2100 = tpu.memref_squeeze %dma_start3A_2099 : memref<1x200x64xf32, #tpu.memory_space<vmem>> -> memref<200x64xf32, #tpu.memory_space<vmem>>
      %dma_start3A_2101 = arith.constant 0 : i32
      %dma_start3A_2102 = arith.constant 0 : i32
      %dma_start3A_2103 = tpu.memref_slice %dma_start3A_2100[%dma_start3A_2101, %dma_start3A_2102] : memref<200x64xf32, #tpu.memory_space<vmem>> -> memref<50x64xf32, #tpu.memory_space<vmem>>
      %dma_start3A_2104 = arith.constant 0 : i32
      %dma_start3A_2105 = arith.constant 0 : i32
      %dma_start3A_2106 = tpu.memref_slice %arg4[%add3A_2094, %dma_start3A_2104, %dma_start3A_2105] : memref<16384x50x64xf32, #tpu.memory_space<hbm>> -> memref<1x50x64xf32, #tpu.memory_space<hbm>>
      %dma_start3A_2107 = tpu.memref_squeeze %dma_start3A_2106 : memref<1x50x64xf32, #tpu.memory_space<hbm>> -> memref<50x64xf32, #tpu.memory_space<hbm>>
      %dma_start3A_2108 = tpu.memref_slice %arg8[%dma_start3A_2096] : memref<8x!tpu.dma_semaphore, #tpu.memory_space<semaphore_mem>> -> memref<1x!tpu.dma_semaphore, #tpu.memory_space<semaphore_mem>>
      %dma_start3A_2109 = tpu.memref_squeeze %dma_start3A_2108 : memref<1x!tpu.dma_semaphore, #tpu.memory_space<semaphore_mem>> -> memref<!tpu.dma_semaphore, #tpu.memory_space<semaphore_mem>>
      %dma_start3A_2110 = arith.constant 0 : i32
      %dma_start3A_2111 = arith.constant 0 : i32
      %dma_start3A_2112 = tpu.memref_slice %arg4[%add3A_2094, %dma_start3A_2110, %dma_start3A_2111] : memref<16384x50x64xf32, #tpu.memory_space<hbm>> -> memref<1x50x64xf32, #tpu.memory_space<hbm>>
      %dma_start3A_2113 = tpu.memref_squeeze %dma_start3A_2112 : memref<1x50x64xf32, #tpu.memory_space<hbm>> -> memref<50x64xf32, #tpu.memory_space<hbm>>
      %dma_start3A_2114 = arith.constant 0 : i32
      %dma_start3A_2115 = arith.constant 0 : i32
      %dma_start3A_2116 = tpu.memref_slice %arg6[%dma_start3A_2095, %dma_start3A_2114, %dma_start3A_2115] : memref<8x200x64xf32, #tpu.memory_space<vmem>> -> memref<1x200x64xf32, #tpu.memory_space<vmem>>
      %dma_start3A_2117 = tpu.memref_squeeze %dma_start3A_2116 : memref<1x200x64xf32, #tpu.memory_space<vmem>> -> memref<200x64xf32, #tpu.memory_space<vmem>>
      %dma_start3A_2118 = arith.constant 0 : i32
      %dma_start3A_2119 = arith.constant 0 : i32
      %dma_start3A_2120 = tpu.memref_slice %dma_start3A_2117[%dma_start3A_2118, %dma_start3A_2119] : memref<200x64xf32, #tpu.memory_space<vmem>> -> memref<50x64xf32, #tpu.memory_space<vmem>>
      tpu.enqueue_dma source(%dma_start3A_2120 : memref<50x64xf32, #tpu.memory_space<vmem>>) target(%dma_start3A_2113 : memref<50x64xf32, #tpu.memory_space<hbm>>) target_semaphore(%dma_start3A_2109 : memref<!tpu.dma_semaphore, #tpu.memory_space<semaphore_mem>>)
      %mul3A_2121 = arith.constant 4 : i32
      %mul3A_2122 = arith.muli %add3A_2089, %mul3A_2121 : i32
      %add3A_2123 = arith.addi %mul3A_4, %mul3A_2122 : i32
      %add3A_2124 = arith.constant 1 : i32
      %add3A_2125 = arith.addi %add3A_2123, %add3A_2124 : i32
      %dma_start3A_2126 = arith.constant 7 : i32
      %dma_start3A_2127 = arith.constant 7 : i32
      %dma_start3A_2128 = arith.constant 0 : i32
      %dma_start3A_2129 = arith.constant 0 : i32
      %dma_start3A_2130 = tpu.memref_slice %arg6[%dma_start3A_2126, %dma_start3A_2128, %dma_start3A_2129] : memref<8x200x64xf32, #tpu.memory_space<vmem>> -> memref<1x200x64xf32, #tpu.memory_space<vmem>>
      %dma_start3A_2131 = tpu.memref_squeeze %dma_start3A_2130 : memref<1x200x64xf32, #tpu.memory_space<vmem>> -> memref<200x64xf32, #tpu.memory_space<vmem>>
      %dma_start3A_2132 = arith.constant 50 : i32
      %dma_start3A_2133 = arith.constant 0 : i32
      %dma_start3A_2134 = tpu.memref_slice %dma_start3A_2131[%dma_start3A_2132, %dma_start3A_2133] : memref<200x64xf32, #tpu.memory_space<vmem>> -> memref<50x64xf32, #tpu.memory_space<vmem>>
      %dma_start3A_2135 = arith.constant 0 : i32
      %dma_start3A_2136 = arith.constant 0 : i32
      %dma_start3A_2137 = tpu.memref_slice %arg4[%add3A_2125, %dma_start3A_2135, %dma_start3A_2136] : memref<16384x50x64xf32, #tpu.memory_space<hbm>> -> memref<1x50x64xf32, #tpu.memory_space<hbm>>
      %dma_start3A_2138 = tpu.memref_squeeze %dma_start3A_2137 : memref<1x50x64xf32, #tpu.memory_space<hbm>> -> memref<50x64xf32, #tpu.memory_space<hbm>>
      %dma_start3A_2139 = tpu.memref_slice %arg8[%dma_start3A_2127] : memref<8x!tpu.dma_semaphore, #tpu.memory_space<semaphore_mem>> -> memref<1x!tpu.dma_semaphore, #tpu.memory_space<semaphore_mem>>
      %dma_start3A_2140 = tpu.memref_squeeze %dma_start3A_2139 : memref<1x!tpu.dma_semaphore, #tpu.memory_space<semaphore_mem>> -> memref<!tpu.dma_semaphore, #tpu.memory_space<semaphore_mem>>
      %dma_start3A_2141 = arith.constant 0 : i32
      %dma_start3A_2142 = arith.constant 0 : i32
      %dma_start3A_2143 = tpu.memref_slice %arg4[%add3A_2125, %dma_start3A_2141, %dma_start3A_2142] : memref<16384x50x64xf32, #tpu.memory_space<hbm>> -> memref<1x50x64xf32, #tpu.memory_space<hbm>>
      %dma_start3A_2144 = tpu.memref_squeeze %dma_start3A_2143 : memref<1x50x64xf32, #tpu.memory_space<hbm>> -> memref<50x64xf32, #tpu.memory_space<hbm>>
      %dma_start3A_2145 = arith.constant 0 : i32
      %dma_start3A_2146 = arith.constant 0 : i32
      %dma_start3A_2147 = tpu.memref_slice %arg6[%dma_start3A_2126, %dma_start3A_2145, %dma_start3A_2146] : memref<8x200x64xf32, #tpu.memory_space<vmem>> -> memref<1x200x64xf32, #tpu.memory_space<vmem>>
      %dma_start3A_2148 = tpu.memref_squeeze %dma_start3A_2147 : memref<1x200x64xf32, #tpu.memory_space<vmem>> -> memref<200x64xf32, #tpu.memory_space<vmem>>
      %dma_start3A_2149 = arith.constant 50 : i32
      %dma_start3A_2150 = arith.constant 0 : i32
      %dma_start3A_2151 = tpu.memref_slice %dma_start3A_2148[%dma_start3A_2149, %dma_start3A_2150] : memref<200x64xf32, #tpu.memory_space<vmem>> -> memref<50x64xf32, #tpu.memory_space<vmem>>
      tpu.enqueue_dma source(%dma_start3A_2151 : memref<50x64xf32, #tpu.memory_space<vmem>>) target(%dma_start3A_2144 : memref<50x64xf32, #tpu.memory_space<hbm>>) target_semaphore(%dma_start3A_2140 : memref<!tpu.dma_semaphore, #tpu.memory_space<semaphore_mem>>)
      %mul3A_2152 = arith.constant 4 : i32
      %mul3A_2153 = arith.muli %add3A_2089, %mul3A_2152 : i32
      %add3A_2154 = arith.addi %mul3A_4, %mul3A_2153 : i32
      %add3A_2155 = arith.constant 2 : i32
      %add3A_2156 = arith.addi %add3A_2154, %add3A_2155 : i32
      %dma_start3A_2157 = arith.constant 7 : i32
      %dma_start3A_2158 = arith.constant 7 : i32
      %dma_start3A_2159 = arith.constant 0 : i32
      %dma_start3A_2160 = arith.constant 0 : i32
      %dma_start3A_2161 = tpu.memref_slice %arg6[%dma_start3A_2157, %dma_start3A_2159, %dma_start3A_2160] : memref<8x200x64xf32, #tpu.memory_space<vmem>> -> memref<1x200x64xf32, #tpu.memory_space<vmem>>
      %dma_start3A_2162 = tpu.memref_squeeze %dma_start3A_2161 : memref<1x200x64xf32, #tpu.memory_space<vmem>> -> memref<200x64xf32, #tpu.memory_space<vmem>>
      %dma_start3A_2163 = arith.constant 100 : i32
      %dma_start3A_2164 = arith.constant 0 : i32
      %dma_start3A_2165 = tpu.memref_slice %dma_start3A_2162[%dma_start3A_2163, %dma_start3A_2164] : memref<200x64xf32, #tpu.memory_space<vmem>> -> memref<50x64xf32, #tpu.memory_space<vmem>>
      %dma_start3A_2166 = arith.constant 0 : i32
      %dma_start3A_2167 = arith.constant 0 : i32
      %dma_start3A_2168 = tpu.memref_slice %arg4[%add3A_2156, %dma_start3A_2166, %dma_start3A_2167] : memref<16384x50x64xf32, #tpu.memory_space<hbm>> -> memref<1x50x64xf32, #tpu.memory_space<hbm>>
      %dma_start3A_2169 = tpu.memref_squeeze %dma_start3A_2168 : memref<1x50x64xf32, #tpu.memory_space<hbm>> -> memref<50x64xf32, #tpu.memory_space<hbm>>
      %dma_start3A_2170 = tpu.memref_slice %arg8[%dma_start3A_2158] : memref<8x!tpu.dma_semaphore, #tpu.memory_space<semaphore_mem>> -> memref<1x!tpu.dma_semaphore, #tpu.memory_space<semaphore_mem>>
      %dma_start3A_2171 = tpu.memref_squeeze %dma_start3A_2170 : memref<1x!tpu.dma_semaphore, #tpu.memory_space<semaphore_mem>> -> memref<!tpu.dma_semaphore, #tpu.memory_space<semaphore_mem>>
      %dma_start3A_2172 = arith.constant 0 : i32
      %dma_start3A_2173 = arith.constant 0 : i32
      %dma_start3A_2174 = tpu.memref_slice %arg4[%add3A_2156, %dma_start3A_2172, %dma_start3A_2173] : memref<16384x50x64xf32, #tpu.memory_space<hbm>> -> memref<1x50x64xf32, #tpu.memory_space<hbm>>
      %dma_start3A_2175 = tpu.memref_squeeze %dma_start3A_2174 : memref<1x50x64xf32, #tpu.memory_space<hbm>> -> memref<50x64xf32, #tpu.memory_space<hbm>>
      %dma_start3A_2176 = arith.constant 0 : i32
      %dma_start3A_2177 = arith.constant 0 : i32
      %dma_start3A_2178 = tpu.memref_slice %arg6[%dma_start3A_2157, %dma_start3A_2176, %dma_start3A_2177] : memref<8x200x64xf32, #tpu.memory_space<vmem>> -> memref<1x200x64xf32, #tpu.memory_space<vmem>>
      %dma_start3A_2179 = tpu.memref_squeeze %dma_start3A_2178 : memref<1x200x64xf32, #tpu.memory_space<vmem>> -> memref<200x64xf32, #tpu.memory_space<vmem>>
      %dma_start3A_2180 = arith.constant 100 : i32
      %dma_start3A_2181 = arith.constant 0 : i32
      %dma_start3A_2182 = tpu.memref_slice %dma_start3A_2179[%dma_start3A_2180, %dma_start3A_2181] : memref<200x64xf32, #tpu.memory_space<vmem>> -> memref<50x64xf32, #tpu.memory_space<vmem>>
      tpu.enqueue_dma source(%dma_start3A_2182 : memref<50x64xf32, #tpu.memory_space<vmem>>) target(%dma_start3A_2175 : memref<50x64xf32, #tpu.memory_space<hbm>>) target_semaphore(%dma_start3A_2171 : memref<!tpu.dma_semaphore, #tpu.memory_space<semaphore_mem>>)
      %mul3A_2183 = arith.constant 4 : i32
      %mul3A_2184 = arith.muli %add3A_2089, %mul3A_2183 : i32
      %add3A_2185 = arith.addi %mul3A_4, %mul3A_2184 : i32
      %add3A_2186 = arith.constant 3 : i32
      %add3A_2187 = arith.addi %add3A_2185, %add3A_2186 : i32
      %dma_start3A_2188 = arith.constant 7 : i32
      %dma_start3A_2189 = arith.constant 7 : i32
      %dma_start3A_2190 = arith.constant 0 : i32
      %dma_start3A_2191 = arith.constant 0 : i32
      %dma_start3A_2192 = tpu.memref_slice %arg6[%dma_start3A_2188, %dma_start3A_2190, %dma_start3A_2191] : memref<8x200x64xf32, #tpu.memory_space<vmem>> -> memref<1x200x64xf32, #tpu.memory_space<vmem>>
      %dma_start3A_2193 = tpu.memref_squeeze %dma_start3A_2192 : memref<1x200x64xf32, #tpu.memory_space<vmem>> -> memref<200x64xf32, #tpu.memory_space<vmem>>
      %dma_start3A_2194 = arith.constant 150 : i32
      %dma_start3A_2195 = arith.constant 0 : i32
      %dma_start3A_2196 = tpu.memref_slice %dma_start3A_2193[%dma_start3A_2194, %dma_start3A_2195] : memref<200x64xf32, #tpu.memory_space<vmem>> -> memref<50x64xf32, #tpu.memory_space<vmem>>
      %dma_start3A_2197 = arith.constant 0 : i32
      %dma_start3A_2198 = arith.constant 0 : i32
      %dma_start3A_2199 = tpu.memref_slice %arg4[%add3A_2187, %dma_start3A_2197, %dma_start3A_2198] : memref<16384x50x64xf32, #tpu.memory_space<hbm>> -> memref<1x50x64xf32, #tpu.memory_space<hbm>>
      %dma_start3A_2200 = tpu.memref_squeeze %dma_start3A_2199 : memref<1x50x64xf32, #tpu.memory_space<hbm>> -> memref<50x64xf32, #tpu.memory_space<hbm>>
      %dma_start3A_2201 = tpu.memref_slice %arg8[%dma_start3A_2189] : memref<8x!tpu.dma_semaphore, #tpu.memory_space<semaphore_mem>> -> memref<1x!tpu.dma_semaphore, #tpu.memory_space<semaphore_mem>>
      %dma_start3A_2202 = tpu.memref_squeeze %dma_start3A_2201 : memref<1x!tpu.dma_semaphore, #tpu.memory_space<semaphore_mem>> -> memref<!tpu.dma_semaphore, #tpu.memory_space<semaphore_mem>>
      %dma_start3A_2203 = arith.constant 0 : i32
      %dma_start3A_2204 = arith.constant 0 : i32
      %dma_start3A_2205 = tpu.memref_slice %arg4[%add3A_2187, %dma_start3A_2203, %dma_start3A_2204] : memref<16384x50x64xf32, #tpu.memory_space<hbm>> -> memref<1x50x64xf32, #tpu.memory_space<hbm>>
      %dma_start3A_2206 = tpu.memref_squeeze %dma_start3A_2205 : memref<1x50x64xf32, #tpu.memory_space<hbm>> -> memref<50x64xf32, #tpu.memory_space<hbm>>
      %dma_start3A_2207 = arith.constant 0 : i32
      %dma_start3A_2208 = arith.constant 0 : i32
      %dma_start3A_2209 = tpu.memref_slice %arg6[%dma_start3A_2188, %dma_start3A_2207, %dma_start3A_2208] : memref<8x200x64xf32, #tpu.memory_space<vmem>> -> memref<1x200x64xf32, #tpu.memory_space<vmem>>
      %dma_start3A_2210 = tpu.memref_squeeze %dma_start3A_2209 : memref<1x200x64xf32, #tpu.memory_space<vmem>> -> memref<200x64xf32, #tpu.memory_space<vmem>>
      %dma_start3A_2211 = arith.constant 150 : i32
      %dma_start3A_2212 = arith.constant 0 : i32
      %dma_start3A_2213 = tpu.memref_slice %dma_start3A_2210[%dma_start3A_2211, %dma_start3A_2212] : memref<200x64xf32, #tpu.memory_space<vmem>> -> memref<50x64xf32, #tpu.memory_space<vmem>>
      tpu.enqueue_dma source(%dma_start3A_2213 : memref<50x64xf32, #tpu.memory_space<vmem>>) target(%dma_start3A_2206 : memref<50x64xf32, #tpu.memory_space<hbm>>) target_semaphore(%dma_start3A_2202 : memref<!tpu.dma_semaphore, #tpu.memory_space<semaphore_mem>>)
      %lt3A = arith.constant 15 : i32
      %lt3A_2214 = arith.cmpi slt, %add3A_1075, %lt3A : i32
      %convert_element_type3A = arith.extui %lt3A_2214 : i1 to i32
      %cond3A = arith.constant 0 : i32
      %cond3A_2215 = arith.cmpi ne, %convert_element_type3A, %cond3A : i32
      scf.if %cond3A_2215 {
        %add3A_2216 = arith.constant 0 : i32
        %add3A_2217 = arith.addi %mul3A_1077, %add3A_2216 : i32
        %mul3A_2218 = arith.constant 4 : i32
        %mul3A_2219 = arith.muli %add3A_2217, %mul3A_2218 : i32
        %add3A_2220 = arith.addi %mul3A_4, %mul3A_2219 : i32
        %add3A_2221 = arith.constant 0 : i32
        %add3A_2222 = arith.addi %add3A_2220, %add3A_2221 : i32
        %dma_wait3A_2223 = arith.constant 0 : i32
        %dma_wait3A_2224 = arith.constant 0 : i32
        %dma_wait3A_2225 = arith.constant 0 : i32
        %dma_wait3A_2226 = arith.constant 0 : i32
        %dma_wait3A_2227 = tpu.memref_slice %arg6[%dma_wait3A_2223, %dma_wait3A_2225, %dma_wait3A_2226] : memref<8x200x64xf32, #tpu.memory_space<vmem>> -> memref<1x200x64xf32, #tpu.memory_space<vmem>>
        %dma_wait3A_2228 = tpu.memref_squeeze %dma_wait3A_2227 : memref<1x200x64xf32, #tpu.memory_space<vmem>> -> memref<200x64xf32, #tpu.memory_space<vmem>>
        %dma_wait3A_2229 = arith.constant 0 : i32
        %dma_wait3A_2230 = arith.constant 0 : i32
        %dma_wait3A_2231 = tpu.memref_slice %dma_wait3A_2228[%dma_wait3A_2229, %dma_wait3A_2230] : memref<200x64xf32, #tpu.memory_space<vmem>> -> memref<50x64xf32, #tpu.memory_space<vmem>>
        %dma_wait3A_2232 = arith.constant 0 : i32
        %dma_wait3A_2233 = arith.constant 0 : i32
        %dma_wait3A_2234 = tpu.memref_slice %arg4[%add3A_2222, %dma_wait3A_2232, %dma_wait3A_2233] : memref<16384x50x64xf32, #tpu.memory_space<hbm>> -> memref<1x50x64xf32, #tpu.memory_space<hbm>>
        %dma_wait3A_2235 = tpu.memref_squeeze %dma_wait3A_2234 : memref<1x50x64xf32, #tpu.memory_space<hbm>> -> memref<50x64xf32, #tpu.memory_space<hbm>>
        %dma_wait3A_2236 = tpu.memref_slice %arg8[%dma_wait3A_2224] : memref<8x!tpu.dma_semaphore, #tpu.memory_space<semaphore_mem>> -> memref<1x!tpu.dma_semaphore, #tpu.memory_space<semaphore_mem>>
        %dma_wait3A_2237 = tpu.memref_squeeze %dma_wait3A_2236 : memref<1x!tpu.dma_semaphore, #tpu.memory_space<semaphore_mem>> -> memref<!tpu.dma_semaphore, #tpu.memory_space<semaphore_mem>>
        %dma_wait3A_2238 = arith.constant 0 : i32
        %dma_wait3A_2239 = arith.constant 0 : i32
        %dma_wait3A_2240 = tpu.memref_slice %arg4[%add3A_2222, %dma_wait3A_2238, %dma_wait3A_2239] : memref<16384x50x64xf32, #tpu.memory_space<hbm>> -> memref<1x50x64xf32, #tpu.memory_space<hbm>>
        %dma_wait3A_2241 = tpu.memref_squeeze %dma_wait3A_2240 : memref<1x50x64xf32, #tpu.memory_space<hbm>> -> memref<50x64xf32, #tpu.memory_space<hbm>>
        %dma_wait3A_2242 = arith.constant 0 : i32
        %dma_wait3A_2243 = arith.constant 0 : i32
        %dma_wait3A_2244 = tpu.memref_slice %arg6[%dma_wait3A_2223, %dma_wait3A_2242, %dma_wait3A_2243] : memref<8x200x64xf32, #tpu.memory_space<vmem>> -> memref<1x200x64xf32, #tpu.memory_space<vmem>>
        %dma_wait3A_2245 = tpu.memref_squeeze %dma_wait3A_2244 : memref<1x200x64xf32, #tpu.memory_space<vmem>> -> memref<200x64xf32, #tpu.memory_space<vmem>>
        %dma_wait3A_2246 = arith.constant 0 : i32
        %dma_wait3A_2247 = arith.constant 0 : i32
        %dma_wait3A_2248 = tpu.memref_slice %dma_wait3A_2245[%dma_wait3A_2246, %dma_wait3A_2247] : memref<200x64xf32, #tpu.memory_space<vmem>> -> memref<50x64xf32, #tpu.memory_space<vmem>>
        tpu.wait_dma2 semaphore(%dma_wait3A_2237 : memref<!tpu.dma_semaphore, #tpu.memory_space<semaphore_mem>>) src(%dma_wait3A_2248 : memref<50x64xf32, #tpu.memory_space<vmem>>) dst(%dma_wait3A_2241 : memref<50x64xf32, #tpu.memory_space<hbm>>)
        %mul3A_2249 = arith.constant 4 : i32
        %mul3A_2250 = arith.muli %add3A_2217, %mul3A_2249 : i32
        %add3A_2251 = arith.addi %mul3A_4, %mul3A_2250 : i32
        %add3A_2252 = arith.constant 1 : i32
        %add3A_2253 = arith.addi %add3A_2251, %add3A_2252 : i32
        %dma_wait3A_2254 = arith.constant 0 : i32
        %dma_wait3A_2255 = arith.constant 0 : i32
        %dma_wait3A_2256 = arith.constant 0 : i32
        %dma_wait3A_2257 = arith.constant 0 : i32
        %dma_wait3A_2258 = tpu.memref_slice %arg6[%dma_wait3A_2254, %dma_wait3A_2256, %dma_wait3A_2257] : memref<8x200x64xf32, #tpu.memory_space<vmem>> -> memref<1x200x64xf32, #tpu.memory_space<vmem>>
        %dma_wait3A_2259 = tpu.memref_squeeze %dma_wait3A_2258 : memref<1x200x64xf32, #tpu.memory_space<vmem>> -> memref<200x64xf32, #tpu.memory_space<vmem>>
        %dma_wait3A_2260 = arith.constant 50 : i32
        %dma_wait3A_2261 = arith.constant 0 : i32
        %dma_wait3A_2262 = tpu.memref_slice %dma_wait3A_2259[%dma_wait3A_2260, %dma_wait3A_2261] : memref<200x64xf32, #tpu.memory_space<vmem>> -> memref<50x64xf32, #tpu.memory_space<vmem>>
        %dma_wait3A_2263 = arith.constant 0 : i32
        %dma_wait3A_2264 = arith.constant 0 : i32
        %dma_wait3A_2265 = tpu.memref_slice %arg4[%add3A_2253, %dma_wait3A_2263, %dma_wait3A_2264] : memref<16384x50x64xf32, #tpu.memory_space<hbm>> -> memref<1x50x64xf32, #tpu.memory_space<hbm>>
        %dma_wait3A_2266 = tpu.memref_squeeze %dma_wait3A_2265 : memref<1x50x64xf32, #tpu.memory_space<hbm>> -> memref<50x64xf32, #tpu.memory_space<hbm>>
        %dma_wait3A_2267 = tpu.memref_slice %arg8[%dma_wait3A_2255] : memref<8x!tpu.dma_semaphore, #tpu.memory_space<semaphore_mem>> -> memref<1x!tpu.dma_semaphore, #tpu.memory_space<semaphore_mem>>
        %dma_wait3A_2268 = tpu.memref_squeeze %dma_wait3A_2267 : memref<1x!tpu.dma_semaphore, #tpu.memory_space<semaphore_mem>> -> memref<!tpu.dma_semaphore, #tpu.memory_space<semaphore_mem>>
        %dma_wait3A_2269 = arith.constant 0 : i32
        %dma_wait3A_2270 = arith.constant 0 : i32
        %dma_wait3A_2271 = tpu.memref_slice %arg4[%add3A_2253, %dma_wait3A_2269, %dma_wait3A_2270] : memref<16384x50x64xf32, #tpu.memory_space<hbm>> -> memref<1x50x64xf32, #tpu.memory_space<hbm>>
        %dma_wait3A_2272 = tpu.memref_squeeze %dma_wait3A_2271 : memref<1x50x64xf32, #tpu.memory_space<hbm>> -> memref<50x64xf32, #tpu.memory_space<hbm>>
        %dma_wait3A_2273 = arith.constant 0 : i32
        %dma_wait3A_2274 = arith.constant 0 : i32
        %dma_wait3A_2275 = tpu.memref_slice %arg6[%dma_wait3A_2254, %dma_wait3A_2273, %dma_wait3A_2274] : memref<8x200x64xf32, #tpu.memory_space<vmem>> -> memref<1x200x64xf32, #tpu.memory_space<vmem>>
        %dma_wait3A_2276 = tpu.memref_squeeze %dma_wait3A_2275 : memref<1x200x64xf32, #tpu.memory_space<vmem>> -> memref<200x64xf32, #tpu.memory_space<vmem>>
        %dma_wait3A_2277 = arith.constant 50 : i32
        %dma_wait3A_2278 = arith.constant 0 : i32
        %dma_wait3A_2279 = tpu.memref_slice %dma_wait3A_2276[%dma_wait3A_2277, %dma_wait3A_2278] : memref<200x64xf32, #tpu.memory_space<vmem>> -> memref<50x64xf32, #tpu.memory_space<vmem>>
        tpu.wait_dma2 semaphore(%dma_wait3A_2268 : memref<!tpu.dma_semaphore, #tpu.memory_space<semaphore_mem>>) src(%dma_wait3A_2279 : memref<50x64xf32, #tpu.memory_space<vmem>>) dst(%dma_wait3A_2272 : memref<50x64xf32, #tpu.memory_space<hbm>>)
        %mul3A_2280 = arith.constant 4 : i32
        %mul3A_2281 = arith.muli %add3A_2217, %mul3A_2280 : i32
        %add3A_2282 = arith.addi %mul3A_4, %mul3A_2281 : i32
        %add3A_2283 = arith.constant 2 : i32
        %add3A_2284 = arith.addi %add3A_2282, %add3A_2283 : i32
        %dma_wait3A_2285 = arith.constant 0 : i32
        %dma_wait3A_2286 = arith.constant 0 : i32
        %dma_wait3A_2287 = arith.constant 0 : i32
        %dma_wait3A_2288 = arith.constant 0 : i32
        %dma_wait3A_2289 = tpu.memref_slice %arg6[%dma_wait3A_2285, %dma_wait3A_2287, %dma_wait3A_2288] : memref<8x200x64xf32, #tpu.memory_space<vmem>> -> memref<1x200x64xf32, #tpu.memory_space<vmem>>
        %dma_wait3A_2290 = tpu.memref_squeeze %dma_wait3A_2289 : memref<1x200x64xf32, #tpu.memory_space<vmem>> -> memref<200x64xf32, #tpu.memory_space<vmem>>
        %dma_wait3A_2291 = arith.constant 100 : i32
        %dma_wait3A_2292 = arith.constant 0 : i32
        %dma_wait3A_2293 = tpu.memref_slice %dma_wait3A_2290[%dma_wait3A_2291, %dma_wait3A_2292] : memref<200x64xf32, #tpu.memory_space<vmem>> -> memref<50x64xf32, #tpu.memory_space<vmem>>
        %dma_wait3A_2294 = arith.constant 0 : i32
        %dma_wait3A_2295 = arith.constant 0 : i32
        %dma_wait3A_2296 = tpu.memref_slice %arg4[%add3A_2284, %dma_wait3A_2294, %dma_wait3A_2295] : memref<16384x50x64xf32, #tpu.memory_space<hbm>> -> memref<1x50x64xf32, #tpu.memory_space<hbm>>
        %dma_wait3A_2297 = tpu.memref_squeeze %dma_wait3A_2296 : memref<1x50x64xf32, #tpu.memory_space<hbm>> -> memref<50x64xf32, #tpu.memory_space<hbm>>
        %dma_wait3A_2298 = tpu.memref_slice %arg8[%dma_wait3A_2286] : memref<8x!tpu.dma_semaphore, #tpu.memory_space<semaphore_mem>> -> memref<1x!tpu.dma_semaphore, #tpu.memory_space<semaphore_mem>>
        %dma_wait3A_2299 = tpu.memref_squeeze %dma_wait3A_2298 : memref<1x!tpu.dma_semaphore, #tpu.memory_space<semaphore_mem>> -> memref<!tpu.dma_semaphore, #tpu.memory_space<semaphore_mem>>
        %dma_wait3A_2300 = arith.constant 0 : i32
        %dma_wait3A_2301 = arith.constant 0 : i32
        %dma_wait3A_2302 = tpu.memref_slice %arg4[%add3A_2284, %dma_wait3A_2300, %dma_wait3A_2301] : memref<16384x50x64xf32, #tpu.memory_space<hbm>> -> memref<1x50x64xf32, #tpu.memory_space<hbm>>
        %dma_wait3A_2303 = tpu.memref_squeeze %dma_wait3A_2302 : memref<1x50x64xf32, #tpu.memory_space<hbm>> -> memref<50x64xf32, #tpu.memory_space<hbm>>
        %dma_wait3A_2304 = arith.constant 0 : i32
        %dma_wait3A_2305 = arith.constant 0 : i32
        %dma_wait3A_2306 = tpu.memref_slice %arg6[%dma_wait3A_2285, %dma_wait3A_2304, %dma_wait3A_2305] : memref<8x200x64xf32, #tpu.memory_space<vmem>> -> memref<1x200x64xf32, #tpu.memory_space<vmem>>
        %dma_wait3A_2307 = tpu.memref_squeeze %dma_wait3A_2306 : memref<1x200x64xf32, #tpu.memory_space<vmem>> -> memref<200x64xf32, #tpu.memory_space<vmem>>
        %dma_wait3A_2308 = arith.constant 100 : i32
        %dma_wait3A_2309 = arith.constant 0 : i32
        %dma_wait3A_2310 = tpu.memref_slice %dma_wait3A_2307[%dma_wait3A_2308, %dma_wait3A_2309] : memref<200x64xf32, #tpu.memory_space<vmem>> -> memref<50x64xf32, #tpu.memory_space<vmem>>
        tpu.wait_dma2 semaphore(%dma_wait3A_2299 : memref<!tpu.dma_semaphore, #tpu.memory_space<semaphore_mem>>) src(%dma_wait3A_2310 : memref<50x64xf32, #tpu.memory_space<vmem>>) dst(%dma_wait3A_2303 : memref<50x64xf32, #tpu.memory_space<hbm>>)
        %mul3A_2311 = arith.constant 4 : i32
        %mul3A_2312 = arith.muli %add3A_2217, %mul3A_2311 : i32
        %add3A_2313 = arith.addi %mul3A_4, %mul3A_2312 : i32
        %add3A_2314 = arith.constant 3 : i32
        %add3A_2315 = arith.addi %add3A_2313, %add3A_2314 : i32
        %dma_wait3A_2316 = arith.constant 0 : i32
        %dma_wait3A_2317 = arith.constant 0 : i32
        %dma_wait3A_2318 = arith.constant 0 : i32
        %dma_wait3A_2319 = arith.constant 0 : i32
        %dma_wait3A_2320 = tpu.memref_slice %arg6[%dma_wait3A_2316, %dma_wait3A_2318, %dma_wait3A_2319] : memref<8x200x64xf32, #tpu.memory_space<vmem>> -> memref<1x200x64xf32, #tpu.memory_space<vmem>>
        %dma_wait3A_2321 = tpu.memref_squeeze %dma_wait3A_2320 : memref<1x200x64xf32, #tpu.memory_space<vmem>> -> memref<200x64xf32, #tpu.memory_space<vmem>>
        %dma_wait3A_2322 = arith.constant 150 : i32
        %dma_wait3A_2323 = arith.constant 0 : i32
        %dma_wait3A_2324 = tpu.memref_slice %dma_wait3A_2321[%dma_wait3A_2322, %dma_wait3A_2323] : memref<200x64xf32, #tpu.memory_space<vmem>> -> memref<50x64xf32, #tpu.memory_space<vmem>>
        %dma_wait3A_2325 = arith.constant 0 : i32
        %dma_wait3A_2326 = arith.constant 0 : i32
        %dma_wait3A_2327 = tpu.memref_slice %arg4[%add3A_2315, %dma_wait3A_2325, %dma_wait3A_2326] : memref<16384x50x64xf32, #tpu.memory_space<hbm>> -> memref<1x50x64xf32, #tpu.memory_space<hbm>>
        %dma_wait3A_2328 = tpu.memref_squeeze %dma_wait3A_2327 : memref<1x50x64xf32, #tpu.memory_space<hbm>> -> memref<50x64xf32, #tpu.memory_space<hbm>>
        %dma_wait3A_2329 = tpu.memref_slice %arg8[%dma_wait3A_2317] : memref<8x!tpu.dma_semaphore, #tpu.memory_space<semaphore_mem>> -> memref<1x!tpu.dma_semaphore, #tpu.memory_space<semaphore_mem>>
        %dma_wait3A_2330 = tpu.memref_squeeze %dma_wait3A_2329 : memref<1x!tpu.dma_semaphore, #tpu.memory_space<semaphore_mem>> -> memref<!tpu.dma_semaphore, #tpu.memory_space<semaphore_mem>>
        %dma_wait3A_2331 = arith.constant 0 : i32
        %dma_wait3A_2332 = arith.constant 0 : i32
        %dma_wait3A_2333 = tpu.memref_slice %arg4[%add3A_2315, %dma_wait3A_2331, %dma_wait3A_2332] : memref<16384x50x64xf32, #tpu.memory_space<hbm>> -> memref<1x50x64xf32, #tpu.memory_space<hbm>>
        %dma_wait3A_2334 = tpu.memref_squeeze %dma_wait3A_2333 : memref<1x50x64xf32, #tpu.memory_space<hbm>> -> memref<50x64xf32, #tpu.memory_space<hbm>>
        %dma_wait3A_2335 = arith.constant 0 : i32
        %dma_wait3A_2336 = arith.constant 0 : i32
        %dma_wait3A_2337 = tpu.memref_slice %arg6[%dma_wait3A_2316, %dma_wait3A_2335, %dma_wait3A_2336] : memref<8x200x64xf32, #tpu.memory_space<vmem>> -> memref<1x200x64xf32, #tpu.memory_space<vmem>>
        %dma_wait3A_2338 = tpu.memref_squeeze %dma_wait3A_2337 : memref<1x200x64xf32, #tpu.memory_space<vmem>> -> memref<200x64xf32, #tpu.memory_space<vmem>>
        %dma_wait3A_2339 = arith.constant 150 : i32
        %dma_wait3A_2340 = arith.constant 0 : i32
        %dma_wait3A_2341 = tpu.memref_slice %dma_wait3A_2338[%dma_wait3A_2339, %dma_wait3A_2340] : memref<200x64xf32, #tpu.memory_space<vmem>> -> memref<50x64xf32, #tpu.memory_space<vmem>>
        tpu.wait_dma2 semaphore(%dma_wait3A_2330 : memref<!tpu.dma_semaphore, #tpu.memory_space<semaphore_mem>>) src(%dma_wait3A_2341 : memref<50x64xf32, #tpu.memory_space<vmem>>) dst(%dma_wait3A_2334 : memref<50x64xf32, #tpu.memory_space<hbm>>)
        %add3A_2342 = arith.constant 8 : i32
        %add3A_2343 = arith.addi %mul3A_1077, %add3A_2342 : i32
        %add3A_2344 = arith.constant 0 : i32
        %add3A_2345 = arith.addi %add3A_2343, %add3A_2344 : i32
        %mul3A_2346 = arith.constant 200 : i32
        %mul3A_2347 = arith.muli %add3A_2345, %mul3A_2346 : i32
        %dma_start3A_2348 = arith.constant 0 : i32
        %dma_start3A_2349 = arith.constant 0 : i32
        %dma_start3A_2350 = arith.constant 0 : i32
        %dma_start3A_2351 = arith.constant 0 : i32
        %dma_start3A_2352 = tpu.memref_slice %arg6[%dma_start3A_2348, %dma_start3A_2350, %dma_start3A_2351] : memref<8x200x64xf32, #tpu.memory_space<vmem>> -> memref<1x200x64xf32, #tpu.memory_space<vmem>>
        %dma_start3A_2353 = tpu.memref_squeeze %dma_start3A_2352 : memref<1x200x64xf32, #tpu.memory_space<vmem>> -> memref<200x64xf32, #tpu.memory_space<vmem>>
        %dma_start3A_2354 = tpu.memref_slice %arg5[%mul3A_2347] : memref<25600xi32, #tpu.memory_space<vmem>> -> memref<200xi32, #tpu.memory_space<vmem>>
        %dma_start3A_2355 = arith.constant 0 : i32
        %dma_start3A_2356 = arith.constant 0 : i32
        %dma_start3A_2357 = tpu.memref_slice %arg3[%dma_start3A_2355, %dma_start3A_2356] : memref<1000000x64xf32, #tpu.memory_space<hbm>> -> memref<1000000x64xf32, #tpu.memory_space<hbm>>
        %dma_start3A_2358 = tpu.memref_slice %arg7[%dma_start3A_2349] : memref<8x!tpu.dma_semaphore, #tpu.memory_space<semaphore_mem>> -> memref<1x!tpu.dma_semaphore, #tpu.memory_space<semaphore_mem>>
        %dma_start3A_2359 = tpu.memref_squeeze %dma_start3A_2358 : memref<1x!tpu.dma_semaphore, #tpu.memory_space<semaphore_mem>> -> memref<!tpu.dma_semaphore, #tpu.memory_space<semaphore_mem>>
        tpu.enqueue_indirect_dma source(%dma_start3A_2357 : memref<1000000x64xf32, #tpu.memory_space<hbm>>) target(%dma_start3A_2353 : memref<200x64xf32, #tpu.memory_space<vmem>>) offsets(%dma_start3A_2354 : memref<200xi32, #tpu.memory_space<vmem>>) semaphore(%dma_start3A_2359 : memref<!tpu.dma_semaphore, #tpu.memory_space<semaphore_mem>>)
        %add3A_2360 = arith.constant 1 : i32
        %add3A_2361 = arith.addi %mul3A_1077, %add3A_2360 : i32
        %mul3A_2362 = arith.constant 4 : i32
        %mul3A_2363 = arith.muli %add3A_2361, %mul3A_2362 : i32
        %add3A_2364 = arith.addi %mul3A_4, %mul3A_2363 : i32
        %add3A_2365 = arith.constant 0 : i32
        %add3A_2366 = arith.addi %add3A_2364, %add3A_2365 : i32
        %dma_wait3A_2367 = arith.constant 1 : i32
        %dma_wait3A_2368 = arith.constant 1 : i32
        %dma_wait3A_2369 = arith.constant 0 : i32
        %dma_wait3A_2370 = arith.constant 0 : i32
        %dma_wait3A_2371 = tpu.memref_slice %arg6[%dma_wait3A_2367, %dma_wait3A_2369, %dma_wait3A_2370] : memref<8x200x64xf32, #tpu.memory_space<vmem>> -> memref<1x200x64xf32, #tpu.memory_space<vmem>>
        %dma_wait3A_2372 = tpu.memref_squeeze %dma_wait3A_2371 : memref<1x200x64xf32, #tpu.memory_space<vmem>> -> memref<200x64xf32, #tpu.memory_space<vmem>>
        %dma_wait3A_2373 = arith.constant 0 : i32
        %dma_wait3A_2374 = arith.constant 0 : i32
        %dma_wait3A_2375 = tpu.memref_slice %dma_wait3A_2372[%dma_wait3A_2373, %dma_wait3A_2374] : memref<200x64xf32, #tpu.memory_space<vmem>> -> memref<50x64xf32, #tpu.memory_space<vmem>>
        %dma_wait3A_2376 = arith.constant 0 : i32
        %dma_wait3A_2377 = arith.constant 0 : i32
        %dma_wait3A_2378 = tpu.memref_slice %arg4[%add3A_2366, %dma_wait3A_2376, %dma_wait3A_2377] : memref<16384x50x64xf32, #tpu.memory_space<hbm>> -> memref<1x50x64xf32, #tpu.memory_space<hbm>>
        %dma_wait3A_2379 = tpu.memref_squeeze %dma_wait3A_2378 : memref<1x50x64xf32, #tpu.memory_space<hbm>> -> memref<50x64xf32, #tpu.memory_space<hbm>>
        %dma_wait3A_2380 = tpu.memref_slice %arg8[%dma_wait3A_2368] : memref<8x!tpu.dma_semaphore, #tpu.memory_space<semaphore_mem>> -> memref<1x!tpu.dma_semaphore, #tpu.memory_space<semaphore_mem>>
        %dma_wait3A_2381 = tpu.memref_squeeze %dma_wait3A_2380 : memref<1x!tpu.dma_semaphore, #tpu.memory_space<semaphore_mem>> -> memref<!tpu.dma_semaphore, #tpu.memory_space<semaphore_mem>>
        %dma_wait3A_2382 = arith.constant 0 : i32
        %dma_wait3A_2383 = arith.constant 0 : i32
        %dma_wait3A_2384 = tpu.memref_slice %arg4[%add3A_2366, %dma_wait3A_2382, %dma_wait3A_2383] : memref<16384x50x64xf32, #tpu.memory_space<hbm>> -> memref<1x50x64xf32, #tpu.memory_space<hbm>>
        %dma_wait3A_2385 = tpu.memref_squeeze %dma_wait3A_2384 : memref<1x50x64xf32, #tpu.memory_space<hbm>> -> memref<50x64xf32, #tpu.memory_space<hbm>>
        %dma_wait3A_2386 = arith.constant 0 : i32
        %dma_wait3A_2387 = arith.constant 0 : i32
        %dma_wait3A_2388 = tpu.memref_slice %arg6[%dma_wait3A_2367, %dma_wait3A_2386, %dma_wait3A_2387] : memref<8x200x64xf32, #tpu.memory_space<vmem>> -> memref<1x200x64xf32, #tpu.memory_space<vmem>>
        %dma_wait3A_2389 = tpu.memref_squeeze %dma_wait3A_2388 : memref<1x200x64xf32, #tpu.memory_space<vmem>> -> memref<200x64xf32, #tpu.memory_space<vmem>>
        %dma_wait3A_2390 = arith.constant 0 : i32
        %dma_wait3A_2391 = arith.constant 0 : i32
        %dma_wait3A_2392 = tpu.memref_slice %dma_wait3A_2389[%dma_wait3A_2390, %dma_wait3A_2391] : memref<200x64xf32, #tpu.memory_space<vmem>> -> memref<50x64xf32, #tpu.memory_space<vmem>>
        tpu.wait_dma2 semaphore(%dma_wait3A_2381 : memref<!tpu.dma_semaphore, #tpu.memory_space<semaphore_mem>>) src(%dma_wait3A_2392 : memref<50x64xf32, #tpu.memory_space<vmem>>) dst(%dma_wait3A_2385 : memref<50x64xf32, #tpu.memory_space<hbm>>)
        %mul3A_2393 = arith.constant 4 : i32
        %mul3A_2394 = arith.muli %add3A_2361, %mul3A_2393 : i32
        %add3A_2395 = arith.addi %mul3A_4, %mul3A_2394 : i32
        %add3A_2396 = arith.constant 1 : i32
        %add3A_2397 = arith.addi %add3A_2395, %add3A_2396 : i32
        %dma_wait3A_2398 = arith.constant 1 : i32
        %dma_wait3A_2399 = arith.constant 1 : i32
        %dma_wait3A_2400 = arith.constant 0 : i32
        %dma_wait3A_2401 = arith.constant 0 : i32
        %dma_wait3A_2402 = tpu.memref_slice %arg6[%dma_wait3A_2398, %dma_wait3A_2400, %dma_wait3A_2401] : memref<8x200x64xf32, #tpu.memory_space<vmem>> -> memref<1x200x64xf32, #tpu.memory_space<vmem>>
        %dma_wait3A_2403 = tpu.memref_squeeze %dma_wait3A_2402 : memref<1x200x64xf32, #tpu.memory_space<vmem>> -> memref<200x64xf32, #tpu.memory_space<vmem>>
        %dma_wait3A_2404 = arith.constant 50 : i32
        %dma_wait3A_2405 = arith.constant 0 : i32
        %dma_wait3A_2406 = tpu.memref_slice %dma_wait3A_2403[%dma_wait3A_2404, %dma_wait3A_2405] : memref<200x64xf32, #tpu.memory_space<vmem>> -> memref<50x64xf32, #tpu.memory_space<vmem>>
        %dma_wait3A_2407 = arith.constant 0 : i32
        %dma_wait3A_2408 = arith.constant 0 : i32
        %dma_wait3A_2409 = tpu.memref_slice %arg4[%add3A_2397, %dma_wait3A_2407, %dma_wait3A_2408] : memref<16384x50x64xf32, #tpu.memory_space<hbm>> -> memref<1x50x64xf32, #tpu.memory_space<hbm>>
        %dma_wait3A_2410 = tpu.memref_squeeze %dma_wait3A_2409 : memref<1x50x64xf32, #tpu.memory_space<hbm>> -> memref<50x64xf32, #tpu.memory_space<hbm>>
        %dma_wait3A_2411 = tpu.memref_slice %arg8[%dma_wait3A_2399] : memref<8x!tpu.dma_semaphore, #tpu.memory_space<semaphore_mem>> -> memref<1x!tpu.dma_semaphore, #tpu.memory_space<semaphore_mem>>
        %dma_wait3A_2412 = tpu.memref_squeeze %dma_wait3A_2411 : memref<1x!tpu.dma_semaphore, #tpu.memory_space<semaphore_mem>> -> memref<!tpu.dma_semaphore, #tpu.memory_space<semaphore_mem>>
        %dma_wait3A_2413 = arith.constant 0 : i32
        %dma_wait3A_2414 = arith.constant 0 : i32
        %dma_wait3A_2415 = tpu.memref_slice %arg4[%add3A_2397, %dma_wait3A_2413, %dma_wait3A_2414] : memref<16384x50x64xf32, #tpu.memory_space<hbm>> -> memref<1x50x64xf32, #tpu.memory_space<hbm>>
        %dma_wait3A_2416 = tpu.memref_squeeze %dma_wait3A_2415 : memref<1x50x64xf32, #tpu.memory_space<hbm>> -> memref<50x64xf32, #tpu.memory_space<hbm>>
        %dma_wait3A_2417 = arith.constant 0 : i32
        %dma_wait3A_2418 = arith.constant 0 : i32
        %dma_wait3A_2419 = tpu.memref_slice %arg6[%dma_wait3A_2398, %dma_wait3A_2417, %dma_wait3A_2418] : memref<8x200x64xf32, #tpu.memory_space<vmem>> -> memref<1x200x64xf32, #tpu.memory_space<vmem>>
        %dma_wait3A_2420 = tpu.memref_squeeze %dma_wait3A_2419 : memref<1x200x64xf32, #tpu.memory_space<vmem>> -> memref<200x64xf32, #tpu.memory_space<vmem>>
        %dma_wait3A_2421 = arith.constant 50 : i32
        %dma_wait3A_2422 = arith.constant 0 : i32
        %dma_wait3A_2423 = tpu.memref_slice %dma_wait3A_2420[%dma_wait3A_2421, %dma_wait3A_2422] : memref<200x64xf32, #tpu.memory_space<vmem>> -> memref<50x64xf32, #tpu.memory_space<vmem>>
        tpu.wait_dma2 semaphore(%dma_wait3A_2412 : memref<!tpu.dma_semaphore, #tpu.memory_space<semaphore_mem>>) src(%dma_wait3A_2423 : memref<50x64xf32, #tpu.memory_space<vmem>>) dst(%dma_wait3A_2416 : memref<50x64xf32, #tpu.memory_space<hbm>>)
        %mul3A_2424 = arith.constant 4 : i32
        %mul3A_2425 = arith.muli %add3A_2361, %mul3A_2424 : i32
        %add3A_2426 = arith.addi %mul3A_4, %mul3A_2425 : i32
        %add3A_2427 = arith.constant 2 : i32
        %add3A_2428 = arith.addi %add3A_2426, %add3A_2427 : i32
        %dma_wait3A_2429 = arith.constant 1 : i32
        %dma_wait3A_2430 = arith.constant 1 : i32
        %dma_wait3A_2431 = arith.constant 0 : i32
        %dma_wait3A_2432 = arith.constant 0 : i32
        %dma_wait3A_2433 = tpu.memref_slice %arg6[%dma_wait3A_2429, %dma_wait3A_2431, %dma_wait3A_2432] : memref<8x200x64xf32, #tpu.memory_space<vmem>> -> memref<1x200x64xf32, #tpu.memory_space<vmem>>
        %dma_wait3A_2434 = tpu.memref_squeeze %dma_wait3A_2433 : memref<1x200x64xf32, #tpu.memory_space<vmem>> -> memref<200x64xf32, #tpu.memory_space<vmem>>
        %dma_wait3A_2435 = arith.constant 100 : i32
        %dma_wait3A_2436 = arith.constant 0 : i32
        %dma_wait3A_2437 = tpu.memref_slice %dma_wait3A_2434[%dma_wait3A_2435, %dma_wait3A_2436] : memref<200x64xf32, #tpu.memory_space<vmem>> -> memref<50x64xf32, #tpu.memory_space<vmem>>
        %dma_wait3A_2438 = arith.constant 0 : i32
        %dma_wait3A_2439 = arith.constant 0 : i32
        %dma_wait3A_2440 = tpu.memref_slice %arg4[%add3A_2428, %dma_wait3A_2438, %dma_wait3A_2439] : memref<16384x50x64xf32, #tpu.memory_space<hbm>> -> memref<1x50x64xf32, #tpu.memory_space<hbm>>
        %dma_wait3A_2441 = tpu.memref_squeeze %dma_wait3A_2440 : memref<1x50x64xf32, #tpu.memory_space<hbm>> -> memref<50x64xf32, #tpu.memory_space<hbm>>
        %dma_wait3A_2442 = tpu.memref_slice %arg8[%dma_wait3A_2430] : memref<8x!tpu.dma_semaphore, #tpu.memory_space<semaphore_mem>> -> memref<1x!tpu.dma_semaphore, #tpu.memory_space<semaphore_mem>>
        %dma_wait3A_2443 = tpu.memref_squeeze %dma_wait3A_2442 : memref<1x!tpu.dma_semaphore, #tpu.memory_space<semaphore_mem>> -> memref<!tpu.dma_semaphore, #tpu.memory_space<semaphore_mem>>
        %dma_wait3A_2444 = arith.constant 0 : i32
        %dma_wait3A_2445 = arith.constant 0 : i32
        %dma_wait3A_2446 = tpu.memref_slice %arg4[%add3A_2428, %dma_wait3A_2444, %dma_wait3A_2445] : memref<16384x50x64xf32, #tpu.memory_space<hbm>> -> memref<1x50x64xf32, #tpu.memory_space<hbm>>
        %dma_wait3A_2447 = tpu.memref_squeeze %dma_wait3A_2446 : memref<1x50x64xf32, #tpu.memory_space<hbm>> -> memref<50x64xf32, #tpu.memory_space<hbm>>
        %dma_wait3A_2448 = arith.constant 0 : i32
        %dma_wait3A_2449 = arith.constant 0 : i32
        %dma_wait3A_2450 = tpu.memref_slice %arg6[%dma_wait3A_2429, %dma_wait3A_2448, %dma_wait3A_2449] : memref<8x200x64xf32, #tpu.memory_space<vmem>> -> memref<1x200x64xf32, #tpu.memory_space<vmem>>
        %dma_wait3A_2451 = tpu.memref_squeeze %dma_wait3A_2450 : memref<1x200x64xf32, #tpu.memory_space<vmem>> -> memref<200x64xf32, #tpu.memory_space<vmem>>
        %dma_wait3A_2452 = arith.constant 100 : i32
        %dma_wait3A_2453 = arith.constant 0 : i32
        %dma_wait3A_2454 = tpu.memref_slice %dma_wait3A_2451[%dma_wait3A_2452, %dma_wait3A_2453] : memref<200x64xf32, #tpu.memory_space<vmem>> -> memref<50x64xf32, #tpu.memory_space<vmem>>
        tpu.wait_dma2 semaphore(%dma_wait3A_2443 : memref<!tpu.dma_semaphore, #tpu.memory_space<semaphore_mem>>) src(%dma_wait3A_2454 : memref<50x64xf32, #tpu.memory_space<vmem>>) dst(%dma_wait3A_2447 : memref<50x64xf32, #tpu.memory_space<hbm>>)
        %mul3A_2455 = arith.constant 4 : i32
        %mul3A_2456 = arith.muli %add3A_2361, %mul3A_2455 : i32
        %add3A_2457 = arith.addi %mul3A_4, %mul3A_2456 : i32
        %add3A_2458 = arith.constant 3 : i32
        %add3A_2459 = arith.addi %add3A_2457, %add3A_2458 : i32
        %dma_wait3A_2460 = arith.constant 1 : i32
        %dma_wait3A_2461 = arith.constant 1 : i32
        %dma_wait3A_2462 = arith.constant 0 : i32
        %dma_wait3A_2463 = arith.constant 0 : i32
        %dma_wait3A_2464 = tpu.memref_slice %arg6[%dma_wait3A_2460, %dma_wait3A_2462, %dma_wait3A_2463] : memref<8x200x64xf32, #tpu.memory_space<vmem>> -> memref<1x200x64xf32, #tpu.memory_space<vmem>>
        %dma_wait3A_2465 = tpu.memref_squeeze %dma_wait3A_2464 : memref<1x200x64xf32, #tpu.memory_space<vmem>> -> memref<200x64xf32, #tpu.memory_space<vmem>>
        %dma_wait3A_2466 = arith.constant 150 : i32
        %dma_wait3A_2467 = arith.constant 0 : i32
        %dma_wait3A_2468 = tpu.memref_slice %dma_wait3A_2465[%dma_wait3A_2466, %dma_wait3A_2467] : memref<200x64xf32, #tpu.memory_space<vmem>> -> memref<50x64xf32, #tpu.memory_space<vmem>>
        %dma_wait3A_2469 = arith.constant 0 : i32
        %dma_wait3A_2470 = arith.constant 0 : i32
        %dma_wait3A_2471 = tpu.memref_slice %arg4[%add3A_2459, %dma_wait3A_2469, %dma_wait3A_2470] : memref<16384x50x64xf32, #tpu.memory_space<hbm>> -> memref<1x50x64xf32, #tpu.memory_space<hbm>>
        %dma_wait3A_2472 = tpu.memref_squeeze %dma_wait3A_2471 : memref<1x50x64xf32, #tpu.memory_space<hbm>> -> memref<50x64xf32, #tpu.memory_space<hbm>>
        %dma_wait3A_2473 = tpu.memref_slice %arg8[%dma_wait3A_2461] : memref<8x!tpu.dma_semaphore, #tpu.memory_space<semaphore_mem>> -> memref<1x!tpu.dma_semaphore, #tpu.memory_space<semaphore_mem>>
        %dma_wait3A_2474 = tpu.memref_squeeze %dma_wait3A_2473 : memref<1x!tpu.dma_semaphore, #tpu.memory_space<semaphore_mem>> -> memref<!tpu.dma_semaphore, #tpu.memory_space<semaphore_mem>>
        %dma_wait3A_2475 = arith.constant 0 : i32
        %dma_wait3A_2476 = arith.constant 0 : i32
        %dma_wait3A_2477 = tpu.memref_slice %arg4[%add3A_2459, %dma_wait3A_2475, %dma_wait3A_2476] : memref<16384x50x64xf32, #tpu.memory_space<hbm>> -> memref<1x50x64xf32, #tpu.memory_space<hbm>>
        %dma_wait3A_2478 = tpu.memref_squeeze %dma_wait3A_2477 : memref<1x50x64xf32, #tpu.memory_space<hbm>> -> memref<50x64xf32, #tpu.memory_space<hbm>>
        %dma_wait3A_2479 = arith.constant 0 : i32
        %dma_wait3A_2480 = arith.constant 0 : i32
        %dma_wait3A_2481 = tpu.memref_slice %arg6[%dma_wait3A_2460, %dma_wait3A_2479, %dma_wait3A_2480] : memref<8x200x64xf32, #tpu.memory_space<vmem>> -> memref<1x200x64xf32, #tpu.memory_space<vmem>>
        %dma_wait3A_2482 = tpu.memref_squeeze %dma_wait3A_2481 : memref<1x200x64xf32, #tpu.memory_space<vmem>> -> memref<200x64xf32, #tpu.memory_space<vmem>>
        %dma_wait3A_2483 = arith.constant 150 : i32
        %dma_wait3A_2484 = arith.constant 0 : i32
        %dma_wait3A_2485 = tpu.memref_slice %dma_wait3A_2482[%dma_wait3A_2483, %dma_wait3A_2484] : memref<200x64xf32, #tpu.memory_space<vmem>> -> memref<50x64xf32, #tpu.memory_space<vmem>>
        tpu.wait_dma2 semaphore(%dma_wait3A_2474 : memref<!tpu.dma_semaphore, #tpu.memory_space<semaphore_mem>>) src(%dma_wait3A_2485 : memref<50x64xf32, #tpu.memory_space<vmem>>) dst(%dma_wait3A_2478 : memref<50x64xf32, #tpu.memory_space<hbm>>)
        %add3A_2486 = arith.constant 8 : i32
        %add3A_2487 = arith.addi %mul3A_1077, %add3A_2486 : i32
        %add3A_2488 = arith.constant 1 : i32
        %add3A_2489 = arith.addi %add3A_2487, %add3A_2488 : i32
        %mul3A_2490 = arith.constant 200 : i32
        %mul3A_2491 = arith.muli %add3A_2489, %mul3A_2490 : i32
        %dma_start3A_2492 = arith.constant 1 : i32
        %dma_start3A_2493 = arith.constant 1 : i32
        %dma_start3A_2494 = arith.constant 0 : i32
        %dma_start3A_2495 = arith.constant 0 : i32
        %dma_start3A_2496 = tpu.memref_slice %arg6[%dma_start3A_2492, %dma_start3A_2494, %dma_start3A_2495] : memref<8x200x64xf32, #tpu.memory_space<vmem>> -> memref<1x200x64xf32, #tpu.memory_space<vmem>>
        %dma_start3A_2497 = tpu.memref_squeeze %dma_start3A_2496 : memref<1x200x64xf32, #tpu.memory_space<vmem>> -> memref<200x64xf32, #tpu.memory_space<vmem>>
        %dma_start3A_2498 = tpu.memref_slice %arg5[%mul3A_2491] : memref<25600xi32, #tpu.memory_space<vmem>> -> memref<200xi32, #tpu.memory_space<vmem>>
        %dma_start3A_2499 = arith.constant 0 : i32
        %dma_start3A_2500 = arith.constant 0 : i32
        %dma_start3A_2501 = tpu.memref_slice %arg3[%dma_start3A_2499, %dma_start3A_2500] : memref<1000000x64xf32, #tpu.memory_space<hbm>> -> memref<1000000x64xf32, #tpu.memory_space<hbm>>
        %dma_start3A_2502 = tpu.memref_slice %arg7[%dma_start3A_2493] : memref<8x!tpu.dma_semaphore, #tpu.memory_space<semaphore_mem>> -> memref<1x!tpu.dma_semaphore, #tpu.memory_space<semaphore_mem>>
        %dma_start3A_2503 = tpu.memref_squeeze %dma_start3A_2502 : memref<1x!tpu.dma_semaphore, #tpu.memory_space<semaphore_mem>> -> memref<!tpu.dma_semaphore, #tpu.memory_space<semaphore_mem>>
        tpu.enqueue_indirect_dma source(%dma_start3A_2501 : memref<1000000x64xf32, #tpu.memory_space<hbm>>) target(%dma_start3A_2497 : memref<200x64xf32, #tpu.memory_space<vmem>>) offsets(%dma_start3A_2498 : memref<200xi32, #tpu.memory_space<vmem>>) semaphore(%dma_start3A_2503 : memref<!tpu.dma_semaphore, #tpu.memory_space<semaphore_mem>>)
        %add3A_2504 = arith.constant 2 : i32
        %add3A_2505 = arith.addi %mul3A_1077, %add3A_2504 : i32
        %mul3A_2506 = arith.constant 4 : i32
        %mul3A_2507 = arith.muli %add3A_2505, %mul3A_2506 : i32
        %add3A_2508 = arith.addi %mul3A_4, %mul3A_2507 : i32
        %add3A_2509 = arith.constant 0 : i32
        %add3A_2510 = arith.addi %add3A_2508, %add3A_2509 : i32
        %dma_wait3A_2511 = arith.constant 2 : i32
        %dma_wait3A_2512 = arith.constant 2 : i32
        %dma_wait3A_2513 = arith.constant 0 : i32
        %dma_wait3A_2514 = arith.constant 0 : i32
        %dma_wait3A_2515 = tpu.memref_slice %arg6[%dma_wait3A_2511, %dma_wait3A_2513, %dma_wait3A_2514] : memref<8x200x64xf32, #tpu.memory_space<vmem>> -> memref<1x200x64xf32, #tpu.memory_space<vmem>>
        %dma_wait3A_2516 = tpu.memref_squeeze %dma_wait3A_2515 : memref<1x200x64xf32, #tpu.memory_space<vmem>> -> memref<200x64xf32, #tpu.memory_space<vmem>>
        %dma_wait3A_2517 = arith.constant 0 : i32
        %dma_wait3A_2518 = arith.constant 0 : i32
        %dma_wait3A_2519 = tpu.memref_slice %dma_wait3A_2516[%dma_wait3A_2517, %dma_wait3A_2518] : memref<200x64xf32, #tpu.memory_space<vmem>> -> memref<50x64xf32, #tpu.memory_space<vmem>>
        %dma_wait3A_2520 = arith.constant 0 : i32
        %dma_wait3A_2521 = arith.constant 0 : i32
        %dma_wait3A_2522 = tpu.memref_slice %arg4[%add3A_2510, %dma_wait3A_2520, %dma_wait3A_2521] : memref<16384x50x64xf32, #tpu.memory_space<hbm>> -> memref<1x50x64xf32, #tpu.memory_space<hbm>>
        %dma_wait3A_2523 = tpu.memref_squeeze %dma_wait3A_2522 : memref<1x50x64xf32, #tpu.memory_space<hbm>> -> memref<50x64xf32, #tpu.memory_space<hbm>>
        %dma_wait3A_2524 = tpu.memref_slice %arg8[%dma_wait3A_2512] : memref<8x!tpu.dma_semaphore, #tpu.memory_space<semaphore_mem>> -> memref<1x!tpu.dma_semaphore, #tpu.memory_space<semaphore_mem>>
        %dma_wait3A_2525 = tpu.memref_squeeze %dma_wait3A_2524 : memref<1x!tpu.dma_semaphore, #tpu.memory_space<semaphore_mem>> -> memref<!tpu.dma_semaphore, #tpu.memory_space<semaphore_mem>>
        %dma_wait3A_2526 = arith.constant 0 : i32
        %dma_wait3A_2527 = arith.constant 0 : i32
        %dma_wait3A_2528 = tpu.memref_slice %arg4[%add3A_2510, %dma_wait3A_2526, %dma_wait3A_2527] : memref<16384x50x64xf32, #tpu.memory_space<hbm>> -> memref<1x50x64xf32, #tpu.memory_space<hbm>>
        %dma_wait3A_2529 = tpu.memref_squeeze %dma_wait3A_2528 : memref<1x50x64xf32, #tpu.memory_space<hbm>> -> memref<50x64xf32, #tpu.memory_space<hbm>>
        %dma_wait3A_2530 = arith.constant 0 : i32
        %dma_wait3A_2531 = arith.constant 0 : i32
        %dma_wait3A_2532 = tpu.memref_slice %arg6[%dma_wait3A_2511, %dma_wait3A_2530, %dma_wait3A_2531] : memref<8x200x64xf32, #tpu.memory_space<vmem>> -> memref<1x200x64xf32, #tpu.memory_space<vmem>>
        %dma_wait3A_2533 = tpu.memref_squeeze %dma_wait3A_2532 : memref<1x200x64xf32, #tpu.memory_space<vmem>> -> memref<200x64xf32, #tpu.memory_space<vmem>>
        %dma_wait3A_2534 = arith.constant 0 : i32
        %dma_wait3A_2535 = arith.constant 0 : i32
        %dma_wait3A_2536 = tpu.memref_slice %dma_wait3A_2533[%dma_wait3A_2534, %dma_wait3A_2535] : memref<200x64xf32, #tpu.memory_space<vmem>> -> memref<50x64xf32, #tpu.memory_space<vmem>>
        tpu.wait_dma2 semaphore(%dma_wait3A_2525 : memref<!tpu.dma_semaphore, #tpu.memory_space<semaphore_mem>>) src(%dma_wait3A_2536 : memref<50x64xf32, #tpu.memory_space<vmem>>) dst(%dma_wait3A_2529 : memref<50x64xf32, #tpu.memory_space<hbm>>)
        %mul3A_2537 = arith.constant 4 : i32
        %mul3A_2538 = arith.muli %add3A_2505, %mul3A_2537 : i32
        %add3A_2539 = arith.addi %mul3A_4, %mul3A_2538 : i32
        %add3A_2540 = arith.constant 1 : i32
        %add3A_2541 = arith.addi %add3A_2539, %add3A_2540 : i32
        %dma_wait3A_2542 = arith.constant 2 : i32
        %dma_wait3A_2543 = arith.constant 2 : i32
        %dma_wait3A_2544 = arith.constant 0 : i32
        %dma_wait3A_2545 = arith.constant 0 : i32
        %dma_wait3A_2546 = tpu.memref_slice %arg6[%dma_wait3A_2542, %dma_wait3A_2544, %dma_wait3A_2545] : memref<8x200x64xf32, #tpu.memory_space<vmem>> -> memref<1x200x64xf32, #tpu.memory_space<vmem>>
        %dma_wait3A_2547 = tpu.memref_squeeze %dma_wait3A_2546 : memref<1x200x64xf32, #tpu.memory_space<vmem>> -> memref<200x64xf32, #tpu.memory_space<vmem>>
        %dma_wait3A_2548 = arith.constant 50 : i32
        %dma_wait3A_2549 = arith.constant 0 : i32
        %dma_wait3A_2550 = tpu.memref_slice %dma_wait3A_2547[%dma_wait3A_2548, %dma_wait3A_2549] : memref<200x64xf32, #tpu.memory_space<vmem>> -> memref<50x64xf32, #tpu.memory_space<vmem>>
        %dma_wait3A_2551 = arith.constant 0 : i32
        %dma_wait3A_2552 = arith.constant 0 : i32
        %dma_wait3A_2553 = tpu.memref_slice %arg4[%add3A_2541, %dma_wait3A_2551, %dma_wait3A_2552] : memref<16384x50x64xf32, #tpu.memory_space<hbm>> -> memref<1x50x64xf32, #tpu.memory_space<hbm>>
        %dma_wait3A_2554 = tpu.memref_squeeze %dma_wait3A_2553 : memref<1x50x64xf32, #tpu.memory_space<hbm>> -> memref<50x64xf32, #tpu.memory_space<hbm>>
        %dma_wait3A_2555 = tpu.memref_slice %arg8[%dma_wait3A_2543] : memref<8x!tpu.dma_semaphore, #tpu.memory_space<semaphore_mem>> -> memref<1x!tpu.dma_semaphore, #tpu.memory_space<semaphore_mem>>
        %dma_wait3A_2556 = tpu.memref_squeeze %dma_wait3A_2555 : memref<1x!tpu.dma_semaphore, #tpu.memory_space<semaphore_mem>> -> memref<!tpu.dma_semaphore, #tpu.memory_space<semaphore_mem>>
        %dma_wait3A_2557 = arith.constant 0 : i32
        %dma_wait3A_2558 = arith.constant 0 : i32
        %dma_wait3A_2559 = tpu.memref_slice %arg4[%add3A_2541, %dma_wait3A_2557, %dma_wait3A_2558] : memref<16384x50x64xf32, #tpu.memory_space<hbm>> -> memref<1x50x64xf32, #tpu.memory_space<hbm>>
        %dma_wait3A_2560 = tpu.memref_squeeze %dma_wait3A_2559 : memref<1x50x64xf32, #tpu.memory_space<hbm>> -> memref<50x64xf32, #tpu.memory_space<hbm>>
        %dma_wait3A_2561 = arith.constant 0 : i32
        %dma_wait3A_2562 = arith.constant 0 : i32
        %dma_wait3A_2563 = tpu.memref_slice %arg6[%dma_wait3A_2542, %dma_wait3A_2561, %dma_wait3A_2562] : memref<8x200x64xf32, #tpu.memory_space<vmem>> -> memref<1x200x64xf32, #tpu.memory_space<vmem>>
        %dma_wait3A_2564 = tpu.memref_squeeze %dma_wait3A_2563 : memref<1x200x64xf32, #tpu.memory_space<vmem>> -> memref<200x64xf32, #tpu.memory_space<vmem>>
        %dma_wait3A_2565 = arith.constant 50 : i32
        %dma_wait3A_2566 = arith.constant 0 : i32
        %dma_wait3A_2567 = tpu.memref_slice %dma_wait3A_2564[%dma_wait3A_2565, %dma_wait3A_2566] : memref<200x64xf32, #tpu.memory_space<vmem>> -> memref<50x64xf32, #tpu.memory_space<vmem>>
        tpu.wait_dma2 semaphore(%dma_wait3A_2556 : memref<!tpu.dma_semaphore, #tpu.memory_space<semaphore_mem>>) src(%dma_wait3A_2567 : memref<50x64xf32, #tpu.memory_space<vmem>>) dst(%dma_wait3A_2560 : memref<50x64xf32, #tpu.memory_space<hbm>>)
        %mul3A_2568 = arith.constant 4 : i32
        %mul3A_2569 = arith.muli %add3A_2505, %mul3A_2568 : i32
        %add3A_2570 = arith.addi %mul3A_4, %mul3A_2569 : i32
        %add3A_2571 = arith.constant 2 : i32
        %add3A_2572 = arith.addi %add3A_2570, %add3A_2571 : i32
        %dma_wait3A_2573 = arith.constant 2 : i32
        %dma_wait3A_2574 = arith.constant 2 : i32
        %dma_wait3A_2575 = arith.constant 0 : i32
        %dma_wait3A_2576 = arith.constant 0 : i32
        %dma_wait3A_2577 = tpu.memref_slice %arg6[%dma_wait3A_2573, %dma_wait3A_2575, %dma_wait3A_2576] : memref<8x200x64xf32, #tpu.memory_space<vmem>> -> memref<1x200x64xf32, #tpu.memory_space<vmem>>
        %dma_wait3A_2578 = tpu.memref_squeeze %dma_wait3A_2577 : memref<1x200x64xf32, #tpu.memory_space<vmem>> -> memref<200x64xf32, #tpu.memory_space<vmem>>
        %dma_wait3A_2579 = arith.constant 100 : i32
        %dma_wait3A_2580 = arith.constant 0 : i32
        %dma_wait3A_2581 = tpu.memref_slice %dma_wait3A_2578[%dma_wait3A_2579, %dma_wait3A_2580] : memref<200x64xf32, #tpu.memory_space<vmem>> -> memref<50x64xf32, #tpu.memory_space<vmem>>
        %dma_wait3A_2582 = arith.constant 0 : i32
        %dma_wait3A_2583 = arith.constant 0 : i32
        %dma_wait3A_2584 = tpu.memref_slice %arg4[%add3A_2572, %dma_wait3A_2582, %dma_wait3A_2583] : memref<16384x50x64xf32, #tpu.memory_space<hbm>> -> memref<1x50x64xf32, #tpu.memory_space<hbm>>
        %dma_wait3A_2585 = tpu.memref_squeeze %dma_wait3A_2584 : memref<1x50x64xf32, #tpu.memory_space<hbm>> -> memref<50x64xf32, #tpu.memory_space<hbm>>
        %dma_wait3A_2586 = tpu.memref_slice %arg8[%dma_wait3A_2574] : memref<8x!tpu.dma_semaphore, #tpu.memory_space<semaphore_mem>> -> memref<1x!tpu.dma_semaphore, #tpu.memory_space<semaphore_mem>>
        %dma_wait3A_2587 = tpu.memref_squeeze %dma_wait3A_2586 : memref<1x!tpu.dma_semaphore, #tpu.memory_space<semaphore_mem>> -> memref<!tpu.dma_semaphore, #tpu.memory_space<semaphore_mem>>
        %dma_wait3A_2588 = arith.constant 0 : i32
        %dma_wait3A_2589 = arith.constant 0 : i32
        %dma_wait3A_2590 = tpu.memref_slice %arg4[%add3A_2572, %dma_wait3A_2588, %dma_wait3A_2589] : memref<16384x50x64xf32, #tpu.memory_space<hbm>> -> memref<1x50x64xf32, #tpu.memory_space<hbm>>
        %dma_wait3A_2591 = tpu.memref_squeeze %dma_wait3A_2590 : memref<1x50x64xf32, #tpu.memory_space<hbm>> -> memref<50x64xf32, #tpu.memory_space<hbm>>
        %dma_wait3A_2592 = arith.constant 0 : i32
        %dma_wait3A_2593 = arith.constant 0 : i32
        %dma_wait3A_2594 = tpu.memref_slice %arg6[%dma_wait3A_2573, %dma_wait3A_2592, %dma_wait3A_2593] : memref<8x200x64xf32, #tpu.memory_space<vmem>> -> memref<1x200x64xf32, #tpu.memory_space<vmem>>
        %dma_wait3A_2595 = tpu.memref_squeeze %dma_wait3A_2594 : memref<1x200x64xf32, #tpu.memory_space<vmem>> -> memref<200x64xf32, #tpu.memory_space<vmem>>
        %dma_wait3A_2596 = arith.constant 100 : i32
        %dma_wait3A_2597 = arith.constant 0 : i32
        %dma_wait3A_2598 = tpu.memref_slice %dma_wait3A_2595[%dma_wait3A_2596, %dma_wait3A_2597] : memref<200x64xf32, #tpu.memory_space<vmem>> -> memref<50x64xf32, #tpu.memory_space<vmem>>
        tpu.wait_dma2 semaphore(%dma_wait3A_2587 : memref<!tpu.dma_semaphore, #tpu.memory_space<semaphore_mem>>) src(%dma_wait3A_2598 : memref<50x64xf32, #tpu.memory_space<vmem>>) dst(%dma_wait3A_2591 : memref<50x64xf32, #tpu.memory_space<hbm>>)
        %mul3A_2599 = arith.constant 4 : i32
        %mul3A_2600 = arith.muli %add3A_2505, %mul3A_2599 : i32
        %add3A_2601 = arith.addi %mul3A_4, %mul3A_2600 : i32
        %add3A_2602 = arith.constant 3 : i32
        %add3A_2603 = arith.addi %add3A_2601, %add3A_2602 : i32
        %dma_wait3A_2604 = arith.constant 2 : i32
        %dma_wait3A_2605 = arith.constant 2 : i32
        %dma_wait3A_2606 = arith.constant 0 : i32
        %dma_wait3A_2607 = arith.constant 0 : i32
        %dma_wait3A_2608 = tpu.memref_slice %arg6[%dma_wait3A_2604, %dma_wait3A_2606, %dma_wait3A_2607] : memref<8x200x64xf32, #tpu.memory_space<vmem>> -> memref<1x200x64xf32, #tpu.memory_space<vmem>>
        %dma_wait3A_2609 = tpu.memref_squeeze %dma_wait3A_2608 : memref<1x200x64xf32, #tpu.memory_space<vmem>> -> memref<200x64xf32, #tpu.memory_space<vmem>>
        %dma_wait3A_2610 = arith.constant 150 : i32
        %dma_wait3A_2611 = arith.constant 0 : i32
        %dma_wait3A_2612 = tpu.memref_slice %dma_wait3A_2609[%dma_wait3A_2610, %dma_wait3A_2611] : memref<200x64xf32, #tpu.memory_space<vmem>> -> memref<50x64xf32, #tpu.memory_space<vmem>>
        %dma_wait3A_2613 = arith.constant 0 : i32
        %dma_wait3A_2614 = arith.constant 0 : i32
        %dma_wait3A_2615 = tpu.memref_slice %arg4[%add3A_2603, %dma_wait3A_2613, %dma_wait3A_2614] : memref<16384x50x64xf32, #tpu.memory_space<hbm>> -> memref<1x50x64xf32, #tpu.memory_space<hbm>>
        %dma_wait3A_2616 = tpu.memref_squeeze %dma_wait3A_2615 : memref<1x50x64xf32, #tpu.memory_space<hbm>> -> memref<50x64xf32, #tpu.memory_space<hbm>>
        %dma_wait3A_2617 = tpu.memref_slice %arg8[%dma_wait3A_2605] : memref<8x!tpu.dma_semaphore, #tpu.memory_space<semaphore_mem>> -> memref<1x!tpu.dma_semaphore, #tpu.memory_space<semaphore_mem>>
        %dma_wait3A_2618 = tpu.memref_squeeze %dma_wait3A_2617 : memref<1x!tpu.dma_semaphore, #tpu.memory_space<semaphore_mem>> -> memref<!tpu.dma_semaphore, #tpu.memory_space<semaphore_mem>>
        %dma_wait3A_2619 = arith.constant 0 : i32
        %dma_wait3A_2620 = arith.constant 0 : i32
        %dma_wait3A_2621 = tpu.memref_slice %arg4[%add3A_2603, %dma_wait3A_2619, %dma_wait3A_2620] : memref<16384x50x64xf32, #tpu.memory_space<hbm>> -> memref<1x50x64xf32, #tpu.memory_space<hbm>>
        %dma_wait3A_2622 = tpu.memref_squeeze %dma_wait3A_2621 : memref<1x50x64xf32, #tpu.memory_space<hbm>> -> memref<50x64xf32, #tpu.memory_space<hbm>>
        %dma_wait3A_2623 = arith.constant 0 : i32
        %dma_wait3A_2624 = arith.constant 0 : i32
        %dma_wait3A_2625 = tpu.memref_slice %arg6[%dma_wait3A_2604, %dma_wait3A_2623, %dma_wait3A_2624] : memref<8x200x64xf32, #tpu.memory_space<vmem>> -> memref<1x200x64xf32, #tpu.memory_space<vmem>>
        %dma_wait3A_2626 = tpu.memref_squeeze %dma_wait3A_2625 : memref<1x200x64xf32, #tpu.memory_space<vmem>> -> memref<200x64xf32, #tpu.memory_space<vmem>>
        %dma_wait3A_2627 = arith.constant 150 : i32
        %dma_wait3A_2628 = arith.constant 0 : i32
        %dma_wait3A_2629 = tpu.memref_slice %dma_wait3A_2626[%dma_wait3A_2627, %dma_wait3A_2628] : memref<200x64xf32, #tpu.memory_space<vmem>> -> memref<50x64xf32, #tpu.memory_space<vmem>>
        tpu.wait_dma2 semaphore(%dma_wait3A_2618 : memref<!tpu.dma_semaphore, #tpu.memory_space<semaphore_mem>>) src(%dma_wait3A_2629 : memref<50x64xf32, #tpu.memory_space<vmem>>) dst(%dma_wait3A_2622 : memref<50x64xf32, #tpu.memory_space<hbm>>)
        %add3A_2630 = arith.constant 8 : i32
        %add3A_2631 = arith.addi %mul3A_1077, %add3A_2630 : i32
        %add3A_2632 = arith.constant 2 : i32
        %add3A_2633 = arith.addi %add3A_2631, %add3A_2632 : i32
        %mul3A_2634 = arith.constant 200 : i32
        %mul3A_2635 = arith.muli %add3A_2633, %mul3A_2634 : i32
        %dma_start3A_2636 = arith.constant 2 : i32
        %dma_start3A_2637 = arith.constant 2 : i32
        %dma_start3A_2638 = arith.constant 0 : i32
        %dma_start3A_2639 = arith.constant 0 : i32
        %dma_start3A_2640 = tpu.memref_slice %arg6[%dma_start3A_2636, %dma_start3A_2638, %dma_start3A_2639] : memref<8x200x64xf32, #tpu.memory_space<vmem>> -> memref<1x200x64xf32, #tpu.memory_space<vmem>>
        %dma_start3A_2641 = tpu.memref_squeeze %dma_start3A_2640 : memref<1x200x64xf32, #tpu.memory_space<vmem>> -> memref<200x64xf32, #tpu.memory_space<vmem>>
        %dma_start3A_2642 = tpu.memref_slice %arg5[%mul3A_2635] : memref<25600xi32, #tpu.memory_space<vmem>> -> memref<200xi32, #tpu.memory_space<vmem>>
        %dma_start3A_2643 = arith.constant 0 : i32
        %dma_start3A_2644 = arith.constant 0 : i32
        %dma_start3A_2645 = tpu.memref_slice %arg3[%dma_start3A_2643, %dma_start3A_2644] : memref<1000000x64xf32, #tpu.memory_space<hbm>> -> memref<1000000x64xf32, #tpu.memory_space<hbm>>
        %dma_start3A_2646 = tpu.memref_slice %arg7[%dma_start3A_2637] : memref<8x!tpu.dma_semaphore, #tpu.memory_space<semaphore_mem>> -> memref<1x!tpu.dma_semaphore, #tpu.memory_space<semaphore_mem>>
        %dma_start3A_2647 = tpu.memref_squeeze %dma_start3A_2646 : memref<1x!tpu.dma_semaphore, #tpu.memory_space<semaphore_mem>> -> memref<!tpu.dma_semaphore, #tpu.memory_space<semaphore_mem>>
        tpu.enqueue_indirect_dma source(%dma_start3A_2645 : memref<1000000x64xf32, #tpu.memory_space<hbm>>) target(%dma_start3A_2641 : memref<200x64xf32, #tpu.memory_space<vmem>>) offsets(%dma_start3A_2642 : memref<200xi32, #tpu.memory_space<vmem>>) semaphore(%dma_start3A_2647 : memref<!tpu.dma_semaphore, #tpu.memory_space<semaphore_mem>>)
        %add3A_2648 = arith.constant 3 : i32
        %add3A_2649 = arith.addi %mul3A_1077, %add3A_2648 : i32
        %mul3A_2650 = arith.constant 4 : i32
        %mul3A_2651 = arith.muli %add3A_2649, %mul3A_2650 : i32
        %add3A_2652 = arith.addi %mul3A_4, %mul3A_2651 : i32
        %add3A_2653 = arith.constant 0 : i32
        %add3A_2654 = arith.addi %add3A_2652, %add3A_2653 : i32
        %dma_wait3A_2655 = arith.constant 3 : i32
        %dma_wait3A_2656 = arith.constant 3 : i32
        %dma_wait3A_2657 = arith.constant 0 : i32
        %dma_wait3A_2658 = arith.constant 0 : i32
        %dma_wait3A_2659 = tpu.memref_slice %arg6[%dma_wait3A_2655, %dma_wait3A_2657, %dma_wait3A_2658] : memref<8x200x64xf32, #tpu.memory_space<vmem>> -> memref<1x200x64xf32, #tpu.memory_space<vmem>>
        %dma_wait3A_2660 = tpu.memref_squeeze %dma_wait3A_2659 : memref<1x200x64xf32, #tpu.memory_space<vmem>> -> memref<200x64xf32, #tpu.memory_space<vmem>>
        %dma_wait3A_2661 = arith.constant 0 : i32
        %dma_wait3A_2662 = arith.constant 0 : i32
        %dma_wait3A_2663 = tpu.memref_slice %dma_wait3A_2660[%dma_wait3A_2661, %dma_wait3A_2662] : memref<200x64xf32, #tpu.memory_space<vmem>> -> memref<50x64xf32, #tpu.memory_space<vmem>>
        %dma_wait3A_2664 = arith.constant 0 : i32
        %dma_wait3A_2665 = arith.constant 0 : i32
        %dma_wait3A_2666 = tpu.memref_slice %arg4[%add3A_2654, %dma_wait3A_2664, %dma_wait3A_2665] : memref<16384x50x64xf32, #tpu.memory_space<hbm>> -> memref<1x50x64xf32, #tpu.memory_space<hbm>>
        %dma_wait3A_2667 = tpu.memref_squeeze %dma_wait3A_2666 : memref<1x50x64xf32, #tpu.memory_space<hbm>> -> memref<50x64xf32, #tpu.memory_space<hbm>>
        %dma_wait3A_2668 = tpu.memref_slice %arg8[%dma_wait3A_2656] : memref<8x!tpu.dma_semaphore, #tpu.memory_space<semaphore_mem>> -> memref<1x!tpu.dma_semaphore, #tpu.memory_space<semaphore_mem>>
        %dma_wait3A_2669 = tpu.memref_squeeze %dma_wait3A_2668 : memref<1x!tpu.dma_semaphore, #tpu.memory_space<semaphore_mem>> -> memref<!tpu.dma_semaphore, #tpu.memory_space<semaphore_mem>>
        %dma_wait3A_2670 = arith.constant 0 : i32
        %dma_wait3A_2671 = arith.constant 0 : i32
        %dma_wait3A_2672 = tpu.memref_slice %arg4[%add3A_2654, %dma_wait3A_2670, %dma_wait3A_2671] : memref<16384x50x64xf32, #tpu.memory_space<hbm>> -> memref<1x50x64xf32, #tpu.memory_space<hbm>>
        %dma_wait3A_2673 = tpu.memref_squeeze %dma_wait3A_2672 : memref<1x50x64xf32, #tpu.memory_space<hbm>> -> memref<50x64xf32, #tpu.memory_space<hbm>>
        %dma_wait3A_2674 = arith.constant 0 : i32
        %dma_wait3A_2675 = arith.constant 0 : i32
        %dma_wait3A_2676 = tpu.memref_slice %arg6[%dma_wait3A_2655, %dma_wait3A_2674, %dma_wait3A_2675] : memref<8x200x64xf32, #tpu.memory_space<vmem>> -> memref<1x200x64xf32, #tpu.memory_space<vmem>>
        %dma_wait3A_2677 = tpu.memref_squeeze %dma_wait3A_2676 : memref<1x200x64xf32, #tpu.memory_space<vmem>> -> memref<200x64xf32, #tpu.memory_space<vmem>>
        %dma_wait3A_2678 = arith.constant 0 : i32
        %dma_wait3A_2679 = arith.constant 0 : i32
        %dma_wait3A_2680 = tpu.memref_slice %dma_wait3A_2677[%dma_wait3A_2678, %dma_wait3A_2679] : memref<200x64xf32, #tpu.memory_space<vmem>> -> memref<50x64xf32, #tpu.memory_space<vmem>>
        tpu.wait_dma2 semaphore(%dma_wait3A_2669 : memref<!tpu.dma_semaphore, #tpu.memory_space<semaphore_mem>>) src(%dma_wait3A_2680 : memref<50x64xf32, #tpu.memory_space<vmem>>) dst(%dma_wait3A_2673 : memref<50x64xf32, #tpu.memory_space<hbm>>)
        %mul3A_2681 = arith.constant 4 : i32
        %mul3A_2682 = arith.muli %add3A_2649, %mul3A_2681 : i32
        %add3A_2683 = arith.addi %mul3A_4, %mul3A_2682 : i32
        %add3A_2684 = arith.constant 1 : i32
        %add3A_2685 = arith.addi %add3A_2683, %add3A_2684 : i32
        %dma_wait3A_2686 = arith.constant 3 : i32
        %dma_wait3A_2687 = arith.constant 3 : i32
        %dma_wait3A_2688 = arith.constant 0 : i32
        %dma_wait3A_2689 = arith.constant 0 : i32
        %dma_wait3A_2690 = tpu.memref_slice %arg6[%dma_wait3A_2686, %dma_wait3A_2688, %dma_wait3A_2689] : memref<8x200x64xf32, #tpu.memory_space<vmem>> -> memref<1x200x64xf32, #tpu.memory_space<vmem>>
        %dma_wait3A_2691 = tpu.memref_squeeze %dma_wait3A_2690 : memref<1x200x64xf32, #tpu.memory_space<vmem>> -> memref<200x64xf32, #tpu.memory_space<vmem>>
        %dma_wait3A_2692 = arith.constant 50 : i32
        %dma_wait3A_2693 = arith.constant 0 : i32
        %dma_wait3A_2694 = tpu.memref_slice %dma_wait3A_2691[%dma_wait3A_2692, %dma_wait3A_2693] : memref<200x64xf32, #tpu.memory_space<vmem>> -> memref<50x64xf32, #tpu.memory_space<vmem>>
        %dma_wait3A_2695 = arith.constant 0 : i32
        %dma_wait3A_2696 = arith.constant 0 : i32
        %dma_wait3A_2697 = tpu.memref_slice %arg4[%add3A_2685, %dma_wait3A_2695, %dma_wait3A_2696] : memref<16384x50x64xf32, #tpu.memory_space<hbm>> -> memref<1x50x64xf32, #tpu.memory_space<hbm>>
        %dma_wait3A_2698 = tpu.memref_squeeze %dma_wait3A_2697 : memref<1x50x64xf32, #tpu.memory_space<hbm>> -> memref<50x64xf32, #tpu.memory_space<hbm>>
        %dma_wait3A_2699 = tpu.memref_slice %arg8[%dma_wait3A_2687] : memref<8x!tpu.dma_semaphore, #tpu.memory_space<semaphore_mem>> -> memref<1x!tpu.dma_semaphore, #tpu.memory_space<semaphore_mem>>
        %dma_wait3A_2700 = tpu.memref_squeeze %dma_wait3A_2699 : memref<1x!tpu.dma_semaphore, #tpu.memory_space<semaphore_mem>> -> memref<!tpu.dma_semaphore, #tpu.memory_space<semaphore_mem>>
        %dma_wait3A_2701 = arith.constant 0 : i32
        %dma_wait3A_2702 = arith.constant 0 : i32
        %dma_wait3A_2703 = tpu.memref_slice %arg4[%add3A_2685, %dma_wait3A_2701, %dma_wait3A_2702] : memref<16384x50x64xf32, #tpu.memory_space<hbm>> -> memref<1x50x64xf32, #tpu.memory_space<hbm>>
        %dma_wait3A_2704 = tpu.memref_squeeze %dma_wait3A_2703 : memref<1x50x64xf32, #tpu.memory_space<hbm>> -> memref<50x64xf32, #tpu.memory_space<hbm>>
        %dma_wait3A_2705 = arith.constant 0 : i32
        %dma_wait3A_2706 = arith.constant 0 : i32
        %dma_wait3A_2707 = tpu.memref_slice %arg6[%dma_wait3A_2686, %dma_wait3A_2705, %dma_wait3A_2706] : memref<8x200x64xf32, #tpu.memory_space<vmem>> -> memref<1x200x64xf32, #tpu.memory_space<vmem>>
        %dma_wait3A_2708 = tpu.memref_squeeze %dma_wait3A_2707 : memref<1x200x64xf32, #tpu.memory_space<vmem>> -> memref<200x64xf32, #tpu.memory_space<vmem>>
        %dma_wait3A_2709 = arith.constant 50 : i32
        %dma_wait3A_2710 = arith.constant 0 : i32
        %dma_wait3A_2711 = tpu.memref_slice %dma_wait3A_2708[%dma_wait3A_2709, %dma_wait3A_2710] : memref<200x64xf32, #tpu.memory_space<vmem>> -> memref<50x64xf32, #tpu.memory_space<vmem>>
        tpu.wait_dma2 semaphore(%dma_wait3A_2700 : memref<!tpu.dma_semaphore, #tpu.memory_space<semaphore_mem>>) src(%dma_wait3A_2711 : memref<50x64xf32, #tpu.memory_space<vmem>>) dst(%dma_wait3A_2704 : memref<50x64xf32, #tpu.memory_space<hbm>>)
        %mul3A_2712 = arith.constant 4 : i32
        %mul3A_2713 = arith.muli %add3A_2649, %mul3A_2712 : i32
        %add3A_2714 = arith.addi %mul3A_4, %mul3A_2713 : i32
        %add3A_2715 = arith.constant 2 : i32
        %add3A_2716 = arith.addi %add3A_2714, %add3A_2715 : i32
        %dma_wait3A_2717 = arith.constant 3 : i32
        %dma_wait3A_2718 = arith.constant 3 : i32
        %dma_wait3A_2719 = arith.constant 0 : i32
        %dma_wait3A_2720 = arith.constant 0 : i32
        %dma_wait3A_2721 = tpu.memref_slice %arg6[%dma_wait3A_2717, %dma_wait3A_2719, %dma_wait3A_2720] : memref<8x200x64xf32, #tpu.memory_space<vmem>> -> memref<1x200x64xf32, #tpu.memory_space<vmem>>
        %dma_wait3A_2722 = tpu.memref_squeeze %dma_wait3A_2721 : memref<1x200x64xf32, #tpu.memory_space<vmem>> -> memref<200x64xf32, #tpu.memory_space<vmem>>
        %dma_wait3A_2723 = arith.constant 100 : i32
        %dma_wait3A_2724 = arith.constant 0 : i32
        %dma_wait3A_2725 = tpu.memref_slice %dma_wait3A_2722[%dma_wait3A_2723, %dma_wait3A_2724] : memref<200x64xf32, #tpu.memory_space<vmem>> -> memref<50x64xf32, #tpu.memory_space<vmem>>
        %dma_wait3A_2726 = arith.constant 0 : i32
        %dma_wait3A_2727 = arith.constant 0 : i32
        %dma_wait3A_2728 = tpu.memref_slice %arg4[%add3A_2716, %dma_wait3A_2726, %dma_wait3A_2727] : memref<16384x50x64xf32, #tpu.memory_space<hbm>> -> memref<1x50x64xf32, #tpu.memory_space<hbm>>
        %dma_wait3A_2729 = tpu.memref_squeeze %dma_wait3A_2728 : memref<1x50x64xf32, #tpu.memory_space<hbm>> -> memref<50x64xf32, #tpu.memory_space<hbm>>
        %dma_wait3A_2730 = tpu.memref_slice %arg8[%dma_wait3A_2718] : memref<8x!tpu.dma_semaphore, #tpu.memory_space<semaphore_mem>> -> memref<1x!tpu.dma_semaphore, #tpu.memory_space<semaphore_mem>>
        %dma_wait3A_2731 = tpu.memref_squeeze %dma_wait3A_2730 : memref<1x!tpu.dma_semaphore, #tpu.memory_space<semaphore_mem>> -> memref<!tpu.dma_semaphore, #tpu.memory_space<semaphore_mem>>
        %dma_wait3A_2732 = arith.constant 0 : i32
        %dma_wait3A_2733 = arith.constant 0 : i32
        %dma_wait3A_2734 = tpu.memref_slice %arg4[%add3A_2716, %dma_wait3A_2732, %dma_wait3A_2733] : memref<16384x50x64xf32, #tpu.memory_space<hbm>> -> memref<1x50x64xf32, #tpu.memory_space<hbm>>
        %dma_wait3A_2735 = tpu.memref_squeeze %dma_wait3A_2734 : memref<1x50x64xf32, #tpu.memory_space<hbm>> -> memref<50x64xf32, #tpu.memory_space<hbm>>
        %dma_wait3A_2736 = arith.constant 0 : i32
        %dma_wait3A_2737 = arith.constant 0 : i32
        %dma_wait3A_2738 = tpu.memref_slice %arg6[%dma_wait3A_2717, %dma_wait3A_2736, %dma_wait3A_2737] : memref<8x200x64xf32, #tpu.memory_space<vmem>> -> memref<1x200x64xf32, #tpu.memory_space<vmem>>
        %dma_wait3A_2739 = tpu.memref_squeeze %dma_wait3A_2738 : memref<1x200x64xf32, #tpu.memory_space<vmem>> -> memref<200x64xf32, #tpu.memory_space<vmem>>
        %dma_wait3A_2740 = arith.constant 100 : i32
        %dma_wait3A_2741 = arith.constant 0 : i32
        %dma_wait3A_2742 = tpu.memref_slice %dma_wait3A_2739[%dma_wait3A_2740, %dma_wait3A_2741] : memref<200x64xf32, #tpu.memory_space<vmem>> -> memref<50x64xf32, #tpu.memory_space<vmem>>
        tpu.wait_dma2 semaphore(%dma_wait3A_2731 : memref<!tpu.dma_semaphore, #tpu.memory_space<semaphore_mem>>) src(%dma_wait3A_2742 : memref<50x64xf32, #tpu.memory_space<vmem>>) dst(%dma_wait3A_2735 : memref<50x64xf32, #tpu.memory_space<hbm>>)
        %mul3A_2743 = arith.constant 4 : i32
        %mul3A_2744 = arith.muli %add3A_2649, %mul3A_2743 : i32
        %add3A_2745 = arith.addi %mul3A_4, %mul3A_2744 : i32
        %add3A_2746 = arith.constant 3 : i32
        %add3A_2747 = arith.addi %add3A_2745, %add3A_2746 : i32
        %dma_wait3A_2748 = arith.constant 3 : i32
        %dma_wait3A_2749 = arith.constant 3 : i32
        %dma_wait3A_2750 = arith.constant 0 : i32
        %dma_wait3A_2751 = arith.constant 0 : i32
        %dma_wait3A_2752 = tpu.memref_slice %arg6[%dma_wait3A_2748, %dma_wait3A_2750, %dma_wait3A_2751] : memref<8x200x64xf32, #tpu.memory_space<vmem>> -> memref<1x200x64xf32, #tpu.memory_space<vmem>>
        %dma_wait3A_2753 = tpu.memref_squeeze %dma_wait3A_2752 : memref<1x200x64xf32, #tpu.memory_space<vmem>> -> memref<200x64xf32, #tpu.memory_space<vmem>>
        %dma_wait3A_2754 = arith.constant 150 : i32
        %dma_wait3A_2755 = arith.constant 0 : i32
        %dma_wait3A_2756 = tpu.memref_slice %dma_wait3A_2753[%dma_wait3A_2754, %dma_wait3A_2755] : memref<200x64xf32, #tpu.memory_space<vmem>> -> memref<50x64xf32, #tpu.memory_space<vmem>>
        %dma_wait3A_2757 = arith.constant 0 : i32
        %dma_wait3A_2758 = arith.constant 0 : i32
        %dma_wait3A_2759 = tpu.memref_slice %arg4[%add3A_2747, %dma_wait3A_2757, %dma_wait3A_2758] : memref<16384x50x64xf32, #tpu.memory_space<hbm>> -> memref<1x50x64xf32, #tpu.memory_space<hbm>>
        %dma_wait3A_2760 = tpu.memref_squeeze %dma_wait3A_2759 : memref<1x50x64xf32, #tpu.memory_space<hbm>> -> memref<50x64xf32, #tpu.memory_space<hbm>>
        %dma_wait3A_2761 = tpu.memref_slice %arg8[%dma_wait3A_2749] : memref<8x!tpu.dma_semaphore, #tpu.memory_space<semaphore_mem>> -> memref<1x!tpu.dma_semaphore, #tpu.memory_space<semaphore_mem>>
        %dma_wait3A_2762 = tpu.memref_squeeze %dma_wait3A_2761 : memref<1x!tpu.dma_semaphore, #tpu.memory_space<semaphore_mem>> -> memref<!tpu.dma_semaphore, #tpu.memory_space<semaphore_mem>>
        %dma_wait3A_2763 = arith.constant 0 : i32
        %dma_wait3A_2764 = arith.constant 0 : i32
        %dma_wait3A_2765 = tpu.memref_slice %arg4[%add3A_2747, %dma_wait3A_2763, %dma_wait3A_2764] : memref<16384x50x64xf32, #tpu.memory_space<hbm>> -> memref<1x50x64xf32, #tpu.memory_space<hbm>>
        %dma_wait3A_2766 = tpu.memref_squeeze %dma_wait3A_2765 : memref<1x50x64xf32, #tpu.memory_space<hbm>> -> memref<50x64xf32, #tpu.memory_space<hbm>>
        %dma_wait3A_2767 = arith.constant 0 : i32
        %dma_wait3A_2768 = arith.constant 0 : i32
        %dma_wait3A_2769 = tpu.memref_slice %arg6[%dma_wait3A_2748, %dma_wait3A_2767, %dma_wait3A_2768] : memref<8x200x64xf32, #tpu.memory_space<vmem>> -> memref<1x200x64xf32, #tpu.memory_space<vmem>>
        %dma_wait3A_2770 = tpu.memref_squeeze %dma_wait3A_2769 : memref<1x200x64xf32, #tpu.memory_space<vmem>> -> memref<200x64xf32, #tpu.memory_space<vmem>>
        %dma_wait3A_2771 = arith.constant 150 : i32
        %dma_wait3A_2772 = arith.constant 0 : i32
        %dma_wait3A_2773 = tpu.memref_slice %dma_wait3A_2770[%dma_wait3A_2771, %dma_wait3A_2772] : memref<200x64xf32, #tpu.memory_space<vmem>> -> memref<50x64xf32, #tpu.memory_space<vmem>>
        tpu.wait_dma2 semaphore(%dma_wait3A_2762 : memref<!tpu.dma_semaphore, #tpu.memory_space<semaphore_mem>>) src(%dma_wait3A_2773 : memref<50x64xf32, #tpu.memory_space<vmem>>) dst(%dma_wait3A_2766 : memref<50x64xf32, #tpu.memory_space<hbm>>)
        %add3A_2774 = arith.constant 8 : i32
        %add3A_2775 = arith.addi %mul3A_1077, %add3A_2774 : i32
        %add3A_2776 = arith.constant 3 : i32
        %add3A_2777 = arith.addi %add3A_2775, %add3A_2776 : i32
        %mul3A_2778 = arith.constant 200 : i32
        %mul3A_2779 = arith.muli %add3A_2777, %mul3A_2778 : i32
        %dma_start3A_2780 = arith.constant 3 : i32
        %dma_start3A_2781 = arith.constant 3 : i32
        %dma_start3A_2782 = arith.constant 0 : i32
        %dma_start3A_2783 = arith.constant 0 : i32
        %dma_start3A_2784 = tpu.memref_slice %arg6[%dma_start3A_2780, %dma_start3A_2782, %dma_start3A_2783] : memref<8x200x64xf32, #tpu.memory_space<vmem>> -> memref<1x200x64xf32, #tpu.memory_space<vmem>>
        %dma_start3A_2785 = tpu.memref_squeeze %dma_start3A_2784 : memref<1x200x64xf32, #tpu.memory_space<vmem>> -> memref<200x64xf32, #tpu.memory_space<vmem>>
        %dma_start3A_2786 = tpu.memref_slice %arg5[%mul3A_2779] : memref<25600xi32, #tpu.memory_space<vmem>> -> memref<200xi32, #tpu.memory_space<vmem>>
        %dma_start3A_2787 = arith.constant 0 : i32
        %dma_start3A_2788 = arith.constant 0 : i32
        %dma_start3A_2789 = tpu.memref_slice %arg3[%dma_start3A_2787, %dma_start3A_2788] : memref<1000000x64xf32, #tpu.memory_space<hbm>> -> memref<1000000x64xf32, #tpu.memory_space<hbm>>
        %dma_start3A_2790 = tpu.memref_slice %arg7[%dma_start3A_2781] : memref<8x!tpu.dma_semaphore, #tpu.memory_space<semaphore_mem>> -> memref<1x!tpu.dma_semaphore, #tpu.memory_space<semaphore_mem>>
        %dma_start3A_2791 = tpu.memref_squeeze %dma_start3A_2790 : memref<1x!tpu.dma_semaphore, #tpu.memory_space<semaphore_mem>> -> memref<!tpu.dma_semaphore, #tpu.memory_space<semaphore_mem>>
        tpu.enqueue_indirect_dma source(%dma_start3A_2789 : memref<1000000x64xf32, #tpu.memory_space<hbm>>) target(%dma_start3A_2785 : memref<200x64xf32, #tpu.memory_space<vmem>>) offsets(%dma_start3A_2786 : memref<200xi32, #tpu.memory_space<vmem>>) semaphore(%dma_start3A_2791 : memref<!tpu.dma_semaphore, #tpu.memory_space<semaphore_mem>>)
        %add3A_2792 = arith.constant 4 : i32
        %add3A_2793 = arith.addi %mul3A_1077, %add3A_2792 : i32
        %mul3A_2794 = arith.constant 4 : i32
        %mul3A_2795 = arith.muli %add3A_2793, %mul3A_2794 : i32
        %add3A_2796 = arith.addi %mul3A_4, %mul3A_2795 : i32
        %add3A_2797 = arith.constant 0 : i32
        %add3A_2798 = arith.addi %add3A_2796, %add3A_2797 : i32
        %dma_wait3A_2799 = arith.constant 4 : i32
        %dma_wait3A_2800 = arith.constant 4 : i32
        %dma_wait3A_2801 = arith.constant 0 : i32
        %dma_wait3A_2802 = arith.constant 0 : i32
        %dma_wait3A_2803 = tpu.memref_slice %arg6[%dma_wait3A_2799, %dma_wait3A_2801, %dma_wait3A_2802] : memref<8x200x64xf32, #tpu.memory_space<vmem>> -> memref<1x200x64xf32, #tpu.memory_space<vmem>>
        %dma_wait3A_2804 = tpu.memref_squeeze %dma_wait3A_2803 : memref<1x200x64xf32, #tpu.memory_space<vmem>> -> memref<200x64xf32, #tpu.memory_space<vmem>>
        %dma_wait3A_2805 = arith.constant 0 : i32
        %dma_wait3A_2806 = arith.constant 0 : i32
        %dma_wait3A_2807 = tpu.memref_slice %dma_wait3A_2804[%dma_wait3A_2805, %dma_wait3A_2806] : memref<200x64xf32, #tpu.memory_space<vmem>> -> memref<50x64xf32, #tpu.memory_space<vmem>>
        %dma_wait3A_2808 = arith.constant 0 : i32
        %dma_wait3A_2809 = arith.constant 0 : i32
        %dma_wait3A_2810 = tpu.memref_slice %arg4[%add3A_2798, %dma_wait3A_2808, %dma_wait3A_2809] : memref<16384x50x64xf32, #tpu.memory_space<hbm>> -> memref<1x50x64xf32, #tpu.memory_space<hbm>>
        %dma_wait3A_2811 = tpu.memref_squeeze %dma_wait3A_2810 : memref<1x50x64xf32, #tpu.memory_space<hbm>> -> memref<50x64xf32, #tpu.memory_space<hbm>>
        %dma_wait3A_2812 = tpu.memref_slice %arg8[%dma_wait3A_2800] : memref<8x!tpu.dma_semaphore, #tpu.memory_space<semaphore_mem>> -> memref<1x!tpu.dma_semaphore, #tpu.memory_space<semaphore_mem>>
        %dma_wait3A_2813 = tpu.memref_squeeze %dma_wait3A_2812 : memref<1x!tpu.dma_semaphore, #tpu.memory_space<semaphore_mem>> -> memref<!tpu.dma_semaphore, #tpu.memory_space<semaphore_mem>>
        %dma_wait3A_2814 = arith.constant 0 : i32
        %dma_wait3A_2815 = arith.constant 0 : i32
        %dma_wait3A_2816 = tpu.memref_slice %arg4[%add3A_2798, %dma_wait3A_2814, %dma_wait3A_2815] : memref<16384x50x64xf32, #tpu.memory_space<hbm>> -> memref<1x50x64xf32, #tpu.memory_space<hbm>>
        %dma_wait3A_2817 = tpu.memref_squeeze %dma_wait3A_2816 : memref<1x50x64xf32, #tpu.memory_space<hbm>> -> memref<50x64xf32, #tpu.memory_space<hbm>>
        %dma_wait3A_2818 = arith.constant 0 : i32
        %dma_wait3A_2819 = arith.constant 0 : i32
        %dma_wait3A_2820 = tpu.memref_slice %arg6[%dma_wait3A_2799, %dma_wait3A_2818, %dma_wait3A_2819] : memref<8x200x64xf32, #tpu.memory_space<vmem>> -> memref<1x200x64xf32, #tpu.memory_space<vmem>>
        %dma_wait3A_2821 = tpu.memref_squeeze %dma_wait3A_2820 : memref<1x200x64xf32, #tpu.memory_space<vmem>> -> memref<200x64xf32, #tpu.memory_space<vmem>>
        %dma_wait3A_2822 = arith.constant 0 : i32
        %dma_wait3A_2823 = arith.constant 0 : i32
        %dma_wait3A_2824 = tpu.memref_slice %dma_wait3A_2821[%dma_wait3A_2822, %dma_wait3A_2823] : memref<200x64xf32, #tpu.memory_space<vmem>> -> memref<50x64xf32, #tpu.memory_space<vmem>>
        tpu.wait_dma2 semaphore(%dma_wait3A_2813 : memref<!tpu.dma_semaphore, #tpu.memory_space<semaphore_mem>>) src(%dma_wait3A_2824 : memref<50x64xf32, #tpu.memory_space<vmem>>) dst(%dma_wait3A_2817 : memref<50x64xf32, #tpu.memory_space<hbm>>)
        %mul3A_2825 = arith.constant 4 : i32
        %mul3A_2826 = arith.muli %add3A_2793, %mul3A_2825 : i32
        %add3A_2827 = arith.addi %mul3A_4, %mul3A_2826 : i32
        %add3A_2828 = arith.constant 1 : i32
        %add3A_2829 = arith.addi %add3A_2827, %add3A_2828 : i32
        %dma_wait3A_2830 = arith.constant 4 : i32
        %dma_wait3A_2831 = arith.constant 4 : i32
        %dma_wait3A_2832 = arith.constant 0 : i32
        %dma_wait3A_2833 = arith.constant 0 : i32
        %dma_wait3A_2834 = tpu.memref_slice %arg6[%dma_wait3A_2830, %dma_wait3A_2832, %dma_wait3A_2833] : memref<8x200x64xf32, #tpu.memory_space<vmem>> -> memref<1x200x64xf32, #tpu.memory_space<vmem>>
        %dma_wait3A_2835 = tpu.memref_squeeze %dma_wait3A_2834 : memref<1x200x64xf32, #tpu.memory_space<vmem>> -> memref<200x64xf32, #tpu.memory_space<vmem>>
        %dma_wait3A_2836 = arith.constant 50 : i32
        %dma_wait3A_2837 = arith.constant 0 : i32
        %dma_wait3A_2838 = tpu.memref_slice %dma_wait3A_2835[%dma_wait3A_2836, %dma_wait3A_2837] : memref<200x64xf32, #tpu.memory_space<vmem>> -> memref<50x64xf32, #tpu.memory_space<vmem>>
        %dma_wait3A_2839 = arith.constant 0 : i32
        %dma_wait3A_2840 = arith.constant 0 : i32
        %dma_wait3A_2841 = tpu.memref_slice %arg4[%add3A_2829, %dma_wait3A_2839, %dma_wait3A_2840] : memref<16384x50x64xf32, #tpu.memory_space<hbm>> -> memref<1x50x64xf32, #tpu.memory_space<hbm>>
        %dma_wait3A_2842 = tpu.memref_squeeze %dma_wait3A_2841 : memref<1x50x64xf32, #tpu.memory_space<hbm>> -> memref<50x64xf32, #tpu.memory_space<hbm>>
        %dma_wait3A_2843 = tpu.memref_slice %arg8[%dma_wait3A_2831] : memref<8x!tpu.dma_semaphore, #tpu.memory_space<semaphore_mem>> -> memref<1x!tpu.dma_semaphore, #tpu.memory_space<semaphore_mem>>
        %dma_wait3A_2844 = tpu.memref_squeeze %dma_wait3A_2843 : memref<1x!tpu.dma_semaphore, #tpu.memory_space<semaphore_mem>> -> memref<!tpu.dma_semaphore, #tpu.memory_space<semaphore_mem>>
        %dma_wait3A_2845 = arith.constant 0 : i32
        %dma_wait3A_2846 = arith.constant 0 : i32
        %dma_wait3A_2847 = tpu.memref_slice %arg4[%add3A_2829, %dma_wait3A_2845, %dma_wait3A_2846] : memref<16384x50x64xf32, #tpu.memory_space<hbm>> -> memref<1x50x64xf32, #tpu.memory_space<hbm>>
        %dma_wait3A_2848 = tpu.memref_squeeze %dma_wait3A_2847 : memref<1x50x64xf32, #tpu.memory_space<hbm>> -> memref<50x64xf32, #tpu.memory_space<hbm>>
        %dma_wait3A_2849 = arith.constant 0 : i32
        %dma_wait3A_2850 = arith.constant 0 : i32
        %dma_wait3A_2851 = tpu.memref_slice %arg6[%dma_wait3A_2830, %dma_wait3A_2849, %dma_wait3A_2850] : memref<8x200x64xf32, #tpu.memory_space<vmem>> -> memref<1x200x64xf32, #tpu.memory_space<vmem>>
        %dma_wait3A_2852 = tpu.memref_squeeze %dma_wait3A_2851 : memref<1x200x64xf32, #tpu.memory_space<vmem>> -> memref<200x64xf32, #tpu.memory_space<vmem>>
        %dma_wait3A_2853 = arith.constant 50 : i32
        %dma_wait3A_2854 = arith.constant 0 : i32
        %dma_wait3A_2855 = tpu.memref_slice %dma_wait3A_2852[%dma_wait3A_2853, %dma_wait3A_2854] : memref<200x64xf32, #tpu.memory_space<vmem>> -> memref<50x64xf32, #tpu.memory_space<vmem>>
        tpu.wait_dma2 semaphore(%dma_wait3A_2844 : memref<!tpu.dma_semaphore, #tpu.memory_space<semaphore_mem>>) src(%dma_wait3A_2855 : memref<50x64xf32, #tpu.memory_space<vmem>>) dst(%dma_wait3A_2848 : memref<50x64xf32, #tpu.memory_space<hbm>>)
        %mul3A_2856 = arith.constant 4 : i32
        %mul3A_2857 = arith.muli %add3A_2793, %mul3A_2856 : i32
        %add3A_2858 = arith.addi %mul3A_4, %mul3A_2857 : i32
        %add3A_2859 = arith.constant 2 : i32
        %add3A_2860 = arith.addi %add3A_2858, %add3A_2859 : i32
        %dma_wait3A_2861 = arith.constant 4 : i32
        %dma_wait3A_2862 = arith.constant 4 : i32
        %dma_wait3A_2863 = arith.constant 0 : i32
        %dma_wait3A_2864 = arith.constant 0 : i32
        %dma_wait3A_2865 = tpu.memref_slice %arg6[%dma_wait3A_2861, %dma_wait3A_2863, %dma_wait3A_2864] : memref<8x200x64xf32, #tpu.memory_space<vmem>> -> memref<1x200x64xf32, #tpu.memory_space<vmem>>
        %dma_wait3A_2866 = tpu.memref_squeeze %dma_wait3A_2865 : memref<1x200x64xf32, #tpu.memory_space<vmem>> -> memref<200x64xf32, #tpu.memory_space<vmem>>
        %dma_wait3A_2867 = arith.constant 100 : i32
        %dma_wait3A_2868 = arith.constant 0 : i32
        %dma_wait3A_2869 = tpu.memref_slice %dma_wait3A_2866[%dma_wait3A_2867, %dma_wait3A_2868] : memref<200x64xf32, #tpu.memory_space<vmem>> -> memref<50x64xf32, #tpu.memory_space<vmem>>
        %dma_wait3A_2870 = arith.constant 0 : i32
        %dma_wait3A_2871 = arith.constant 0 : i32
        %dma_wait3A_2872 = tpu.memref_slice %arg4[%add3A_2860, %dma_wait3A_2870, %dma_wait3A_2871] : memref<16384x50x64xf32, #tpu.memory_space<hbm>> -> memref<1x50x64xf32, #tpu.memory_space<hbm>>
        %dma_wait3A_2873 = tpu.memref_squeeze %dma_wait3A_2872 : memref<1x50x64xf32, #tpu.memory_space<hbm>> -> memref<50x64xf32, #tpu.memory_space<hbm>>
        %dma_wait3A_2874 = tpu.memref_slice %arg8[%dma_wait3A_2862] : memref<8x!tpu.dma_semaphore, #tpu.memory_space<semaphore_mem>> -> memref<1x!tpu.dma_semaphore, #tpu.memory_space<semaphore_mem>>
        %dma_wait3A_2875 = tpu.memref_squeeze %dma_wait3A_2874 : memref<1x!tpu.dma_semaphore, #tpu.memory_space<semaphore_mem>> -> memref<!tpu.dma_semaphore, #tpu.memory_space<semaphore_mem>>
        %dma_wait3A_2876 = arith.constant 0 : i32
        %dma_wait3A_2877 = arith.constant 0 : i32
        %dma_wait3A_2878 = tpu.memref_slice %arg4[%add3A_2860, %dma_wait3A_2876, %dma_wait3A_2877] : memref<16384x50x64xf32, #tpu.memory_space<hbm>> -> memref<1x50x64xf32, #tpu.memory_space<hbm>>
        %dma_wait3A_2879 = tpu.memref_squeeze %dma_wait3A_2878 : memref<1x50x64xf32, #tpu.memory_space<hbm>> -> memref<50x64xf32, #tpu.memory_space<hbm>>
        %dma_wait3A_2880 = arith.constant 0 : i32
        %dma_wait3A_2881 = arith.constant 0 : i32
        %dma_wait3A_2882 = tpu.memref_slice %arg6[%dma_wait3A_2861, %dma_wait3A_2880, %dma_wait3A_2881] : memref<8x200x64xf32, #tpu.memory_space<vmem>> -> memref<1x200x64xf32, #tpu.memory_space<vmem>>
        %dma_wait3A_2883 = tpu.memref_squeeze %dma_wait3A_2882 : memref<1x200x64xf32, #tpu.memory_space<vmem>> -> memref<200x64xf32, #tpu.memory_space<vmem>>
        %dma_wait3A_2884 = arith.constant 100 : i32
        %dma_wait3A_2885 = arith.constant 0 : i32
        %dma_wait3A_2886 = tpu.memref_slice %dma_wait3A_2883[%dma_wait3A_2884, %dma_wait3A_2885] : memref<200x64xf32, #tpu.memory_space<vmem>> -> memref<50x64xf32, #tpu.memory_space<vmem>>
        tpu.wait_dma2 semaphore(%dma_wait3A_2875 : memref<!tpu.dma_semaphore, #tpu.memory_space<semaphore_mem>>) src(%dma_wait3A_2886 : memref<50x64xf32, #tpu.memory_space<vmem>>) dst(%dma_wait3A_2879 : memref<50x64xf32, #tpu.memory_space<hbm>>)
        %mul3A_2887 = arith.constant 4 : i32
        %mul3A_2888 = arith.muli %add3A_2793, %mul3A_2887 : i32
        %add3A_2889 = arith.addi %mul3A_4, %mul3A_2888 : i32
        %add3A_2890 = arith.constant 3 : i32
        %add3A_2891 = arith.addi %add3A_2889, %add3A_2890 : i32
        %dma_wait3A_2892 = arith.constant 4 : i32
        %dma_wait3A_2893 = arith.constant 4 : i32
        %dma_wait3A_2894 = arith.constant 0 : i32
        %dma_wait3A_2895 = arith.constant 0 : i32
        %dma_wait3A_2896 = tpu.memref_slice %arg6[%dma_wait3A_2892, %dma_wait3A_2894, %dma_wait3A_2895] : memref<8x200x64xf32, #tpu.memory_space<vmem>> -> memref<1x200x64xf32, #tpu.memory_space<vmem>>
        %dma_wait3A_2897 = tpu.memref_squeeze %dma_wait3A_2896 : memref<1x200x64xf32, #tpu.memory_space<vmem>> -> memref<200x64xf32, #tpu.memory_space<vmem>>
        %dma_wait3A_2898 = arith.constant 150 : i32
        %dma_wait3A_2899 = arith.constant 0 : i32
        %dma_wait3A_2900 = tpu.memref_slice %dma_wait3A_2897[%dma_wait3A_2898, %dma_wait3A_2899] : memref<200x64xf32, #tpu.memory_space<vmem>> -> memref<50x64xf32, #tpu.memory_space<vmem>>
        %dma_wait3A_2901 = arith.constant 0 : i32
        %dma_wait3A_2902 = arith.constant 0 : i32
        %dma_wait3A_2903 = tpu.memref_slice %arg4[%add3A_2891, %dma_wait3A_2901, %dma_wait3A_2902] : memref<16384x50x64xf32, #tpu.memory_space<hbm>> -> memref<1x50x64xf32, #tpu.memory_space<hbm>>
        %dma_wait3A_2904 = tpu.memref_squeeze %dma_wait3A_2903 : memref<1x50x64xf32, #tpu.memory_space<hbm>> -> memref<50x64xf32, #tpu.memory_space<hbm>>
        %dma_wait3A_2905 = tpu.memref_slice %arg8[%dma_wait3A_2893] : memref<8x!tpu.dma_semaphore, #tpu.memory_space<semaphore_mem>> -> memref<1x!tpu.dma_semaphore, #tpu.memory_space<semaphore_mem>>
        %dma_wait3A_2906 = tpu.memref_squeeze %dma_wait3A_2905 : memref<1x!tpu.dma_semaphore, #tpu.memory_space<semaphore_mem>> -> memref<!tpu.dma_semaphore, #tpu.memory_space<semaphore_mem>>
        %dma_wait3A_2907 = arith.constant 0 : i32
        %dma_wait3A_2908 = arith.constant 0 : i32
        %dma_wait3A_2909 = tpu.memref_slice %arg4[%add3A_2891, %dma_wait3A_2907, %dma_wait3A_2908] : memref<16384x50x64xf32, #tpu.memory_space<hbm>> -> memref<1x50x64xf32, #tpu.memory_space<hbm>>
        %dma_wait3A_2910 = tpu.memref_squeeze %dma_wait3A_2909 : memref<1x50x64xf32, #tpu.memory_space<hbm>> -> memref<50x64xf32, #tpu.memory_space<hbm>>
        %dma_wait3A_2911 = arith.constant 0 : i32
        %dma_wait3A_2912 = arith.constant 0 : i32
        %dma_wait3A_2913 = tpu.memref_slice %arg6[%dma_wait3A_2892, %dma_wait3A_2911, %dma_wait3A_2912] : memref<8x200x64xf32, #tpu.memory_space<vmem>> -> memref<1x200x64xf32, #tpu.memory_space<vmem>>
        %dma_wait3A_2914 = tpu.memref_squeeze %dma_wait3A_2913 : memref<1x200x64xf32, #tpu.memory_space<vmem>> -> memref<200x64xf32, #tpu.memory_space<vmem>>
        %dma_wait3A_2915 = arith.constant 150 : i32
        %dma_wait3A_2916 = arith.constant 0 : i32
        %dma_wait3A_2917 = tpu.memref_slice %dma_wait3A_2914[%dma_wait3A_2915, %dma_wait3A_2916] : memref<200x64xf32, #tpu.memory_space<vmem>> -> memref<50x64xf32, #tpu.memory_space<vmem>>
        tpu.wait_dma2 semaphore(%dma_wait3A_2906 : memref<!tpu.dma_semaphore, #tpu.memory_space<semaphore_mem>>) src(%dma_wait3A_2917 : memref<50x64xf32, #tpu.memory_space<vmem>>) dst(%dma_wait3A_2910 : memref<50x64xf32, #tpu.memory_space<hbm>>)
        %add3A_2918 = arith.constant 8 : i32
        %add3A_2919 = arith.addi %mul3A_1077, %add3A_2918 : i32
        %add3A_2920 = arith.constant 4 : i32
        %add3A_2921 = arith.addi %add3A_2919, %add3A_2920 : i32
        %mul3A_2922 = arith.constant 200 : i32
        %mul3A_2923 = arith.muli %add3A_2921, %mul3A_2922 : i32
        %dma_start3A_2924 = arith.constant 4 : i32
        %dma_start3A_2925 = arith.constant 4 : i32
        %dma_start3A_2926 = arith.constant 0 : i32
        %dma_start3A_2927 = arith.constant 0 : i32
        %dma_start3A_2928 = tpu.memref_slice %arg6[%dma_start3A_2924, %dma_start3A_2926, %dma_start3A_2927] : memref<8x200x64xf32, #tpu.memory_space<vmem>> -> memref<1x200x64xf32, #tpu.memory_space<vmem>>
        %dma_start3A_2929 = tpu.memref_squeeze %dma_start3A_2928 : memref<1x200x64xf32, #tpu.memory_space<vmem>> -> memref<200x64xf32, #tpu.memory_space<vmem>>
        %dma_start3A_2930 = tpu.memref_slice %arg5[%mul3A_2923] : memref<25600xi32, #tpu.memory_space<vmem>> -> memref<200xi32, #tpu.memory_space<vmem>>
        %dma_start3A_2931 = arith.constant 0 : i32
        %dma_start3A_2932 = arith.constant 0 : i32
        %dma_start3A_2933 = tpu.memref_slice %arg3[%dma_start3A_2931, %dma_start3A_2932] : memref<1000000x64xf32, #tpu.memory_space<hbm>> -> memref<1000000x64xf32, #tpu.memory_space<hbm>>
        %dma_start3A_2934 = tpu.memref_slice %arg7[%dma_start3A_2925] : memref<8x!tpu.dma_semaphore, #tpu.memory_space<semaphore_mem>> -> memref<1x!tpu.dma_semaphore, #tpu.memory_space<semaphore_mem>>
        %dma_start3A_2935 = tpu.memref_squeeze %dma_start3A_2934 : memref<1x!tpu.dma_semaphore, #tpu.memory_space<semaphore_mem>> -> memref<!tpu.dma_semaphore, #tpu.memory_space<semaphore_mem>>
        tpu.enqueue_indirect_dma source(%dma_start3A_2933 : memref<1000000x64xf32, #tpu.memory_space<hbm>>) target(%dma_start3A_2929 : memref<200x64xf32, #tpu.memory_space<vmem>>) offsets(%dma_start3A_2930 : memref<200xi32, #tpu.memory_space<vmem>>) semaphore(%dma_start3A_2935 : memref<!tpu.dma_semaphore, #tpu.memory_space<semaphore_mem>>)
        %add3A_2936 = arith.constant 5 : i32
        %add3A_2937 = arith.addi %mul3A_1077, %add3A_2936 : i32
        %mul3A_2938 = arith.constant 4 : i32
        %mul3A_2939 = arith.muli %add3A_2937, %mul3A_2938 : i32
        %add3A_2940 = arith.addi %mul3A_4, %mul3A_2939 : i32
        %add3A_2941 = arith.constant 0 : i32
        %add3A_2942 = arith.addi %add3A_2940, %add3A_2941 : i32
        %dma_wait3A_2943 = arith.constant 5 : i32
        %dma_wait3A_2944 = arith.constant 5 : i32
        %dma_wait3A_2945 = arith.constant 0 : i32
        %dma_wait3A_2946 = arith.constant 0 : i32
        %dma_wait3A_2947 = tpu.memref_slice %arg6[%dma_wait3A_2943, %dma_wait3A_2945, %dma_wait3A_2946] : memref<8x200x64xf32, #tpu.memory_space<vmem>> -> memref<1x200x64xf32, #tpu.memory_space<vmem>>
        %dma_wait3A_2948 = tpu.memref_squeeze %dma_wait3A_2947 : memref<1x200x64xf32, #tpu.memory_space<vmem>> -> memref<200x64xf32, #tpu.memory_space<vmem>>
        %dma_wait3A_2949 = arith.constant 0 : i32
        %dma_wait3A_2950 = arith.constant 0 : i32
        %dma_wait3A_2951 = tpu.memref_slice %dma_wait3A_2948[%dma_wait3A_2949, %dma_wait3A_2950] : memref<200x64xf32, #tpu.memory_space<vmem>> -> memref<50x64xf32, #tpu.memory_space<vmem>>
        %dma_wait3A_2952 = arith.constant 0 : i32
        %dma_wait3A_2953 = arith.constant 0 : i32
        %dma_wait3A_2954 = tpu.memref_slice %arg4[%add3A_2942, %dma_wait3A_2952, %dma_wait3A_2953] : memref<16384x50x64xf32, #tpu.memory_space<hbm>> -> memref<1x50x64xf32, #tpu.memory_space<hbm>>
        %dma_wait3A_2955 = tpu.memref_squeeze %dma_wait3A_2954 : memref<1x50x64xf32, #tpu.memory_space<hbm>> -> memref<50x64xf32, #tpu.memory_space<hbm>>
        %dma_wait3A_2956 = tpu.memref_slice %arg8[%dma_wait3A_2944] : memref<8x!tpu.dma_semaphore, #tpu.memory_space<semaphore_mem>> -> memref<1x!tpu.dma_semaphore, #tpu.memory_space<semaphore_mem>>
        %dma_wait3A_2957 = tpu.memref_squeeze %dma_wait3A_2956 : memref<1x!tpu.dma_semaphore, #tpu.memory_space<semaphore_mem>> -> memref<!tpu.dma_semaphore, #tpu.memory_space<semaphore_mem>>
        %dma_wait3A_2958 = arith.constant 0 : i32
        %dma_wait3A_2959 = arith.constant 0 : i32
        %dma_wait3A_2960 = tpu.memref_slice %arg4[%add3A_2942, %dma_wait3A_2958, %dma_wait3A_2959] : memref<16384x50x64xf32, #tpu.memory_space<hbm>> -> memref<1x50x64xf32, #tpu.memory_space<hbm>>
        %dma_wait3A_2961 = tpu.memref_squeeze %dma_wait3A_2960 : memref<1x50x64xf32, #tpu.memory_space<hbm>> -> memref<50x64xf32, #tpu.memory_space<hbm>>
        %dma_wait3A_2962 = arith.constant 0 : i32
        %dma_wait3A_2963 = arith.constant 0 : i32
        %dma_wait3A_2964 = tpu.memref_slice %arg6[%dma_wait3A_2943, %dma_wait3A_2962, %dma_wait3A_2963] : memref<8x200x64xf32, #tpu.memory_space<vmem>> -> memref<1x200x64xf32, #tpu.memory_space<vmem>>
        %dma_wait3A_2965 = tpu.memref_squeeze %dma_wait3A_2964 : memref<1x200x64xf32, #tpu.memory_space<vmem>> -> memref<200x64xf32, #tpu.memory_space<vmem>>
        %dma_wait3A_2966 = arith.constant 0 : i32
        %dma_wait3A_2967 = arith.constant 0 : i32
        %dma_wait3A_2968 = tpu.memref_slice %dma_wait3A_2965[%dma_wait3A_2966, %dma_wait3A_2967] : memref<200x64xf32, #tpu.memory_space<vmem>> -> memref<50x64xf32, #tpu.memory_space<vmem>>
        tpu.wait_dma2 semaphore(%dma_wait3A_2957 : memref<!tpu.dma_semaphore, #tpu.memory_space<semaphore_mem>>) src(%dma_wait3A_2968 : memref<50x64xf32, #tpu.memory_space<vmem>>) dst(%dma_wait3A_2961 : memref<50x64xf32, #tpu.memory_space<hbm>>)
        %mul3A_2969 = arith.constant 4 : i32
        %mul3A_2970 = arith.muli %add3A_2937, %mul3A_2969 : i32
        %add3A_2971 = arith.addi %mul3A_4, %mul3A_2970 : i32
        %add3A_2972 = arith.constant 1 : i32
        %add3A_2973 = arith.addi %add3A_2971, %add3A_2972 : i32
        %dma_wait3A_2974 = arith.constant 5 : i32
        %dma_wait3A_2975 = arith.constant 5 : i32
        %dma_wait3A_2976 = arith.constant 0 : i32
        %dma_wait3A_2977 = arith.constant 0 : i32
        %dma_wait3A_2978 = tpu.memref_slice %arg6[%dma_wait3A_2974, %dma_wait3A_2976, %dma_wait3A_2977] : memref<8x200x64xf32, #tpu.memory_space<vmem>> -> memref<1x200x64xf32, #tpu.memory_space<vmem>>
        %dma_wait3A_2979 = tpu.memref_squeeze %dma_wait3A_2978 : memref<1x200x64xf32, #tpu.memory_space<vmem>> -> memref<200x64xf32, #tpu.memory_space<vmem>>
        %dma_wait3A_2980 = arith.constant 50 : i32
        %dma_wait3A_2981 = arith.constant 0 : i32
        %dma_wait3A_2982 = tpu.memref_slice %dma_wait3A_2979[%dma_wait3A_2980, %dma_wait3A_2981] : memref<200x64xf32, #tpu.memory_space<vmem>> -> memref<50x64xf32, #tpu.memory_space<vmem>>
        %dma_wait3A_2983 = arith.constant 0 : i32
        %dma_wait3A_2984 = arith.constant 0 : i32
        %dma_wait3A_2985 = tpu.memref_slice %arg4[%add3A_2973, %dma_wait3A_2983, %dma_wait3A_2984] : memref<16384x50x64xf32, #tpu.memory_space<hbm>> -> memref<1x50x64xf32, #tpu.memory_space<hbm>>
        %dma_wait3A_2986 = tpu.memref_squeeze %dma_wait3A_2985 : memref<1x50x64xf32, #tpu.memory_space<hbm>> -> memref<50x64xf32, #tpu.memory_space<hbm>>
        %dma_wait3A_2987 = tpu.memref_slice %arg8[%dma_wait3A_2975] : memref<8x!tpu.dma_semaphore, #tpu.memory_space<semaphore_mem>> -> memref<1x!tpu.dma_semaphore, #tpu.memory_space<semaphore_mem>>
        %dma_wait3A_2988 = tpu.memref_squeeze %dma_wait3A_2987 : memref<1x!tpu.dma_semaphore, #tpu.memory_space<semaphore_mem>> -> memref<!tpu.dma_semaphore, #tpu.memory_space<semaphore_mem>>
        %dma_wait3A_2989 = arith.constant 0 : i32
        %dma_wait3A_2990 = arith.constant 0 : i32
        %dma_wait3A_2991 = tpu.memref_slice %arg4[%add3A_2973, %dma_wait3A_2989, %dma_wait3A_2990] : memref<16384x50x64xf32, #tpu.memory_space<hbm>> -> memref<1x50x64xf32, #tpu.memory_space<hbm>>
        %dma_wait3A_2992 = tpu.memref_squeeze %dma_wait3A_2991 : memref<1x50x64xf32, #tpu.memory_space<hbm>> -> memref<50x64xf32, #tpu.memory_space<hbm>>
        %dma_wait3A_2993 = arith.constant 0 : i32
        %dma_wait3A_2994 = arith.constant 0 : i32
        %dma_wait3A_2995 = tpu.memref_slice %arg6[%dma_wait3A_2974, %dma_wait3A_2993, %dma_wait3A_2994] : memref<8x200x64xf32, #tpu.memory_space<vmem>> -> memref<1x200x64xf32, #tpu.memory_space<vmem>>
        %dma_wait3A_2996 = tpu.memref_squeeze %dma_wait3A_2995 : memref<1x200x64xf32, #tpu.memory_space<vmem>> -> memref<200x64xf32, #tpu.memory_space<vmem>>
        %dma_wait3A_2997 = arith.constant 50 : i32
        %dma_wait3A_2998 = arith.constant 0 : i32
        %dma_wait3A_2999 = tpu.memref_slice %dma_wait3A_2996[%dma_wait3A_2997, %dma_wait3A_2998] : memref<200x64xf32, #tpu.memory_space<vmem>> -> memref<50x64xf32, #tpu.memory_space<vmem>>
        tpu.wait_dma2 semaphore(%dma_wait3A_2988 : memref<!tpu.dma_semaphore, #tpu.memory_space<semaphore_mem>>) src(%dma_wait3A_2999 : memref<50x64xf32, #tpu.memory_space<vmem>>) dst(%dma_wait3A_2992 : memref<50x64xf32, #tpu.memory_space<hbm>>)
        %mul3A_3000 = arith.constant 4 : i32
        %mul3A_3001 = arith.muli %add3A_2937, %mul3A_3000 : i32
        %add3A_3002 = arith.addi %mul3A_4, %mul3A_3001 : i32
        %add3A_3003 = arith.constant 2 : i32
        %add3A_3004 = arith.addi %add3A_3002, %add3A_3003 : i32
        %dma_wait3A_3005 = arith.constant 5 : i32
        %dma_wait3A_3006 = arith.constant 5 : i32
        %dma_wait3A_3007 = arith.constant 0 : i32
        %dma_wait3A_3008 = arith.constant 0 : i32
        %dma_wait3A_3009 = tpu.memref_slice %arg6[%dma_wait3A_3005, %dma_wait3A_3007, %dma_wait3A_3008] : memref<8x200x64xf32, #tpu.memory_space<vmem>> -> memref<1x200x64xf32, #tpu.memory_space<vmem>>
        %dma_wait3A_3010 = tpu.memref_squeeze %dma_wait3A_3009 : memref<1x200x64xf32, #tpu.memory_space<vmem>> -> memref<200x64xf32, #tpu.memory_space<vmem>>
        %dma_wait3A_3011 = arith.constant 100 : i32
        %dma_wait3A_3012 = arith.constant 0 : i32
        %dma_wait3A_3013 = tpu.memref_slice %dma_wait3A_3010[%dma_wait3A_3011, %dma_wait3A_3012] : memref<200x64xf32, #tpu.memory_space<vmem>> -> memref<50x64xf32, #tpu.memory_space<vmem>>
        %dma_wait3A_3014 = arith.constant 0 : i32
        %dma_wait3A_3015 = arith.constant 0 : i32
        %dma_wait3A_3016 = tpu.memref_slice %arg4[%add3A_3004, %dma_wait3A_3014, %dma_wait3A_3015] : memref<16384x50x64xf32, #tpu.memory_space<hbm>> -> memref<1x50x64xf32, #tpu.memory_space<hbm>>
        %dma_wait3A_3017 = tpu.memref_squeeze %dma_wait3A_3016 : memref<1x50x64xf32, #tpu.memory_space<hbm>> -> memref<50x64xf32, #tpu.memory_space<hbm>>
        %dma_wait3A_3018 = tpu.memref_slice %arg8[%dma_wait3A_3006] : memref<8x!tpu.dma_semaphore, #tpu.memory_space<semaphore_mem>> -> memref<1x!tpu.dma_semaphore, #tpu.memory_space<semaphore_mem>>
        %dma_wait3A_3019 = tpu.memref_squeeze %dma_wait3A_3018 : memref<1x!tpu.dma_semaphore, #tpu.memory_space<semaphore_mem>> -> memref<!tpu.dma_semaphore, #tpu.memory_space<semaphore_mem>>
        %dma_wait3A_3020 = arith.constant 0 : i32
        %dma_wait3A_3021 = arith.constant 0 : i32
        %dma_wait3A_3022 = tpu.memref_slice %arg4[%add3A_3004, %dma_wait3A_3020, %dma_wait3A_3021] : memref<16384x50x64xf32, #tpu.memory_space<hbm>> -> memref<1x50x64xf32, #tpu.memory_space<hbm>>
        %dma_wait3A_3023 = tpu.memref_squeeze %dma_wait3A_3022 : memref<1x50x64xf32, #tpu.memory_space<hbm>> -> memref<50x64xf32, #tpu.memory_space<hbm>>
        %dma_wait3A_3024 = arith.constant 0 : i32
        %dma_wait3A_3025 = arith.constant 0 : i32
        %dma_wait3A_3026 = tpu.memref_slice %arg6[%dma_wait3A_3005, %dma_wait3A_3024, %dma_wait3A_3025] : memref<8x200x64xf32, #tpu.memory_space<vmem>> -> memref<1x200x64xf32, #tpu.memory_space<vmem>>
        %dma_wait3A_3027 = tpu.memref_squeeze %dma_wait3A_3026 : memref<1x200x64xf32, #tpu.memory_space<vmem>> -> memref<200x64xf32, #tpu.memory_space<vmem>>
        %dma_wait3A_3028 = arith.constant 100 : i32
        %dma_wait3A_3029 = arith.constant 0 : i32
        %dma_wait3A_3030 = tpu.memref_slice %dma_wait3A_3027[%dma_wait3A_3028, %dma_wait3A_3029] : memref<200x64xf32, #tpu.memory_space<vmem>> -> memref<50x64xf32, #tpu.memory_space<vmem>>
        tpu.wait_dma2 semaphore(%dma_wait3A_3019 : memref<!tpu.dma_semaphore, #tpu.memory_space<semaphore_mem>>) src(%dma_wait3A_3030 : memref<50x64xf32, #tpu.memory_space<vmem>>) dst(%dma_wait3A_3023 : memref<50x64xf32, #tpu.memory_space<hbm>>)
        %mul3A_3031 = arith.constant 4 : i32
        %mul3A_3032 = arith.muli %add3A_2937, %mul3A_3031 : i32
        %add3A_3033 = arith.addi %mul3A_4, %mul3A_3032 : i32
        %add3A_3034 = arith.constant 3 : i32
        %add3A_3035 = arith.addi %add3A_3033, %add3A_3034 : i32
        %dma_wait3A_3036 = arith.constant 5 : i32
        %dma_wait3A_3037 = arith.constant 5 : i32
        %dma_wait3A_3038 = arith.constant 0 : i32
        %dma_wait3A_3039 = arith.constant 0 : i32
        %dma_wait3A_3040 = tpu.memref_slice %arg6[%dma_wait3A_3036, %dma_wait3A_3038, %dma_wait3A_3039] : memref<8x200x64xf32, #tpu.memory_space<vmem>> -> memref<1x200x64xf32, #tpu.memory_space<vmem>>
        %dma_wait3A_3041 = tpu.memref_squeeze %dma_wait3A_3040 : memref<1x200x64xf32, #tpu.memory_space<vmem>> -> memref<200x64xf32, #tpu.memory_space<vmem>>
        %dma_wait3A_3042 = arith.constant 150 : i32
        %dma_wait3A_3043 = arith.constant 0 : i32
        %dma_wait3A_3044 = tpu.memref_slice %dma_wait3A_3041[%dma_wait3A_3042, %dma_wait3A_3043] : memref<200x64xf32, #tpu.memory_space<vmem>> -> memref<50x64xf32, #tpu.memory_space<vmem>>
        %dma_wait3A_3045 = arith.constant 0 : i32
        %dma_wait3A_3046 = arith.constant 0 : i32
        %dma_wait3A_3047 = tpu.memref_slice %arg4[%add3A_3035, %dma_wait3A_3045, %dma_wait3A_3046] : memref<16384x50x64xf32, #tpu.memory_space<hbm>> -> memref<1x50x64xf32, #tpu.memory_space<hbm>>
        %dma_wait3A_3048 = tpu.memref_squeeze %dma_wait3A_3047 : memref<1x50x64xf32, #tpu.memory_space<hbm>> -> memref<50x64xf32, #tpu.memory_space<hbm>>
        %dma_wait3A_3049 = tpu.memref_slice %arg8[%dma_wait3A_3037] : memref<8x!tpu.dma_semaphore, #tpu.memory_space<semaphore_mem>> -> memref<1x!tpu.dma_semaphore, #tpu.memory_space<semaphore_mem>>
        %dma_wait3A_3050 = tpu.memref_squeeze %dma_wait3A_3049 : memref<1x!tpu.dma_semaphore, #tpu.memory_space<semaphore_mem>> -> memref<!tpu.dma_semaphore, #tpu.memory_space<semaphore_mem>>
        %dma_wait3A_3051 = arith.constant 0 : i32
        %dma_wait3A_3052 = arith.constant 0 : i32
        %dma_wait3A_3053 = tpu.memref_slice %arg4[%add3A_3035, %dma_wait3A_3051, %dma_wait3A_3052] : memref<16384x50x64xf32, #tpu.memory_space<hbm>> -> memref<1x50x64xf32, #tpu.memory_space<hbm>>
        %dma_wait3A_3054 = tpu.memref_squeeze %dma_wait3A_3053 : memref<1x50x64xf32, #tpu.memory_space<hbm>> -> memref<50x64xf32, #tpu.memory_space<hbm>>
        %dma_wait3A_3055 = arith.constant 0 : i32
        %dma_wait3A_3056 = arith.constant 0 : i32
        %dma_wait3A_3057 = tpu.memref_slice %arg6[%dma_wait3A_3036, %dma_wait3A_3055, %dma_wait3A_3056] : memref<8x200x64xf32, #tpu.memory_space<vmem>> -> memref<1x200x64xf32, #tpu.memory_space<vmem>>
        %dma_wait3A_3058 = tpu.memref_squeeze %dma_wait3A_3057 : memref<1x200x64xf32, #tpu.memory_space<vmem>> -> memref<200x64xf32, #tpu.memory_space<vmem>>
        %dma_wait3A_3059 = arith.constant 150 : i32
        %dma_wait3A_3060 = arith.constant 0 : i32
        %dma_wait3A_3061 = tpu.memref_slice %dma_wait3A_3058[%dma_wait3A_3059, %dma_wait3A_3060] : memref<200x64xf32, #tpu.memory_space<vmem>> -> memref<50x64xf32, #tpu.memory_space<vmem>>
        tpu.wait_dma2 semaphore(%dma_wait3A_3050 : memref<!tpu.dma_semaphore, #tpu.memory_space<semaphore_mem>>) src(%dma_wait3A_3061 : memref<50x64xf32, #tpu.memory_space<vmem>>) dst(%dma_wait3A_3054 : memref<50x64xf32, #tpu.memory_space<hbm>>)
        %add3A_3062 = arith.constant 8 : i32
        %add3A_3063 = arith.addi %mul3A_1077, %add3A_3062 : i32
        %add3A_3064 = arith.constant 5 : i32
        %add3A_3065 = arith.addi %add3A_3063, %add3A_3064 : i32
        %mul3A_3066 = arith.constant 200 : i32
        %mul3A_3067 = arith.muli %add3A_3065, %mul3A_3066 : i32
        %dma_start3A_3068 = arith.constant 5 : i32
        %dma_start3A_3069 = arith.constant 5 : i32
        %dma_start3A_3070 = arith.constant 0 : i32
        %dma_start3A_3071 = arith.constant 0 : i32
        %dma_start3A_3072 = tpu.memref_slice %arg6[%dma_start3A_3068, %dma_start3A_3070, %dma_start3A_3071] : memref<8x200x64xf32, #tpu.memory_space<vmem>> -> memref<1x200x64xf32, #tpu.memory_space<vmem>>
        %dma_start3A_3073 = tpu.memref_squeeze %dma_start3A_3072 : memref<1x200x64xf32, #tpu.memory_space<vmem>> -> memref<200x64xf32, #tpu.memory_space<vmem>>
        %dma_start3A_3074 = tpu.memref_slice %arg5[%mul3A_3067] : memref<25600xi32, #tpu.memory_space<vmem>> -> memref<200xi32, #tpu.memory_space<vmem>>
        %dma_start3A_3075 = arith.constant 0 : i32
        %dma_start3A_3076 = arith.constant 0 : i32
        %dma_start3A_3077 = tpu.memref_slice %arg3[%dma_start3A_3075, %dma_start3A_3076] : memref<1000000x64xf32, #tpu.memory_space<hbm>> -> memref<1000000x64xf32, #tpu.memory_space<hbm>>
        %dma_start3A_3078 = tpu.memref_slice %arg7[%dma_start3A_3069] : memref<8x!tpu.dma_semaphore, #tpu.memory_space<semaphore_mem>> -> memref<1x!tpu.dma_semaphore, #tpu.memory_space<semaphore_mem>>
        %dma_start3A_3079 = tpu.memref_squeeze %dma_start3A_3078 : memref<1x!tpu.dma_semaphore, #tpu.memory_space<semaphore_mem>> -> memref<!tpu.dma_semaphore, #tpu.memory_space<semaphore_mem>>
        tpu.enqueue_indirect_dma source(%dma_start3A_3077 : memref<1000000x64xf32, #tpu.memory_space<hbm>>) target(%dma_start3A_3073 : memref<200x64xf32, #tpu.memory_space<vmem>>) offsets(%dma_start3A_3074 : memref<200xi32, #tpu.memory_space<vmem>>) semaphore(%dma_start3A_3079 : memref<!tpu.dma_semaphore, #tpu.memory_space<semaphore_mem>>)
        %add3A_3080 = arith.constant 6 : i32
        %add3A_3081 = arith.addi %mul3A_1077, %add3A_3080 : i32
        %mul3A_3082 = arith.constant 4 : i32
        %mul3A_3083 = arith.muli %add3A_3081, %mul3A_3082 : i32
        %add3A_3084 = arith.addi %mul3A_4, %mul3A_3083 : i32
        %add3A_3085 = arith.constant 0 : i32
        %add3A_3086 = arith.addi %add3A_3084, %add3A_3085 : i32
        %dma_wait3A_3087 = arith.constant 6 : i32
        %dma_wait3A_3088 = arith.constant 6 : i32
        %dma_wait3A_3089 = arith.constant 0 : i32
        %dma_wait3A_3090 = arith.constant 0 : i32
        %dma_wait3A_3091 = tpu.memref_slice %arg6[%dma_wait3A_3087, %dma_wait3A_3089, %dma_wait3A_3090] : memref<8x200x64xf32, #tpu.memory_space<vmem>> -> memref<1x200x64xf32, #tpu.memory_space<vmem>>
        %dma_wait3A_3092 = tpu.memref_squeeze %dma_wait3A_3091 : memref<1x200x64xf32, #tpu.memory_space<vmem>> -> memref<200x64xf32, #tpu.memory_space<vmem>>
        %dma_wait3A_3093 = arith.constant 0 : i32
        %dma_wait3A_3094 = arith.constant 0 : i32
        %dma_wait3A_3095 = tpu.memref_slice %dma_wait3A_3092[%dma_wait3A_3093, %dma_wait3A_3094] : memref<200x64xf32, #tpu.memory_space<vmem>> -> memref<50x64xf32, #tpu.memory_space<vmem>>
        %dma_wait3A_3096 = arith.constant 0 : i32
        %dma_wait3A_3097 = arith.constant 0 : i32
        %dma_wait3A_3098 = tpu.memref_slice %arg4[%add3A_3086, %dma_wait3A_3096, %dma_wait3A_3097] : memref<16384x50x64xf32, #tpu.memory_space<hbm>> -> memref<1x50x64xf32, #tpu.memory_space<hbm>>
        %dma_wait3A_3099 = tpu.memref_squeeze %dma_wait3A_3098 : memref<1x50x64xf32, #tpu.memory_space<hbm>> -> memref<50x64xf32, #tpu.memory_space<hbm>>
        %dma_wait3A_3100 = tpu.memref_slice %arg8[%dma_wait3A_3088] : memref<8x!tpu.dma_semaphore, #tpu.memory_space<semaphore_mem>> -> memref<1x!tpu.dma_semaphore, #tpu.memory_space<semaphore_mem>>
        %dma_wait3A_3101 = tpu.memref_squeeze %dma_wait3A_3100 : memref<1x!tpu.dma_semaphore, #tpu.memory_space<semaphore_mem>> -> memref<!tpu.dma_semaphore, #tpu.memory_space<semaphore_mem>>
        %dma_wait3A_3102 = arith.constant 0 : i32
        %dma_wait3A_3103 = arith.constant 0 : i32
        %dma_wait3A_3104 = tpu.memref_slice %arg4[%add3A_3086, %dma_wait3A_3102, %dma_wait3A_3103] : memref<16384x50x64xf32, #tpu.memory_space<hbm>> -> memref<1x50x64xf32, #tpu.memory_space<hbm>>
        %dma_wait3A_3105 = tpu.memref_squeeze %dma_wait3A_3104 : memref<1x50x64xf32, #tpu.memory_space<hbm>> -> memref<50x64xf32, #tpu.memory_space<hbm>>
        %dma_wait3A_3106 = arith.constant 0 : i32
        %dma_wait3A_3107 = arith.constant 0 : i32
        %dma_wait3A_3108 = tpu.memref_slice %arg6[%dma_wait3A_3087, %dma_wait3A_3106, %dma_wait3A_3107] : memref<8x200x64xf32, #tpu.memory_space<vmem>> -> memref<1x200x64xf32, #tpu.memory_space<vmem>>
        %dma_wait3A_3109 = tpu.memref_squeeze %dma_wait3A_3108 : memref<1x200x64xf32, #tpu.memory_space<vmem>> -> memref<200x64xf32, #tpu.memory_space<vmem>>
        %dma_wait3A_3110 = arith.constant 0 : i32
        %dma_wait3A_3111 = arith.constant 0 : i32
        %dma_wait3A_3112 = tpu.memref_slice %dma_wait3A_3109[%dma_wait3A_3110, %dma_wait3A_3111] : memref<200x64xf32, #tpu.memory_space<vmem>> -> memref<50x64xf32, #tpu.memory_space<vmem>>
        tpu.wait_dma2 semaphore(%dma_wait3A_3101 : memref<!tpu.dma_semaphore, #tpu.memory_space<semaphore_mem>>) src(%dma_wait3A_3112 : memref<50x64xf32, #tpu.memory_space<vmem>>) dst(%dma_wait3A_3105 : memref<50x64xf32, #tpu.memory_space<hbm>>)
        %mul3A_3113 = arith.constant 4 : i32
        %mul3A_3114 = arith.muli %add3A_3081, %mul3A_3113 : i32
        %add3A_3115 = arith.addi %mul3A_4, %mul3A_3114 : i32
        %add3A_3116 = arith.constant 1 : i32
        %add3A_3117 = arith.addi %add3A_3115, %add3A_3116 : i32
        %dma_wait3A_3118 = arith.constant 6 : i32
        %dma_wait3A_3119 = arith.constant 6 : i32
        %dma_wait3A_3120 = arith.constant 0 : i32
        %dma_wait3A_3121 = arith.constant 0 : i32
        %dma_wait3A_3122 = tpu.memref_slice %arg6[%dma_wait3A_3118, %dma_wait3A_3120, %dma_wait3A_3121] : memref<8x200x64xf32, #tpu.memory_space<vmem>> -> memref<1x200x64xf32, #tpu.memory_space<vmem>>
        %dma_wait3A_3123 = tpu.memref_squeeze %dma_wait3A_3122 : memref<1x200x64xf32, #tpu.memory_space<vmem>> -> memref<200x64xf32, #tpu.memory_space<vmem>>
        %dma_wait3A_3124 = arith.constant 50 : i32
        %dma_wait3A_3125 = arith.constant 0 : i32
        %dma_wait3A_3126 = tpu.memref_slice %dma_wait3A_3123[%dma_wait3A_3124, %dma_wait3A_3125] : memref<200x64xf32, #tpu.memory_space<vmem>> -> memref<50x64xf32, #tpu.memory_space<vmem>>
        %dma_wait3A_3127 = arith.constant 0 : i32
        %dma_wait3A_3128 = arith.constant 0 : i32
        %dma_wait3A_3129 = tpu.memref_slice %arg4[%add3A_3117, %dma_wait3A_3127, %dma_wait3A_3128] : memref<16384x50x64xf32, #tpu.memory_space<hbm>> -> memref<1x50x64xf32, #tpu.memory_space<hbm>>
        %dma_wait3A_3130 = tpu.memref_squeeze %dma_wait3A_3129 : memref<1x50x64xf32, #tpu.memory_space<hbm>> -> memref<50x64xf32, #tpu.memory_space<hbm>>
        %dma_wait3A_3131 = tpu.memref_slice %arg8[%dma_wait3A_3119] : memref<8x!tpu.dma_semaphore, #tpu.memory_space<semaphore_mem>> -> memref<1x!tpu.dma_semaphore, #tpu.memory_space<semaphore_mem>>
        %dma_wait3A_3132 = tpu.memref_squeeze %dma_wait3A_3131 : memref<1x!tpu.dma_semaphore, #tpu.memory_space<semaphore_mem>> -> memref<!tpu.dma_semaphore, #tpu.memory_space<semaphore_mem>>
        %dma_wait3A_3133 = arith.constant 0 : i32
        %dma_wait3A_3134 = arith.constant 0 : i32
        %dma_wait3A_3135 = tpu.memref_slice %arg4[%add3A_3117, %dma_wait3A_3133, %dma_wait3A_3134] : memref<16384x50x64xf32, #tpu.memory_space<hbm>> -> memref<1x50x64xf32, #tpu.memory_space<hbm>>
        %dma_wait3A_3136 = tpu.memref_squeeze %dma_wait3A_3135 : memref<1x50x64xf32, #tpu.memory_space<hbm>> -> memref<50x64xf32, #tpu.memory_space<hbm>>
        %dma_wait3A_3137 = arith.constant 0 : i32
        %dma_wait3A_3138 = arith.constant 0 : i32
        %dma_wait3A_3139 = tpu.memref_slice %arg6[%dma_wait3A_3118, %dma_wait3A_3137, %dma_wait3A_3138] : memref<8x200x64xf32, #tpu.memory_space<vmem>> -> memref<1x200x64xf32, #tpu.memory_space<vmem>>
        %dma_wait3A_3140 = tpu.memref_squeeze %dma_wait3A_3139 : memref<1x200x64xf32, #tpu.memory_space<vmem>> -> memref<200x64xf32, #tpu.memory_space<vmem>>
        %dma_wait3A_3141 = arith.constant 50 : i32
        %dma_wait3A_3142 = arith.constant 0 : i32
        %dma_wait3A_3143 = tpu.memref_slice %dma_wait3A_3140[%dma_wait3A_3141, %dma_wait3A_3142] : memref<200x64xf32, #tpu.memory_space<vmem>> -> memref<50x64xf32, #tpu.memory_space<vmem>>
        tpu.wait_dma2 semaphore(%dma_wait3A_3132 : memref<!tpu.dma_semaphore, #tpu.memory_space<semaphore_mem>>) src(%dma_wait3A_3143 : memref<50x64xf32, #tpu.memory_space<vmem>>) dst(%dma_wait3A_3136 : memref<50x64xf32, #tpu.memory_space<hbm>>)
        %mul3A_3144 = arith.constant 4 : i32
        %mul3A_3145 = arith.muli %add3A_3081, %mul3A_3144 : i32
        %add3A_3146 = arith.addi %mul3A_4, %mul3A_3145 : i32
        %add3A_3147 = arith.constant 2 : i32
        %add3A_3148 = arith.addi %add3A_3146, %add3A_3147 : i32
        %dma_wait3A_3149 = arith.constant 6 : i32
        %dma_wait3A_3150 = arith.constant 6 : i32
        %dma_wait3A_3151 = arith.constant 0 : i32
        %dma_wait3A_3152 = arith.constant 0 : i32
        %dma_wait3A_3153 = tpu.memref_slice %arg6[%dma_wait3A_3149, %dma_wait3A_3151, %dma_wait3A_3152] : memref<8x200x64xf32, #tpu.memory_space<vmem>> -> memref<1x200x64xf32, #tpu.memory_space<vmem>>
        %dma_wait3A_3154 = tpu.memref_squeeze %dma_wait3A_3153 : memref<1x200x64xf32, #tpu.memory_space<vmem>> -> memref<200x64xf32, #tpu.memory_space<vmem>>
        %dma_wait3A_3155 = arith.constant 100 : i32
        %dma_wait3A_3156 = arith.constant 0 : i32
        %dma_wait3A_3157 = tpu.memref_slice %dma_wait3A_3154[%dma_wait3A_3155, %dma_wait3A_3156] : memref<200x64xf32, #tpu.memory_space<vmem>> -> memref<50x64xf32, #tpu.memory_space<vmem>>
        %dma_wait3A_3158 = arith.constant 0 : i32
        %dma_wait3A_3159 = arith.constant 0 : i32
        %dma_wait3A_3160 = tpu.memref_slice %arg4[%add3A_3148, %dma_wait3A_3158, %dma_wait3A_3159] : memref<16384x50x64xf32, #tpu.memory_space<hbm>> -> memref<1x50x64xf32, #tpu.memory_space<hbm>>
        %dma_wait3A_3161 = tpu.memref_squeeze %dma_wait3A_3160 : memref<1x50x64xf32, #tpu.memory_space<hbm>> -> memref<50x64xf32, #tpu.memory_space<hbm>>
        %dma_wait3A_3162 = tpu.memref_slice %arg8[%dma_wait3A_3150] : memref<8x!tpu.dma_semaphore, #tpu.memory_space<semaphore_mem>> -> memref<1x!tpu.dma_semaphore, #tpu.memory_space<semaphore_mem>>
        %dma_wait3A_3163 = tpu.memref_squeeze %dma_wait3A_3162 : memref<1x!tpu.dma_semaphore, #tpu.memory_space<semaphore_mem>> -> memref<!tpu.dma_semaphore, #tpu.memory_space<semaphore_mem>>
        %dma_wait3A_3164 = arith.constant 0 : i32
        %dma_wait3A_3165 = arith.constant 0 : i32
        %dma_wait3A_3166 = tpu.memref_slice %arg4[%add3A_3148, %dma_wait3A_3164, %dma_wait3A_3165] : memref<16384x50x64xf32, #tpu.memory_space<hbm>> -> memref<1x50x64xf32, #tpu.memory_space<hbm>>
        %dma_wait3A_3167 = tpu.memref_squeeze %dma_wait3A_3166 : memref<1x50x64xf32, #tpu.memory_space<hbm>> -> memref<50x64xf32, #tpu.memory_space<hbm>>
        %dma_wait3A_3168 = arith.constant 0 : i32
        %dma_wait3A_3169 = arith.constant 0 : i32
        %dma_wait3A_3170 = tpu.memref_slice %arg6[%dma_wait3A_3149, %dma_wait3A_3168, %dma_wait3A_3169] : memref<8x200x64xf32, #tpu.memory_space<vmem>> -> memref<1x200x64xf32, #tpu.memory_space<vmem>>
        %dma_wait3A_3171 = tpu.memref_squeeze %dma_wait3A_3170 : memref<1x200x64xf32, #tpu.memory_space<vmem>> -> memref<200x64xf32, #tpu.memory_space<vmem>>
        %dma_wait3A_3172 = arith.constant 100 : i32
        %dma_wait3A_3173 = arith.constant 0 : i32
        %dma_wait3A_3174 = tpu.memref_slice %dma_wait3A_3171[%dma_wait3A_3172, %dma_wait3A_3173] : memref<200x64xf32, #tpu.memory_space<vmem>> -> memref<50x64xf32, #tpu.memory_space<vmem>>
        tpu.wait_dma2 semaphore(%dma_wait3A_3163 : memref<!tpu.dma_semaphore, #tpu.memory_space<semaphore_mem>>) src(%dma_wait3A_3174 : memref<50x64xf32, #tpu.memory_space<vmem>>) dst(%dma_wait3A_3167 : memref<50x64xf32, #tpu.memory_space<hbm>>)
        %mul3A_3175 = arith.constant 4 : i32
        %mul3A_3176 = arith.muli %add3A_3081, %mul3A_3175 : i32
        %add3A_3177 = arith.addi %mul3A_4, %mul3A_3176 : i32
        %add3A_3178 = arith.constant 3 : i32
        %add3A_3179 = arith.addi %add3A_3177, %add3A_3178 : i32
        %dma_wait3A_3180 = arith.constant 6 : i32
        %dma_wait3A_3181 = arith.constant 6 : i32
        %dma_wait3A_3182 = arith.constant 0 : i32
        %dma_wait3A_3183 = arith.constant 0 : i32
        %dma_wait3A_3184 = tpu.memref_slice %arg6[%dma_wait3A_3180, %dma_wait3A_3182, %dma_wait3A_3183] : memref<8x200x64xf32, #tpu.memory_space<vmem>> -> memref<1x200x64xf32, #tpu.memory_space<vmem>>
        %dma_wait3A_3185 = tpu.memref_squeeze %dma_wait3A_3184 : memref<1x200x64xf32, #tpu.memory_space<vmem>> -> memref<200x64xf32, #tpu.memory_space<vmem>>
        %dma_wait3A_3186 = arith.constant 150 : i32
        %dma_wait3A_3187 = arith.constant 0 : i32
        %dma_wait3A_3188 = tpu.memref_slice %dma_wait3A_3185[%dma_wait3A_3186, %dma_wait3A_3187] : memref<200x64xf32, #tpu.memory_space<vmem>> -> memref<50x64xf32, #tpu.memory_space<vmem>>
        %dma_wait3A_3189 = arith.constant 0 : i32
        %dma_wait3A_3190 = arith.constant 0 : i32
        %dma_wait3A_3191 = tpu.memref_slice %arg4[%add3A_3179, %dma_wait3A_3189, %dma_wait3A_3190] : memref<16384x50x64xf32, #tpu.memory_space<hbm>> -> memref<1x50x64xf32, #tpu.memory_space<hbm>>
        %dma_wait3A_3192 = tpu.memref_squeeze %dma_wait3A_3191 : memref<1x50x64xf32, #tpu.memory_space<hbm>> -> memref<50x64xf32, #tpu.memory_space<hbm>>
        %dma_wait3A_3193 = tpu.memref_slice %arg8[%dma_wait3A_3181] : memref<8x!tpu.dma_semaphore, #tpu.memory_space<semaphore_mem>> -> memref<1x!tpu.dma_semaphore, #tpu.memory_space<semaphore_mem>>
        %dma_wait3A_3194 = tpu.memref_squeeze %dma_wait3A_3193 : memref<1x!tpu.dma_semaphore, #tpu.memory_space<semaphore_mem>> -> memref<!tpu.dma_semaphore, #tpu.memory_space<semaphore_mem>>
        %dma_wait3A_3195 = arith.constant 0 : i32
        %dma_wait3A_3196 = arith.constant 0 : i32
        %dma_wait3A_3197 = tpu.memref_slice %arg4[%add3A_3179, %dma_wait3A_3195, %dma_wait3A_3196] : memref<16384x50x64xf32, #tpu.memory_space<hbm>> -> memref<1x50x64xf32, #tpu.memory_space<hbm>>
        %dma_wait3A_3198 = tpu.memref_squeeze %dma_wait3A_3197 : memref<1x50x64xf32, #tpu.memory_space<hbm>> -> memref<50x64xf32, #tpu.memory_space<hbm>>
        %dma_wait3A_3199 = arith.constant 0 : i32
        %dma_wait3A_3200 = arith.constant 0 : i32
        %dma_wait3A_3201 = tpu.memref_slice %arg6[%dma_wait3A_3180, %dma_wait3A_3199, %dma_wait3A_3200] : memref<8x200x64xf32, #tpu.memory_space<vmem>> -> memref<1x200x64xf32, #tpu.memory_space<vmem>>
        %dma_wait3A_3202 = tpu.memref_squeeze %dma_wait3A_3201 : memref<1x200x64xf32, #tpu.memory_space<vmem>> -> memref<200x64xf32, #tpu.memory_space<vmem>>
        %dma_wait3A_3203 = arith.constant 150 : i32
        %dma_wait3A_3204 = arith.constant 0 : i32
        %dma_wait3A_3205 = tpu.memref_slice %dma_wait3A_3202[%dma_wait3A_3203, %dma_wait3A_3204] : memref<200x64xf32, #tpu.memory_space<vmem>> -> memref<50x64xf32, #tpu.memory_space<vmem>>
        tpu.wait_dma2 semaphore(%dma_wait3A_3194 : memref<!tpu.dma_semaphore, #tpu.memory_space<semaphore_mem>>) src(%dma_wait3A_3205 : memref<50x64xf32, #tpu.memory_space<vmem>>) dst(%dma_wait3A_3198 : memref<50x64xf32, #tpu.memory_space<hbm>>)
        %add3A_3206 = arith.constant 8 : i32
        %add3A_3207 = arith.addi %mul3A_1077, %add3A_3206 : i32
        %add3A_3208 = arith.constant 6 : i32
        %add3A_3209 = arith.addi %add3A_3207, %add3A_3208 : i32
        %mul3A_3210 = arith.constant 200 : i32
        %mul3A_3211 = arith.muli %add3A_3209, %mul3A_3210 : i32
        %dma_start3A_3212 = arith.constant 6 : i32
        %dma_start3A_3213 = arith.constant 6 : i32
        %dma_start3A_3214 = arith.constant 0 : i32
        %dma_start3A_3215 = arith.constant 0 : i32
        %dma_start3A_3216 = tpu.memref_slice %arg6[%dma_start3A_3212, %dma_start3A_3214, %dma_start3A_3215] : memref<8x200x64xf32, #tpu.memory_space<vmem>> -> memref<1x200x64xf32, #tpu.memory_space<vmem>>
        %dma_start3A_3217 = tpu.memref_squeeze %dma_start3A_3216 : memref<1x200x64xf32, #tpu.memory_space<vmem>> -> memref<200x64xf32, #tpu.memory_space<vmem>>
        %dma_start3A_3218 = tpu.memref_slice %arg5[%mul3A_3211] : memref<25600xi32, #tpu.memory_space<vmem>> -> memref<200xi32, #tpu.memory_space<vmem>>
        %dma_start3A_3219 = arith.constant 0 : i32
        %dma_start3A_3220 = arith.constant 0 : i32
        %dma_start3A_3221 = tpu.memref_slice %arg3[%dma_start3A_3219, %dma_start3A_3220] : memref<1000000x64xf32, #tpu.memory_space<hbm>> -> memref<1000000x64xf32, #tpu.memory_space<hbm>>
        %dma_start3A_3222 = tpu.memref_slice %arg7[%dma_start3A_3213] : memref<8x!tpu.dma_semaphore, #tpu.memory_space<semaphore_mem>> -> memref<1x!tpu.dma_semaphore, #tpu.memory_space<semaphore_mem>>
        %dma_start3A_3223 = tpu.memref_squeeze %dma_start3A_3222 : memref<1x!tpu.dma_semaphore, #tpu.memory_space<semaphore_mem>> -> memref<!tpu.dma_semaphore, #tpu.memory_space<semaphore_mem>>
        tpu.enqueue_indirect_dma source(%dma_start3A_3221 : memref<1000000x64xf32, #tpu.memory_space<hbm>>) target(%dma_start3A_3217 : memref<200x64xf32, #tpu.memory_space<vmem>>) offsets(%dma_start3A_3218 : memref<200xi32, #tpu.memory_space<vmem>>) semaphore(%dma_start3A_3223 : memref<!tpu.dma_semaphore, #tpu.memory_space<semaphore_mem>>)
        %add3A_3224 = arith.constant 7 : i32
        %add3A_3225 = arith.addi %mul3A_1077, %add3A_3224 : i32
        %mul3A_3226 = arith.constant 4 : i32
        %mul3A_3227 = arith.muli %add3A_3225, %mul3A_3226 : i32
        %add3A_3228 = arith.addi %mul3A_4, %mul3A_3227 : i32
        %add3A_3229 = arith.constant 0 : i32
        %add3A_3230 = arith.addi %add3A_3228, %add3A_3229 : i32
        %dma_wait3A_3231 = arith.constant 7 : i32
        %dma_wait3A_3232 = arith.constant 7 : i32
        %dma_wait3A_3233 = arith.constant 0 : i32
        %dma_wait3A_3234 = arith.constant 0 : i32
        %dma_wait3A_3235 = tpu.memref_slice %arg6[%dma_wait3A_3231, %dma_wait3A_3233, %dma_wait3A_3234] : memref<8x200x64xf32, #tpu.memory_space<vmem>> -> memref<1x200x64xf32, #tpu.memory_space<vmem>>
        %dma_wait3A_3236 = tpu.memref_squeeze %dma_wait3A_3235 : memref<1x200x64xf32, #tpu.memory_space<vmem>> -> memref<200x64xf32, #tpu.memory_space<vmem>>
        %dma_wait3A_3237 = arith.constant 0 : i32
        %dma_wait3A_3238 = arith.constant 0 : i32
        %dma_wait3A_3239 = tpu.memref_slice %dma_wait3A_3236[%dma_wait3A_3237, %dma_wait3A_3238] : memref<200x64xf32, #tpu.memory_space<vmem>> -> memref<50x64xf32, #tpu.memory_space<vmem>>
        %dma_wait3A_3240 = arith.constant 0 : i32
        %dma_wait3A_3241 = arith.constant 0 : i32
        %dma_wait3A_3242 = tpu.memref_slice %arg4[%add3A_3230, %dma_wait3A_3240, %dma_wait3A_3241] : memref<16384x50x64xf32, #tpu.memory_space<hbm>> -> memref<1x50x64xf32, #tpu.memory_space<hbm>>
        %dma_wait3A_3243 = tpu.memref_squeeze %dma_wait3A_3242 : memref<1x50x64xf32, #tpu.memory_space<hbm>> -> memref<50x64xf32, #tpu.memory_space<hbm>>
        %dma_wait3A_3244 = tpu.memref_slice %arg8[%dma_wait3A_3232] : memref<8x!tpu.dma_semaphore, #tpu.memory_space<semaphore_mem>> -> memref<1x!tpu.dma_semaphore, #tpu.memory_space<semaphore_mem>>
        %dma_wait3A_3245 = tpu.memref_squeeze %dma_wait3A_3244 : memref<1x!tpu.dma_semaphore, #tpu.memory_space<semaphore_mem>> -> memref<!tpu.dma_semaphore, #tpu.memory_space<semaphore_mem>>
        %dma_wait3A_3246 = arith.constant 0 : i32
        %dma_wait3A_3247 = arith.constant 0 : i32
        %dma_wait3A_3248 = tpu.memref_slice %arg4[%add3A_3230, %dma_wait3A_3246, %dma_wait3A_3247] : memref<16384x50x64xf32, #tpu.memory_space<hbm>> -> memref<1x50x64xf32, #tpu.memory_space<hbm>>
        %dma_wait3A_3249 = tpu.memref_squeeze %dma_wait3A_3248 : memref<1x50x64xf32, #tpu.memory_space<hbm>> -> memref<50x64xf32, #tpu.memory_space<hbm>>
        %dma_wait3A_3250 = arith.constant 0 : i32
        %dma_wait3A_3251 = arith.constant 0 : i32
        %dma_wait3A_3252 = tpu.memref_slice %arg6[%dma_wait3A_3231, %dma_wait3A_3250, %dma_wait3A_3251] : memref<8x200x64xf32, #tpu.memory_space<vmem>> -> memref<1x200x64xf32, #tpu.memory_space<vmem>>
        %dma_wait3A_3253 = tpu.memref_squeeze %dma_wait3A_3252 : memref<1x200x64xf32, #tpu.memory_space<vmem>> -> memref<200x64xf32, #tpu.memory_space<vmem>>
        %dma_wait3A_3254 = arith.constant 0 : i32
        %dma_wait3A_3255 = arith.constant 0 : i32
        %dma_wait3A_3256 = tpu.memref_slice %dma_wait3A_3253[%dma_wait3A_3254, %dma_wait3A_3255] : memref<200x64xf32, #tpu.memory_space<vmem>> -> memref<50x64xf32, #tpu.memory_space<vmem>>
        tpu.wait_dma2 semaphore(%dma_wait3A_3245 : memref<!tpu.dma_semaphore, #tpu.memory_space<semaphore_mem>>) src(%dma_wait3A_3256 : memref<50x64xf32, #tpu.memory_space<vmem>>) dst(%dma_wait3A_3249 : memref<50x64xf32, #tpu.memory_space<hbm>>)
        %mul3A_3257 = arith.constant 4 : i32
        %mul3A_3258 = arith.muli %add3A_3225, %mul3A_3257 : i32
        %add3A_3259 = arith.addi %mul3A_4, %mul3A_3258 : i32
        %add3A_3260 = arith.constant 1 : i32
        %add3A_3261 = arith.addi %add3A_3259, %add3A_3260 : i32
        %dma_wait3A_3262 = arith.constant 7 : i32
        %dma_wait3A_3263 = arith.constant 7 : i32
        %dma_wait3A_3264 = arith.constant 0 : i32
        %dma_wait3A_3265 = arith.constant 0 : i32
        %dma_wait3A_3266 = tpu.memref_slice %arg6[%dma_wait3A_3262, %dma_wait3A_3264, %dma_wait3A_3265] : memref<8x200x64xf32, #tpu.memory_space<vmem>> -> memref<1x200x64xf32, #tpu.memory_space<vmem>>
        %dma_wait3A_3267 = tpu.memref_squeeze %dma_wait3A_3266 : memref<1x200x64xf32, #tpu.memory_space<vmem>> -> memref<200x64xf32, #tpu.memory_space<vmem>>
        %dma_wait3A_3268 = arith.constant 50 : i32
        %dma_wait3A_3269 = arith.constant 0 : i32
        %dma_wait3A_3270 = tpu.memref_slice %dma_wait3A_3267[%dma_wait3A_3268, %dma_wait3A_3269] : memref<200x64xf32, #tpu.memory_space<vmem>> -> memref<50x64xf32, #tpu.memory_space<vmem>>
        %dma_wait3A_3271 = arith.constant 0 : i32
        %dma_wait3A_3272 = arith.constant 0 : i32
        %dma_wait3A_3273 = tpu.memref_slice %arg4[%add3A_3261, %dma_wait3A_3271, %dma_wait3A_3272] : memref<16384x50x64xf32, #tpu.memory_space<hbm>> -> memref<1x50x64xf32, #tpu.memory_space<hbm>>
        %dma_wait3A_3274 = tpu.memref_squeeze %dma_wait3A_3273 : memref<1x50x64xf32, #tpu.memory_space<hbm>> -> memref<50x64xf32, #tpu.memory_space<hbm>>
        %dma_wait3A_3275 = tpu.memref_slice %arg8[%dma_wait3A_3263] : memref<8x!tpu.dma_semaphore, #tpu.memory_space<semaphore_mem>> -> memref<1x!tpu.dma_semaphore, #tpu.memory_space<semaphore_mem>>
        %dma_wait3A_3276 = tpu.memref_squeeze %dma_wait3A_3275 : memref<1x!tpu.dma_semaphore, #tpu.memory_space<semaphore_mem>> -> memref<!tpu.dma_semaphore, #tpu.memory_space<semaphore_mem>>
        %dma_wait3A_3277 = arith.constant 0 : i32
        %dma_wait3A_3278 = arith.constant 0 : i32
        %dma_wait3A_3279 = tpu.memref_slice %arg4[%add3A_3261, %dma_wait3A_3277, %dma_wait3A_3278] : memref<16384x50x64xf32, #tpu.memory_space<hbm>> -> memref<1x50x64xf32, #tpu.memory_space<hbm>>
        %dma_wait3A_3280 = tpu.memref_squeeze %dma_wait3A_3279 : memref<1x50x64xf32, #tpu.memory_space<hbm>> -> memref<50x64xf32, #tpu.memory_space<hbm>>
        %dma_wait3A_3281 = arith.constant 0 : i32
        %dma_wait3A_3282 = arith.constant 0 : i32
        %dma_wait3A_3283 = tpu.memref_slice %arg6[%dma_wait3A_3262, %dma_wait3A_3281, %dma_wait3A_3282] : memref<8x200x64xf32, #tpu.memory_space<vmem>> -> memref<1x200x64xf32, #tpu.memory_space<vmem>>
        %dma_wait3A_3284 = tpu.memref_squeeze %dma_wait3A_3283 : memref<1x200x64xf32, #tpu.memory_space<vmem>> -> memref<200x64xf32, #tpu.memory_space<vmem>>
        %dma_wait3A_3285 = arith.constant 50 : i32
        %dma_wait3A_3286 = arith.constant 0 : i32
        %dma_wait3A_3287 = tpu.memref_slice %dma_wait3A_3284[%dma_wait3A_3285, %dma_wait3A_3286] : memref<200x64xf32, #tpu.memory_space<vmem>> -> memref<50x64xf32, #tpu.memory_space<vmem>>
        tpu.wait_dma2 semaphore(%dma_wait3A_3276 : memref<!tpu.dma_semaphore, #tpu.memory_space<semaphore_mem>>) src(%dma_wait3A_3287 : memref<50x64xf32, #tpu.memory_space<vmem>>) dst(%dma_wait3A_3280 : memref<50x64xf32, #tpu.memory_space<hbm>>)
        %mul3A_3288 = arith.constant 4 : i32
        %mul3A_3289 = arith.muli %add3A_3225, %mul3A_3288 : i32
        %add3A_3290 = arith.addi %mul3A_4, %mul3A_3289 : i32
        %add3A_3291 = arith.constant 2 : i32
        %add3A_3292 = arith.addi %add3A_3290, %add3A_3291 : i32
        %dma_wait3A_3293 = arith.constant 7 : i32
        %dma_wait3A_3294 = arith.constant 7 : i32
        %dma_wait3A_3295 = arith.constant 0 : i32
        %dma_wait3A_3296 = arith.constant 0 : i32
        %dma_wait3A_3297 = tpu.memref_slice %arg6[%dma_wait3A_3293, %dma_wait3A_3295, %dma_wait3A_3296] : memref<8x200x64xf32, #tpu.memory_space<vmem>> -> memref<1x200x64xf32, #tpu.memory_space<vmem>>
        %dma_wait3A_3298 = tpu.memref_squeeze %dma_wait3A_3297 : memref<1x200x64xf32, #tpu.memory_space<vmem>> -> memref<200x64xf32, #tpu.memory_space<vmem>>
        %dma_wait3A_3299 = arith.constant 100 : i32
        %dma_wait3A_3300 = arith.constant 0 : i32
        %dma_wait3A_3301 = tpu.memref_slice %dma_wait3A_3298[%dma_wait3A_3299, %dma_wait3A_3300] : memref<200x64xf32, #tpu.memory_space<vmem>> -> memref<50x64xf32, #tpu.memory_space<vmem>>
        %dma_wait3A_3302 = arith.constant 0 : i32
        %dma_wait3A_3303 = arith.constant 0 : i32
        %dma_wait3A_3304 = tpu.memref_slice %arg4[%add3A_3292, %dma_wait3A_3302, %dma_wait3A_3303] : memref<16384x50x64xf32, #tpu.memory_space<hbm>> -> memref<1x50x64xf32, #tpu.memory_space<hbm>>
        %dma_wait3A_3305 = tpu.memref_squeeze %dma_wait3A_3304 : memref<1x50x64xf32, #tpu.memory_space<hbm>> -> memref<50x64xf32, #tpu.memory_space<hbm>>
        %dma_wait3A_3306 = tpu.memref_slice %arg8[%dma_wait3A_3294] : memref<8x!tpu.dma_semaphore, #tpu.memory_space<semaphore_mem>> -> memref<1x!tpu.dma_semaphore, #tpu.memory_space<semaphore_mem>>
        %dma_wait3A_3307 = tpu.memref_squeeze %dma_wait3A_3306 : memref<1x!tpu.dma_semaphore, #tpu.memory_space<semaphore_mem>> -> memref<!tpu.dma_semaphore, #tpu.memory_space<semaphore_mem>>
        %dma_wait3A_3308 = arith.constant 0 : i32
        %dma_wait3A_3309 = arith.constant 0 : i32
        %dma_wait3A_3310 = tpu.memref_slice %arg4[%add3A_3292, %dma_wait3A_3308, %dma_wait3A_3309] : memref<16384x50x64xf32, #tpu.memory_space<hbm>> -> memref<1x50x64xf32, #tpu.memory_space<hbm>>
        %dma_wait3A_3311 = tpu.memref_squeeze %dma_wait3A_3310 : memref<1x50x64xf32, #tpu.memory_space<hbm>> -> memref<50x64xf32, #tpu.memory_space<hbm>>
        %dma_wait3A_3312 = arith.constant 0 : i32
        %dma_wait3A_3313 = arith.constant 0 : i32
        %dma_wait3A_3314 = tpu.memref_slice %arg6[%dma_wait3A_3293, %dma_wait3A_3312, %dma_wait3A_3313] : memref<8x200x64xf32, #tpu.memory_space<vmem>> -> memref<1x200x64xf32, #tpu.memory_space<vmem>>
        %dma_wait3A_3315 = tpu.memref_squeeze %dma_wait3A_3314 : memref<1x200x64xf32, #tpu.memory_space<vmem>> -> memref<200x64xf32, #tpu.memory_space<vmem>>
        %dma_wait3A_3316 = arith.constant 100 : i32
        %dma_wait3A_3317 = arith.constant 0 : i32
        %dma_wait3A_3318 = tpu.memref_slice %dma_wait3A_3315[%dma_wait3A_3316, %dma_wait3A_3317] : memref<200x64xf32, #tpu.memory_space<vmem>> -> memref<50x64xf32, #tpu.memory_space<vmem>>
        tpu.wait_dma2 semaphore(%dma_wait3A_3307 : memref<!tpu.dma_semaphore, #tpu.memory_space<semaphore_mem>>) src(%dma_wait3A_3318 : memref<50x64xf32, #tpu.memory_space<vmem>>) dst(%dma_wait3A_3311 : memref<50x64xf32, #tpu.memory_space<hbm>>)
        %mul3A_3319 = arith.constant 4 : i32
        %mul3A_3320 = arith.muli %add3A_3225, %mul3A_3319 : i32
        %add3A_3321 = arith.addi %mul3A_4, %mul3A_3320 : i32
        %add3A_3322 = arith.constant 3 : i32
        %add3A_3323 = arith.addi %add3A_3321, %add3A_3322 : i32
        %dma_wait3A_3324 = arith.constant 7 : i32
        %dma_wait3A_3325 = arith.constant 7 : i32
        %dma_wait3A_3326 = arith.constant 0 : i32
        %dma_wait3A_3327 = arith.constant 0 : i32
        %dma_wait3A_3328 = tpu.memref_slice %arg6[%dma_wait3A_3324, %dma_wait3A_3326, %dma_wait3A_3327] : memref<8x200x64xf32, #tpu.memory_space<vmem>> -> memref<1x200x64xf32, #tpu.memory_space<vmem>>
        %dma_wait3A_3329 = tpu.memref_squeeze %dma_wait3A_3328 : memref<1x200x64xf32, #tpu.memory_space<vmem>> -> memref<200x64xf32, #tpu.memory_space<vmem>>
        %dma_wait3A_3330 = arith.constant 150 : i32
        %dma_wait3A_3331 = arith.constant 0 : i32
        %dma_wait3A_3332 = tpu.memref_slice %dma_wait3A_3329[%dma_wait3A_3330, %dma_wait3A_3331] : memref<200x64xf32, #tpu.memory_space<vmem>> -> memref<50x64xf32, #tpu.memory_space<vmem>>
        %dma_wait3A_3333 = arith.constant 0 : i32
        %dma_wait3A_3334 = arith.constant 0 : i32
        %dma_wait3A_3335 = tpu.memref_slice %arg4[%add3A_3323, %dma_wait3A_3333, %dma_wait3A_3334] : memref<16384x50x64xf32, #tpu.memory_space<hbm>> -> memref<1x50x64xf32, #tpu.memory_space<hbm>>
        %dma_wait3A_3336 = tpu.memref_squeeze %dma_wait3A_3335 : memref<1x50x64xf32, #tpu.memory_space<hbm>> -> memref<50x64xf32, #tpu.memory_space<hbm>>
        %dma_wait3A_3337 = tpu.memref_slice %arg8[%dma_wait3A_3325] : memref<8x!tpu.dma_semaphore, #tpu.memory_space<semaphore_mem>> -> memref<1x!tpu.dma_semaphore, #tpu.memory_space<semaphore_mem>>
        %dma_wait3A_3338 = tpu.memref_squeeze %dma_wait3A_3337 : memref<1x!tpu.dma_semaphore, #tpu.memory_space<semaphore_mem>> -> memref<!tpu.dma_semaphore, #tpu.memory_space<semaphore_mem>>
        %dma_wait3A_3339 = arith.constant 0 : i32
        %dma_wait3A_3340 = arith.constant 0 : i32
        %dma_wait3A_3341 = tpu.memref_slice %arg4[%add3A_3323, %dma_wait3A_3339, %dma_wait3A_3340] : memref<16384x50x64xf32, #tpu.memory_space<hbm>> -> memref<1x50x64xf32, #tpu.memory_space<hbm>>
        %dma_wait3A_3342 = tpu.memref_squeeze %dma_wait3A_3341 : memref<1x50x64xf32, #tpu.memory_space<hbm>> -> memref<50x64xf32, #tpu.memory_space<hbm>>
        %dma_wait3A_3343 = arith.constant 0 : i32
        %dma_wait3A_3344 = arith.constant 0 : i32
        %dma_wait3A_3345 = tpu.memref_slice %arg6[%dma_wait3A_3324, %dma_wait3A_3343, %dma_wait3A_3344] : memref<8x200x64xf32, #tpu.memory_space<vmem>> -> memref<1x200x64xf32, #tpu.memory_space<vmem>>
        %dma_wait3A_3346 = tpu.memref_squeeze %dma_wait3A_3345 : memref<1x200x64xf32, #tpu.memory_space<vmem>> -> memref<200x64xf32, #tpu.memory_space<vmem>>
        %dma_wait3A_3347 = arith.constant 150 : i32
        %dma_wait3A_3348 = arith.constant 0 : i32
        %dma_wait3A_3349 = tpu.memref_slice %dma_wait3A_3346[%dma_wait3A_3347, %dma_wait3A_3348] : memref<200x64xf32, #tpu.memory_space<vmem>> -> memref<50x64xf32, #tpu.memory_space<vmem>>
        tpu.wait_dma2 semaphore(%dma_wait3A_3338 : memref<!tpu.dma_semaphore, #tpu.memory_space<semaphore_mem>>) src(%dma_wait3A_3349 : memref<50x64xf32, #tpu.memory_space<vmem>>) dst(%dma_wait3A_3342 : memref<50x64xf32, #tpu.memory_space<hbm>>)
        %add3A_3350 = arith.constant 8 : i32
        %add3A_3351 = arith.addi %mul3A_1077, %add3A_3350 : i32
        %add3A_3352 = arith.constant 7 : i32
        %add3A_3353 = arith.addi %add3A_3351, %add3A_3352 : i32
        %mul3A_3354 = arith.constant 200 : i32
        %mul3A_3355 = arith.muli %add3A_3353, %mul3A_3354 : i32
        %dma_start3A_3356 = arith.constant 7 : i32
        %dma_start3A_3357 = arith.constant 7 : i32
        %dma_start3A_3358 = arith.constant 0 : i32
        %dma_start3A_3359 = arith.constant 0 : i32
        %dma_start3A_3360 = tpu.memref_slice %arg6[%dma_start3A_3356, %dma_start3A_3358, %dma_start3A_3359] : memref<8x200x64xf32, #tpu.memory_space<vmem>> -> memref<1x200x64xf32, #tpu.memory_space<vmem>>
        %dma_start3A_3361 = tpu.memref_squeeze %dma_start3A_3360 : memref<1x200x64xf32, #tpu.memory_space<vmem>> -> memref<200x64xf32, #tpu.memory_space<vmem>>
        %dma_start3A_3362 = tpu.memref_slice %arg5[%mul3A_3355] : memref<25600xi32, #tpu.memory_space<vmem>> -> memref<200xi32, #tpu.memory_space<vmem>>
        %dma_start3A_3363 = arith.constant 0 : i32
        %dma_start3A_3364 = arith.constant 0 : i32
        %dma_start3A_3365 = tpu.memref_slice %arg3[%dma_start3A_3363, %dma_start3A_3364] : memref<1000000x64xf32, #tpu.memory_space<hbm>> -> memref<1000000x64xf32, #tpu.memory_space<hbm>>
        %dma_start3A_3366 = tpu.memref_slice %arg7[%dma_start3A_3357] : memref<8x!tpu.dma_semaphore, #tpu.memory_space<semaphore_mem>> -> memref<1x!tpu.dma_semaphore, #tpu.memory_space<semaphore_mem>>
        %dma_start3A_3367 = tpu.memref_squeeze %dma_start3A_3366 : memref<1x!tpu.dma_semaphore, #tpu.memory_space<semaphore_mem>> -> memref<!tpu.dma_semaphore, #tpu.memory_space<semaphore_mem>>
        tpu.enqueue_indirect_dma source(%dma_start3A_3365 : memref<1000000x64xf32, #tpu.memory_space<hbm>>) target(%dma_start3A_3361 : memref<200x64xf32, #tpu.memory_space<vmem>>) offsets(%dma_start3A_3362 : memref<200xi32, #tpu.memory_space<vmem>>) semaphore(%dma_start3A_3367 : memref<!tpu.dma_semaphore, #tpu.memory_space<semaphore_mem>>)
      } else {
      }
    }
    %scan3A_111 = arith.constant 16 : i32
    %add3A_112 = arith.constant 480 : i32
    %add3A_113 = arith.addi %mul3A_4, %add3A_112 : i32
    %add3A_114 = arith.constant 0 : i32
    %add3A_115 = arith.addi %add3A_113, %add3A_114 : i32
    %dma_wait3A = arith.constant 0 : i32
    %dma_wait3A_116 = arith.constant 0 : i32
    %dma_wait3A_117 = arith.constant 0 : i32
    %dma_wait3A_118 = arith.constant 0 : i32
    %dma_wait3A_119 = tpu.memref_slice %arg6[%dma_wait3A, %dma_wait3A_117, %dma_wait3A_118] : memref<8x200x64xf32, #tpu.memory_space<vmem>> -> memref<1x200x64xf32, #tpu.memory_space<vmem>>
    %dma_wait3A_120 = tpu.memref_squeeze %dma_wait3A_119 : memref<1x200x64xf32, #tpu.memory_space<vmem>> -> memref<200x64xf32, #tpu.memory_space<vmem>>
    %dma_wait3A_121 = arith.constant 0 : i32
    %dma_wait3A_122 = arith.constant 0 : i32
    %dma_wait3A_123 = tpu.memref_slice %dma_wait3A_120[%dma_wait3A_121, %dma_wait3A_122] : memref<200x64xf32, #tpu.memory_space<vmem>> -> memref<50x64xf32, #tpu.memory_space<vmem>>
    %dma_wait3A_124 = arith.constant 0 : i32
    %dma_wait3A_125 = arith.constant 0 : i32
    %dma_wait3A_126 = tpu.memref_slice %arg4[%add3A_115, %dma_wait3A_124, %dma_wait3A_125] : memref<16384x50x64xf32, #tpu.memory_space<hbm>> -> memref<1x50x64xf32, #tpu.memory_space<hbm>>
    %dma_wait3A_127 = tpu.memref_squeeze %dma_wait3A_126 : memref<1x50x64xf32, #tpu.memory_space<hbm>> -> memref<50x64xf32, #tpu.memory_space<hbm>>
    %dma_wait3A_128 = tpu.memref_slice %arg8[%dma_wait3A_116] : memref<8x!tpu.dma_semaphore, #tpu.memory_space<semaphore_mem>> -> memref<1x!tpu.dma_semaphore, #tpu.memory_space<semaphore_mem>>
    %dma_wait3A_129 = tpu.memref_squeeze %dma_wait3A_128 : memref<1x!tpu.dma_semaphore, #tpu.memory_space<semaphore_mem>> -> memref<!tpu.dma_semaphore, #tpu.memory_space<semaphore_mem>>
    %dma_wait3A_130 = arith.constant 0 : i32
    %dma_wait3A_131 = arith.constant 0 : i32
    %dma_wait3A_132 = tpu.memref_slice %arg4[%add3A_115, %dma_wait3A_130, %dma_wait3A_131] : memref<16384x50x64xf32, #tpu.memory_space<hbm>> -> memref<1x50x64xf32, #tpu.memory_space<hbm>>
    %dma_wait3A_133 = tpu.memref_squeeze %dma_wait3A_132 : memref<1x50x64xf32, #tpu.memory_space<hbm>> -> memref<50x64xf32, #tpu.memory_space<hbm>>
    %dma_wait3A_134 = arith.constant 0 : i32
    %dma_wait3A_135 = arith.constant 0 : i32
    %dma_wait3A_136 = tpu.memref_slice %arg6[%dma_wait3A, %dma_wait3A_134, %dma_wait3A_135] : memref<8x200x64xf32, #tpu.memory_space<vmem>> -> memref<1x200x64xf32, #tpu.memory_space<vmem>>
    %dma_wait3A_137 = tpu.memref_squeeze %dma_wait3A_136 : memref<1x200x64xf32, #tpu.memory_space<vmem>> -> memref<200x64xf32, #tpu.memory_space<vmem>>
    %dma_wait3A_138 = arith.constant 0 : i32
    %dma_wait3A_139 = arith.constant 0 : i32
    %dma_wait3A_140 = tpu.memref_slice %dma_wait3A_137[%dma_wait3A_138, %dma_wait3A_139] : memref<200x64xf32, #tpu.memory_space<vmem>> -> memref<50x64xf32, #tpu.memory_space<vmem>>
    tpu.wait_dma2 semaphore(%dma_wait3A_129 : memref<!tpu.dma_semaphore, #tpu.memory_space<semaphore_mem>>) src(%dma_wait3A_140 : memref<50x64xf32, #tpu.memory_space<vmem>>) dst(%dma_wait3A_133 : memref<50x64xf32, #tpu.memory_space<hbm>>)
    %add3A_141 = arith.constant 480 : i32
    %add3A_142 = arith.addi %mul3A_4, %add3A_141 : i32
    %add3A_143 = arith.constant 1 : i32
    %add3A_144 = arith.addi %add3A_142, %add3A_143 : i32
    %dma_wait3A_145 = arith.constant 0 : i32
    %dma_wait3A_146 = arith.constant 0 : i32
    %dma_wait3A_147 = arith.constant 0 : i32
    %dma_wait3A_148 = arith.constant 0 : i32
    %dma_wait3A_149 = tpu.memref_slice %arg6[%dma_wait3A_145, %dma_wait3A_147, %dma_wait3A_148] : memref<8x200x64xf32, #tpu.memory_space<vmem>> -> memref<1x200x64xf32, #tpu.memory_space<vmem>>
    %dma_wait3A_150 = tpu.memref_squeeze %dma_wait3A_149 : memref<1x200x64xf32, #tpu.memory_space<vmem>> -> memref<200x64xf32, #tpu.memory_space<vmem>>
    %dma_wait3A_151 = arith.constant 50 : i32
    %dma_wait3A_152 = arith.constant 0 : i32
    %dma_wait3A_153 = tpu.memref_slice %dma_wait3A_150[%dma_wait3A_151, %dma_wait3A_152] : memref<200x64xf32, #tpu.memory_space<vmem>> -> memref<50x64xf32, #tpu.memory_space<vmem>>
    %dma_wait3A_154 = arith.constant 0 : i32
    %dma_wait3A_155 = arith.constant 0 : i32
    %dma_wait3A_156 = tpu.memref_slice %arg4[%add3A_144, %dma_wait3A_154, %dma_wait3A_155] : memref<16384x50x64xf32, #tpu.memory_space<hbm>> -> memref<1x50x64xf32, #tpu.memory_space<hbm>>
    %dma_wait3A_157 = tpu.memref_squeeze %dma_wait3A_156 : memref<1x50x64xf32, #tpu.memory_space<hbm>> -> memref<50x64xf32, #tpu.memory_space<hbm>>
    %dma_wait3A_158 = tpu.memref_slice %arg8[%dma_wait3A_146] : memref<8x!tpu.dma_semaphore, #tpu.memory_space<semaphore_mem>> -> memref<1x!tpu.dma_semaphore, #tpu.memory_space<semaphore_mem>>
    %dma_wait3A_159 = tpu.memref_squeeze %dma_wait3A_158 : memref<1x!tpu.dma_semaphore, #tpu.memory_space<semaphore_mem>> -> memref<!tpu.dma_semaphore, #tpu.memory_space<semaphore_mem>>
    %dma_wait3A_160 = arith.constant 0 : i32
    %dma_wait3A_161 = arith.constant 0 : i32
    %dma_wait3A_162 = tpu.memref_slice %arg4[%add3A_144, %dma_wait3A_160, %dma_wait3A_161] : memref<16384x50x64xf32, #tpu.memory_space<hbm>> -> memref<1x50x64xf32, #tpu.memory_space<hbm>>
    %dma_wait3A_163 = tpu.memref_squeeze %dma_wait3A_162 : memref<1x50x64xf32, #tpu.memory_space<hbm>> -> memref<50x64xf32, #tpu.memory_space<hbm>>
    %dma_wait3A_164 = arith.constant 0 : i32
    %dma_wait3A_165 = arith.constant 0 : i32
    %dma_wait3A_166 = tpu.memref_slice %arg6[%dma_wait3A_145, %dma_wait3A_164, %dma_wait3A_165] : memref<8x200x64xf32, #tpu.memory_space<vmem>> -> memref<1x200x64xf32, #tpu.memory_space<vmem>>
    %dma_wait3A_167 = tpu.memref_squeeze %dma_wait3A_166 : memref<1x200x64xf32, #tpu.memory_space<vmem>> -> memref<200x64xf32, #tpu.memory_space<vmem>>
    %dma_wait3A_168 = arith.constant 50 : i32
    %dma_wait3A_169 = arith.constant 0 : i32
    %dma_wait3A_170 = tpu.memref_slice %dma_wait3A_167[%dma_wait3A_168, %dma_wait3A_169] : memref<200x64xf32, #tpu.memory_space<vmem>> -> memref<50x64xf32, #tpu.memory_space<vmem>>
    tpu.wait_dma2 semaphore(%dma_wait3A_159 : memref<!tpu.dma_semaphore, #tpu.memory_space<semaphore_mem>>) src(%dma_wait3A_170 : memref<50x64xf32, #tpu.memory_space<vmem>>) dst(%dma_wait3A_163 : memref<50x64xf32, #tpu.memory_space<hbm>>)
    %add3A_171 = arith.constant 480 : i32
    %add3A_172 = arith.addi %mul3A_4, %add3A_171 : i32
    %add3A_173 = arith.constant 2 : i32
    %add3A_174 = arith.addi %add3A_172, %add3A_173 : i32
    %dma_wait3A_175 = arith.constant 0 : i32
    %dma_wait3A_176 = arith.constant 0 : i32
    %dma_wait3A_177 = arith.constant 0 : i32
    %dma_wait3A_178 = arith.constant 0 : i32
    %dma_wait3A_179 = tpu.memref_slice %arg6[%dma_wait3A_175, %dma_wait3A_177, %dma_wait3A_178] : memref<8x200x64xf32, #tpu.memory_space<vmem>> -> memref<1x200x64xf32, #tpu.memory_space<vmem>>
    %dma_wait3A_180 = tpu.memref_squeeze %dma_wait3A_179 : memref<1x200x64xf32, #tpu.memory_space<vmem>> -> memref<200x64xf32, #tpu.memory_space<vmem>>
    %dma_wait3A_181 = arith.constant 100 : i32
    %dma_wait3A_182 = arith.constant 0 : i32
    %dma_wait3A_183 = tpu.memref_slice %dma_wait3A_180[%dma_wait3A_181, %dma_wait3A_182] : memref<200x64xf32, #tpu.memory_space<vmem>> -> memref<50x64xf32, #tpu.memory_space<vmem>>
    %dma_wait3A_184 = arith.constant 0 : i32
    %dma_wait3A_185 = arith.constant 0 : i32
    %dma_wait3A_186 = tpu.memref_slice %arg4[%add3A_174, %dma_wait3A_184, %dma_wait3A_185] : memref<16384x50x64xf32, #tpu.memory_space<hbm>> -> memref<1x50x64xf32, #tpu.memory_space<hbm>>
    %dma_wait3A_187 = tpu.memref_squeeze %dma_wait3A_186 : memref<1x50x64xf32, #tpu.memory_space<hbm>> -> memref<50x64xf32, #tpu.memory_space<hbm>>
    %dma_wait3A_188 = tpu.memref_slice %arg8[%dma_wait3A_176] : memref<8x!tpu.dma_semaphore, #tpu.memory_space<semaphore_mem>> -> memref<1x!tpu.dma_semaphore, #tpu.memory_space<semaphore_mem>>
    %dma_wait3A_189 = tpu.memref_squeeze %dma_wait3A_188 : memref<1x!tpu.dma_semaphore, #tpu.memory_space<semaphore_mem>> -> memref<!tpu.dma_semaphore, #tpu.memory_space<semaphore_mem>>
    %dma_wait3A_190 = arith.constant 0 : i32
    %dma_wait3A_191 = arith.constant 0 : i32
    %dma_wait3A_192 = tpu.memref_slice %arg4[%add3A_174, %dma_wait3A_190, %dma_wait3A_191] : memref<16384x50x64xf32, #tpu.memory_space<hbm>> -> memref<1x50x64xf32, #tpu.memory_space<hbm>>
    %dma_wait3A_193 = tpu.memref_squeeze %dma_wait3A_192 : memref<1x50x64xf32, #tpu.memory_space<hbm>> -> memref<50x64xf32, #tpu.memory_space<hbm>>
    %dma_wait3A_194 = arith.constant 0 : i32
    %dma_wait3A_195 = arith.constant 0 : i32
    %dma_wait3A_196 = tpu.memref_slice %arg6[%dma_wait3A_175, %dma_wait3A_194, %dma_wait3A_195] : memref<8x200x64xf32, #tpu.memory_space<vmem>> -> memref<1x200x64xf32, #tpu.memory_space<vmem>>
    %dma_wait3A_197 = tpu.memref_squeeze %dma_wait3A_196 : memref<1x200x64xf32, #tpu.memory_space<vmem>> -> memref<200x64xf32, #tpu.memory_space<vmem>>
    %dma_wait3A_198 = arith.constant 100 : i32
    %dma_wait3A_199 = arith.constant 0 : i32
    %dma_wait3A_200 = tpu.memref_slice %dma_wait3A_197[%dma_wait3A_198, %dma_wait3A_199] : memref<200x64xf32, #tpu.memory_space<vmem>> -> memref<50x64xf32, #tpu.memory_space<vmem>>
    tpu.wait_dma2 semaphore(%dma_wait3A_189 : memref<!tpu.dma_semaphore, #tpu.memory_space<semaphore_mem>>) src(%dma_wait3A_200 : memref<50x64xf32, #tpu.memory_space<vmem>>) dst(%dma_wait3A_193 : memref<50x64xf32, #tpu.memory_space<hbm>>)
    %add3A_201 = arith.constant 480 : i32
    %add3A_202 = arith.addi %mul3A_4, %add3A_201 : i32
    %add3A_203 = arith.constant 3 : i32
    %add3A_204 = arith.addi %add3A_202, %add3A_203 : i32
    %dma_wait3A_205 = arith.constant 0 : i32
    %dma_wait3A_206 = arith.constant 0 : i32
    %dma_wait3A_207 = arith.constant 0 : i32
    %dma_wait3A_208 = arith.constant 0 : i32
    %dma_wait3A_209 = tpu.memref_slice %arg6[%dma_wait3A_205, %dma_wait3A_207, %dma_wait3A_208] : memref<8x200x64xf32, #tpu.memory_space<vmem>> -> memref<1x200x64xf32, #tpu.memory_space<vmem>>
    %dma_wait3A_210 = tpu.memref_squeeze %dma_wait3A_209 : memref<1x200x64xf32, #tpu.memory_space<vmem>> -> memref<200x64xf32, #tpu.memory_space<vmem>>
    %dma_wait3A_211 = arith.constant 150 : i32
    %dma_wait3A_212 = arith.constant 0 : i32
    %dma_wait3A_213 = tpu.memref_slice %dma_wait3A_210[%dma_wait3A_211, %dma_wait3A_212] : memref<200x64xf32, #tpu.memory_space<vmem>> -> memref<50x64xf32, #tpu.memory_space<vmem>>
    %dma_wait3A_214 = arith.constant 0 : i32
    %dma_wait3A_215 = arith.constant 0 : i32
    %dma_wait3A_216 = tpu.memref_slice %arg4[%add3A_204, %dma_wait3A_214, %dma_wait3A_215] : memref<16384x50x64xf32, #tpu.memory_space<hbm>> -> memref<1x50x64xf32, #tpu.memory_space<hbm>>
    %dma_wait3A_217 = tpu.memref_squeeze %dma_wait3A_216 : memref<1x50x64xf32, #tpu.memory_space<hbm>> -> memref<50x64xf32, #tpu.memory_space<hbm>>
    %dma_wait3A_218 = tpu.memref_slice %arg8[%dma_wait3A_206] : memref<8x!tpu.dma_semaphore, #tpu.memory_space<semaphore_mem>> -> memref<1x!tpu.dma_semaphore, #tpu.memory_space<semaphore_mem>>
    %dma_wait3A_219 = tpu.memref_squeeze %dma_wait3A_218 : memref<1x!tpu.dma_semaphore, #tpu.memory_space<semaphore_mem>> -> memref<!tpu.dma_semaphore, #tpu.memory_space<semaphore_mem>>
    %dma_wait3A_220 = arith.constant 0 : i32
    %dma_wait3A_221 = arith.constant 0 : i32
    %dma_wait3A_222 = tpu.memref_slice %arg4[%add3A_204, %dma_wait3A_220, %dma_wait3A_221] : memref<16384x50x64xf32, #tpu.memory_space<hbm>> -> memref<1x50x64xf32, #tpu.memory_space<hbm>>
    %dma_wait3A_223 = tpu.memref_squeeze %dma_wait3A_222 : memref<1x50x64xf32, #tpu.memory_space<hbm>> -> memref<50x64xf32, #tpu.memory_space<hbm>>
    %dma_wait3A_224 = arith.constant 0 : i32
    %dma_wait3A_225 = arith.constant 0 : i32
    %dma_wait3A_226 = tpu.memref_slice %arg6[%dma_wait3A_205, %dma_wait3A_224, %dma_wait3A_225] : memref<8x200x64xf32, #tpu.memory_space<vmem>> -> memref<1x200x64xf32, #tpu.memory_space<vmem>>
    %dma_wait3A_227 = tpu.memref_squeeze %dma_wait3A_226 : memref<1x200x64xf32, #tpu.memory_space<vmem>> -> memref<200x64xf32, #tpu.memory_space<vmem>>
    %dma_wait3A_228 = arith.constant 150 : i32
    %dma_wait3A_229 = arith.constant 0 : i32
    %dma_wait3A_230 = tpu.memref_slice %dma_wait3A_227[%dma_wait3A_228, %dma_wait3A_229] : memref<200x64xf32, #tpu.memory_space<vmem>> -> memref<50x64xf32, #tpu.memory_space<vmem>>
    tpu.wait_dma2 semaphore(%dma_wait3A_219 : memref<!tpu.dma_semaphore, #tpu.memory_space<semaphore_mem>>) src(%dma_wait3A_230 : memref<50x64xf32, #tpu.memory_space<vmem>>) dst(%dma_wait3A_223 : memref<50x64xf32, #tpu.memory_space<hbm>>)
    %add3A_231 = arith.constant 484 : i32
    %add3A_232 = arith.addi %mul3A_4, %add3A_231 : i32
    %add3A_233 = arith.constant 0 : i32
    %add3A_234 = arith.addi %add3A_232, %add3A_233 : i32
    %dma_wait3A_235 = arith.constant 1 : i32
    %dma_wait3A_236 = arith.constant 1 : i32
    %dma_wait3A_237 = arith.constant 0 : i32
    %dma_wait3A_238 = arith.constant 0 : i32
    %dma_wait3A_239 = tpu.memref_slice %arg6[%dma_wait3A_235, %dma_wait3A_237, %dma_wait3A_238] : memref<8x200x64xf32, #tpu.memory_space<vmem>> -> memref<1x200x64xf32, #tpu.memory_space<vmem>>
    %dma_wait3A_240 = tpu.memref_squeeze %dma_wait3A_239 : memref<1x200x64xf32, #tpu.memory_space<vmem>> -> memref<200x64xf32, #tpu.memory_space<vmem>>
    %dma_wait3A_241 = arith.constant 0 : i32
    %dma_wait3A_242 = arith.constant 0 : i32
    %dma_wait3A_243 = tpu.memref_slice %dma_wait3A_240[%dma_wait3A_241, %dma_wait3A_242] : memref<200x64xf32, #tpu.memory_space<vmem>> -> memref<50x64xf32, #tpu.memory_space<vmem>>
    %dma_wait3A_244 = arith.constant 0 : i32
    %dma_wait3A_245 = arith.constant 0 : i32
    %dma_wait3A_246 = tpu.memref_slice %arg4[%add3A_234, %dma_wait3A_244, %dma_wait3A_245] : memref<16384x50x64xf32, #tpu.memory_space<hbm>> -> memref<1x50x64xf32, #tpu.memory_space<hbm>>
    %dma_wait3A_247 = tpu.memref_squeeze %dma_wait3A_246 : memref<1x50x64xf32, #tpu.memory_space<hbm>> -> memref<50x64xf32, #tpu.memory_space<hbm>>
    %dma_wait3A_248 = tpu.memref_slice %arg8[%dma_wait3A_236] : memref<8x!tpu.dma_semaphore, #tpu.memory_space<semaphore_mem>> -> memref<1x!tpu.dma_semaphore, #tpu.memory_space<semaphore_mem>>
    %dma_wait3A_249 = tpu.memref_squeeze %dma_wait3A_248 : memref<1x!tpu.dma_semaphore, #tpu.memory_space<semaphore_mem>> -> memref<!tpu.dma_semaphore, #tpu.memory_space<semaphore_mem>>
    %dma_wait3A_250 = arith.constant 0 : i32
    %dma_wait3A_251 = arith.constant 0 : i32
    %dma_wait3A_252 = tpu.memref_slice %arg4[%add3A_234, %dma_wait3A_250, %dma_wait3A_251] : memref<16384x50x64xf32, #tpu.memory_space<hbm>> -> memref<1x50x64xf32, #tpu.memory_space<hbm>>
    %dma_wait3A_253 = tpu.memref_squeeze %dma_wait3A_252 : memref<1x50x64xf32, #tpu.memory_space<hbm>> -> memref<50x64xf32, #tpu.memory_space<hbm>>
    %dma_wait3A_254 = arith.constant 0 : i32
    %dma_wait3A_255 = arith.constant 0 : i32
    %dma_wait3A_256 = tpu.memref_slice %arg6[%dma_wait3A_235, %dma_wait3A_254, %dma_wait3A_255] : memref<8x200x64xf32, #tpu.memory_space<vmem>> -> memref<1x200x64xf32, #tpu.memory_space<vmem>>
    %dma_wait3A_257 = tpu.memref_squeeze %dma_wait3A_256 : memref<1x200x64xf32, #tpu.memory_space<vmem>> -> memref<200x64xf32, #tpu.memory_space<vmem>>
    %dma_wait3A_258 = arith.constant 0 : i32
    %dma_wait3A_259 = arith.constant 0 : i32
    %dma_wait3A_260 = tpu.memref_slice %dma_wait3A_257[%dma_wait3A_258, %dma_wait3A_259] : memref<200x64xf32, #tpu.memory_space<vmem>> -> memref<50x64xf32, #tpu.memory_space<vmem>>
    tpu.wait_dma2 semaphore(%dma_wait3A_249 : memref<!tpu.dma_semaphore, #tpu.memory_space<semaphore_mem>>) src(%dma_wait3A_260 : memref<50x64xf32, #tpu.memory_space<vmem>>) dst(%dma_wait3A_253 : memref<50x64xf32, #tpu.memory_space<hbm>>)
    %add3A_261 = arith.constant 484 : i32
    %add3A_262 = arith.addi %mul3A_4, %add3A_261 : i32
    %add3A_263 = arith.constant 1 : i32
    %add3A_264 = arith.addi %add3A_262, %add3A_263 : i32
    %dma_wait3A_265 = arith.constant 1 : i32
    %dma_wait3A_266 = arith.constant 1 : i32
    %dma_wait3A_267 = arith.constant 0 : i32
    %dma_wait3A_268 = arith.constant 0 : i32
    %dma_wait3A_269 = tpu.memref_slice %arg6[%dma_wait3A_265, %dma_wait3A_267, %dma_wait3A_268] : memref<8x200x64xf32, #tpu.memory_space<vmem>> -> memref<1x200x64xf32, #tpu.memory_space<vmem>>
    %dma_wait3A_270 = tpu.memref_squeeze %dma_wait3A_269 : memref<1x200x64xf32, #tpu.memory_space<vmem>> -> memref<200x64xf32, #tpu.memory_space<vmem>>
    %dma_wait3A_271 = arith.constant 50 : i32
    %dma_wait3A_272 = arith.constant 0 : i32
    %dma_wait3A_273 = tpu.memref_slice %dma_wait3A_270[%dma_wait3A_271, %dma_wait3A_272] : memref<200x64xf32, #tpu.memory_space<vmem>> -> memref<50x64xf32, #tpu.memory_space<vmem>>
    %dma_wait3A_274 = arith.constant 0 : i32
    %dma_wait3A_275 = arith.constant 0 : i32
    %dma_wait3A_276 = tpu.memref_slice %arg4[%add3A_264, %dma_wait3A_274, %dma_wait3A_275] : memref<16384x50x64xf32, #tpu.memory_space<hbm>> -> memref<1x50x64xf32, #tpu.memory_space<hbm>>
    %dma_wait3A_277 = tpu.memref_squeeze %dma_wait3A_276 : memref<1x50x64xf32, #tpu.memory_space<hbm>> -> memref<50x64xf32, #tpu.memory_space<hbm>>
    %dma_wait3A_278 = tpu.memref_slice %arg8[%dma_wait3A_266] : memref<8x!tpu.dma_semaphore, #tpu.memory_space<semaphore_mem>> -> memref<1x!tpu.dma_semaphore, #tpu.memory_space<semaphore_mem>>
    %dma_wait3A_279 = tpu.memref_squeeze %dma_wait3A_278 : memref<1x!tpu.dma_semaphore, #tpu.memory_space<semaphore_mem>> -> memref<!tpu.dma_semaphore, #tpu.memory_space<semaphore_mem>>
    %dma_wait3A_280 = arith.constant 0 : i32
    %dma_wait3A_281 = arith.constant 0 : i32
    %dma_wait3A_282 = tpu.memref_slice %arg4[%add3A_264, %dma_wait3A_280, %dma_wait3A_281] : memref<16384x50x64xf32, #tpu.memory_space<hbm>> -> memref<1x50x64xf32, #tpu.memory_space<hbm>>
    %dma_wait3A_283 = tpu.memref_squeeze %dma_wait3A_282 : memref<1x50x64xf32, #tpu.memory_space<hbm>> -> memref<50x64xf32, #tpu.memory_space<hbm>>
    %dma_wait3A_284 = arith.constant 0 : i32
    %dma_wait3A_285 = arith.constant 0 : i32
    %dma_wait3A_286 = tpu.memref_slice %arg6[%dma_wait3A_265, %dma_wait3A_284, %dma_wait3A_285] : memref<8x200x64xf32, #tpu.memory_space<vmem>> -> memref<1x200x64xf32, #tpu.memory_space<vmem>>
    %dma_wait3A_287 = tpu.memref_squeeze %dma_wait3A_286 : memref<1x200x64xf32, #tpu.memory_space<vmem>> -> memref<200x64xf32, #tpu.memory_space<vmem>>
    %dma_wait3A_288 = arith.constant 50 : i32
    %dma_wait3A_289 = arith.constant 0 : i32
    %dma_wait3A_290 = tpu.memref_slice %dma_wait3A_287[%dma_wait3A_288, %dma_wait3A_289] : memref<200x64xf32, #tpu.memory_space<vmem>> -> memref<50x64xf32, #tpu.memory_space<vmem>>
    tpu.wait_dma2 semaphore(%dma_wait3A_279 : memref<!tpu.dma_semaphore, #tpu.memory_space<semaphore_mem>>) src(%dma_wait3A_290 : memref<50x64xf32, #tpu.memory_space<vmem>>) dst(%dma_wait3A_283 : memref<50x64xf32, #tpu.memory_space<hbm>>)
    %add3A_291 = arith.constant 484 : i32
    %add3A_292 = arith.addi %mul3A_4, %add3A_291 : i32
    %add3A_293 = arith.constant 2 : i32
    %add3A_294 = arith.addi %add3A_292, %add3A_293 : i32
    %dma_wait3A_295 = arith.constant 1 : i32
    %dma_wait3A_296 = arith.constant 1 : i32
    %dma_wait3A_297 = arith.constant 0 : i32
    %dma_wait3A_298 = arith.constant 0 : i32
    %dma_wait3A_299 = tpu.memref_slice %arg6[%dma_wait3A_295, %dma_wait3A_297, %dma_wait3A_298] : memref<8x200x64xf32, #tpu.memory_space<vmem>> -> memref<1x200x64xf32, #tpu.memory_space<vmem>>
    %dma_wait3A_300 = tpu.memref_squeeze %dma_wait3A_299 : memref<1x200x64xf32, #tpu.memory_space<vmem>> -> memref<200x64xf32, #tpu.memory_space<vmem>>
    %dma_wait3A_301 = arith.constant 100 : i32
    %dma_wait3A_302 = arith.constant 0 : i32
    %dma_wait3A_303 = tpu.memref_slice %dma_wait3A_300[%dma_wait3A_301, %dma_wait3A_302] : memref<200x64xf32, #tpu.memory_space<vmem>> -> memref<50x64xf32, #tpu.memory_space<vmem>>
    %dma_wait3A_304 = arith.constant 0 : i32
    %dma_wait3A_305 = arith.constant 0 : i32
    %dma_wait3A_306 = tpu.memref_slice %arg4[%add3A_294, %dma_wait3A_304, %dma_wait3A_305] : memref<16384x50x64xf32, #tpu.memory_space<hbm>> -> memref<1x50x64xf32, #tpu.memory_space<hbm>>
    %dma_wait3A_307 = tpu.memref_squeeze %dma_wait3A_306 : memref<1x50x64xf32, #tpu.memory_space<hbm>> -> memref<50x64xf32, #tpu.memory_space<hbm>>
    %dma_wait3A_308 = tpu.memref_slice %arg8[%dma_wait3A_296] : memref<8x!tpu.dma_semaphore, #tpu.memory_space<semaphore_mem>> -> memref<1x!tpu.dma_semaphore, #tpu.memory_space<semaphore_mem>>
    %dma_wait3A_309 = tpu.memref_squeeze %dma_wait3A_308 : memref<1x!tpu.dma_semaphore, #tpu.memory_space<semaphore_mem>> -> memref<!tpu.dma_semaphore, #tpu.memory_space<semaphore_mem>>
    %dma_wait3A_310 = arith.constant 0 : i32
    %dma_wait3A_311 = arith.constant 0 : i32
    %dma_wait3A_312 = tpu.memref_slice %arg4[%add3A_294, %dma_wait3A_310, %dma_wait3A_311] : memref<16384x50x64xf32, #tpu.memory_space<hbm>> -> memref<1x50x64xf32, #tpu.memory_space<hbm>>
    %dma_wait3A_313 = tpu.memref_squeeze %dma_wait3A_312 : memref<1x50x64xf32, #tpu.memory_space<hbm>> -> memref<50x64xf32, #tpu.memory_space<hbm>>
    %dma_wait3A_314 = arith.constant 0 : i32
    %dma_wait3A_315 = arith.constant 0 : i32
    %dma_wait3A_316 = tpu.memref_slice %arg6[%dma_wait3A_295, %dma_wait3A_314, %dma_wait3A_315] : memref<8x200x64xf32, #tpu.memory_space<vmem>> -> memref<1x200x64xf32, #tpu.memory_space<vmem>>
    %dma_wait3A_317 = tpu.memref_squeeze %dma_wait3A_316 : memref<1x200x64xf32, #tpu.memory_space<vmem>> -> memref<200x64xf32, #tpu.memory_space<vmem>>
    %dma_wait3A_318 = arith.constant 100 : i32
    %dma_wait3A_319 = arith.constant 0 : i32
    %dma_wait3A_320 = tpu.memref_slice %dma_wait3A_317[%dma_wait3A_318, %dma_wait3A_319] : memref<200x64xf32, #tpu.memory_space<vmem>> -> memref<50x64xf32, #tpu.memory_space<vmem>>
    tpu.wait_dma2 semaphore(%dma_wait3A_309 : memref<!tpu.dma_semaphore, #tpu.memory_space<semaphore_mem>>) src(%dma_wait3A_320 : memref<50x64xf32, #tpu.memory_space<vmem>>) dst(%dma_wait3A_313 : memref<50x64xf32, #tpu.memory_space<hbm>>)
    %add3A_321 = arith.constant 484 : i32
    %add3A_322 = arith.addi %mul3A_4, %add3A_321 : i32
    %add3A_323 = arith.constant 3 : i32
    %add3A_324 = arith.addi %add3A_322, %add3A_323 : i32
    %dma_wait3A_325 = arith.constant 1 : i32
    %dma_wait3A_326 = arith.constant 1 : i32
    %dma_wait3A_327 = arith.constant 0 : i32
    %dma_wait3A_328 = arith.constant 0 : i32
    %dma_wait3A_329 = tpu.memref_slice %arg6[%dma_wait3A_325, %dma_wait3A_327, %dma_wait3A_328] : memref<8x200x64xf32, #tpu.memory_space<vmem>> -> memref<1x200x64xf32, #tpu.memory_space<vmem>>
    %dma_wait3A_330 = tpu.memref_squeeze %dma_wait3A_329 : memref<1x200x64xf32, #tpu.memory_space<vmem>> -> memref<200x64xf32, #tpu.memory_space<vmem>>
    %dma_wait3A_331 = arith.constant 150 : i32
    %dma_wait3A_332 = arith.constant 0 : i32
    %dma_wait3A_333 = tpu.memref_slice %dma_wait3A_330[%dma_wait3A_331, %dma_wait3A_332] : memref<200x64xf32, #tpu.memory_space<vmem>> -> memref<50x64xf32, #tpu.memory_space<vmem>>
    %dma_wait3A_334 = arith.constant 0 : i32
    %dma_wait3A_335 = arith.constant 0 : i32
    %dma_wait3A_336 = tpu.memref_slice %arg4[%add3A_324, %dma_wait3A_334, %dma_wait3A_335] : memref<16384x50x64xf32, #tpu.memory_space<hbm>> -> memref<1x50x64xf32, #tpu.memory_space<hbm>>
    %dma_wait3A_337 = tpu.memref_squeeze %dma_wait3A_336 : memref<1x50x64xf32, #tpu.memory_space<hbm>> -> memref<50x64xf32, #tpu.memory_space<hbm>>
    %dma_wait3A_338 = tpu.memref_slice %arg8[%dma_wait3A_326] : memref<8x!tpu.dma_semaphore, #tpu.memory_space<semaphore_mem>> -> memref<1x!tpu.dma_semaphore, #tpu.memory_space<semaphore_mem>>
    %dma_wait3A_339 = tpu.memref_squeeze %dma_wait3A_338 : memref<1x!tpu.dma_semaphore, #tpu.memory_space<semaphore_mem>> -> memref<!tpu.dma_semaphore, #tpu.memory_space<semaphore_mem>>
    %dma_wait3A_340 = arith.constant 0 : i32
    %dma_wait3A_341 = arith.constant 0 : i32
    %dma_wait3A_342 = tpu.memref_slice %arg4[%add3A_324, %dma_wait3A_340, %dma_wait3A_341] : memref<16384x50x64xf32, #tpu.memory_space<hbm>> -> memref<1x50x64xf32, #tpu.memory_space<hbm>>
    %dma_wait3A_343 = tpu.memref_squeeze %dma_wait3A_342 : memref<1x50x64xf32, #tpu.memory_space<hbm>> -> memref<50x64xf32, #tpu.memory_space<hbm>>
    %dma_wait3A_344 = arith.constant 0 : i32
    %dma_wait3A_345 = arith.constant 0 : i32
    %dma_wait3A_346 = tpu.memref_slice %arg6[%dma_wait3A_325, %dma_wait3A_344, %dma_wait3A_345] : memref<8x200x64xf32, #tpu.memory_space<vmem>> -> memref<1x200x64xf32, #tpu.memory_space<vmem>>
    %dma_wait3A_347 = tpu.memref_squeeze %dma_wait3A_346 : memref<1x200x64xf32, #tpu.memory_space<vmem>> -> memref<200x64xf32, #tpu.memory_space<vmem>>
    %dma_wait3A_348 = arith.constant 150 : i32
    %dma_wait3A_349 = arith.constant 0 : i32
    %dma_wait3A_350 = tpu.memref_slice %dma_wait3A_347[%dma_wait3A_348, %dma_wait3A_349] : memref<200x64xf32, #tpu.memory_space<vmem>> -> memref<50x64xf32, #tpu.memory_space<vmem>>
    tpu.wait_dma2 semaphore(%dma_wait3A_339 : memref<!tpu.dma_semaphore, #tpu.memory_space<semaphore_mem>>) src(%dma_wait3A_350 : memref<50x64xf32, #tpu.memory_space<vmem>>) dst(%dma_wait3A_343 : memref<50x64xf32, #tpu.memory_space<hbm>>)
    %add3A_351 = arith.constant 488 : i32
    %add3A_352 = arith.addi %mul3A_4, %add3A_351 : i32
    %add3A_353 = arith.constant 0 : i32
    %add3A_354 = arith.addi %add3A_352, %add3A_353 : i32
    %dma_wait3A_355 = arith.constant 2 : i32
    %dma_wait3A_356 = arith.constant 2 : i32
    %dma_wait3A_357 = arith.constant 0 : i32
    %dma_wait3A_358 = arith.constant 0 : i32
    %dma_wait3A_359 = tpu.memref_slice %arg6[%dma_wait3A_355, %dma_wait3A_357, %dma_wait3A_358] : memref<8x200x64xf32, #tpu.memory_space<vmem>> -> memref<1x200x64xf32, #tpu.memory_space<vmem>>
    %dma_wait3A_360 = tpu.memref_squeeze %dma_wait3A_359 : memref<1x200x64xf32, #tpu.memory_space<vmem>> -> memref<200x64xf32, #tpu.memory_space<vmem>>
    %dma_wait3A_361 = arith.constant 0 : i32
    %dma_wait3A_362 = arith.constant 0 : i32
    %dma_wait3A_363 = tpu.memref_slice %dma_wait3A_360[%dma_wait3A_361, %dma_wait3A_362] : memref<200x64xf32, #tpu.memory_space<vmem>> -> memref<50x64xf32, #tpu.memory_space<vmem>>
    %dma_wait3A_364 = arith.constant 0 : i32
    %dma_wait3A_365 = arith.constant 0 : i32
    %dma_wait3A_366 = tpu.memref_slice %arg4[%add3A_354, %dma_wait3A_364, %dma_wait3A_365] : memref<16384x50x64xf32, #tpu.memory_space<hbm>> -> memref<1x50x64xf32, #tpu.memory_space<hbm>>
    %dma_wait3A_367 = tpu.memref_squeeze %dma_wait3A_366 : memref<1x50x64xf32, #tpu.memory_space<hbm>> -> memref<50x64xf32, #tpu.memory_space<hbm>>
    %dma_wait3A_368 = tpu.memref_slice %arg8[%dma_wait3A_356] : memref<8x!tpu.dma_semaphore, #tpu.memory_space<semaphore_mem>> -> memref<1x!tpu.dma_semaphore, #tpu.memory_space<semaphore_mem>>
    %dma_wait3A_369 = tpu.memref_squeeze %dma_wait3A_368 : memref<1x!tpu.dma_semaphore, #tpu.memory_space<semaphore_mem>> -> memref<!tpu.dma_semaphore, #tpu.memory_space<semaphore_mem>>
    %dma_wait3A_370 = arith.constant 0 : i32
    %dma_wait3A_371 = arith.constant 0 : i32
    %dma_wait3A_372 = tpu.memref_slice %arg4[%add3A_354, %dma_wait3A_370, %dma_wait3A_371] : memref<16384x50x64xf32, #tpu.memory_space<hbm>> -> memref<1x50x64xf32, #tpu.memory_space<hbm>>
    %dma_wait3A_373 = tpu.memref_squeeze %dma_wait3A_372 : memref<1x50x64xf32, #tpu.memory_space<hbm>> -> memref<50x64xf32, #tpu.memory_space<hbm>>
    %dma_wait3A_374 = arith.constant 0 : i32
    %dma_wait3A_375 = arith.constant 0 : i32
    %dma_wait3A_376 = tpu.memref_slice %arg6[%dma_wait3A_355, %dma_wait3A_374, %dma_wait3A_375] : memref<8x200x64xf32, #tpu.memory_space<vmem>> -> memref<1x200x64xf32, #tpu.memory_space<vmem>>
    %dma_wait3A_377 = tpu.memref_squeeze %dma_wait3A_376 : memref<1x200x64xf32, #tpu.memory_space<vmem>> -> memref<200x64xf32, #tpu.memory_space<vmem>>
    %dma_wait3A_378 = arith.constant 0 : i32
    %dma_wait3A_379 = arith.constant 0 : i32
    %dma_wait3A_380 = tpu.memref_slice %dma_wait3A_377[%dma_wait3A_378, %dma_wait3A_379] : memref<200x64xf32, #tpu.memory_space<vmem>> -> memref<50x64xf32, #tpu.memory_space<vmem>>
    tpu.wait_dma2 semaphore(%dma_wait3A_369 : memref<!tpu.dma_semaphore, #tpu.memory_space<semaphore_mem>>) src(%dma_wait3A_380 : memref<50x64xf32, #tpu.memory_space<vmem>>) dst(%dma_wait3A_373 : memref<50x64xf32, #tpu.memory_space<hbm>>)
    %add3A_381 = arith.constant 488 : i32
    %add3A_382 = arith.addi %mul3A_4, %add3A_381 : i32
    %add3A_383 = arith.constant 1 : i32
    %add3A_384 = arith.addi %add3A_382, %add3A_383 : i32
    %dma_wait3A_385 = arith.constant 2 : i32
    %dma_wait3A_386 = arith.constant 2 : i32
    %dma_wait3A_387 = arith.constant 0 : i32
    %dma_wait3A_388 = arith.constant 0 : i32
    %dma_wait3A_389 = tpu.memref_slice %arg6[%dma_wait3A_385, %dma_wait3A_387, %dma_wait3A_388] : memref<8x200x64xf32, #tpu.memory_space<vmem>> -> memref<1x200x64xf32, #tpu.memory_space<vmem>>
    %dma_wait3A_390 = tpu.memref_squeeze %dma_wait3A_389 : memref<1x200x64xf32, #tpu.memory_space<vmem>> -> memref<200x64xf32, #tpu.memory_space<vmem>>
    %dma_wait3A_391 = arith.constant 50 : i32
    %dma_wait3A_392 = arith.constant 0 : i32
    %dma_wait3A_393 = tpu.memref_slice %dma_wait3A_390[%dma_wait3A_391, %dma_wait3A_392] : memref<200x64xf32, #tpu.memory_space<vmem>> -> memref<50x64xf32, #tpu.memory_space<vmem>>
    %dma_wait3A_394 = arith.constant 0 : i32
    %dma_wait3A_395 = arith.constant 0 : i32
    %dma_wait3A_396 = tpu.memref_slice %arg4[%add3A_384, %dma_wait3A_394, %dma_wait3A_395] : memref<16384x50x64xf32, #tpu.memory_space<hbm>> -> memref<1x50x64xf32, #tpu.memory_space<hbm>>
    %dma_wait3A_397 = tpu.memref_squeeze %dma_wait3A_396 : memref<1x50x64xf32, #tpu.memory_space<hbm>> -> memref<50x64xf32, #tpu.memory_space<hbm>>
    %dma_wait3A_398 = tpu.memref_slice %arg8[%dma_wait3A_386] : memref<8x!tpu.dma_semaphore, #tpu.memory_space<semaphore_mem>> -> memref<1x!tpu.dma_semaphore, #tpu.memory_space<semaphore_mem>>
    %dma_wait3A_399 = tpu.memref_squeeze %dma_wait3A_398 : memref<1x!tpu.dma_semaphore, #tpu.memory_space<semaphore_mem>> -> memref<!tpu.dma_semaphore, #tpu.memory_space<semaphore_mem>>
    %dma_wait3A_400 = arith.constant 0 : i32
    %dma_wait3A_401 = arith.constant 0 : i32
    %dma_wait3A_402 = tpu.memref_slice %arg4[%add3A_384, %dma_wait3A_400, %dma_wait3A_401] : memref<16384x50x64xf32, #tpu.memory_space<hbm>> -> memref<1x50x64xf32, #tpu.memory_space<hbm>>
    %dma_wait3A_403 = tpu.memref_squeeze %dma_wait3A_402 : memref<1x50x64xf32, #tpu.memory_space<hbm>> -> memref<50x64xf32, #tpu.memory_space<hbm>>
    %dma_wait3A_404 = arith.constant 0 : i32
    %dma_wait3A_405 = arith.constant 0 : i32
    %dma_wait3A_406 = tpu.memref_slice %arg6[%dma_wait3A_385, %dma_wait3A_404, %dma_wait3A_405] : memref<8x200x64xf32, #tpu.memory_space<vmem>> -> memref<1x200x64xf32, #tpu.memory_space<vmem>>
    %dma_wait3A_407 = tpu.memref_squeeze %dma_wait3A_406 : memref<1x200x64xf32, #tpu.memory_space<vmem>> -> memref<200x64xf32, #tpu.memory_space<vmem>>
    %dma_wait3A_408 = arith.constant 50 : i32
    %dma_wait3A_409 = arith.constant 0 : i32
    %dma_wait3A_410 = tpu.memref_slice %dma_wait3A_407[%dma_wait3A_408, %dma_wait3A_409] : memref<200x64xf32, #tpu.memory_space<vmem>> -> memref<50x64xf32, #tpu.memory_space<vmem>>
    tpu.wait_dma2 semaphore(%dma_wait3A_399 : memref<!tpu.dma_semaphore, #tpu.memory_space<semaphore_mem>>) src(%dma_wait3A_410 : memref<50x64xf32, #tpu.memory_space<vmem>>) dst(%dma_wait3A_403 : memref<50x64xf32, #tpu.memory_space<hbm>>)
    %add3A_411 = arith.constant 488 : i32
    %add3A_412 = arith.addi %mul3A_4, %add3A_411 : i32
    %add3A_413 = arith.constant 2 : i32
    %add3A_414 = arith.addi %add3A_412, %add3A_413 : i32
    %dma_wait3A_415 = arith.constant 2 : i32
    %dma_wait3A_416 = arith.constant 2 : i32
    %dma_wait3A_417 = arith.constant 0 : i32
    %dma_wait3A_418 = arith.constant 0 : i32
    %dma_wait3A_419 = tpu.memref_slice %arg6[%dma_wait3A_415, %dma_wait3A_417, %dma_wait3A_418] : memref<8x200x64xf32, #tpu.memory_space<vmem>> -> memref<1x200x64xf32, #tpu.memory_space<vmem>>
    %dma_wait3A_420 = tpu.memref_squeeze %dma_wait3A_419 : memref<1x200x64xf32, #tpu.memory_space<vmem>> -> memref<200x64xf32, #tpu.memory_space<vmem>>
    %dma_wait3A_421 = arith.constant 100 : i32
    %dma_wait3A_422 = arith.constant 0 : i32
    %dma_wait3A_423 = tpu.memref_slice %dma_wait3A_420[%dma_wait3A_421, %dma_wait3A_422] : memref<200x64xf32, #tpu.memory_space<vmem>> -> memref<50x64xf32, #tpu.memory_space<vmem>>
    %dma_wait3A_424 = arith.constant 0 : i32
    %dma_wait3A_425 = arith.constant 0 : i32
    %dma_wait3A_426 = tpu.memref_slice %arg4[%add3A_414, %dma_wait3A_424, %dma_wait3A_425] : memref<16384x50x64xf32, #tpu.memory_space<hbm>> -> memref<1x50x64xf32, #tpu.memory_space<hbm>>
    %dma_wait3A_427 = tpu.memref_squeeze %dma_wait3A_426 : memref<1x50x64xf32, #tpu.memory_space<hbm>> -> memref<50x64xf32, #tpu.memory_space<hbm>>
    %dma_wait3A_428 = tpu.memref_slice %arg8[%dma_wait3A_416] : memref<8x!tpu.dma_semaphore, #tpu.memory_space<semaphore_mem>> -> memref<1x!tpu.dma_semaphore, #tpu.memory_space<semaphore_mem>>
    %dma_wait3A_429 = tpu.memref_squeeze %dma_wait3A_428 : memref<1x!tpu.dma_semaphore, #tpu.memory_space<semaphore_mem>> -> memref<!tpu.dma_semaphore, #tpu.memory_space<semaphore_mem>>
    %dma_wait3A_430 = arith.constant 0 : i32
    %dma_wait3A_431 = arith.constant 0 : i32
    %dma_wait3A_432 = tpu.memref_slice %arg4[%add3A_414, %dma_wait3A_430, %dma_wait3A_431] : memref<16384x50x64xf32, #tpu.memory_space<hbm>> -> memref<1x50x64xf32, #tpu.memory_space<hbm>>
    %dma_wait3A_433 = tpu.memref_squeeze %dma_wait3A_432 : memref<1x50x64xf32, #tpu.memory_space<hbm>> -> memref<50x64xf32, #tpu.memory_space<hbm>>
    %dma_wait3A_434 = arith.constant 0 : i32
    %dma_wait3A_435 = arith.constant 0 : i32
    %dma_wait3A_436 = tpu.memref_slice %arg6[%dma_wait3A_415, %dma_wait3A_434, %dma_wait3A_435] : memref<8x200x64xf32, #tpu.memory_space<vmem>> -> memref<1x200x64xf32, #tpu.memory_space<vmem>>
    %dma_wait3A_437 = tpu.memref_squeeze %dma_wait3A_436 : memref<1x200x64xf32, #tpu.memory_space<vmem>> -> memref<200x64xf32, #tpu.memory_space<vmem>>
    %dma_wait3A_438 = arith.constant 100 : i32
    %dma_wait3A_439 = arith.constant 0 : i32
    %dma_wait3A_440 = tpu.memref_slice %dma_wait3A_437[%dma_wait3A_438, %dma_wait3A_439] : memref<200x64xf32, #tpu.memory_space<vmem>> -> memref<50x64xf32, #tpu.memory_space<vmem>>
    tpu.wait_dma2 semaphore(%dma_wait3A_429 : memref<!tpu.dma_semaphore, #tpu.memory_space<semaphore_mem>>) src(%dma_wait3A_440 : memref<50x64xf32, #tpu.memory_space<vmem>>) dst(%dma_wait3A_433 : memref<50x64xf32, #tpu.memory_space<hbm>>)
    %add3A_441 = arith.constant 488 : i32
    %add3A_442 = arith.addi %mul3A_4, %add3A_441 : i32
    %add3A_443 = arith.constant 3 : i32
    %add3A_444 = arith.addi %add3A_442, %add3A_443 : i32
    %dma_wait3A_445 = arith.constant 2 : i32
    %dma_wait3A_446 = arith.constant 2 : i32
    %dma_wait3A_447 = arith.constant 0 : i32
    %dma_wait3A_448 = arith.constant 0 : i32
    %dma_wait3A_449 = tpu.memref_slice %arg6[%dma_wait3A_445, %dma_wait3A_447, %dma_wait3A_448] : memref<8x200x64xf32, #tpu.memory_space<vmem>> -> memref<1x200x64xf32, #tpu.memory_space<vmem>>
    %dma_wait3A_450 = tpu.memref_squeeze %dma_wait3A_449 : memref<1x200x64xf32, #tpu.memory_space<vmem>> -> memref<200x64xf32, #tpu.memory_space<vmem>>
    %dma_wait3A_451 = arith.constant 150 : i32
    %dma_wait3A_452 = arith.constant 0 : i32
    %dma_wait3A_453 = tpu.memref_slice %dma_wait3A_450[%dma_wait3A_451, %dma_wait3A_452] : memref<200x64xf32, #tpu.memory_space<vmem>> -> memref<50x64xf32, #tpu.memory_space<vmem>>
    %dma_wait3A_454 = arith.constant 0 : i32
    %dma_wait3A_455 = arith.constant 0 : i32
    %dma_wait3A_456 = tpu.memref_slice %arg4[%add3A_444, %dma_wait3A_454, %dma_wait3A_455] : memref<16384x50x64xf32, #tpu.memory_space<hbm>> -> memref<1x50x64xf32, #tpu.memory_space<hbm>>
    %dma_wait3A_457 = tpu.memref_squeeze %dma_wait3A_456 : memref<1x50x64xf32, #tpu.memory_space<hbm>> -> memref<50x64xf32, #tpu.memory_space<hbm>>
    %dma_wait3A_458 = tpu.memref_slice %arg8[%dma_wait3A_446] : memref<8x!tpu.dma_semaphore, #tpu.memory_space<semaphore_mem>> -> memref<1x!tpu.dma_semaphore, #tpu.memory_space<semaphore_mem>>
    %dma_wait3A_459 = tpu.memref_squeeze %dma_wait3A_458 : memref<1x!tpu.dma_semaphore, #tpu.memory_space<semaphore_mem>> -> memref<!tpu.dma_semaphore, #tpu.memory_space<semaphore_mem>>
    %dma_wait3A_460 = arith.constant 0 : i32
    %dma_wait3A_461 = arith.constant 0 : i32
    %dma_wait3A_462 = tpu.memref_slice %arg4[%add3A_444, %dma_wait3A_460, %dma_wait3A_461] : memref<16384x50x64xf32, #tpu.memory_space<hbm>> -> memref<1x50x64xf32, #tpu.memory_space<hbm>>
    %dma_wait3A_463 = tpu.memref_squeeze %dma_wait3A_462 : memref<1x50x64xf32, #tpu.memory_space<hbm>> -> memref<50x64xf32, #tpu.memory_space<hbm>>
    %dma_wait3A_464 = arith.constant 0 : i32
    %dma_wait3A_465 = arith.constant 0 : i32
    %dma_wait3A_466 = tpu.memref_slice %arg6[%dma_wait3A_445, %dma_wait3A_464, %dma_wait3A_465] : memref<8x200x64xf32, #tpu.memory_space<vmem>> -> memref<1x200x64xf32, #tpu.memory_space<vmem>>
    %dma_wait3A_467 = tpu.memref_squeeze %dma_wait3A_466 : memref<1x200x64xf32, #tpu.memory_space<vmem>> -> memref<200x64xf32, #tpu.memory_space<vmem>>
    %dma_wait3A_468 = arith.constant 150 : i32
    %dma_wait3A_469 = arith.constant 0 : i32
    %dma_wait3A_470 = tpu.memref_slice %dma_wait3A_467[%dma_wait3A_468, %dma_wait3A_469] : memref<200x64xf32, #tpu.memory_space<vmem>> -> memref<50x64xf32, #tpu.memory_space<vmem>>
    tpu.wait_dma2 semaphore(%dma_wait3A_459 : memref<!tpu.dma_semaphore, #tpu.memory_space<semaphore_mem>>) src(%dma_wait3A_470 : memref<50x64xf32, #tpu.memory_space<vmem>>) dst(%dma_wait3A_463 : memref<50x64xf32, #tpu.memory_space<hbm>>)
    %add3A_471 = arith.constant 492 : i32
    %add3A_472 = arith.addi %mul3A_4, %add3A_471 : i32
    %add3A_473 = arith.constant 0 : i32
    %add3A_474 = arith.addi %add3A_472, %add3A_473 : i32
    %dma_wait3A_475 = arith.constant 3 : i32
    %dma_wait3A_476 = arith.constant 3 : i32
    %dma_wait3A_477 = arith.constant 0 : i32
    %dma_wait3A_478 = arith.constant 0 : i32
    %dma_wait3A_479 = tpu.memref_slice %arg6[%dma_wait3A_475, %dma_wait3A_477, %dma_wait3A_478] : memref<8x200x64xf32, #tpu.memory_space<vmem>> -> memref<1x200x64xf32, #tpu.memory_space<vmem>>
    %dma_wait3A_480 = tpu.memref_squeeze %dma_wait3A_479 : memref<1x200x64xf32, #tpu.memory_space<vmem>> -> memref<200x64xf32, #tpu.memory_space<vmem>>
    %dma_wait3A_481 = arith.constant 0 : i32
    %dma_wait3A_482 = arith.constant 0 : i32
    %dma_wait3A_483 = tpu.memref_slice %dma_wait3A_480[%dma_wait3A_481, %dma_wait3A_482] : memref<200x64xf32, #tpu.memory_space<vmem>> -> memref<50x64xf32, #tpu.memory_space<vmem>>
    %dma_wait3A_484 = arith.constant 0 : i32
    %dma_wait3A_485 = arith.constant 0 : i32
    %dma_wait3A_486 = tpu.memref_slice %arg4[%add3A_474, %dma_wait3A_484, %dma_wait3A_485] : memref<16384x50x64xf32, #tpu.memory_space<hbm>> -> memref<1x50x64xf32, #tpu.memory_space<hbm>>
    %dma_wait3A_487 = tpu.memref_squeeze %dma_wait3A_486 : memref<1x50x64xf32, #tpu.memory_space<hbm>> -> memref<50x64xf32, #tpu.memory_space<hbm>>
    %dma_wait3A_488 = tpu.memref_slice %arg8[%dma_wait3A_476] : memref<8x!tpu.dma_semaphore, #tpu.memory_space<semaphore_mem>> -> memref<1x!tpu.dma_semaphore, #tpu.memory_space<semaphore_mem>>
    %dma_wait3A_489 = tpu.memref_squeeze %dma_wait3A_488 : memref<1x!tpu.dma_semaphore, #tpu.memory_space<semaphore_mem>> -> memref<!tpu.dma_semaphore, #tpu.memory_space<semaphore_mem>>
    %dma_wait3A_490 = arith.constant 0 : i32
    %dma_wait3A_491 = arith.constant 0 : i32
    %dma_wait3A_492 = tpu.memref_slice %arg4[%add3A_474, %dma_wait3A_490, %dma_wait3A_491] : memref<16384x50x64xf32, #tpu.memory_space<hbm>> -> memref<1x50x64xf32, #tpu.memory_space<hbm>>
    %dma_wait3A_493 = tpu.memref_squeeze %dma_wait3A_492 : memref<1x50x64xf32, #tpu.memory_space<hbm>> -> memref<50x64xf32, #tpu.memory_space<hbm>>
    %dma_wait3A_494 = arith.constant 0 : i32
    %dma_wait3A_495 = arith.constant 0 : i32
    %dma_wait3A_496 = tpu.memref_slice %arg6[%dma_wait3A_475, %dma_wait3A_494, %dma_wait3A_495] : memref<8x200x64xf32, #tpu.memory_space<vmem>> -> memref<1x200x64xf32, #tpu.memory_space<vmem>>
    %dma_wait3A_497 = tpu.memref_squeeze %dma_wait3A_496 : memref<1x200x64xf32, #tpu.memory_space<vmem>> -> memref<200x64xf32, #tpu.memory_space<vmem>>
    %dma_wait3A_498 = arith.constant 0 : i32
    %dma_wait3A_499 = arith.constant 0 : i32
    %dma_wait3A_500 = tpu.memref_slice %dma_wait3A_497[%dma_wait3A_498, %dma_wait3A_499] : memref<200x64xf32, #tpu.memory_space<vmem>> -> memref<50x64xf32, #tpu.memory_space<vmem>>
    tpu.wait_dma2 semaphore(%dma_wait3A_489 : memref<!tpu.dma_semaphore, #tpu.memory_space<semaphore_mem>>) src(%dma_wait3A_500 : memref<50x64xf32, #tpu.memory_space<vmem>>) dst(%dma_wait3A_493 : memref<50x64xf32, #tpu.memory_space<hbm>>)
    %add3A_501 = arith.constant 492 : i32
    %add3A_502 = arith.addi %mul3A_4, %add3A_501 : i32
    %add3A_503 = arith.constant 1 : i32
    %add3A_504 = arith.addi %add3A_502, %add3A_503 : i32
    %dma_wait3A_505 = arith.constant 3 : i32
    %dma_wait3A_506 = arith.constant 3 : i32
    %dma_wait3A_507 = arith.constant 0 : i32
    %dma_wait3A_508 = arith.constant 0 : i32
    %dma_wait3A_509 = tpu.memref_slice %arg6[%dma_wait3A_505, %dma_wait3A_507, %dma_wait3A_508] : memref<8x200x64xf32, #tpu.memory_space<vmem>> -> memref<1x200x64xf32, #tpu.memory_space<vmem>>
    %dma_wait3A_510 = tpu.memref_squeeze %dma_wait3A_509 : memref<1x200x64xf32, #tpu.memory_space<vmem>> -> memref<200x64xf32, #tpu.memory_space<vmem>>
    %dma_wait3A_511 = arith.constant 50 : i32
    %dma_wait3A_512 = arith.constant 0 : i32
    %dma_wait3A_513 = tpu.memref_slice %dma_wait3A_510[%dma_wait3A_511, %dma_wait3A_512] : memref<200x64xf32, #tpu.memory_space<vmem>> -> memref<50x64xf32, #tpu.memory_space<vmem>>
    %dma_wait3A_514 = arith.constant 0 : i32
    %dma_wait3A_515 = arith.constant 0 : i32
    %dma_wait3A_516 = tpu.memref_slice %arg4[%add3A_504, %dma_wait3A_514, %dma_wait3A_515] : memref<16384x50x64xf32, #tpu.memory_space<hbm>> -> memref<1x50x64xf32, #tpu.memory_space<hbm>>
    %dma_wait3A_517 = tpu.memref_squeeze %dma_wait3A_516 : memref<1x50x64xf32, #tpu.memory_space<hbm>> -> memref<50x64xf32, #tpu.memory_space<hbm>>
    %dma_wait3A_518 = tpu.memref_slice %arg8[%dma_wait3A_506] : memref<8x!tpu.dma_semaphore, #tpu.memory_space<semaphore_mem>> -> memref<1x!tpu.dma_semaphore, #tpu.memory_space<semaphore_mem>>
    %dma_wait3A_519 = tpu.memref_squeeze %dma_wait3A_518 : memref<1x!tpu.dma_semaphore, #tpu.memory_space<semaphore_mem>> -> memref<!tpu.dma_semaphore, #tpu.memory_space<semaphore_mem>>
    %dma_wait3A_520 = arith.constant 0 : i32
    %dma_wait3A_521 = arith.constant 0 : i32
    %dma_wait3A_522 = tpu.memref_slice %arg4[%add3A_504, %dma_wait3A_520, %dma_wait3A_521] : memref<16384x50x64xf32, #tpu.memory_space<hbm>> -> memref<1x50x64xf32, #tpu.memory_space<hbm>>
    %dma_wait3A_523 = tpu.memref_squeeze %dma_wait3A_522 : memref<1x50x64xf32, #tpu.memory_space<hbm>> -> memref<50x64xf32, #tpu.memory_space<hbm>>
    %dma_wait3A_524 = arith.constant 0 : i32
    %dma_wait3A_525 = arith.constant 0 : i32
    %dma_wait3A_526 = tpu.memref_slice %arg6[%dma_wait3A_505, %dma_wait3A_524, %dma_wait3A_525] : memref<8x200x64xf32, #tpu.memory_space<vmem>> -> memref<1x200x64xf32, #tpu.memory_space<vmem>>
    %dma_wait3A_527 = tpu.memref_squeeze %dma_wait3A_526 : memref<1x200x64xf32, #tpu.memory_space<vmem>> -> memref<200x64xf32, #tpu.memory_space<vmem>>
    %dma_wait3A_528 = arith.constant 50 : i32
    %dma_wait3A_529 = arith.constant 0 : i32
    %dma_wait3A_530 = tpu.memref_slice %dma_wait3A_527[%dma_wait3A_528, %dma_wait3A_529] : memref<200x64xf32, #tpu.memory_space<vmem>> -> memref<50x64xf32, #tpu.memory_space<vmem>>
    tpu.wait_dma2 semaphore(%dma_wait3A_519 : memref<!tpu.dma_semaphore, #tpu.memory_space<semaphore_mem>>) src(%dma_wait3A_530 : memref<50x64xf32, #tpu.memory_space<vmem>>) dst(%dma_wait3A_523 : memref<50x64xf32, #tpu.memory_space<hbm>>)
    %add3A_531 = arith.constant 492 : i32
    %add3A_532 = arith.addi %mul3A_4, %add3A_531 : i32
    %add3A_533 = arith.constant 2 : i32
    %add3A_534 = arith.addi %add3A_532, %add3A_533 : i32
    %dma_wait3A_535 = arith.constant 3 : i32
    %dma_wait3A_536 = arith.constant 3 : i32
    %dma_wait3A_537 = arith.constant 0 : i32
    %dma_wait3A_538 = arith.constant 0 : i32
    %dma_wait3A_539 = tpu.memref_slice %arg6[%dma_wait3A_535, %dma_wait3A_537, %dma_wait3A_538] : memref<8x200x64xf32, #tpu.memory_space<vmem>> -> memref<1x200x64xf32, #tpu.memory_space<vmem>>
    %dma_wait3A_540 = tpu.memref_squeeze %dma_wait3A_539 : memref<1x200x64xf32, #tpu.memory_space<vmem>> -> memref<200x64xf32, #tpu.memory_space<vmem>>
    %dma_wait3A_541 = arith.constant 100 : i32
    %dma_wait3A_542 = arith.constant 0 : i32
    %dma_wait3A_543 = tpu.memref_slice %dma_wait3A_540[%dma_wait3A_541, %dma_wait3A_542] : memref<200x64xf32, #tpu.memory_space<vmem>> -> memref<50x64xf32, #tpu.memory_space<vmem>>
    %dma_wait3A_544 = arith.constant 0 : i32
    %dma_wait3A_545 = arith.constant 0 : i32
    %dma_wait3A_546 = tpu.memref_slice %arg4[%add3A_534, %dma_wait3A_544, %dma_wait3A_545] : memref<16384x50x64xf32, #tpu.memory_space<hbm>> -> memref<1x50x64xf32, #tpu.memory_space<hbm>>
    %dma_wait3A_547 = tpu.memref_squeeze %dma_wait3A_546 : memref<1x50x64xf32, #tpu.memory_space<hbm>> -> memref<50x64xf32, #tpu.memory_space<hbm>>
    %dma_wait3A_548 = tpu.memref_slice %arg8[%dma_wait3A_536] : memref<8x!tpu.dma_semaphore, #tpu.memory_space<semaphore_mem>> -> memref<1x!tpu.dma_semaphore, #tpu.memory_space<semaphore_mem>>
    %dma_wait3A_549 = tpu.memref_squeeze %dma_wait3A_548 : memref<1x!tpu.dma_semaphore, #tpu.memory_space<semaphore_mem>> -> memref<!tpu.dma_semaphore, #tpu.memory_space<semaphore_mem>>
    %dma_wait3A_550 = arith.constant 0 : i32
    %dma_wait3A_551 = arith.constant 0 : i32
    %dma_wait3A_552 = tpu.memref_slice %arg4[%add3A_534, %dma_wait3A_550, %dma_wait3A_551] : memref<16384x50x64xf32, #tpu.memory_space<hbm>> -> memref<1x50x64xf32, #tpu.memory_space<hbm>>
    %dma_wait3A_553 = tpu.memref_squeeze %dma_wait3A_552 : memref<1x50x64xf32, #tpu.memory_space<hbm>> -> memref<50x64xf32, #tpu.memory_space<hbm>>
    %dma_wait3A_554 = arith.constant 0 : i32
    %dma_wait3A_555 = arith.constant 0 : i32
    %dma_wait3A_556 = tpu.memref_slice %arg6[%dma_wait3A_535, %dma_wait3A_554, %dma_wait3A_555] : memref<8x200x64xf32, #tpu.memory_space<vmem>> -> memref<1x200x64xf32, #tpu.memory_space<vmem>>
    %dma_wait3A_557 = tpu.memref_squeeze %dma_wait3A_556 : memref<1x200x64xf32, #tpu.memory_space<vmem>> -> memref<200x64xf32, #tpu.memory_space<vmem>>
    %dma_wait3A_558 = arith.constant 100 : i32
    %dma_wait3A_559 = arith.constant 0 : i32
    %dma_wait3A_560 = tpu.memref_slice %dma_wait3A_557[%dma_wait3A_558, %dma_wait3A_559] : memref<200x64xf32, #tpu.memory_space<vmem>> -> memref<50x64xf32, #tpu.memory_space<vmem>>
    tpu.wait_dma2 semaphore(%dma_wait3A_549 : memref<!tpu.dma_semaphore, #tpu.memory_space<semaphore_mem>>) src(%dma_wait3A_560 : memref<50x64xf32, #tpu.memory_space<vmem>>) dst(%dma_wait3A_553 : memref<50x64xf32, #tpu.memory_space<hbm>>)
    %add3A_561 = arith.constant 492 : i32
    %add3A_562 = arith.addi %mul3A_4, %add3A_561 : i32
    %add3A_563 = arith.constant 3 : i32
    %add3A_564 = arith.addi %add3A_562, %add3A_563 : i32
    %dma_wait3A_565 = arith.constant 3 : i32
    %dma_wait3A_566 = arith.constant 3 : i32
    %dma_wait3A_567 = arith.constant 0 : i32
    %dma_wait3A_568 = arith.constant 0 : i32
    %dma_wait3A_569 = tpu.memref_slice %arg6[%dma_wait3A_565, %dma_wait3A_567, %dma_wait3A_568] : memref<8x200x64xf32, #tpu.memory_space<vmem>> -> memref<1x200x64xf32, #tpu.memory_space<vmem>>
    %dma_wait3A_570 = tpu.memref_squeeze %dma_wait3A_569 : memref<1x200x64xf32, #tpu.memory_space<vmem>> -> memref<200x64xf32, #tpu.memory_space<vmem>>
    %dma_wait3A_571 = arith.constant 150 : i32
    %dma_wait3A_572 = arith.constant 0 : i32
    %dma_wait3A_573 = tpu.memref_slice %dma_wait3A_570[%dma_wait3A_571, %dma_wait3A_572] : memref<200x64xf32, #tpu.memory_space<vmem>> -> memref<50x64xf32, #tpu.memory_space<vmem>>
    %dma_wait3A_574 = arith.constant 0 : i32
    %dma_wait3A_575 = arith.constant 0 : i32
    %dma_wait3A_576 = tpu.memref_slice %arg4[%add3A_564, %dma_wait3A_574, %dma_wait3A_575] : memref<16384x50x64xf32, #tpu.memory_space<hbm>> -> memref<1x50x64xf32, #tpu.memory_space<hbm>>
    %dma_wait3A_577 = tpu.memref_squeeze %dma_wait3A_576 : memref<1x50x64xf32, #tpu.memory_space<hbm>> -> memref<50x64xf32, #tpu.memory_space<hbm>>
    %dma_wait3A_578 = tpu.memref_slice %arg8[%dma_wait3A_566] : memref<8x!tpu.dma_semaphore, #tpu.memory_space<semaphore_mem>> -> memref<1x!tpu.dma_semaphore, #tpu.memory_space<semaphore_mem>>
    %dma_wait3A_579 = tpu.memref_squeeze %dma_wait3A_578 : memref<1x!tpu.dma_semaphore, #tpu.memory_space<semaphore_mem>> -> memref<!tpu.dma_semaphore, #tpu.memory_space<semaphore_mem>>
    %dma_wait3A_580 = arith.constant 0 : i32
    %dma_wait3A_581 = arith.constant 0 : i32
    %dma_wait3A_582 = tpu.memref_slice %arg4[%add3A_564, %dma_wait3A_580, %dma_wait3A_581] : memref<16384x50x64xf32, #tpu.memory_space<hbm>> -> memref<1x50x64xf32, #tpu.memory_space<hbm>>
    %dma_wait3A_583 = tpu.memref_squeeze %dma_wait3A_582 : memref<1x50x64xf32, #tpu.memory_space<hbm>> -> memref<50x64xf32, #tpu.memory_space<hbm>>
    %dma_wait3A_584 = arith.constant 0 : i32
    %dma_wait3A_585 = arith.constant 0 : i32
    %dma_wait3A_586 = tpu.memref_slice %arg6[%dma_wait3A_565, %dma_wait3A_584, %dma_wait3A_585] : memref<8x200x64xf32, #tpu.memory_space<vmem>> -> memref<1x200x64xf32, #tpu.memory_space<vmem>>
    %dma_wait3A_587 = tpu.memref_squeeze %dma_wait3A_586 : memref<1x200x64xf32, #tpu.memory_space<vmem>> -> memref<200x64xf32, #tpu.memory_space<vmem>>
    %dma_wait3A_588 = arith.constant 150 : i32
    %dma_wait3A_589 = arith.constant 0 : i32
    %dma_wait3A_590 = tpu.memref_slice %dma_wait3A_587[%dma_wait3A_588, %dma_wait3A_589] : memref<200x64xf32, #tpu.memory_space<vmem>> -> memref<50x64xf32, #tpu.memory_space<vmem>>
    tpu.wait_dma2 semaphore(%dma_wait3A_579 : memref<!tpu.dma_semaphore, #tpu.memory_space<semaphore_mem>>) src(%dma_wait3A_590 : memref<50x64xf32, #tpu.memory_space<vmem>>) dst(%dma_wait3A_583 : memref<50x64xf32, #tpu.memory_space<hbm>>)
    %add3A_591 = arith.constant 496 : i32
    %add3A_592 = arith.addi %mul3A_4, %add3A_591 : i32
    %add3A_593 = arith.constant 0 : i32
    %add3A_594 = arith.addi %add3A_592, %add3A_593 : i32
    %dma_wait3A_595 = arith.constant 4 : i32
    %dma_wait3A_596 = arith.constant 4 : i32
    %dma_wait3A_597 = arith.constant 0 : i32
    %dma_wait3A_598 = arith.constant 0 : i32
    %dma_wait3A_599 = tpu.memref_slice %arg6[%dma_wait3A_595, %dma_wait3A_597, %dma_wait3A_598] : memref<8x200x64xf32, #tpu.memory_space<vmem>> -> memref<1x200x64xf32, #tpu.memory_space<vmem>>
    %dma_wait3A_600 = tpu.memref_squeeze %dma_wait3A_599 : memref<1x200x64xf32, #tpu.memory_space<vmem>> -> memref<200x64xf32, #tpu.memory_space<vmem>>
    %dma_wait3A_601 = arith.constant 0 : i32
    %dma_wait3A_602 = arith.constant 0 : i32
    %dma_wait3A_603 = tpu.memref_slice %dma_wait3A_600[%dma_wait3A_601, %dma_wait3A_602] : memref<200x64xf32, #tpu.memory_space<vmem>> -> memref<50x64xf32, #tpu.memory_space<vmem>>
    %dma_wait3A_604 = arith.constant 0 : i32
    %dma_wait3A_605 = arith.constant 0 : i32
    %dma_wait3A_606 = tpu.memref_slice %arg4[%add3A_594, %dma_wait3A_604, %dma_wait3A_605] : memref<16384x50x64xf32, #tpu.memory_space<hbm>> -> memref<1x50x64xf32, #tpu.memory_space<hbm>>
    %dma_wait3A_607 = tpu.memref_squeeze %dma_wait3A_606 : memref<1x50x64xf32, #tpu.memory_space<hbm>> -> memref<50x64xf32, #tpu.memory_space<hbm>>
    %dma_wait3A_608 = tpu.memref_slice %arg8[%dma_wait3A_596] : memref<8x!tpu.dma_semaphore, #tpu.memory_space<semaphore_mem>> -> memref<1x!tpu.dma_semaphore, #tpu.memory_space<semaphore_mem>>
    %dma_wait3A_609 = tpu.memref_squeeze %dma_wait3A_608 : memref<1x!tpu.dma_semaphore, #tpu.memory_space<semaphore_mem>> -> memref<!tpu.dma_semaphore, #tpu.memory_space<semaphore_mem>>
    %dma_wait3A_610 = arith.constant 0 : i32
    %dma_wait3A_611 = arith.constant 0 : i32
    %dma_wait3A_612 = tpu.memref_slice %arg4[%add3A_594, %dma_wait3A_610, %dma_wait3A_611] : memref<16384x50x64xf32, #tpu.memory_space<hbm>> -> memref<1x50x64xf32, #tpu.memory_space<hbm>>
    %dma_wait3A_613 = tpu.memref_squeeze %dma_wait3A_612 : memref<1x50x64xf32, #tpu.memory_space<hbm>> -> memref<50x64xf32, #tpu.memory_space<hbm>>
    %dma_wait3A_614 = arith.constant 0 : i32
    %dma_wait3A_615 = arith.constant 0 : i32
    %dma_wait3A_616 = tpu.memref_slice %arg6[%dma_wait3A_595, %dma_wait3A_614, %dma_wait3A_615] : memref<8x200x64xf32, #tpu.memory_space<vmem>> -> memref<1x200x64xf32, #tpu.memory_space<vmem>>
    %dma_wait3A_617 = tpu.memref_squeeze %dma_wait3A_616 : memref<1x200x64xf32, #tpu.memory_space<vmem>> -> memref<200x64xf32, #tpu.memory_space<vmem>>
    %dma_wait3A_618 = arith.constant 0 : i32
    %dma_wait3A_619 = arith.constant 0 : i32
    %dma_wait3A_620 = tpu.memref_slice %dma_wait3A_617[%dma_wait3A_618, %dma_wait3A_619] : memref<200x64xf32, #tpu.memory_space<vmem>> -> memref<50x64xf32, #tpu.memory_space<vmem>>
    tpu.wait_dma2 semaphore(%dma_wait3A_609 : memref<!tpu.dma_semaphore, #tpu.memory_space<semaphore_mem>>) src(%dma_wait3A_620 : memref<50x64xf32, #tpu.memory_space<vmem>>) dst(%dma_wait3A_613 : memref<50x64xf32, #tpu.memory_space<hbm>>)
    %add3A_621 = arith.constant 496 : i32
    %add3A_622 = arith.addi %mul3A_4, %add3A_621 : i32
    %add3A_623 = arith.constant 1 : i32
    %add3A_624 = arith.addi %add3A_622, %add3A_623 : i32
    %dma_wait3A_625 = arith.constant 4 : i32
    %dma_wait3A_626 = arith.constant 4 : i32
    %dma_wait3A_627 = arith.constant 0 : i32
    %dma_wait3A_628 = arith.constant 0 : i32
    %dma_wait3A_629 = tpu.memref_slice %arg6[%dma_wait3A_625, %dma_wait3A_627, %dma_wait3A_628] : memref<8x200x64xf32, #tpu.memory_space<vmem>> -> memref<1x200x64xf32, #tpu.memory_space<vmem>>
    %dma_wait3A_630 = tpu.memref_squeeze %dma_wait3A_629 : memref<1x200x64xf32, #tpu.memory_space<vmem>> -> memref<200x64xf32, #tpu.memory_space<vmem>>
    %dma_wait3A_631 = arith.constant 50 : i32
    %dma_wait3A_632 = arith.constant 0 : i32
    %dma_wait3A_633 = tpu.memref_slice %dma_wait3A_630[%dma_wait3A_631, %dma_wait3A_632] : memref<200x64xf32, #tpu.memory_space<vmem>> -> memref<50x64xf32, #tpu.memory_space<vmem>>
    %dma_wait3A_634 = arith.constant 0 : i32
    %dma_wait3A_635 = arith.constant 0 : i32
    %dma_wait3A_636 = tpu.memref_slice %arg4[%add3A_624, %dma_wait3A_634, %dma_wait3A_635] : memref<16384x50x64xf32, #tpu.memory_space<hbm>> -> memref<1x50x64xf32, #tpu.memory_space<hbm>>
    %dma_wait3A_637 = tpu.memref_squeeze %dma_wait3A_636 : memref<1x50x64xf32, #tpu.memory_space<hbm>> -> memref<50x64xf32, #tpu.memory_space<hbm>>
    %dma_wait3A_638 = tpu.memref_slice %arg8[%dma_wait3A_626] : memref<8x!tpu.dma_semaphore, #tpu.memory_space<semaphore_mem>> -> memref<1x!tpu.dma_semaphore, #tpu.memory_space<semaphore_mem>>
    %dma_wait3A_639 = tpu.memref_squeeze %dma_wait3A_638 : memref<1x!tpu.dma_semaphore, #tpu.memory_space<semaphore_mem>> -> memref<!tpu.dma_semaphore, #tpu.memory_space<semaphore_mem>>
    %dma_wait3A_640 = arith.constant 0 : i32
    %dma_wait3A_641 = arith.constant 0 : i32
    %dma_wait3A_642 = tpu.memref_slice %arg4[%add3A_624, %dma_wait3A_640, %dma_wait3A_641] : memref<16384x50x64xf32, #tpu.memory_space<hbm>> -> memref<1x50x64xf32, #tpu.memory_space<hbm>>
    %dma_wait3A_643 = tpu.memref_squeeze %dma_wait3A_642 : memref<1x50x64xf32, #tpu.memory_space<hbm>> -> memref<50x64xf32, #tpu.memory_space<hbm>>
    %dma_wait3A_644 = arith.constant 0 : i32
    %dma_wait3A_645 = arith.constant 0 : i32
    %dma_wait3A_646 = tpu.memref_slice %arg6[%dma_wait3A_625, %dma_wait3A_644, %dma_wait3A_645] : memref<8x200x64xf32, #tpu.memory_space<vmem>> -> memref<1x200x64xf32, #tpu.memory_space<vmem>>
    %dma_wait3A_647 = tpu.memref_squeeze %dma_wait3A_646 : memref<1x200x64xf32, #tpu.memory_space<vmem>> -> memref<200x64xf32, #tpu.memory_space<vmem>>
    %dma_wait3A_648 = arith.constant 50 : i32
    %dma_wait3A_649 = arith.constant 0 : i32
    %dma_wait3A_650 = tpu.memref_slice %dma_wait3A_647[%dma_wait3A_648, %dma_wait3A_649] : memref<200x64xf32, #tpu.memory_space<vmem>> -> memref<50x64xf32, #tpu.memory_space<vmem>>
    tpu.wait_dma2 semaphore(%dma_wait3A_639 : memref<!tpu.dma_semaphore, #tpu.memory_space<semaphore_mem>>) src(%dma_wait3A_650 : memref<50x64xf32, #tpu.memory_space<vmem>>) dst(%dma_wait3A_643 : memref<50x64xf32, #tpu.memory_space<hbm>>)
    %add3A_651 = arith.constant 496 : i32
    %add3A_652 = arith.addi %mul3A_4, %add3A_651 : i32
    %add3A_653 = arith.constant 2 : i32
    %add3A_654 = arith.addi %add3A_652, %add3A_653 : i32
    %dma_wait3A_655 = arith.constant 4 : i32
    %dma_wait3A_656 = arith.constant 4 : i32
    %dma_wait3A_657 = arith.constant 0 : i32
    %dma_wait3A_658 = arith.constant 0 : i32
    %dma_wait3A_659 = tpu.memref_slice %arg6[%dma_wait3A_655, %dma_wait3A_657, %dma_wait3A_658] : memref<8x200x64xf32, #tpu.memory_space<vmem>> -> memref<1x200x64xf32, #tpu.memory_space<vmem>>
    %dma_wait3A_660 = tpu.memref_squeeze %dma_wait3A_659 : memref<1x200x64xf32, #tpu.memory_space<vmem>> -> memref<200x64xf32, #tpu.memory_space<vmem>>
    %dma_wait3A_661 = arith.constant 100 : i32
    %dma_wait3A_662 = arith.constant 0 : i32
    %dma_wait3A_663 = tpu.memref_slice %dma_wait3A_660[%dma_wait3A_661, %dma_wait3A_662] : memref<200x64xf32, #tpu.memory_space<vmem>> -> memref<50x64xf32, #tpu.memory_space<vmem>>
    %dma_wait3A_664 = arith.constant 0 : i32
    %dma_wait3A_665 = arith.constant 0 : i32
    %dma_wait3A_666 = tpu.memref_slice %arg4[%add3A_654, %dma_wait3A_664, %dma_wait3A_665] : memref<16384x50x64xf32, #tpu.memory_space<hbm>> -> memref<1x50x64xf32, #tpu.memory_space<hbm>>
    %dma_wait3A_667 = tpu.memref_squeeze %dma_wait3A_666 : memref<1x50x64xf32, #tpu.memory_space<hbm>> -> memref<50x64xf32, #tpu.memory_space<hbm>>
    %dma_wait3A_668 = tpu.memref_slice %arg8[%dma_wait3A_656] : memref<8x!tpu.dma_semaphore, #tpu.memory_space<semaphore_mem>> -> memref<1x!tpu.dma_semaphore, #tpu.memory_space<semaphore_mem>>
    %dma_wait3A_669 = tpu.memref_squeeze %dma_wait3A_668 : memref<1x!tpu.dma_semaphore, #tpu.memory_space<semaphore_mem>> -> memref<!tpu.dma_semaphore, #tpu.memory_space<semaphore_mem>>
    %dma_wait3A_670 = arith.constant 0 : i32
    %dma_wait3A_671 = arith.constant 0 : i32
    %dma_wait3A_672 = tpu.memref_slice %arg4[%add3A_654, %dma_wait3A_670, %dma_wait3A_671] : memref<16384x50x64xf32, #tpu.memory_space<hbm>> -> memref<1x50x64xf32, #tpu.memory_space<hbm>>
    %dma_wait3A_673 = tpu.memref_squeeze %dma_wait3A_672 : memref<1x50x64xf32, #tpu.memory_space<hbm>> -> memref<50x64xf32, #tpu.memory_space<hbm>>
    %dma_wait3A_674 = arith.constant 0 : i32
    %dma_wait3A_675 = arith.constant 0 : i32
    %dma_wait3A_676 = tpu.memref_slice %arg6[%dma_wait3A_655, %dma_wait3A_674, %dma_wait3A_675] : memref<8x200x64xf32, #tpu.memory_space<vmem>> -> memref<1x200x64xf32, #tpu.memory_space<vmem>>
    %dma_wait3A_677 = tpu.memref_squeeze %dma_wait3A_676 : memref<1x200x64xf32, #tpu.memory_space<vmem>> -> memref<200x64xf32, #tpu.memory_space<vmem>>
    %dma_wait3A_678 = arith.constant 100 : i32
    %dma_wait3A_679 = arith.constant 0 : i32
    %dma_wait3A_680 = tpu.memref_slice %dma_wait3A_677[%dma_wait3A_678, %dma_wait3A_679] : memref<200x64xf32, #tpu.memory_space<vmem>> -> memref<50x64xf32, #tpu.memory_space<vmem>>
    tpu.wait_dma2 semaphore(%dma_wait3A_669 : memref<!tpu.dma_semaphore, #tpu.memory_space<semaphore_mem>>) src(%dma_wait3A_680 : memref<50x64xf32, #tpu.memory_space<vmem>>) dst(%dma_wait3A_673 : memref<50x64xf32, #tpu.memory_space<hbm>>)
    %add3A_681 = arith.constant 496 : i32
    %add3A_682 = arith.addi %mul3A_4, %add3A_681 : i32
    %add3A_683 = arith.constant 3 : i32
    %add3A_684 = arith.addi %add3A_682, %add3A_683 : i32
    %dma_wait3A_685 = arith.constant 4 : i32
    %dma_wait3A_686 = arith.constant 4 : i32
    %dma_wait3A_687 = arith.constant 0 : i32
    %dma_wait3A_688 = arith.constant 0 : i32
    %dma_wait3A_689 = tpu.memref_slice %arg6[%dma_wait3A_685, %dma_wait3A_687, %dma_wait3A_688] : memref<8x200x64xf32, #tpu.memory_space<vmem>> -> memref<1x200x64xf32, #tpu.memory_space<vmem>>
    %dma_wait3A_690 = tpu.memref_squeeze %dma_wait3A_689 : memref<1x200x64xf32, #tpu.memory_space<vmem>> -> memref<200x64xf32, #tpu.memory_space<vmem>>
    %dma_wait3A_691 = arith.constant 150 : i32
    %dma_wait3A_692 = arith.constant 0 : i32
    %dma_wait3A_693 = tpu.memref_slice %dma_wait3A_690[%dma_wait3A_691, %dma_wait3A_692] : memref<200x64xf32, #tpu.memory_space<vmem>> -> memref<50x64xf32, #tpu.memory_space<vmem>>
    %dma_wait3A_694 = arith.constant 0 : i32
    %dma_wait3A_695 = arith.constant 0 : i32
    %dma_wait3A_696 = tpu.memref_slice %arg4[%add3A_684, %dma_wait3A_694, %dma_wait3A_695] : memref<16384x50x64xf32, #tpu.memory_space<hbm>> -> memref<1x50x64xf32, #tpu.memory_space<hbm>>
    %dma_wait3A_697 = tpu.memref_squeeze %dma_wait3A_696 : memref<1x50x64xf32, #tpu.memory_space<hbm>> -> memref<50x64xf32, #tpu.memory_space<hbm>>
    %dma_wait3A_698 = tpu.memref_slice %arg8[%dma_wait3A_686] : memref<8x!tpu.dma_semaphore, #tpu.memory_space<semaphore_mem>> -> memref<1x!tpu.dma_semaphore, #tpu.memory_space<semaphore_mem>>
    %dma_wait3A_699 = tpu.memref_squeeze %dma_wait3A_698 : memref<1x!tpu.dma_semaphore, #tpu.memory_space<semaphore_mem>> -> memref<!tpu.dma_semaphore, #tpu.memory_space<semaphore_mem>>
    %dma_wait3A_700 = arith.constant 0 : i32
    %dma_wait3A_701 = arith.constant 0 : i32
    %dma_wait3A_702 = tpu.memref_slice %arg4[%add3A_684, %dma_wait3A_700, %dma_wait3A_701] : memref<16384x50x64xf32, #tpu.memory_space<hbm>> -> memref<1x50x64xf32, #tpu.memory_space<hbm>>
    %dma_wait3A_703 = tpu.memref_squeeze %dma_wait3A_702 : memref<1x50x64xf32, #tpu.memory_space<hbm>> -> memref<50x64xf32, #tpu.memory_space<hbm>>
    %dma_wait3A_704 = arith.constant 0 : i32
    %dma_wait3A_705 = arith.constant 0 : i32
    %dma_wait3A_706 = tpu.memref_slice %arg6[%dma_wait3A_685, %dma_wait3A_704, %dma_wait3A_705] : memref<8x200x64xf32, #tpu.memory_space<vmem>> -> memref<1x200x64xf32, #tpu.memory_space<vmem>>
    %dma_wait3A_707 = tpu.memref_squeeze %dma_wait3A_706 : memref<1x200x64xf32, #tpu.memory_space<vmem>> -> memref<200x64xf32, #tpu.memory_space<vmem>>
    %dma_wait3A_708 = arith.constant 150 : i32
    %dma_wait3A_709 = arith.constant 0 : i32
    %dma_wait3A_710 = tpu.memref_slice %dma_wait3A_707[%dma_wait3A_708, %dma_wait3A_709] : memref<200x64xf32, #tpu.memory_space<vmem>> -> memref<50x64xf32, #tpu.memory_space<vmem>>
    tpu.wait_dma2 semaphore(%dma_wait3A_699 : memref<!tpu.dma_semaphore, #tpu.memory_space<semaphore_mem>>) src(%dma_wait3A_710 : memref<50x64xf32, #tpu.memory_space<vmem>>) dst(%dma_wait3A_703 : memref<50x64xf32, #tpu.memory_space<hbm>>)
    %add3A_711 = arith.constant 500 : i32
    %add3A_712 = arith.addi %mul3A_4, %add3A_711 : i32
    %add3A_713 = arith.constant 0 : i32
    %add3A_714 = arith.addi %add3A_712, %add3A_713 : i32
    %dma_wait3A_715 = arith.constant 5 : i32
    %dma_wait3A_716 = arith.constant 5 : i32
    %dma_wait3A_717 = arith.constant 0 : i32
    %dma_wait3A_718 = arith.constant 0 : i32
    %dma_wait3A_719 = tpu.memref_slice %arg6[%dma_wait3A_715, %dma_wait3A_717, %dma_wait3A_718] : memref<8x200x64xf32, #tpu.memory_space<vmem>> -> memref<1x200x64xf32, #tpu.memory_space<vmem>>
    %dma_wait3A_720 = tpu.memref_squeeze %dma_wait3A_719 : memref<1x200x64xf32, #tpu.memory_space<vmem>> -> memref<200x64xf32, #tpu.memory_space<vmem>>
    %dma_wait3A_721 = arith.constant 0 : i32
    %dma_wait3A_722 = arith.constant 0 : i32
    %dma_wait3A_723 = tpu.memref_slice %dma_wait3A_720[%dma_wait3A_721, %dma_wait3A_722] : memref<200x64xf32, #tpu.memory_space<vmem>> -> memref<50x64xf32, #tpu.memory_space<vmem>>
    %dma_wait3A_724 = arith.constant 0 : i32
    %dma_wait3A_725 = arith.constant 0 : i32
    %dma_wait3A_726 = tpu.memref_slice %arg4[%add3A_714, %dma_wait3A_724, %dma_wait3A_725] : memref<16384x50x64xf32, #tpu.memory_space<hbm>> -> memref<1x50x64xf32, #tpu.memory_space<hbm>>
    %dma_wait3A_727 = tpu.memref_squeeze %dma_wait3A_726 : memref<1x50x64xf32, #tpu.memory_space<hbm>> -> memref<50x64xf32, #tpu.memory_space<hbm>>
    %dma_wait3A_728 = tpu.memref_slice %arg8[%dma_wait3A_716] : memref<8x!tpu.dma_semaphore, #tpu.memory_space<semaphore_mem>> -> memref<1x!tpu.dma_semaphore, #tpu.memory_space<semaphore_mem>>
    %dma_wait3A_729 = tpu.memref_squeeze %dma_wait3A_728 : memref<1x!tpu.dma_semaphore, #tpu.memory_space<semaphore_mem>> -> memref<!tpu.dma_semaphore, #tpu.memory_space<semaphore_mem>>
    %dma_wait3A_730 = arith.constant 0 : i32
    %dma_wait3A_731 = arith.constant 0 : i32
    %dma_wait3A_732 = tpu.memref_slice %arg4[%add3A_714, %dma_wait3A_730, %dma_wait3A_731] : memref<16384x50x64xf32, #tpu.memory_space<hbm>> -> memref<1x50x64xf32, #tpu.memory_space<hbm>>
    %dma_wait3A_733 = tpu.memref_squeeze %dma_wait3A_732 : memref<1x50x64xf32, #tpu.memory_space<hbm>> -> memref<50x64xf32, #tpu.memory_space<hbm>>
    %dma_wait3A_734 = arith.constant 0 : i32
    %dma_wait3A_735 = arith.constant 0 : i32
    %dma_wait3A_736 = tpu.memref_slice %arg6[%dma_wait3A_715, %dma_wait3A_734, %dma_wait3A_735] : memref<8x200x64xf32, #tpu.memory_space<vmem>> -> memref<1x200x64xf32, #tpu.memory_space<vmem>>
    %dma_wait3A_737 = tpu.memref_squeeze %dma_wait3A_736 : memref<1x200x64xf32, #tpu.memory_space<vmem>> -> memref<200x64xf32, #tpu.memory_space<vmem>>
    %dma_wait3A_738 = arith.constant 0 : i32
    %dma_wait3A_739 = arith.constant 0 : i32
    %dma_wait3A_740 = tpu.memref_slice %dma_wait3A_737[%dma_wait3A_738, %dma_wait3A_739] : memref<200x64xf32, #tpu.memory_space<vmem>> -> memref<50x64xf32, #tpu.memory_space<vmem>>
    tpu.wait_dma2 semaphore(%dma_wait3A_729 : memref<!tpu.dma_semaphore, #tpu.memory_space<semaphore_mem>>) src(%dma_wait3A_740 : memref<50x64xf32, #tpu.memory_space<vmem>>) dst(%dma_wait3A_733 : memref<50x64xf32, #tpu.memory_space<hbm>>)
    %add3A_741 = arith.constant 500 : i32
    %add3A_742 = arith.addi %mul3A_4, %add3A_741 : i32
    %add3A_743 = arith.constant 1 : i32
    %add3A_744 = arith.addi %add3A_742, %add3A_743 : i32
    %dma_wait3A_745 = arith.constant 5 : i32
    %dma_wait3A_746 = arith.constant 5 : i32
    %dma_wait3A_747 = arith.constant 0 : i32
    %dma_wait3A_748 = arith.constant 0 : i32
    %dma_wait3A_749 = tpu.memref_slice %arg6[%dma_wait3A_745, %dma_wait3A_747, %dma_wait3A_748] : memref<8x200x64xf32, #tpu.memory_space<vmem>> -> memref<1x200x64xf32, #tpu.memory_space<vmem>>
    %dma_wait3A_750 = tpu.memref_squeeze %dma_wait3A_749 : memref<1x200x64xf32, #tpu.memory_space<vmem>> -> memref<200x64xf32, #tpu.memory_space<vmem>>
    %dma_wait3A_751 = arith.constant 50 : i32
    %dma_wait3A_752 = arith.constant 0 : i32
    %dma_wait3A_753 = tpu.memref_slice %dma_wait3A_750[%dma_wait3A_751, %dma_wait3A_752] : memref<200x64xf32, #tpu.memory_space<vmem>> -> memref<50x64xf32, #tpu.memory_space<vmem>>
    %dma_wait3A_754 = arith.constant 0 : i32
    %dma_wait3A_755 = arith.constant 0 : i32
    %dma_wait3A_756 = tpu.memref_slice %arg4[%add3A_744, %dma_wait3A_754, %dma_wait3A_755] : memref<16384x50x64xf32, #tpu.memory_space<hbm>> -> memref<1x50x64xf32, #tpu.memory_space<hbm>>
    %dma_wait3A_757 = tpu.memref_squeeze %dma_wait3A_756 : memref<1x50x64xf32, #tpu.memory_space<hbm>> -> memref<50x64xf32, #tpu.memory_space<hbm>>
    %dma_wait3A_758 = tpu.memref_slice %arg8[%dma_wait3A_746] : memref<8x!tpu.dma_semaphore, #tpu.memory_space<semaphore_mem>> -> memref<1x!tpu.dma_semaphore, #tpu.memory_space<semaphore_mem>>
    %dma_wait3A_759 = tpu.memref_squeeze %dma_wait3A_758 : memref<1x!tpu.dma_semaphore, #tpu.memory_space<semaphore_mem>> -> memref<!tpu.dma_semaphore, #tpu.memory_space<semaphore_mem>>
    %dma_wait3A_760 = arith.constant 0 : i32
    %dma_wait3A_761 = arith.constant 0 : i32
    %dma_wait3A_762 = tpu.memref_slice %arg4[%add3A_744, %dma_wait3A_760, %dma_wait3A_761] : memref<16384x50x64xf32, #tpu.memory_space<hbm>> -> memref<1x50x64xf32, #tpu.memory_space<hbm>>
    %dma_wait3A_763 = tpu.memref_squeeze %dma_wait3A_762 : memref<1x50x64xf32, #tpu.memory_space<hbm>> -> memref<50x64xf32, #tpu.memory_space<hbm>>
    %dma_wait3A_764 = arith.constant 0 : i32
    %dma_wait3A_765 = arith.constant 0 : i32
    %dma_wait3A_766 = tpu.memref_slice %arg6[%dma_wait3A_745, %dma_wait3A_764, %dma_wait3A_765] : memref<8x200x64xf32, #tpu.memory_space<vmem>> -> memref<1x200x64xf32, #tpu.memory_space<vmem>>
    %dma_wait3A_767 = tpu.memref_squeeze %dma_wait3A_766 : memref<1x200x64xf32, #tpu.memory_space<vmem>> -> memref<200x64xf32, #tpu.memory_space<vmem>>
    %dma_wait3A_768 = arith.constant 50 : i32
    %dma_wait3A_769 = arith.constant 0 : i32
    %dma_wait3A_770 = tpu.memref_slice %dma_wait3A_767[%dma_wait3A_768, %dma_wait3A_769] : memref<200x64xf32, #tpu.memory_space<vmem>> -> memref<50x64xf32, #tpu.memory_space<vmem>>
    tpu.wait_dma2 semaphore(%dma_wait3A_759 : memref<!tpu.dma_semaphore, #tpu.memory_space<semaphore_mem>>) src(%dma_wait3A_770 : memref<50x64xf32, #tpu.memory_space<vmem>>) dst(%dma_wait3A_763 : memref<50x64xf32, #tpu.memory_space<hbm>>)
    %add3A_771 = arith.constant 500 : i32
    %add3A_772 = arith.addi %mul3A_4, %add3A_771 : i32
    %add3A_773 = arith.constant 2 : i32
    %add3A_774 = arith.addi %add3A_772, %add3A_773 : i32
    %dma_wait3A_775 = arith.constant 5 : i32
    %dma_wait3A_776 = arith.constant 5 : i32
    %dma_wait3A_777 = arith.constant 0 : i32
    %dma_wait3A_778 = arith.constant 0 : i32
    %dma_wait3A_779 = tpu.memref_slice %arg6[%dma_wait3A_775, %dma_wait3A_777, %dma_wait3A_778] : memref<8x200x64xf32, #tpu.memory_space<vmem>> -> memref<1x200x64xf32, #tpu.memory_space<vmem>>
    %dma_wait3A_780 = tpu.memref_squeeze %dma_wait3A_779 : memref<1x200x64xf32, #tpu.memory_space<vmem>> -> memref<200x64xf32, #tpu.memory_space<vmem>>
    %dma_wait3A_781 = arith.constant 100 : i32
    %dma_wait3A_782 = arith.constant 0 : i32
    %dma_wait3A_783 = tpu.memref_slice %dma_wait3A_780[%dma_wait3A_781, %dma_wait3A_782] : memref<200x64xf32, #tpu.memory_space<vmem>> -> memref<50x64xf32, #tpu.memory_space<vmem>>
    %dma_wait3A_784 = arith.constant 0 : i32
    %dma_wait3A_785 = arith.constant 0 : i32
    %dma_wait3A_786 = tpu.memref_slice %arg4[%add3A_774, %dma_wait3A_784, %dma_wait3A_785] : memref<16384x50x64xf32, #tpu.memory_space<hbm>> -> memref<1x50x64xf32, #tpu.memory_space<hbm>>
    %dma_wait3A_787 = tpu.memref_squeeze %dma_wait3A_786 : memref<1x50x64xf32, #tpu.memory_space<hbm>> -> memref<50x64xf32, #tpu.memory_space<hbm>>
    %dma_wait3A_788 = tpu.memref_slice %arg8[%dma_wait3A_776] : memref<8x!tpu.dma_semaphore, #tpu.memory_space<semaphore_mem>> -> memref<1x!tpu.dma_semaphore, #tpu.memory_space<semaphore_mem>>
    %dma_wait3A_789 = tpu.memref_squeeze %dma_wait3A_788 : memref<1x!tpu.dma_semaphore, #tpu.memory_space<semaphore_mem>> -> memref<!tpu.dma_semaphore, #tpu.memory_space<semaphore_mem>>
    %dma_wait3A_790 = arith.constant 0 : i32
    %dma_wait3A_791 = arith.constant 0 : i32
    %dma_wait3A_792 = tpu.memref_slice %arg4[%add3A_774, %dma_wait3A_790, %dma_wait3A_791] : memref<16384x50x64xf32, #tpu.memory_space<hbm>> -> memref<1x50x64xf32, #tpu.memory_space<hbm>>
    %dma_wait3A_793 = tpu.memref_squeeze %dma_wait3A_792 : memref<1x50x64xf32, #tpu.memory_space<hbm>> -> memref<50x64xf32, #tpu.memory_space<hbm>>
    %dma_wait3A_794 = arith.constant 0 : i32
    %dma_wait3A_795 = arith.constant 0 : i32
    %dma_wait3A_796 = tpu.memref_slice %arg6[%dma_wait3A_775, %dma_wait3A_794, %dma_wait3A_795] : memref<8x200x64xf32, #tpu.memory_space<vmem>> -> memref<1x200x64xf32, #tpu.memory_space<vmem>>
    %dma_wait3A_797 = tpu.memref_squeeze %dma_wait3A_796 : memref<1x200x64xf32, #tpu.memory_space<vmem>> -> memref<200x64xf32, #tpu.memory_space<vmem>>
    %dma_wait3A_798 = arith.constant 100 : i32
    %dma_wait3A_799 = arith.constant 0 : i32
    %dma_wait3A_800 = tpu.memref_slice %dma_wait3A_797[%dma_wait3A_798, %dma_wait3A_799] : memref<200x64xf32, #tpu.memory_space<vmem>> -> memref<50x64xf32, #tpu.memory_space<vmem>>
    tpu.wait_dma2 semaphore(%dma_wait3A_789 : memref<!tpu.dma_semaphore, #tpu.memory_space<semaphore_mem>>) src(%dma_wait3A_800 : memref<50x64xf32, #tpu.memory_space<vmem>>) dst(%dma_wait3A_793 : memref<50x64xf32, #tpu.memory_space<hbm>>)
    %add3A_801 = arith.constant 500 : i32
    %add3A_802 = arith.addi %mul3A_4, %add3A_801 : i32
    %add3A_803 = arith.constant 3 : i32
    %add3A_804 = arith.addi %add3A_802, %add3A_803 : i32
    %dma_wait3A_805 = arith.constant 5 : i32
    %dma_wait3A_806 = arith.constant 5 : i32
    %dma_wait3A_807 = arith.constant 0 : i32
    %dma_wait3A_808 = arith.constant 0 : i32
    %dma_wait3A_809 = tpu.memref_slice %arg6[%dma_wait3A_805, %dma_wait3A_807, %dma_wait3A_808] : memref<8x200x64xf32, #tpu.memory_space<vmem>> -> memref<1x200x64xf32, #tpu.memory_space<vmem>>
    %dma_wait3A_810 = tpu.memref_squeeze %dma_wait3A_809 : memref<1x200x64xf32, #tpu.memory_space<vmem>> -> memref<200x64xf32, #tpu.memory_space<vmem>>
    %dma_wait3A_811 = arith.constant 150 : i32
    %dma_wait3A_812 = arith.constant 0 : i32
    %dma_wait3A_813 = tpu.memref_slice %dma_wait3A_810[%dma_wait3A_811, %dma_wait3A_812] : memref<200x64xf32, #tpu.memory_space<vmem>> -> memref<50x64xf32, #tpu.memory_space<vmem>>
    %dma_wait3A_814 = arith.constant 0 : i32
    %dma_wait3A_815 = arith.constant 0 : i32
    %dma_wait3A_816 = tpu.memref_slice %arg4[%add3A_804, %dma_wait3A_814, %dma_wait3A_815] : memref<16384x50x64xf32, #tpu.memory_space<hbm>> -> memref<1x50x64xf32, #tpu.memory_space<hbm>>
    %dma_wait3A_817 = tpu.memref_squeeze %dma_wait3A_816 : memref<1x50x64xf32, #tpu.memory_space<hbm>> -> memref<50x64xf32, #tpu.memory_space<hbm>>
    %dma_wait3A_818 = tpu.memref_slice %arg8[%dma_wait3A_806] : memref<8x!tpu.dma_semaphore, #tpu.memory_space<semaphore_mem>> -> memref<1x!tpu.dma_semaphore, #tpu.memory_space<semaphore_mem>>
    %dma_wait3A_819 = tpu.memref_squeeze %dma_wait3A_818 : memref<1x!tpu.dma_semaphore, #tpu.memory_space<semaphore_mem>> -> memref<!tpu.dma_semaphore, #tpu.memory_space<semaphore_mem>>
    %dma_wait3A_820 = arith.constant 0 : i32
    %dma_wait3A_821 = arith.constant 0 : i32
    %dma_wait3A_822 = tpu.memref_slice %arg4[%add3A_804, %dma_wait3A_820, %dma_wait3A_821] : memref<16384x50x64xf32, #tpu.memory_space<hbm>> -> memref<1x50x64xf32, #tpu.memory_space<hbm>>
    %dma_wait3A_823 = tpu.memref_squeeze %dma_wait3A_822 : memref<1x50x64xf32, #tpu.memory_space<hbm>> -> memref<50x64xf32, #tpu.memory_space<hbm>>
    %dma_wait3A_824 = arith.constant 0 : i32
    %dma_wait3A_825 = arith.constant 0 : i32
    %dma_wait3A_826 = tpu.memref_slice %arg6[%dma_wait3A_805, %dma_wait3A_824, %dma_wait3A_825] : memref<8x200x64xf32, #tpu.memory_space<vmem>> -> memref<1x200x64xf32, #tpu.memory_space<vmem>>
    %dma_wait3A_827 = tpu.memref_squeeze %dma_wait3A_826 : memref<1x200x64xf32, #tpu.memory_space<vmem>> -> memref<200x64xf32, #tpu.memory_space<vmem>>
    %dma_wait3A_828 = arith.constant 150 : i32
    %dma_wait3A_829 = arith.constant 0 : i32
    %dma_wait3A_830 = tpu.memref_slice %dma_wait3A_827[%dma_wait3A_828, %dma_wait3A_829] : memref<200x64xf32, #tpu.memory_space<vmem>> -> memref<50x64xf32, #tpu.memory_space<vmem>>
    tpu.wait_dma2 semaphore(%dma_wait3A_819 : memref<!tpu.dma_semaphore, #tpu.memory_space<semaphore_mem>>) src(%dma_wait3A_830 : memref<50x64xf32, #tpu.memory_space<vmem>>) dst(%dma_wait3A_823 : memref<50x64xf32, #tpu.memory_space<hbm>>)
    %add3A_831 = arith.constant 504 : i32
    %add3A_832 = arith.addi %mul3A_4, %add3A_831 : i32
    %add3A_833 = arith.constant 0 : i32
    %add3A_834 = arith.addi %add3A_832, %add3A_833 : i32
    %dma_wait3A_835 = arith.constant 6 : i32
    %dma_wait3A_836 = arith.constant 6 : i32
    %dma_wait3A_837 = arith.constant 0 : i32
    %dma_wait3A_838 = arith.constant 0 : i32
    %dma_wait3A_839 = tpu.memref_slice %arg6[%dma_wait3A_835, %dma_wait3A_837, %dma_wait3A_838] : memref<8x200x64xf32, #tpu.memory_space<vmem>> -> memref<1x200x64xf32, #tpu.memory_space<vmem>>
    %dma_wait3A_840 = tpu.memref_squeeze %dma_wait3A_839 : memref<1x200x64xf32, #tpu.memory_space<vmem>> -> memref<200x64xf32, #tpu.memory_space<vmem>>
    %dma_wait3A_841 = arith.constant 0 : i32
    %dma_wait3A_842 = arith.constant 0 : i32
    %dma_wait3A_843 = tpu.memref_slice %dma_wait3A_840[%dma_wait3A_841, %dma_wait3A_842] : memref<200x64xf32, #tpu.memory_space<vmem>> -> memref<50x64xf32, #tpu.memory_space<vmem>>
    %dma_wait3A_844 = arith.constant 0 : i32
    %dma_wait3A_845 = arith.constant 0 : i32
    %dma_wait3A_846 = tpu.memref_slice %arg4[%add3A_834, %dma_wait3A_844, %dma_wait3A_845] : memref<16384x50x64xf32, #tpu.memory_space<hbm>> -> memref<1x50x64xf32, #tpu.memory_space<hbm>>
    %dma_wait3A_847 = tpu.memref_squeeze %dma_wait3A_846 : memref<1x50x64xf32, #tpu.memory_space<hbm>> -> memref<50x64xf32, #tpu.memory_space<hbm>>
    %dma_wait3A_848 = tpu.memref_slice %arg8[%dma_wait3A_836] : memref<8x!tpu.dma_semaphore, #tpu.memory_space<semaphore_mem>> -> memref<1x!tpu.dma_semaphore, #tpu.memory_space<semaphore_mem>>
    %dma_wait3A_849 = tpu.memref_squeeze %dma_wait3A_848 : memref<1x!tpu.dma_semaphore, #tpu.memory_space<semaphore_mem>> -> memref<!tpu.dma_semaphore, #tpu.memory_space<semaphore_mem>>
    %dma_wait3A_850 = arith.constant 0 : i32
    %dma_wait3A_851 = arith.constant 0 : i32
    %dma_wait3A_852 = tpu.memref_slice %arg4[%add3A_834, %dma_wait3A_850, %dma_wait3A_851] : memref<16384x50x64xf32, #tpu.memory_space<hbm>> -> memref<1x50x64xf32, #tpu.memory_space<hbm>>
    %dma_wait3A_853 = tpu.memref_squeeze %dma_wait3A_852 : memref<1x50x64xf32, #tpu.memory_space<hbm>> -> memref<50x64xf32, #tpu.memory_space<hbm>>
    %dma_wait3A_854 = arith.constant 0 : i32
    %dma_wait3A_855 = arith.constant 0 : i32
    %dma_wait3A_856 = tpu.memref_slice %arg6[%dma_wait3A_835, %dma_wait3A_854, %dma_wait3A_855] : memref<8x200x64xf32, #tpu.memory_space<vmem>> -> memref<1x200x64xf32, #tpu.memory_space<vmem>>
    %dma_wait3A_857 = tpu.memref_squeeze %dma_wait3A_856 : memref<1x200x64xf32, #tpu.memory_space<vmem>> -> memref<200x64xf32, #tpu.memory_space<vmem>>
    %dma_wait3A_858 = arith.constant 0 : i32
    %dma_wait3A_859 = arith.constant 0 : i32
    %dma_wait3A_860 = tpu.memref_slice %dma_wait3A_857[%dma_wait3A_858, %dma_wait3A_859] : memref<200x64xf32, #tpu.memory_space<vmem>> -> memref<50x64xf32, #tpu.memory_space<vmem>>
    tpu.wait_dma2 semaphore(%dma_wait3A_849 : memref<!tpu.dma_semaphore, #tpu.memory_space<semaphore_mem>>) src(%dma_wait3A_860 : memref<50x64xf32, #tpu.memory_space<vmem>>) dst(%dma_wait3A_853 : memref<50x64xf32, #tpu.memory_space<hbm>>)
    %add3A_861 = arith.constant 504 : i32
    %add3A_862 = arith.addi %mul3A_4, %add3A_861 : i32
    %add3A_863 = arith.constant 1 : i32
    %add3A_864 = arith.addi %add3A_862, %add3A_863 : i32
    %dma_wait3A_865 = arith.constant 6 : i32
    %dma_wait3A_866 = arith.constant 6 : i32
    %dma_wait3A_867 = arith.constant 0 : i32
    %dma_wait3A_868 = arith.constant 0 : i32
    %dma_wait3A_869 = tpu.memref_slice %arg6[%dma_wait3A_865, %dma_wait3A_867, %dma_wait3A_868] : memref<8x200x64xf32, #tpu.memory_space<vmem>> -> memref<1x200x64xf32, #tpu.memory_space<vmem>>
    %dma_wait3A_870 = tpu.memref_squeeze %dma_wait3A_869 : memref<1x200x64xf32, #tpu.memory_space<vmem>> -> memref<200x64xf32, #tpu.memory_space<vmem>>
    %dma_wait3A_871 = arith.constant 50 : i32
    %dma_wait3A_872 = arith.constant 0 : i32
    %dma_wait3A_873 = tpu.memref_slice %dma_wait3A_870[%dma_wait3A_871, %dma_wait3A_872] : memref<200x64xf32, #tpu.memory_space<vmem>> -> memref<50x64xf32, #tpu.memory_space<vmem>>
    %dma_wait3A_874 = arith.constant 0 : i32
    %dma_wait3A_875 = arith.constant 0 : i32
    %dma_wait3A_876 = tpu.memref_slice %arg4[%add3A_864, %dma_wait3A_874, %dma_wait3A_875] : memref<16384x50x64xf32, #tpu.memory_space<hbm>> -> memref<1x50x64xf32, #tpu.memory_space<hbm>>
    %dma_wait3A_877 = tpu.memref_squeeze %dma_wait3A_876 : memref<1x50x64xf32, #tpu.memory_space<hbm>> -> memref<50x64xf32, #tpu.memory_space<hbm>>
    %dma_wait3A_878 = tpu.memref_slice %arg8[%dma_wait3A_866] : memref<8x!tpu.dma_semaphore, #tpu.memory_space<semaphore_mem>> -> memref<1x!tpu.dma_semaphore, #tpu.memory_space<semaphore_mem>>
    %dma_wait3A_879 = tpu.memref_squeeze %dma_wait3A_878 : memref<1x!tpu.dma_semaphore, #tpu.memory_space<semaphore_mem>> -> memref<!tpu.dma_semaphore, #tpu.memory_space<semaphore_mem>>
    %dma_wait3A_880 = arith.constant 0 : i32
    %dma_wait3A_881 = arith.constant 0 : i32
    %dma_wait3A_882 = tpu.memref_slice %arg4[%add3A_864, %dma_wait3A_880, %dma_wait3A_881] : memref<16384x50x64xf32, #tpu.memory_space<hbm>> -> memref<1x50x64xf32, #tpu.memory_space<hbm>>
    %dma_wait3A_883 = tpu.memref_squeeze %dma_wait3A_882 : memref<1x50x64xf32, #tpu.memory_space<hbm>> -> memref<50x64xf32, #tpu.memory_space<hbm>>
    %dma_wait3A_884 = arith.constant 0 : i32
    %dma_wait3A_885 = arith.constant 0 : i32
    %dma_wait3A_886 = tpu.memref_slice %arg6[%dma_wait3A_865, %dma_wait3A_884, %dma_wait3A_885] : memref<8x200x64xf32, #tpu.memory_space<vmem>> -> memref<1x200x64xf32, #tpu.memory_space<vmem>>
    %dma_wait3A_887 = tpu.memref_squeeze %dma_wait3A_886 : memref<1x200x64xf32, #tpu.memory_space<vmem>> -> memref<200x64xf32, #tpu.memory_space<vmem>>
    %dma_wait3A_888 = arith.constant 50 : i32
    %dma_wait3A_889 = arith.constant 0 : i32
    %dma_wait3A_890 = tpu.memref_slice %dma_wait3A_887[%dma_wait3A_888, %dma_wait3A_889] : memref<200x64xf32, #tpu.memory_space<vmem>> -> memref<50x64xf32, #tpu.memory_space<vmem>>
    tpu.wait_dma2 semaphore(%dma_wait3A_879 : memref<!tpu.dma_semaphore, #tpu.memory_space<semaphore_mem>>) src(%dma_wait3A_890 : memref<50x64xf32, #tpu.memory_space<vmem>>) dst(%dma_wait3A_883 : memref<50x64xf32, #tpu.memory_space<hbm>>)
    %add3A_891 = arith.constant 504 : i32
    %add3A_892 = arith.addi %mul3A_4, %add3A_891 : i32
    %add3A_893 = arith.constant 2 : i32
    %add3A_894 = arith.addi %add3A_892, %add3A_893 : i32
    %dma_wait3A_895 = arith.constant 6 : i32
    %dma_wait3A_896 = arith.constant 6 : i32
    %dma_wait3A_897 = arith.constant 0 : i32
    %dma_wait3A_898 = arith.constant 0 : i32
    %dma_wait3A_899 = tpu.memref_slice %arg6[%dma_wait3A_895, %dma_wait3A_897, %dma_wait3A_898] : memref<8x200x64xf32, #tpu.memory_space<vmem>> -> memref<1x200x64xf32, #tpu.memory_space<vmem>>
    %dma_wait3A_900 = tpu.memref_squeeze %dma_wait3A_899 : memref<1x200x64xf32, #tpu.memory_space<vmem>> -> memref<200x64xf32, #tpu.memory_space<vmem>>
    %dma_wait3A_901 = arith.constant 100 : i32
    %dma_wait3A_902 = arith.constant 0 : i32
    %dma_wait3A_903 = tpu.memref_slice %dma_wait3A_900[%dma_wait3A_901, %dma_wait3A_902] : memref<200x64xf32, #tpu.memory_space<vmem>> -> memref<50x64xf32, #tpu.memory_space<vmem>>
    %dma_wait3A_904 = arith.constant 0 : i32
    %dma_wait3A_905 = arith.constant 0 : i32
    %dma_wait3A_906 = tpu.memref_slice %arg4[%add3A_894, %dma_wait3A_904, %dma_wait3A_905] : memref<16384x50x64xf32, #tpu.memory_space<hbm>> -> memref<1x50x64xf32, #tpu.memory_space<hbm>>
    %dma_wait3A_907 = tpu.memref_squeeze %dma_wait3A_906 : memref<1x50x64xf32, #tpu.memory_space<hbm>> -> memref<50x64xf32, #tpu.memory_space<hbm>>
    %dma_wait3A_908 = tpu.memref_slice %arg8[%dma_wait3A_896] : memref<8x!tpu.dma_semaphore, #tpu.memory_space<semaphore_mem>> -> memref<1x!tpu.dma_semaphore, #tpu.memory_space<semaphore_mem>>
    %dma_wait3A_909 = tpu.memref_squeeze %dma_wait3A_908 : memref<1x!tpu.dma_semaphore, #tpu.memory_space<semaphore_mem>> -> memref<!tpu.dma_semaphore, #tpu.memory_space<semaphore_mem>>
    %dma_wait3A_910 = arith.constant 0 : i32
    %dma_wait3A_911 = arith.constant 0 : i32
    %dma_wait3A_912 = tpu.memref_slice %arg4[%add3A_894, %dma_wait3A_910, %dma_wait3A_911] : memref<16384x50x64xf32, #tpu.memory_space<hbm>> -> memref<1x50x64xf32, #tpu.memory_space<hbm>>
    %dma_wait3A_913 = tpu.memref_squeeze %dma_wait3A_912 : memref<1x50x64xf32, #tpu.memory_space<hbm>> -> memref<50x64xf32, #tpu.memory_space<hbm>>
    %dma_wait3A_914 = arith.constant 0 : i32
    %dma_wait3A_915 = arith.constant 0 : i32
    %dma_wait3A_916 = tpu.memref_slice %arg6[%dma_wait3A_895, %dma_wait3A_914, %dma_wait3A_915] : memref<8x200x64xf32, #tpu.memory_space<vmem>> -> memref<1x200x64xf32, #tpu.memory_space<vmem>>
    %dma_wait3A_917 = tpu.memref_squeeze %dma_wait3A_916 : memref<1x200x64xf32, #tpu.memory_space<vmem>> -> memref<200x64xf32, #tpu.memory_space<vmem>>
    %dma_wait3A_918 = arith.constant 100 : i32
    %dma_wait3A_919 = arith.constant 0 : i32
    %dma_wait3A_920 = tpu.memref_slice %dma_wait3A_917[%dma_wait3A_918, %dma_wait3A_919] : memref<200x64xf32, #tpu.memory_space<vmem>> -> memref<50x64xf32, #tpu.memory_space<vmem>>
    tpu.wait_dma2 semaphore(%dma_wait3A_909 : memref<!tpu.dma_semaphore, #tpu.memory_space<semaphore_mem>>) src(%dma_wait3A_920 : memref<50x64xf32, #tpu.memory_space<vmem>>) dst(%dma_wait3A_913 : memref<50x64xf32, #tpu.memory_space<hbm>>)
    %add3A_921 = arith.constant 504 : i32
    %add3A_922 = arith.addi %mul3A_4, %add3A_921 : i32
    %add3A_923 = arith.constant 3 : i32
    %add3A_924 = arith.addi %add3A_922, %add3A_923 : i32
    %dma_wait3A_925 = arith.constant 6 : i32
    %dma_wait3A_926 = arith.constant 6 : i32
    %dma_wait3A_927 = arith.constant 0 : i32
    %dma_wait3A_928 = arith.constant 0 : i32
    %dma_wait3A_929 = tpu.memref_slice %arg6[%dma_wait3A_925, %dma_wait3A_927, %dma_wait3A_928] : memref<8x200x64xf32, #tpu.memory_space<vmem>> -> memref<1x200x64xf32, #tpu.memory_space<vmem>>
    %dma_wait3A_930 = tpu.memref_squeeze %dma_wait3A_929 : memref<1x200x64xf32, #tpu.memory_space<vmem>> -> memref<200x64xf32, #tpu.memory_space<vmem>>
    %dma_wait3A_931 = arith.constant 150 : i32
    %dma_wait3A_932 = arith.constant 0 : i32
    %dma_wait3A_933 = tpu.memref_slice %dma_wait3A_930[%dma_wait3A_931, %dma_wait3A_932] : memref<200x64xf32, #tpu.memory_space<vmem>> -> memref<50x64xf32, #tpu.memory_space<vmem>>
    %dma_wait3A_934 = arith.constant 0 : i32
    %dma_wait3A_935 = arith.constant 0 : i32
    %dma_wait3A_936 = tpu.memref_slice %arg4[%add3A_924, %dma_wait3A_934, %dma_wait3A_935] : memref<16384x50x64xf32, #tpu.memory_space<hbm>> -> memref<1x50x64xf32, #tpu.memory_space<hbm>>
    %dma_wait3A_937 = tpu.memref_squeeze %dma_wait3A_936 : memref<1x50x64xf32, #tpu.memory_space<hbm>> -> memref<50x64xf32, #tpu.memory_space<hbm>>
    %dma_wait3A_938 = tpu.memref_slice %arg8[%dma_wait3A_926] : memref<8x!tpu.dma_semaphore, #tpu.memory_space<semaphore_mem>> -> memref<1x!tpu.dma_semaphore, #tpu.memory_space<semaphore_mem>>
    %dma_wait3A_939 = tpu.memref_squeeze %dma_wait3A_938 : memref<1x!tpu.dma_semaphore, #tpu.memory_space<semaphore_mem>> -> memref<!tpu.dma_semaphore, #tpu.memory_space<semaphore_mem>>
    %dma_wait3A_940 = arith.constant 0 : i32
    %dma_wait3A_941 = arith.constant 0 : i32
    %dma_wait3A_942 = tpu.memref_slice %arg4[%add3A_924, %dma_wait3A_940, %dma_wait3A_941] : memref<16384x50x64xf32, #tpu.memory_space<hbm>> -> memref<1x50x64xf32, #tpu.memory_space<hbm>>
    %dma_wait3A_943 = tpu.memref_squeeze %dma_wait3A_942 : memref<1x50x64xf32, #tpu.memory_space<hbm>> -> memref<50x64xf32, #tpu.memory_space<hbm>>
    %dma_wait3A_944 = arith.constant 0 : i32
    %dma_wait3A_945 = arith.constant 0 : i32
    %dma_wait3A_946 = tpu.memref_slice %arg6[%dma_wait3A_925, %dma_wait3A_944, %dma_wait3A_945] : memref<8x200x64xf32, #tpu.memory_space<vmem>> -> memref<1x200x64xf32, #tpu.memory_space<vmem>>
    %dma_wait3A_947 = tpu.memref_squeeze %dma_wait3A_946 : memref<1x200x64xf32, #tpu.memory_space<vmem>> -> memref<200x64xf32, #tpu.memory_space<vmem>>
    %dma_wait3A_948 = arith.constant 150 : i32
    %dma_wait3A_949 = arith.constant 0 : i32
    %dma_wait3A_950 = tpu.memref_slice %dma_wait3A_947[%dma_wait3A_948, %dma_wait3A_949] : memref<200x64xf32, #tpu.memory_space<vmem>> -> memref<50x64xf32, #tpu.memory_space<vmem>>
    tpu.wait_dma2 semaphore(%dma_wait3A_939 : memref<!tpu.dma_semaphore, #tpu.memory_space<semaphore_mem>>) src(%dma_wait3A_950 : memref<50x64xf32, #tpu.memory_space<vmem>>) dst(%dma_wait3A_943 : memref<50x64xf32, #tpu.memory_space<hbm>>)
    %add3A_951 = arith.constant 508 : i32
    %add3A_952 = arith.addi %mul3A_4, %add3A_951 : i32
    %add3A_953 = arith.constant 0 : i32
    %add3A_954 = arith.addi %add3A_952, %add3A_953 : i32
    %dma_wait3A_955 = arith.constant 7 : i32
    %dma_wait3A_956 = arith.constant 7 : i32
    %dma_wait3A_957 = arith.constant 0 : i32
    %dma_wait3A_958 = arith.constant 0 : i32
    %dma_wait3A_959 = tpu.memref_slice %arg6[%dma_wait3A_955, %dma_wait3A_957, %dma_wait3A_958] : memref<8x200x64xf32, #tpu.memory_space<vmem>> -> memref<1x200x64xf32, #tpu.memory_space<vmem>>
    %dma_wait3A_960 = tpu.memref_squeeze %dma_wait3A_959 : memref<1x200x64xf32, #tpu.memory_space<vmem>> -> memref<200x64xf32, #tpu.memory_space<vmem>>
    %dma_wait3A_961 = arith.constant 0 : i32
    %dma_wait3A_962 = arith.constant 0 : i32
    %dma_wait3A_963 = tpu.memref_slice %dma_wait3A_960[%dma_wait3A_961, %dma_wait3A_962] : memref<200x64xf32, #tpu.memory_space<vmem>> -> memref<50x64xf32, #tpu.memory_space<vmem>>
    %dma_wait3A_964 = arith.constant 0 : i32
    %dma_wait3A_965 = arith.constant 0 : i32
    %dma_wait3A_966 = tpu.memref_slice %arg4[%add3A_954, %dma_wait3A_964, %dma_wait3A_965] : memref<16384x50x64xf32, #tpu.memory_space<hbm>> -> memref<1x50x64xf32, #tpu.memory_space<hbm>>
    %dma_wait3A_967 = tpu.memref_squeeze %dma_wait3A_966 : memref<1x50x64xf32, #tpu.memory_space<hbm>> -> memref<50x64xf32, #tpu.memory_space<hbm>>
    %dma_wait3A_968 = tpu.memref_slice %arg8[%dma_wait3A_956] : memref<8x!tpu.dma_semaphore, #tpu.memory_space<semaphore_mem>> -> memref<1x!tpu.dma_semaphore, #tpu.memory_space<semaphore_mem>>
    %dma_wait3A_969 = tpu.memref_squeeze %dma_wait3A_968 : memref<1x!tpu.dma_semaphore, #tpu.memory_space<semaphore_mem>> -> memref<!tpu.dma_semaphore, #tpu.memory_space<semaphore_mem>>
    %dma_wait3A_970 = arith.constant 0 : i32
    %dma_wait3A_971 = arith.constant 0 : i32
    %dma_wait3A_972 = tpu.memref_slice %arg4[%add3A_954, %dma_wait3A_970, %dma_wait3A_971] : memref<16384x50x64xf32, #tpu.memory_space<hbm>> -> memref<1x50x64xf32, #tpu.memory_space<hbm>>
    %dma_wait3A_973 = tpu.memref_squeeze %dma_wait3A_972 : memref<1x50x64xf32, #tpu.memory_space<hbm>> -> memref<50x64xf32, #tpu.memory_space<hbm>>
    %dma_wait3A_974 = arith.constant 0 : i32
    %dma_wait3A_975 = arith.constant 0 : i32
    %dma_wait3A_976 = tpu.memref_slice %arg6[%dma_wait3A_955, %dma_wait3A_974, %dma_wait3A_975] : memref<8x200x64xf32, #tpu.memory_space<vmem>> -> memref<1x200x64xf32, #tpu.memory_space<vmem>>
    %dma_wait3A_977 = tpu.memref_squeeze %dma_wait3A_976 : memref<1x200x64xf32, #tpu.memory_space<vmem>> -> memref<200x64xf32, #tpu.memory_space<vmem>>
    %dma_wait3A_978 = arith.constant 0 : i32
    %dma_wait3A_979 = arith.constant 0 : i32
    %dma_wait3A_980 = tpu.memref_slice %dma_wait3A_977[%dma_wait3A_978, %dma_wait3A_979] : memref<200x64xf32, #tpu.memory_space<vmem>> -> memref<50x64xf32, #tpu.memory_space<vmem>>
    tpu.wait_dma2 semaphore(%dma_wait3A_969 : memref<!tpu.dma_semaphore, #tpu.memory_space<semaphore_mem>>) src(%dma_wait3A_980 : memref<50x64xf32, #tpu.memory_space<vmem>>) dst(%dma_wait3A_973 : memref<50x64xf32, #tpu.memory_space<hbm>>)
    %add3A_981 = arith.constant 508 : i32
    %add3A_982 = arith.addi %mul3A_4, %add3A_981 : i32
    %add3A_983 = arith.constant 1 : i32
    %add3A_984 = arith.addi %add3A_982, %add3A_983 : i32
    %dma_wait3A_985 = arith.constant 7 : i32
    %dma_wait3A_986 = arith.constant 7 : i32
    %dma_wait3A_987 = arith.constant 0 : i32
    %dma_wait3A_988 = arith.constant 0 : i32
    %dma_wait3A_989 = tpu.memref_slice %arg6[%dma_wait3A_985, %dma_wait3A_987, %dma_wait3A_988] : memref<8x200x64xf32, #tpu.memory_space<vmem>> -> memref<1x200x64xf32, #tpu.memory_space<vmem>>
    %dma_wait3A_990 = tpu.memref_squeeze %dma_wait3A_989 : memref<1x200x64xf32, #tpu.memory_space<vmem>> -> memref<200x64xf32, #tpu.memory_space<vmem>>
    %dma_wait3A_991 = arith.constant 50 : i32
    %dma_wait3A_992 = arith.constant 0 : i32
    %dma_wait3A_993 = tpu.memref_slice %dma_wait3A_990[%dma_wait3A_991, %dma_wait3A_992] : memref<200x64xf32, #tpu.memory_space<vmem>> -> memref<50x64xf32, #tpu.memory_space<vmem>>
    %dma_wait3A_994 = arith.constant 0 : i32
    %dma_wait3A_995 = arith.constant 0 : i32
    %dma_wait3A_996 = tpu.memref_slice %arg4[%add3A_984, %dma_wait3A_994, %dma_wait3A_995] : memref<16384x50x64xf32, #tpu.memory_space<hbm>> -> memref<1x50x64xf32, #tpu.memory_space<hbm>>
    %dma_wait3A_997 = tpu.memref_squeeze %dma_wait3A_996 : memref<1x50x64xf32, #tpu.memory_space<hbm>> -> memref<50x64xf32, #tpu.memory_space<hbm>>
    %dma_wait3A_998 = tpu.memref_slice %arg8[%dma_wait3A_986] : memref<8x!tpu.dma_semaphore, #tpu.memory_space<semaphore_mem>> -> memref<1x!tpu.dma_semaphore, #tpu.memory_space<semaphore_mem>>
    %dma_wait3A_999 = tpu.memref_squeeze %dma_wait3A_998 : memref<1x!tpu.dma_semaphore, #tpu.memory_space<semaphore_mem>> -> memref<!tpu.dma_semaphore, #tpu.memory_space<semaphore_mem>>
    %dma_wait3A_1000 = arith.constant 0 : i32
    %dma_wait3A_1001 = arith.constant 0 : i32
    %dma_wait3A_1002 = tpu.memref_slice %arg4[%add3A_984, %dma_wait3A_1000, %dma_wait3A_1001] : memref<16384x50x64xf32, #tpu.memory_space<hbm>> -> memref<1x50x64xf32, #tpu.memory_space<hbm>>
    %dma_wait3A_1003 = tpu.memref_squeeze %dma_wait3A_1002 : memref<1x50x64xf32, #tpu.memory_space<hbm>> -> memref<50x64xf32, #tpu.memory_space<hbm>>
    %dma_wait3A_1004 = arith.constant 0 : i32
    %dma_wait3A_1005 = arith.constant 0 : i32
    %dma_wait3A_1006 = tpu.memref_slice %arg6[%dma_wait3A_985, %dma_wait3A_1004, %dma_wait3A_1005] : memref<8x200x64xf32, #tpu.memory_space<vmem>> -> memref<1x200x64xf32, #tpu.memory_space<vmem>>
    %dma_wait3A_1007 = tpu.memref_squeeze %dma_wait3A_1006 : memref<1x200x64xf32, #tpu.memory_space<vmem>> -> memref<200x64xf32, #tpu.memory_space<vmem>>
    %dma_wait3A_1008 = arith.constant 50 : i32
    %dma_wait3A_1009 = arith.constant 0 : i32
    %dma_wait3A_1010 = tpu.memref_slice %dma_wait3A_1007[%dma_wait3A_1008, %dma_wait3A_1009] : memref<200x64xf32, #tpu.memory_space<vmem>> -> memref<50x64xf32, #tpu.memory_space<vmem>>
    tpu.wait_dma2 semaphore(%dma_wait3A_999 : memref<!tpu.dma_semaphore, #tpu.memory_space<semaphore_mem>>) src(%dma_wait3A_1010 : memref<50x64xf32, #tpu.memory_space<vmem>>) dst(%dma_wait3A_1003 : memref<50x64xf32, #tpu.memory_space<hbm>>)
    %add3A_1011 = arith.constant 508 : i32
    %add3A_1012 = arith.addi %mul3A_4, %add3A_1011 : i32
    %add3A_1013 = arith.constant 2 : i32
    %add3A_1014 = arith.addi %add3A_1012, %add3A_1013 : i32
    %dma_wait3A_1015 = arith.constant 7 : i32
    %dma_wait3A_1016 = arith.constant 7 : i32
    %dma_wait3A_1017 = arith.constant 0 : i32
    %dma_wait3A_1018 = arith.constant 0 : i32
    %dma_wait3A_1019 = tpu.memref_slice %arg6[%dma_wait3A_1015, %dma_wait3A_1017, %dma_wait3A_1018] : memref<8x200x64xf32, #tpu.memory_space<vmem>> -> memref<1x200x64xf32, #tpu.memory_space<vmem>>
    %dma_wait3A_1020 = tpu.memref_squeeze %dma_wait3A_1019 : memref<1x200x64xf32, #tpu.memory_space<vmem>> -> memref<200x64xf32, #tpu.memory_space<vmem>>
    %dma_wait3A_1021 = arith.constant 100 : i32
    %dma_wait3A_1022 = arith.constant 0 : i32
    %dma_wait3A_1023 = tpu.memref_slice %dma_wait3A_1020[%dma_wait3A_1021, %dma_wait3A_1022] : memref<200x64xf32, #tpu.memory_space<vmem>> -> memref<50x64xf32, #tpu.memory_space<vmem>>
    %dma_wait3A_1024 = arith.constant 0 : i32
    %dma_wait3A_1025 = arith.constant 0 : i32
    %dma_wait3A_1026 = tpu.memref_slice %arg4[%add3A_1014, %dma_wait3A_1024, %dma_wait3A_1025] : memref<16384x50x64xf32, #tpu.memory_space<hbm>> -> memref<1x50x64xf32, #tpu.memory_space<hbm>>
    %dma_wait3A_1027 = tpu.memref_squeeze %dma_wait3A_1026 : memref<1x50x64xf32, #tpu.memory_space<hbm>> -> memref<50x64xf32, #tpu.memory_space<hbm>>
    %dma_wait3A_1028 = tpu.memref_slice %arg8[%dma_wait3A_1016] : memref<8x!tpu.dma_semaphore, #tpu.memory_space<semaphore_mem>> -> memref<1x!tpu.dma_semaphore, #tpu.memory_space<semaphore_mem>>
    %dma_wait3A_1029 = tpu.memref_squeeze %dma_wait3A_1028 : memref<1x!tpu.dma_semaphore, #tpu.memory_space<semaphore_mem>> -> memref<!tpu.dma_semaphore, #tpu.memory_space<semaphore_mem>>
    %dma_wait3A_1030 = arith.constant 0 : i32
    %dma_wait3A_1031 = arith.constant 0 : i32
    %dma_wait3A_1032 = tpu.memref_slice %arg4[%add3A_1014, %dma_wait3A_1030, %dma_wait3A_1031] : memref<16384x50x64xf32, #tpu.memory_space<hbm>> -> memref<1x50x64xf32, #tpu.memory_space<hbm>>
    %dma_wait3A_1033 = tpu.memref_squeeze %dma_wait3A_1032 : memref<1x50x64xf32, #tpu.memory_space<hbm>> -> memref<50x64xf32, #tpu.memory_space<hbm>>
    %dma_wait3A_1034 = arith.constant 0 : i32
    %dma_wait3A_1035 = arith.constant 0 : i32
    %dma_wait3A_1036 = tpu.memref_slice %arg6[%dma_wait3A_1015, %dma_wait3A_1034, %dma_wait3A_1035] : memref<8x200x64xf32, #tpu.memory_space<vmem>> -> memref<1x200x64xf32, #tpu.memory_space<vmem>>
    %dma_wait3A_1037 = tpu.memref_squeeze %dma_wait3A_1036 : memref<1x200x64xf32, #tpu.memory_space<vmem>> -> memref<200x64xf32, #tpu.memory_space<vmem>>
    %dma_wait3A_1038 = arith.constant 100 : i32
    %dma_wait3A_1039 = arith.constant 0 : i32
    %dma_wait3A_1040 = tpu.memref_slice %dma_wait3A_1037[%dma_wait3A_1038, %dma_wait3A_1039] : memref<200x64xf32, #tpu.memory_space<vmem>> -> memref<50x64xf32, #tpu.memory_space<vmem>>
    tpu.wait_dma2 semaphore(%dma_wait3A_1029 : memref<!tpu.dma_semaphore, #tpu.memory_space<semaphore_mem>>) src(%dma_wait3A_1040 : memref<50x64xf32, #tpu.memory_space<vmem>>) dst(%dma_wait3A_1033 : memref<50x64xf32, #tpu.memory_space<hbm>>)
    %add3A_1041 = arith.constant 508 : i32
    %add3A_1042 = arith.addi %mul3A_4, %add3A_1041 : i32
    %add3A_1043 = arith.constant 3 : i32
    %add3A_1044 = arith.addi %add3A_1042, %add3A_1043 : i32
    %dma_wait3A_1045 = arith.constant 7 : i32
    %dma_wait3A_1046 = arith.constant 7 : i32
    %dma_wait3A_1047 = arith.constant 0 : i32
    %dma_wait3A_1048 = arith.constant 0 : i32
    %dma_wait3A_1049 = tpu.memref_slice %arg6[%dma_wait3A_1045, %dma_wait3A_1047, %dma_wait3A_1048] : memref<8x200x64xf32, #tpu.memory_space<vmem>> -> memref<1x200x64xf32, #tpu.memory_space<vmem>>
    %dma_wait3A_1050 = tpu.memref_squeeze %dma_wait3A_1049 : memref<1x200x64xf32, #tpu.memory_space<vmem>> -> memref<200x64xf32, #tpu.memory_space<vmem>>
    %dma_wait3A_1051 = arith.constant 150 : i32
    %dma_wait3A_1052 = arith.constant 0 : i32
    %dma_wait3A_1053 = tpu.memref_slice %dma_wait3A_1050[%dma_wait3A_1051, %dma_wait3A_1052] : memref<200x64xf32, #tpu.memory_space<vmem>> -> memref<50x64xf32, #tpu.memory_space<vmem>>
    %dma_wait3A_1054 = arith.constant 0 : i32
    %dma_wait3A_1055 = arith.constant 0 : i32
    %dma_wait3A_1056 = tpu.memref_slice %arg4[%add3A_1044, %dma_wait3A_1054, %dma_wait3A_1055] : memref<16384x50x64xf32, #tpu.memory_space<hbm>> -> memref<1x50x64xf32, #tpu.memory_space<hbm>>
    %dma_wait3A_1057 = tpu.memref_squeeze %dma_wait3A_1056 : memref<1x50x64xf32, #tpu.memory_space<hbm>> -> memref<50x64xf32, #tpu.memory_space<hbm>>
    %dma_wait3A_1058 = tpu.memref_slice %arg8[%dma_wait3A_1046] : memref<8x!tpu.dma_semaphore, #tpu.memory_space<semaphore_mem>> -> memref<1x!tpu.dma_semaphore, #tpu.memory_space<semaphore_mem>>
    %dma_wait3A_1059 = tpu.memref_squeeze %dma_wait3A_1058 : memref<1x!tpu.dma_semaphore, #tpu.memory_space<semaphore_mem>> -> memref<!tpu.dma_semaphore, #tpu.memory_space<semaphore_mem>>
    %dma_wait3A_1060 = arith.constant 0 : i32
    %dma_wait3A_1061 = arith.constant 0 : i32
    %dma_wait3A_1062 = tpu.memref_slice %arg4[%add3A_1044, %dma_wait3A_1060, %dma_wait3A_1061] : memref<16384x50x64xf32, #tpu.memory_space<hbm>> -> memref<1x50x64xf32, #tpu.memory_space<hbm>>
    %dma_wait3A_1063 = tpu.memref_squeeze %dma_wait3A_1062 : memref<1x50x64xf32, #tpu.memory_space<hbm>> -> memref<50x64xf32, #tpu.memory_space<hbm>>
    %dma_wait3A_1064 = arith.constant 0 : i32
    %dma_wait3A_1065 = arith.constant 0 : i32
    %dma_wait3A_1066 = tpu.memref_slice %arg6[%dma_wait3A_1045, %dma_wait3A_1064, %dma_wait3A_1065] : memref<8x200x64xf32, #tpu.memory_space<vmem>> -> memref<1x200x64xf32, #tpu.memory_space<vmem>>
    %dma_wait3A_1067 = tpu.memref_squeeze %dma_wait3A_1066 : memref<1x200x64xf32, #tpu.memory_space<vmem>> -> memref<200x64xf32, #tpu.memory_space<vmem>>
    %dma_wait3A_1068 = arith.constant 150 : i32
    %dma_wait3A_1069 = arith.constant 0 : i32
    %dma_wait3A_1070 = tpu.memref_slice %dma_wait3A_1067[%dma_wait3A_1068, %dma_wait3A_1069] : memref<200x64xf32, #tpu.memory_space<vmem>> -> memref<50x64xf32, #tpu.memory_space<vmem>>
    tpu.wait_dma2 semaphore(%dma_wait3A_1059 : memref<!tpu.dma_semaphore, #tpu.memory_space<semaphore_mem>>) src(%dma_wait3A_1070 : memref<50x64xf32, #tpu.memory_space<vmem>>) dst(%dma_wait3A_1063 : memref<50x64xf32, #tpu.memory_space<hbm>>)
    return
  }
}

</mosaic_0001>

<sc_bundles>
// kernel: kernel.3.cloned.1.call-start
scs
__scs_entry_jumppad:
0x0: {  	(pc) =	sbr.rel $0x88, $3  }
0x1: {  	(tag) =	ssettag $0x0;
	lr =	simm.s32 $0x1  }
0x2: {  	[smem:$0x3F9F] =	sst lr;
	_ =	strace $0xD0000000  }
0x3: {  	_ = 	snop  }
0x4: {  	_ = 	snop  }
0x5: {  	_ = 	snop  }
0x6: {  	_ = 	snop  }
0x7: {  	_ = 	snop  }
__scs_overlays_trampoline_lowered:
0x8: {  	[smem:$0x3FAE] =	sst s0  }
0x9: {  	[smem:$0x3FAF] =	sst s1  }
0xa: {  	[smem:$0x3FB0] =	sst s2  }
0xb: {  	[smem:$0x3FB1] =	sst s3  }
0xc: {  	[smem:$0x3FB2] =	sst s4  }
0xd: {  	[smem:$0x3FB3] =	sst s5  }
0xe: {  	[smem:$0x3FB4] =	sst s6  }
0xf: {  	[smem:$0x3FB5] =	sst s7  }
0x10: {  	[smem:$0x3FB6] =	sst s8  }
0x11: {  	[smem:$0x3FB7] =	sst s9;
	s0 =	simm.s32 @!p0 $0x0  }
0x12: {  	s1 =	sld [smem:$0x3F9D];
	s0 =	simm.s32 @p0 $0x1  }
0x13: {  	[smem:$0x3FB8] =	sst s0;
	s0 =	simm.s32 @!p1 $0x0  }
0x14: {  	s2 =	sld [smem:$0x3F9C];
	s0 =	simm.s32 @p1 $0x1  }
0x15: {  	[smem:$0x3FB9] =	sst s0;
	s0 =	simm.s32 @!p2 $0x0  }
0x16: {  	s3 =	sld [smem:$0x3FDB];
	s0 =	simm.s32 @p2 $0x1  }
0x17: {  	s4 =	simm.s32 $0x1BF5;
	[smem:$0x3FBB] =	sst s0  }
0x18: {  	s0 =	sld [smem:$0x3F9E];
	_ =	swait.ge [sflag:s4], $0x0  }
0x19: {  	s7 =	sld [smem:$0x3F9F]  }
0x1a: {  	s8 =	sadd.s32 $0xFFFFE003, lr  }
0x1b: {  	s9 =	sadd.s32 $0xFFFFFEF7, lr;
	s5 =	simm.s32 $0xFFFFFFFF;
	p2 =	slt.u32 s8, $0xFFFFF086  }
0x1c: {  	p1 =	slt.u32 s9, $0xF7A;
	s5 =	simm.s32 @!p2 $0x0  }
0x1d: {  	s5 =	simm.s32 @p1 $0x1;
	p0 =	seq.s32 s7, s2  }
0x1e: {  	s7 =	smul.u32 @!p0 $0xF7A, s2;
	p2 =	seq.s32 @!p0 s5, $0x0  }
0x1f: {  	s9 =	smul.u32 $0xF7A, s1;
	s8 =	simm.s32 @!p0 $0x1BF5;
	p2 =	por !p2, p0  }
0x20: {  	[sflag:s8] =	ssyncset.s32 @!p0 $0xFFFFF086;
	s6 =	sadd.s32 @!p0 s3, s7;
	s7 =	simm.s32 @!p0 $0x108  }
0x21: {  	s3 =	sadd.s32 s3, s9;
	s6 =	sadd.s32 @!p0 $0x88, s6;
	s7 =	simm.s32 @p2 $0x1082  }
0x22: {  	[simem:s7], [sflag:s8] =	dma.local @!p0 [hbm:s6], $0xF7A  }
0x23: {  	s9 =	sor.u32 $0xD0000000, s2;
	s6 =	simm.s32 $0x108;
	_ =	swait.ge @!p0 [sflag:s8], $0x0  }
0x24: {  	s3 =	sadd.s32 $0x88, s3;
	s6 =	simm.s32 @!p1 $0x1082;
	[sflag:s4] =	ssyncset.s32 $0xFFFFF086  }
0x25: {  	[simem:s6], [sflag:s4] =	dma.local [hbm:s3], $0xF7A  }
0x26: {  	[smem:$0x3F9F] =	sst s1;
	(tag) =	ssettag s2;
	_ =	strace s9  }
0x27: {  	s1 =	sld [smem:$0x3FAF]  }
0x28: {  	s2 =	sld [smem:$0x3FB0]  }
0x29: {  	s4 =	sld [smem:$0x3FB2]  }
0x2a: {  	p0 =	seq.s32 s5, $0x0;
	s5 =	sld [smem:$0x3FB3]  }
0x2b: {  	s6 =	sld [smem:$0x3FB4]  }
0x2c: {  	s7 =	sld [smem:$0x3FB5]  }
0x2d: {  	s3 =	simm.s32 $0x108;
	s8 =	sld [smem:$0x3FB6]  }
0x2e: {  	s3 =	simm.s32 @!p0 $0x1082;
	s9 =	sld [smem:$0x3FB7]  }
0x2f: {  	lr =	sadd.s32 s0, s3;
	s0 =	sld [smem:$0x3FAE]  }
0x30: {  	s3 =	sld [smem:$0x3FB1]  }
0x31: {  	[smem:$0x3FBA] =	sst s10  }
0x32: {  	s10 =	sld [smem:$0x3FB8];
	_ =	sdelay $0x3  }
0x33: {  	p0 =	seq.s32 s10, $0x1;
	s10 =	sld [smem:$0x3FBA];
	_ =	sdelay $0x3  }
0x34: {  	[smem:$0x3FBA] =	sst s10  }
0x35: {  	s10 =	sld [smem:$0x3FB9];
	_ =	sdelay $0x3  }
0x36: {  	p1 =	seq.s32 s10, $0x1;
	s10 =	sld [smem:$0x3FBA];
	_ =	sdelay $0x3  }
0x37: {  	[smem:$0x3FBA] =	sst s10  }
0x38: {  	s10 =	sld [smem:$0x3FBB]  }
0x39: {  	_ = 	snop;
	(pc) =	sbr.ind lr, $3  }
0x3a: {  	_ = 	snop  }
0x3b: {  	_ = 	snop  }
0x3c: {  	p2 =	seq.s32 s10, $0x1;
	s10 =	sld [smem:$0x3FBA]  }
0x3d: {  	_ =	shalt  }
0x3e: {  	_ =	shalt  }
0x3f: {  	_ =	shalt  }
0x40: {  	_ =	shalt  }
0x41: {  	_ =	shalt  }
0x42: {  	_ =	shalt  }
0x43: {  	_ =	shalt  }
0x44: {  	_ =	shalt  }
0x45: {  	_ =	shalt  }
0x46: {  	_ =	shalt  }
0x47: {  	_ =	shalt  }
0x48: {  	_ =	shalt  }
0x49: {  	_ =	shalt  }
0x4a: {  	_ =	shalt  }
0x4b: {  	_ =	shalt  }
0x4c: {  	_ =	shalt  }
0x4d: {  	_ =	shalt  }
0x4e: {  	_ =	shalt  }
0x4f: {  	_ =	shalt  }
0x50: {  	_ =	shalt  }
0x51: {  	_ =	shalt  }
0x52: {  	_ =	shalt  }
0x53: {  	_ =	shalt  }
0x54: {  	_ =	shalt  }
0x55: {  	_ =	shalt  }
0x56: {  	_ =	shalt  }
0x57: {  	_ =	shalt  }
0x58: {  	_ =	shalt  }
0x59: {  	_ =	shalt  }
0x5a: {  	_ =	shalt  }
0x5b: {  	_ =	shalt  }
0x5c: {  	_ =	shalt  }
0x5d: {  	_ =	shalt  }
0x5e: {  	_ =	shalt  }
0x5f: {  	_ =	shalt  }
0x60: {  	_ =	shalt  }
0x61: {  	_ =	shalt  }
0x62: {  	_ =	shalt  }
0x63: {  	_ =	shalt  }
0x64: {  	_ =	shalt  }
0x65: {  	_ =	shalt  }
0x66: {  	_ =	shalt  }
0x67: {  	_ =	shalt  }
0x68: {  	_ =	shalt  }
0x69: {  	_ =	shalt  }
0x6a: {  	_ =	shalt  }
0x6b: {  	_ =	shalt  }
0x6c: {  	_ =	shalt  }
0x6d: {  	_ =	shalt  }
0x6e: {  	_ =	shalt  }
0x6f: {  	_ =	shalt  }
0x70: {  	_ =	shalt  }
0x71: {  	_ =	shalt  }
0x72: {  	_ =	shalt  }
0x73: {  	_ =	shalt  }
0x74: {  	_ =	shalt  }
0x75: {  	_ =	shalt  }
0x76: {  	_ =	shalt  }
0x77: {  	_ =	shalt  }
0x78: {  	_ =	shalt  }
0x79: {  	_ =	shalt  }
0x7a: {  	_ =	shalt  }
0x7b: {  	_ =	shalt  }
0x7c: {  	_ =	shalt  }
0x7d: {  	_ =	shalt  }
0x7e: {  	_ =	shalt  }
0x7f: {  	_ =	shalt  }
0x80: {  	_ =	shalt  }
0x81: {  	_ =	shalt  }
0x82: {  	_ =	shalt  }
0x83: {  	_ =	shalt  }
0x84: {  	_ =	shalt  }
0x85: {  	_ =	shalt  }
0x86: {  	_ =	shalt  }
0x87: {  	_ =	shalt  }
.Lfunc_end0:
.L_simem_size_0:
called_computation.1_lowered:
.L_overlay_start_0:
0x88: {  	s2 =	sld [smem:$0x3FD9]  }
0x89: {  	s3 =	sld [smem:$0x3FFE];
	_ =	sdelay $0x1  }
0x8a: {  	s1 =	srdreg.scid  }
0x8b: {  	s0 =	sand.u32 $0x1, s1  }
0x8c: {  	s17 =	sshll.u32 s0, $0xA;
	s2 =	sadd.s32 s3, s2  }
0x8d: {  	s2 =	sadd.s32 s2, s17  }
0x8e: {  	[smem:$0x3FC6] =	sst s2  }
0x8f: {  	_ = 	snop  }
0x90: {  	s2 =	sld [smem:$0x3FD0];
	(tm) =	ssettm $0x1  }
0x91: {  	s18 =	sld [smem:$0x3FFB];
	_ =	sdelay $0x3  }
0x92: {  	_ =	strace s18  }
0x93: {  	s3 =	sld [smem:$0x3FFC];
	_ =	sdelay $0x3  }
0x94: {  	_ =	strace s3  }
0x95: {  	s3 =	sld [smem:$0x3FFD];
	_ =	sdelay $0x3  }
0x96: {  	_ =	strace s3  }
0x97: {  	_ =	strace $0x8FFFFFFF  }
0x98: {  	s19 =	sld [smem:$0x3FDB];
	_ =	sdelay $0x1  }
0x99: {  	s4 =	simm.s32 $_scs_section_size  }
0x9a: {  	s5 =	simm.s32 $_size__tile_overlayer_lowered;
	s6 =	simm.s32 $_tile_overlayer_lowered  }
0x9b: {  	s22 =	simm.s32 $0x1BFF;
	s21 =	sshll.u32 s6, $0x1;
	s3 =	sadd.s32 s4, s19  }
0x9c: {  	s7 =	simm.s32 $0x0;
	s20 =	sshll.u32 s5, $0x1;
	s5 =	sadd.s32 s21, s3  }
0x9d: {  	[timem:s7], [sflag:s22] =	dma.local [hbm:s5], s20  }
0x9e: {  	_ =	swait.ge [sflag:s22], s20  }
0x9f: {  	s4 =	ssub.s32 $0x0, s20;
	[sflag:s22] =	ssyncset.done $0x0  }
0xa0: {  	[sflag:s22] =	ssyncadd.s32 s4;
	_ =	sdelay $0x1  }
0xa1: {  	s23 =	simm.s32 $0x1B8B  }
0xa2: {  	_ =	swait.ge [sflag:s23], $0x1  }
0xa3: {  	[sflag:s23] =	ssyncset.done $0x0  }
0xa4: {  	s25 =	simm.s32 $0x1B8E;
	s24 =	sld [smem:$0x3FFE];
	[sflag:s23] =	ssyncadd.s32 $0xFFFFFFFF  }
0xa5: {  	s26 =	simm.s32 $execute0_lowered;
	[smem:$0x3FD2] =	sst s25  }
0xa6: {  	s5 =	sshll.u32 s26, $0x1;
	_ =	strace $0x80000046;
	[dreg:$0x1] =	wrdreg $0xFFFFFFFF  }
0xa7: {  	s28 =	simm.s32 $_size_execute0_lowered;
	s3 =	sadd.s32 s3, s5;
	[dreg:$0x0] =	wrdreg $0x0  }
0xa8: {  	s5 =	sshll.u32 s28, $0x1;
	[dreg:$0x2] =	wrdreg s3  }
0xa9: {  	[dreg:$0x3] =	wrdreg s5  }
0xaa: {  	[dreg:$0x4] =	wrdreg $0xC0  }
0xab: {  	_ =	task [dreg:s7], $0x5FFFF  }
0xac: {  	[dreg:$0x1] =	wrdreg $0xFFFFFFFF  }
0xad: {  	[dreg:$0x0] =	wrdreg $0x60  }
0xae: {  	[dreg:$0x2] =	wrdreg s24  }
0xaf: {  	[dreg:$0x3] =	wrdreg s2  }
0xb0: {  	[dreg:$0x4] =	wrdreg $0x9  }
0xb1: {  	_ =	task.clear_ibuf [dreg:s7], $0x5FFFF;
	_ =	strace $0x90000046  }
0xb2: {  	s29 =	simm.s32 $0x9;
	_ =	strace $0x80000048  }
0xb3: {  	_ =	swait.ge [sflag:s29], $0x1  }
0xb4: {  	[sflag:s29] =	ssyncadd.s32 $0xFFFFFFFF  }
0xb5: {  	_ =	strace $0x90000048  }
0xb6: {  	_ =	sfence  }
0xb7: {  	s30 =	sld [smem:$0x0];
	_ =	sdelay $0x2  }
0xb8: {  	s31 =	sshll.u32 s1, $0xD;
	s1 =	sshrl.u32 s1, $0x2  }
0xb9: {  	s3 =	sand.u32 $0x4000, s31;
	s1 =	sadd.s32 s1, s30  }
0xba: {  	s0 =	sor.u32 s3, s0;
	s1 =	sshll.u32 s1, $0x11  }
0xbb: {  	s0 =	sor.u32 s1, s0  }
0xbc: {  	s0 =	sadd.s32 $0x8F2B, s0  }
0xbd: {  	[sflag:s0] =	ssyncadd.remote.s32 $0x1  }
0xbe: {  	_ =	sfence.sel $0xFFFF  }
0xbf: {  	[dreg:$0x0] =	wrdreg $0xFFFFFFFF;
	(pc) =	sbr.abs _section_cstart, $3  }
0xc0: {  	[dreg:$0x1] =	wrdreg $0xFFFFFFFF  }
0xc1: {  	_ =	task.clear_ibuf [dreg:s7], $0x2FFFF;
	_ =	strace $0x9FFFFFFF  }
0xc2: {  	(tm) =	ssettm $0x7FFFFFFF  }
0xc3: {  	_ =	shalt  }
tec
execute0_lowered:
.L_overlay_start_1:
0x0: {  	(tag) =	ssettag $0x1  }
0x1: {  	s0 =	srdreg.scid  }
0x2: {  	s9 =	stileid.u32;
	s1 =	simm.s32 $0x0;
	s31 =	simm.s32 $0xC8  }
0x3: {  	s28 =	simm.s32 $0xFA00;
	s29 =	simm.s32 $0x12C00;
	s2 =	smul.u32 $0x320000, s9  }
0x4: {  	s5 =	sand.u32 $0x1, s0;
	s0 =	rddreg [dreg:$0x1];
	s26 =	smul.u32 $0x64000, s9  }
0x5: {  	[smem:$0x7FF] =	sst s1;
	s6 =	sshll.u32 s9, $0x1;
	s3 =	smul.u32 $0x190000, s5  }
0x6: {  	s7 =	ssub.s32 $0x2, s5;
	s21 =	sor.u32 s5, s6;
	s5 =	smul.u32 $0x32000, s5  }
0x7: {  	s22 =	sshrl.u32 s7, $0x1;
	s4 =	sadd.s32 s3, s2;
	s3 =	smul.u32 $0xC80, s21  }
0x8: {  	s2 =	ssub.s32 s7, s22;
	s8 =	sadd.s32 $0x18380, s4;
	s24 =	sadd.s32 $0x17700, s4  }
0x9: {  	s25 =	sadd.s32 $0x16A80, s4;
	s9 =	sadd.s32 $0x14500, s4;
	s13 =	sadd.s32 $0x13880, s4  }
0xa: {  	s14 =	sadd.s32 $0x11F80, s4;
	s15 =	sadd.s32 $0x11300, s4;
	s19 =	sadd.s32 $0x10680, s4  }
0xb: {  	s20 =	sor.u32 $0xED80, s4;
	s21 =	sor.u32 $0xE100, s4;
	s23 =	sshrl.u32 s8, $0x3  }
0xc: {  	s7 =	sshrl.u32 s25, $0x3;
	s8 =	sadd.s32 $0x15180, s4;
	s11 =	sshrl.u32 s9, $0x3  }
0xd: {  	s16 =	sshrl.u32 s14, $0x3;
	s17 =	sshrl.u32 s15, $0x3;
	s22 =	sshrl.u32 s20, $0x3  }
0xe: {  	s25 =	sor.u32 $0xD480, s4;
	s6 =	sadd.s32 s23, s0;
	s30 =	sadd.s32 s7, s0  }
0xf: {  	s7 =	sadd.s32 s26, s0;
	s10 =	sshrl.u32 s8, $0x3;
	s12 =	sadd.s32 s11, s0  }
0x10: {  	s18 =	sadd.s32 s17, s0;
	s23 =	sshrl.u32 s21, $0x3;
	[dreg:$0x3] =	wrdreg s6  }
0x11: {  	s26 =	sor.u32 $0xBB80, s4;
	s11 =	sor.u32 $0xA280, s4;
	[dreg:$0x5] =	wrdreg s30  }
0x12: {  	s17 =	sor.u32 $0x7080, s4;
	s6 =	sshrl.u32 s24, $0x3;
	[dreg:$0x8] =	wrdreg s12  }
0x13: {  	s5 =	sadd.s32 s5, s7;
	[dreg:$0xb] =	wrdreg s18;
	s24 =	sadd.s32 s23, s0  }
0x14: {  	s30 =	sor.u32 $0xAF00, s4;
	s8 =	sshrl.u32 s26, $0x3;
	s12 =	sor.u32 $0x8980, s4  }
0x15: {  	s18 =	sor.u32 $0x5780, s4;
	s23 =	sor.u32 $0x2580, s4;
	s7 =	simm.s32 $0x3  }
0x16: {  	s6 =	sadd.s32 s6, s0;
	[dreg:$0x6] =	wrdreg s5;
	s5 =	sadd.s32 s10, s0  }
0x17: {  	[dreg:$0xe] =	wrdreg s24;
	s9 =	sshrl.u32 s30, $0x3;
	s14 =	sshrl.u32 s12, $0x3  }
0x18: {  	s20 =	sshrl.u32 s18, $0x3;
	s24 =	rddreg [dreg:$0x0];
	s30 =	smax.u32 s2, $0x1  }
0x19: {  	s2 =	simm.s32 $0x15E00;
	s12 =	simm.s32 $0x8;
	[dreg:$0x4] =	wrdreg s6  }
0x1a: {  	s18 =	simm.s32 $0xE;
	[dreg:$0x7] =	wrdreg s5;
	s5 =	sshrl.u32 s13, $0x3  }
0x1b: {  	s10 =	sadd.s32 s9, s0;
	s13 =	sor.u32 $0x7D00, s4;
	s26 =	sadd.s32 $0xF42E00, s24  }
0x1c: {  	s6 =	simm.s32 $0x2;
	s9 =	simm.s32 $0x5;
	s5 =	sadd.s32 s5, s0  }
0x1d: {  	[dreg:$0x11] =	wrdreg s10;
	s15 =	sshrl.u32 s13, $0x3;
	s10 =	simm.s32 $0x6  }
0x1e: {  	s13 =	simm.s32 $0x9;
	[dreg:$0x9] =	wrdreg s5;
	s5 =	sadd.s32 s16, s0  }
0x1f: {  	s16 =	sadd.s32 s15, s0;
	[dreg:$0xa] =	wrdreg s5;
	s5 =	sshrl.u32 s19, $0x3  }
0x20: {  	s15 =	simm.s32 $0xB;
	[dreg:$0x14] =	wrdreg s16;
	s5 =	sadd.s32 s5, s0  }
0x21: {  	s19 =	sor.u32 $0x4B00, s4;
	[dreg:$0xc] =	wrdreg s5;
	s5 =	sadd.s32 s22, s0  }
0x22: {  	s4 =	sor.u32 $0x1900, s4;
	[dreg:$0xd] =	wrdreg s5;
	s5 =	sshrl.u32 s25, $0x3  }
0x23: {  	s16 =	simm.s32 $0xC;
	s21 =	sshrl.u32 s19, $0x3;
	s5 =	sadd.s32 s5, s0  }
0x24: {  	s4 =	sshrl.u32 s4, $0x3;
	[dreg:$0xf] =	wrdreg s5;
	s5 =	sadd.s32 s8, s0  }
0x25: {  	s22 =	sadd.s32 s21, s0;
	[dreg:$0x10] =	wrdreg s5;
	s5 =	sshrl.u32 s11, $0x3  }
0x26: {  	s19 =	simm.s32 $0xF;
	[dreg:$0x17] =	wrdreg s22;
	s5 =	sadd.s32 s5, s0  }
0x27: {  	s25 =	sadd.s32 s3, s24;
	[dreg:$0x12] =	wrdreg s5;
	s5 =	sadd.s32 s14, s0  }
0x28: {  	s3 =	simm.s32 $0x19000;
	[dreg:$0x13] =	wrdreg s5;
	s5 =	sshrl.u32 s17, $0x3  }
0x29: {  	s8 =	simm.s32 $0x4;
	s11 =	simm.s32 $0x7;
	s5 =	sadd.s32 s5, s0  }
0x2a: {  	s14 =	simm.s32 $0xA;
	[dreg:$0x15] =	wrdreg s5;
	s5 =	sadd.s32 s20, s0  }
0x2b: {  	s17 =	simm.s32 $0xD;
	[dreg:$0x16] =	wrdreg s5;
	s5 =	sshrl.u32 s23, $0x3  }
.Ltmp0:
0x2c: {  	s20 =	simm.s32 $0x10;
	s5 =	sadd.s32 s5, s0;
	(pc) =	sbr.rel .LBB2_1-.Ltmp0, $4  }
0x2d: {  	s23 =	simm.s32 $0x9600;
	s0 =	sadd.s32 s4, s0;
	[dreg:$0x18] =	wrdreg s5  }
0x2e: {  	s4 =	simm.s32 $0x1C200;
	[dreg:$0x19] =	wrdreg s0;
	s0 =	sadd.s32 $0xA00, s25  }
0x2f: {  	s25 =	simm.s32 $0xC800;
	_ =	strace $0x80000047;
	[dreg:$0x1a] =	wrdreg s0  }
0x30: {  	s5 =	simm.s32 $0x0;
	[dreg:$0x1b] =	wrdreg s30;
	s0 =	simm.s32 $0x6400  }
.LBB2_4:
0x31: {  	_ =	swait.ge [sflag:s14], $0xC80  }
0x32: {  	[sflag:s14] =	ssyncset.done $0x0  }
0x33: {  	[sflag:s14] =	ssyncadd.s32 $0xFFFFF380  }
0x34: {  	_ =	swait.ge [sflag:s14], $0xC80  }
0x35: {  	[sflag:s14] =	ssyncset.done $0x0  }
0x36: {  	[sflag:s14] =	ssyncadd.s32 $0xFFFFF380  }
0x37: {  	_ =	swait.ge [sflag:s14], $0xC80  }
0x38: {  	[sflag:s14] =	ssyncset.done $0x0  }
0x39: {  	[sflag:s14] =	ssyncadd.s32 $0xFFFFF380  }
0x3a: {  	_ =	swait.ge [sflag:s14], $0xC80  }
0x3b: {  	[sflag:s14] =	ssyncset.done $0x0  }
0x3c: {  	[sflag:s14] =	ssyncadd.s32 $0xFFFFF380  }
0x3d: {  	_ =	swait.ge [sflag:s15], $0xC80  }
0x3e: {  	[sflag:s15] =	ssyncset.done $0x0  }
0x3f: {  	[sflag:s15] =	ssyncadd.s32 $0xFFFFF380  }
0x40: {  	_ =	swait.ge [sflag:s15], $0xC80  }
0x41: {  	[sflag:s15] =	ssyncset.done $0x0  }
0x42: {  	[sflag:s15] =	ssyncadd.s32 $0xFFFFF380  }
0x43: {  	_ =	swait.ge [sflag:s15], $0xC80  }
0x44: {  	[sflag:s15] =	ssyncset.done $0x0  }
0x45: {  	[sflag:s15] =	ssyncadd.s32 $0xFFFFF380  }
0x46: {  	_ =	swait.ge [sflag:s15], $0xC80  }
0x47: {  	[sflag:s15] =	ssyncset.done $0x0  }
0x48: {  	[sflag:s15] =	ssyncadd.s32 $0xFFFFF380  }
0x49: {  	_ =	swait.ge [sflag:s16], $0xC80  }
0x4a: {  	[sflag:s16] =	ssyncset.done $0x0  }
0x4b: {  	[sflag:s16] =	ssyncadd.s32 $0xFFFFF380  }
0x4c: {  	_ =	swait.ge [sflag:s16], $0xC80  }
0x4d: {  	[sflag:s16] =	ssyncset.done $0x0  }
0x4e: {  	[sflag:s16] =	ssyncadd.s32 $0xFFFFF380  }
0x4f: {  	_ =	swait.ge [sflag:s16], $0xC80  }
0x50: {  	[sflag:s16] =	ssyncset.done $0x0  }
0x51: {  	[sflag:s16] =	ssyncadd.s32 $0xFFFFF380  }
0x52: {  	_ =	swait.ge [sflag:s16], $0xC80  }
0x53: {  	[sflag:s16] =	ssyncset.done $0x0  }
0x54: {  	[sflag:s16] =	ssyncadd.s32 $0xFFFFF380  }
0x55: {  	_ =	swait.ge [sflag:s17], $0xC80  }
0x56: {  	[sflag:s17] =	ssyncset.done $0x0  }
0x57: {  	[sflag:s17] =	ssyncadd.s32 $0xFFFFF380  }
0x58: {  	_ =	swait.ge [sflag:s17], $0xC80  }
0x59: {  	[sflag:s17] =	ssyncset.done $0x0  }
0x5a: {  	[sflag:s17] =	ssyncadd.s32 $0xFFFFF380  }
0x5b: {  	_ =	swait.ge [sflag:s17], $0xC80  }
0x5c: {  	[sflag:s17] =	ssyncset.done $0x0  }
0x5d: {  	[sflag:s17] =	ssyncadd.s32 $0xFFFFF380  }
0x5e: {  	_ =	swait.ge [sflag:s17], $0xC80  }
0x5f: {  	[sflag:s17] =	ssyncset.done $0x0  }
0x60: {  	[sflag:s17] =	ssyncadd.s32 $0xFFFFF380  }
0x61: {  	_ =	swait.ge [sflag:s18], $0xC80  }
0x62: {  	[sflag:s18] =	ssyncset.done $0x0  }
0x63: {  	[sflag:s18] =	ssyncadd.s32 $0xFFFFF380  }
0x64: {  	_ =	swait.ge [sflag:s18], $0xC80  }
0x65: {  	[sflag:s18] =	ssyncset.done $0x0  }
0x66: {  	[sflag:s18] =	ssyncadd.s32 $0xFFFFF380  }
0x67: {  	_ =	swait.ge [sflag:s18], $0xC80  }
0x68: {  	[sflag:s18] =	ssyncset.done $0x0  }
0x69: {  	[sflag:s18] =	ssyncadd.s32 $0xFFFFF380  }
0x6a: {  	_ =	swait.ge [sflag:s18], $0xC80  }
0x6b: {  	[sflag:s18] =	ssyncset.done $0x0  }
0x6c: {  	[sflag:s18] =	ssyncadd.s32 $0xFFFFF380  }
0x6d: {  	_ =	swait.ge [sflag:s19], $0xC80  }
0x6e: {  	[sflag:s19] =	ssyncset.done $0x0  }
0x6f: {  	[sflag:s19] =	ssyncadd.s32 $0xFFFFF380  }
0x70: {  	_ =	swait.ge [sflag:s19], $0xC80  }
0x71: {  	[sflag:s19] =	ssyncset.done $0x0  }
0x72: {  	[sflag:s19] =	ssyncadd.s32 $0xFFFFF380  }
0x73: {  	_ =	swait.ge [sflag:s19], $0xC80  }
0x74: {  	[sflag:s19] =	ssyncset.done $0x0  }
0x75: {  	[sflag:s19] =	ssyncadd.s32 $0xFFFFF380  }
0x76: {  	_ =	swait.ge [sflag:s19], $0xC80  }
0x77: {  	[sflag:s19] =	ssyncset.done $0x0  }
0x78: {  	[sflag:s19] =	ssyncadd.s32 $0xFFFFF380  }
0x79: {  	_ =	swait.ge [sflag:s20], $0xC80  }
0x7a: {  	[sflag:s20] =	ssyncset.done $0x0  }
0x7b: {  	[sflag:s20] =	ssyncadd.s32 $0xFFFFF380  }
0x7c: {  	_ =	swait.ge [sflag:s20], $0xC80  }
0x7d: {  	[sflag:s20] =	ssyncset.done $0x0  }
0x7e: {  	[sflag:s20] =	ssyncadd.s32 $0xFFFFF380  }
0x7f: {  	_ =	swait.ge [sflag:s20], $0xC80  }
0x80: {  	[sflag:s20] =	ssyncset.done $0x0  }
0x81: {  	[sflag:s20] =	ssyncadd.s32 $0xFFFFF380  }
0x82: {  	_ =	swait.ge [sflag:s20], $0xC80  }
0x83: {  	s5 =	rddreg [dreg:$0x1c]  }
0x84: {  	s21 =	rddreg [dreg:$0x1b];
	s5 =	sadd.s32 $0x1, s5  }
0x85: {  	p0 =	sne.s32 s5, s21  }
.Ltmp1:
0x86: {  	_ = 	snop;
	(pc) =	sbr.rel @!p0 .LBB2_5-.Ltmp1, $3  }
0x87: {  	_ =	sdelay $0x1  }
0x88: {  	[sflag:s20] =	ssyncset.done $0x0  }
0x89: {  	s0 =	simm.s32 $0x6400;
	[sflag:s20] =	ssyncadd.s32 $0xFFFFF380  }
.LBB2_1:
0x8a: {  	[dreg:$0x1c] =	wrdreg s5  }
0x8b: {  	s21 =	rddreg [dreg:$0x1a];
	s22 =	simm.s32 $0x11  }
0x8c: {  	[tilespmem:s1], [sflag:$0x11] =	stream.linear.gather [hbm4b:s21+s1], $0x6400, $0x38;
	[tilespmem:$0x1F400] =	vst v63  }
0x8d: {  	_ =	swait.ge [sflag:s22], $0x6400  }
0x8e: {  	[sflag:s22] =	ssyncset.done $0x0  }
0x8f: {  	[sflag:s22] =	ssyncadd.s32 $0xFFFF9C00  }
0x90: {  	[tilespmem:s0], [sflag:$0x1] =	stream.indirect.gather [hbm4b:s26+s31], $0x40, s1, s31, $0xb8;
	[tilespmem:$0x1F400] =	vst v63  }
0x91: {  	_ = 	snop  }
0x92: {  	[tilespmem:s23], [sflag:$0x2] =	stream.indirect.gather [hbm4b:s26+s31], $0x40, s31, s31, $0xb8;
	[tilespmem:$0x1F400] =	vst v63  }
0x93: {  	s24 =	simm.s32 $0x190  }
0x94: {  	[tilespmem:s25], [sflag:$0x3] =	stream.indirect.gather [hbm4b:s26+s31], $0x40, s24, s31, $0xb8;
	[tilespmem:$0x1F400] =	vst v63  }
0x95: {  	s5 =	simm.s32 $0x258  }
0x96: {  	[tilespmem:s28], [sflag:$0x4] =	stream.indirect.gather [hbm4b:s26+s31], $0x40, s5, s31, $0xb8;
	[tilespmem:$0x1F400] =	vst v63  }
0x97: {  	s22 =	simm.s32 $0x320  }
0x98: {  	[tilespmem:s29], [sflag:$0x5] =	stream.indirect.gather [hbm4b:s26+s31], $0x40, s22, s31, $0xb8;
	[tilespmem:$0x1F400] =	vst v63  }
0x99: {  	s30 =	simm.s32 $0xFA00;
	s21 =	simm.s32 $0xBB8;
	s23 =	simm.s32 $0x3E8  }
0x9a: {  	[tilespmem:s2], [sflag:$0x6] =	stream.indirect.gather [hbm4b:s26+s31], $0x40, s23, s31, $0xb8;
	[tilespmem:$0x1F400] =	vst v63  }
0x9b: {  	s24 =	simm.s32 $0x4B0;
	s25 =	simm.s32 $0x578;
	s5 =	simm.s32 $0x1C200  }
0x9c: {  	[tilespmem:s3], [sflag:$0x7] =	stream.indirect.gather [hbm4b:s26+s31], $0x40, s24, s31, $0xb8;
	[tilespmem:$0x1F400] =	vst v63  }
0x9d: {  	s28 =	simm.s32 $0x9600;
	s22 =	simm.s32 $0x0;
	s29 =	simm.s32 $0xC800  }
0x9e: {  	[tilespmem:s4], [sflag:$0x8] =	stream.indirect.gather [hbm4b:s26+s31], $0x40, s25, s31, $0xb8;
	[tilespmem:$0x1F400] =	vst v63  }
0x9f: {  	s2 =	simm.s32 $0x12C00;
	s3 =	simm.s32 $0x15E00;
	s4 =	simm.s32 $0x19000  }
.LBB2_2:
0xa0: {  	s23 =	simm.s32 $0x1  }
0xa1: {  	_ =	swait.ge [sflag:s23], $0x3200  }
0xa2: {  	[sflag:s23] =	ssyncset.done $0x0;
	s24 =	rddreg [dreg:$0x6]  }
0xa3: {  	[sflag:s23] =	ssyncadd.s32 $0xFFFFCE00;
	s24 =	sadd.s32 s22, s24  }
0xa4: {  	[hbm4b:s24+s1] =	stream.linear.scatter [tilespmem:s0], [sflag:$0x9], $0xC80, $0x38;
	[tilespmem:$0x1F400] =	vst v63  }
0xa5: {  	s23 =	simm.s32 $0x7080;
	s25 =	sadd.s32 $0x190, s24  }
0xa6: {  	[hbm4b:s25+s1] =	stream.linear.scatter [tilespmem:s23], [sflag:$0x9], $0xC80, $0x38;
	[tilespmem:$0x1F400] =	vst v63  }
0xa7: {  	s23 =	rddreg [dreg:$0x19]  }
0xa8: {  	s25 =	sadd.s32 s22, s23;
	s23 =	simm.s32 $0x7D00  }
0xa9: {  	[hbm4b:s25+s1] =	stream.linear.scatter [tilespmem:s23], [sflag:$0x9], $0xC80, $0x38;
	[tilespmem:$0x1F400] =	vst v63  }
0xaa: {  	s23 =	rddreg [dreg:$0x18]  }
0xab: {  	s25 =	sadd.s32 s22, s23;
	s23 =	simm.s32 $0x8980  }
0xac: {  	[hbm4b:s25+s1] =	stream.linear.scatter [tilespmem:s23], [sflag:$0x9], $0xC80, $0x38;
	[tilespmem:$0x1F400] =	vst v63  }
0xad: {  	_ =	swait.ge [sflag:s6], $0x3200  }
0xae: {  	[sflag:s6] =	ssyncset.done $0x0  }
0xaf: {  	s23 =	sadd.s32 $0x640, s24;
	[sflag:s6] =	ssyncadd.s32 $0xFFFFCE00  }
0xb0: {  	[hbm4b:s23+s1] =	stream.linear.scatter [tilespmem:s28], [sflag:$0xA], $0xC80, $0x38;
	[tilespmem:$0x1F400] =	vst v63  }
0xb1: {  	s25 =	sadd.s32 $0x7D0, s24;
	s23 =	simm.s32 $0xA280  }
0xb2: {  	[hbm4b:s25+s1] =	stream.linear.scatter [tilespmem:s23], [sflag:$0xA], $0xC80, $0x38;
	[tilespmem:$0x1F400] =	vst v63  }
0xb3: {  	s23 =	rddreg [dreg:$0x17]  }
0xb4: {  	s25 =	sadd.s32 s22, s23;
	s23 =	simm.s32 $0xAF00  }
0xb5: {  	[hbm4b:s25+s1] =	stream.linear.scatter [tilespmem:s23], [sflag:$0xA], $0xC80, $0x38;
	[tilespmem:$0x1F400] =	vst v63  }
0xb6: {  	s23 =	rddreg [dreg:$0x16]  }
0xb7: {  	s25 =	sadd.s32 s22, s23;
	s23 =	simm.s32 $0xBB80  }
0xb8: {  	[hbm4b:s25+s1] =	stream.linear.scatter [tilespmem:s23], [sflag:$0xA], $0xC80, $0x38;
	[tilespmem:$0x1F400] =	vst v63  }
0xb9: {  	_ =	swait.ge [sflag:s7], $0x3200  }
0xba: {  	[sflag:s7] =	ssyncset.done $0x0  }
0xbb: {  	s23 =	sadd.s32 $0xC80, s24;
	[sflag:s7] =	ssyncadd.s32 $0xFFFFCE00  }
0xbc: {  	[hbm4b:s23+s1] =	stream.linear.scatter [tilespmem:s29], [sflag:$0xB], $0xC80, $0x38;
	[tilespmem:$0x1F400] =	vst v63  }
0xbd: {  	s23 =	rddreg [dreg:$0x15]  }
0xbe: {  	s25 =	sadd.s32 s22, s23;
	s23 =	simm.s32 $0xD480  }
0xbf: {  	[hbm4b:s25+s1] =	stream.linear.scatter [tilespmem:s23], [sflag:$0xB], $0xC80, $0x38;
	[tilespmem:$0x1F400] =	vst v63  }
0xc0: {  	s23 =	rddreg [dreg:$0x14]  }
0xc1: {  	s25 =	sadd.s32 s22, s23;
	s23 =	simm.s32 $0xE100  }
0xc2: {  	[hbm4b:s25+s1] =	stream.linear.scatter [tilespmem:s23], [sflag:$0xB], $0xC80, $0x38;
	[tilespmem:$0x1F400] =	vst v63  }
0xc3: {  	s23 =	rddreg [dreg:$0x13]  }
0xc4: {  	s25 =	sadd.s32 s22, s23;
	s23 =	simm.s32 $0xED80  }
0xc5: {  	[hbm4b:s25+s1] =	stream.linear.scatter [tilespmem:s23], [sflag:$0xB], $0xC80, $0x38;
	[tilespmem:$0x1F400] =	vst v63  }
0xc6: {  	_ =	swait.ge [sflag:s8], $0x3200  }
0xc7: {  	[sflag:s8] =	ssyncset.done $0x0  }
0xc8: {  	s23 =	sadd.s32 $0x12C0, s24;
	[sflag:s8] =	ssyncadd.s32 $0xFFFFCE00  }
0xc9: {  	[hbm4b:s23+s1] =	stream.linear.scatter [tilespmem:s30], [sflag:$0xC], $0xC80, $0x38;
	[tilespmem:$0x1F400] =	vst v63  }
0xca: {  	s23 =	rddreg [dreg:$0x12]  }
0xcb: {  	s30 =	simm.s32 $0x10680;
	s25 =	sadd.s32 s22, s23;
	s23 =	rddreg [dreg:$0x11]  }
0xcc: {  	[hbm4b:s25+s1] =	stream.linear.scatter [tilespmem:s30], [sflag:$0xC], $0xC80, $0x38;
	[tilespmem:$0x1F400] =	vst v63  }
0xcd: {  	s25 =	sadd.s32 s22, s23;
	s30 =	simm.s32 $0x11300;
	s23 =	rddreg [dreg:$0x10]  }
0xce: {  	[hbm4b:s25+s1] =	stream.linear.scatter [tilespmem:s30], [sflag:$0xC], $0xC80, $0x38;
	[tilespmem:$0x1F400] =	vst v63  }
0xcf: {  	s25 =	sadd.s32 s22, s23;
	s30 =	simm.s32 $0x11F80  }
0xd0: {  	[hbm4b:s25+s1] =	stream.linear.scatter [tilespmem:s30], [sflag:$0xC], $0xC80, $0x38;
	[tilespmem:$0x1F400] =	vst v63  }
0xd1: {  	_ =	swait.ge [sflag:s9], $0x3200  }
0xd2: {  	[sflag:s9] =	ssyncset.done $0x0  }
0xd3: {  	s30 =	sadd.s32 $0x1900, s24;
	s23 =	rddreg [dreg:$0xf];
	[sflag:s9] =	ssyncadd.s32 $0xFFFFCE00  }
0xd4: {  	[hbm4b:s30+s1] =	stream.linear.scatter [tilespmem:s2], [sflag:$0xD], $0xC80, $0x38;
	[tilespmem:$0x1F400] =	vst v63  }
0xd5: {  	s25 =	sadd.s32 s22, s23;
	s23 =	rddreg [dreg:$0xe];
	s30 =	simm.s32 $0x13880  }
0xd6: {  	[hbm4b:s25+s1] =	stream.linear.scatter [tilespmem:s30], [sflag:$0xD], $0xC80, $0x38;
	[tilespmem:$0x1F400] =	vst v63  }
0xd7: {  	s25 =	sadd.s32 s22, s23;
	s30 =	simm.s32 $0x14500;
	s23 =	rddreg [dreg:$0xd]  }
0xd8: {  	[hbm4b:s25+s1] =	stream.linear.scatter [tilespmem:s30], [sflag:$0xD], $0xC80, $0x38;
	[tilespmem:$0x1F400] =	vst v63  }
0xd9: {  	s25 =	sadd.s32 s22, s23;
	s30 =	simm.s32 $0x15180  }
0xda: {  	[hbm4b:s25+s1] =	stream.linear.scatter [tilespmem:s30], [sflag:$0xD], $0xC80, $0x38;
	[tilespmem:$0x1F400] =	vst v63  }
0xdb: {  	_ =	swait.ge [sflag:s10], $0x3200  }
0xdc: {  	[sflag:s10] =	ssyncset.done $0x0  }
0xdd: {  	s2 =	sadd.s32 $0x1F40, s24;
	s23 =	rddreg [dreg:$0xc];
	[sflag:s10] =	ssyncadd.s32 $0xFFFFCE00  }
0xde: {  	[hbm4b:s2+s1] =	stream.linear.scatter [tilespmem:s3], [sflag:$0xE], $0xC80, $0x38;
	[tilespmem:$0x1F400] =	vst v63  }
0xdf: {  	s30 =	simm.s32 $0x16A80;
	s25 =	sadd.s32 s22, s23;
	s2 =	rddreg [dreg:$0xb]  }
0xe0: {  	[hbm4b:s25+s1] =	stream.linear.scatter [tilespmem:s30], [sflag:$0xE], $0xC80, $0x38;
	[tilespmem:$0x1F400] =	vst v63  }
0xe1: {  	s23 =	rddreg [dreg:$0xa];
	s3 =	simm.s32 $0x17700;
	s25 =	sadd.s32 s22, s2  }
0xe2: {  	[hbm4b:s25+s1] =	stream.linear.scatter [tilespmem:s3], [sflag:$0xE], $0xC80, $0x38;
	[tilespmem:$0x1F400] =	vst v63  }
0xe3: {  	s30 =	simm.s32 $0x18380;
	s25 =	sadd.s32 s22, s23  }
0xe4: {  	[hbm4b:s25+s1] =	stream.linear.scatter [tilespmem:s30], [sflag:$0xE], $0xC80, $0x38;
	[tilespmem:$0x1F400] =	vst v63  }
0xe5: {  	_ =	swait.ge [sflag:s11], $0x3200  }
0xe6: {  	[sflag:s11] =	ssyncset.done $0x0  }
0xe7: {  	s3 =	sadd.s32 $0x2580, s24;
	s23 =	rddreg [dreg:$0x9];
	[sflag:s11] =	ssyncadd.s32 $0xFFFFCE00  }
0xe8: {  	[hbm4b:s3+s1] =	stream.linear.scatter [tilespmem:s4], [sflag:$0xF], $0xC80, $0x38;
	[tilespmem:$0x1F400] =	vst v63  }
0xe9: {  	s30 =	simm.s32 $0x19C80;
	s25 =	sadd.s32 s22, s23;
	s3 =	rddreg [dreg:$0x8]  }
0xea: {  	[hbm4b:s25+s1] =	stream.linear.scatter [tilespmem:s30], [sflag:$0xF], $0xC80, $0x38;
	[tilespmem:$0x1F400] =	vst v63  }
0xeb: {  	s23 =	rddreg [dreg:$0x7];
	s4 =	simm.s32 $0x1A900;
	s25 =	sadd.s32 s22, s3  }
0xec: {  	[hbm4b:s25+s1] =	stream.linear.scatter [tilespmem:s4], [sflag:$0xF], $0xC80, $0x38;
	[tilespmem:$0x1F400] =	vst v63  }
0xed: {  	s30 =	simm.s32 $0x1B580;
	s25 =	sadd.s32 s22, s23  }
0xee: {  	[hbm4b:s25+s1] =	stream.linear.scatter [tilespmem:s30], [sflag:$0xF], $0xC80, $0x38;
	[tilespmem:$0x1F400] =	vst v63  }
0xef: {  	_ =	swait.ge [sflag:s12], $0x3200  }
0xf0: {  	[sflag:s12] =	ssyncset.done $0x0  }
0xf1: {  	s24 =	sadd.s32 $0x2BC0, s24;
	s3 =	rddreg [dreg:$0x5];
	[sflag:s12] =	ssyncadd.s32 $0xFFFFCE00  }
0xf2: {  	[hbm4b:s24+s1] =	stream.linear.scatter [tilespmem:s5], [sflag:$0x10], $0xC80, $0x38;
	[tilespmem:$0x1F400] =	vst v63  }
0xf3: {  	s4 =	simm.s32 $0x1CE80;
	s24 =	sadd.s32 s22, s3;
	s5 =	rddreg [dreg:$0x4]  }
0xf4: {  	[hbm4b:s24+s1] =	stream.linear.scatter [tilespmem:s4], [sflag:$0x10], $0xC80, $0x38;
	[tilespmem:$0x1F400] =	vst v63  }
0xf5: {  	s23 =	simm.s32 $0x1DB00;
	s25 =	rddreg [dreg:$0x3];
	s24 =	sadd.s32 s22, s5  }
0xf6: {  	[hbm4b:s24+s1] =	stream.linear.scatter [tilespmem:s23], [sflag:$0x10], $0xC80, $0x38;
	[tilespmem:$0x1F400] =	vst v63  }
0xf7: {  	s30 =	simm.s32 $0x1E780;
	s24 =	sadd.s32 s22, s25  }
0xf8: {  	[hbm4b:s24+s1] =	stream.linear.scatter [tilespmem:s30], [sflag:$0x10], $0xC80, $0x38;
	[tilespmem:$0x1F400] =	vst v63  }
0xf9: {  	_ =	swait.ge [sflag:s13], $0xC80  }
0xfa: {  	[sflag:s13] =	ssyncset.done $0x0  }
0xfb: {  	[sflag:s13] =	ssyncadd.s32 $0xFFFFF380  }
0xfc: {  	_ =	swait.ge [sflag:s13], $0xC80  }
0xfd: {  	[sflag:s13] =	ssyncset.done $0x0  }
0xfe: {  	[sflag:s13] =	ssyncadd.s32 $0xFFFFF380  }
0xff: {  	p0 =	seq.s32 s22, $0x2EE00;
	_ =	swait.ge [sflag:s13], $0xC80  }
.Ltmp2:
0x100: {  	[sflag:s13] =	ssyncset.done $0x0;
	(pc) =	sbr.rel @p0 .LBB2_4-.Ltmp2, $4  }
0x101: {  	s0 =	simm.s32 $0x6400;
	s28 =	simm.s32 $0xFA00;
	[sflag:s13] =	ssyncadd.s32 $0xFFFFF380  }
0x102: {  	s29 =	simm.s32 $0x12C00;
	s2 =	simm.s32 $0x15E00;
	_ =	swait.ge [sflag:s13], $0xC80  }
0x103: {  	s3 =	simm.s32 $0x19000;
	s4 =	simm.s32 $0x1C200;
	[sflag:s13] =	ssyncset.done $0x0  }
0x104: {  	s23 =	simm.s32 $0x9600;
	s25 =	simm.s32 $0xC800;
	[sflag:s13] =	ssyncadd.s32 $0xFFFFF380  }
0x105: {  	s24 =	sadd.s32 $0xFFFFFA88, s21  }
0x106: {  	[tilespmem:s0], [sflag:$0x1] =	stream.indirect.gather [hbm4b:s26+s31], $0x40, s24, s31, $0xb8;
	[tilespmem:$0x1F400] =	vst v63  }
0x107: {  	_ =	swait.ge [sflag:s14], $0xC80  }
0x108: {  	[sflag:s14] =	ssyncset.done $0x0  }
0x109: {  	[sflag:s14] =	ssyncadd.s32 $0xFFFFF380  }
0x10a: {  	_ =	swait.ge [sflag:s14], $0xC80  }
0x10b: {  	[sflag:s14] =	ssyncset.done $0x0  }
0x10c: {  	[sflag:s14] =	ssyncadd.s32 $0xFFFFF380  }
0x10d: {  	_ =	swait.ge [sflag:s14], $0xC80  }
0x10e: {  	[sflag:s14] =	ssyncset.done $0x0  }
0x10f: {  	[sflag:s14] =	ssyncadd.s32 $0xFFFFF380  }
0x110: {  	_ =	swait.ge [sflag:s14], $0xC80  }
0x111: {  	[sflag:s14] =	ssyncset.done $0x0  }
0x112: {  	s5 =	sadd.s32 $0xFFFFFB50, s21;
	[sflag:s14] =	ssyncadd.s32 $0xFFFFF380  }
0x113: {  	[tilespmem:s23], [sflag:$0x2] =	stream.indirect.gather [hbm4b:s26+s31], $0x40, s5, s31, $0xb8;
	[tilespmem:$0x1F400] =	vst v63  }
0x114: {  	_ =	swait.ge [sflag:s15], $0xC80  }
0x115: {  	[sflag:s15] =	ssyncset.done $0x0  }
0x116: {  	[sflag:s15] =	ssyncadd.s32 $0xFFFFF380  }
0x117: {  	_ =	swait.ge [sflag:s15], $0xC80  }
0x118: {  	[sflag:s15] =	ssyncset.done $0x0  }
0x119: {  	[sflag:s15] =	ssyncadd.s32 $0xFFFFF380  }
0x11a: {  	_ =	swait.ge [sflag:s15], $0xC80  }
0x11b: {  	[sflag:s15] =	ssyncset.done $0x0  }
0x11c: {  	[sflag:s15] =	ssyncadd.s32 $0xFFFFF380  }
0x11d: {  	_ =	swait.ge [sflag:s15], $0xC80  }
0x11e: {  	[sflag:s15] =	ssyncset.done $0x0  }
0x11f: {  	s23 =	sadd.s32 $0xFFFFFC18, s21;
	[sflag:s15] =	ssyncadd.s32 $0xFFFFF380  }
0x120: {  	[tilespmem:s25], [sflag:$0x3] =	stream.indirect.gather [hbm4b:s26+s31], $0x40, s23, s31, $0xb8;
	[tilespmem:$0x1F400] =	vst v63  }
0x121: {  	_ =	swait.ge [sflag:s16], $0xC80  }
0x122: {  	[sflag:s16] =	ssyncset.done $0x0  }
0x123: {  	[sflag:s16] =	ssyncadd.s32 $0xFFFFF380  }
0x124: {  	_ =	swait.ge [sflag:s16], $0xC80  }
0x125: {  	[sflag:s16] =	ssyncset.done $0x0  }
0x126: {  	[sflag:s16] =	ssyncadd.s32 $0xFFFFF380  }
0x127: {  	_ =	swait.ge [sflag:s16], $0xC80  }
0x128: {  	[sflag:s16] =	ssyncset.done $0x0  }
0x129: {  	[sflag:s16] =	ssyncadd.s32 $0xFFFFF380  }
0x12a: {  	_ =	swait.ge [sflag:s16], $0xC80  }
0x12b: {  	[sflag:s16] =	ssyncset.done $0x0  }
0x12c: {  	s0 =	sadd.s32 $0xFFFFFCE0, s21;
	[sflag:s16] =	ssyncadd.s32 $0xFFFFF380  }
0x12d: {  	[tilespmem:s28], [sflag:$0x4] =	stream.indirect.gather [hbm4b:s26+s31], $0x40, s0, s31, $0xb8;
	[tilespmem:$0x1F400] =	vst v63  }
0x12e: {  	_ =	swait.ge [sflag:s17], $0xC80  }
0x12f: {  	[sflag:s17] =	ssyncset.done $0x0  }
0x130: {  	[sflag:s17] =	ssyncadd.s32 $0xFFFFF380  }
0x131: {  	_ =	swait.ge [sflag:s17], $0xC80  }
0x132: {  	[sflag:s17] =	ssyncset.done $0x0  }
0x133: {  	[sflag:s17] =	ssyncadd.s32 $0xFFFFF380  }
0x134: {  	_ =	swait.ge [sflag:s17], $0xC80  }
0x135: {  	[sflag:s17] =	ssyncset.done $0x0  }
0x136: {  	[sflag:s17] =	ssyncadd.s32 $0xFFFFF380  }
0x137: {  	_ =	swait.ge [sflag:s17], $0xC80  }
0x138: {  	[sflag:s17] =	ssyncset.done $0x0  }
0x139: {  	s5 =	sadd.s32 $0xFFFFFDA8, s21;
	[sflag:s17] =	ssyncadd.s32 $0xFFFFF380  }
0x13a: {  	[tilespmem:s29], [sflag:$0x5] =	stream.indirect.gather [hbm4b:s26+s31], $0x40, s5, s31, $0xb8;
	[tilespmem:$0x1F400] =	vst v63  }
0x13b: {  	_ =	swait.ge [sflag:s18], $0xC80  }
0x13c: {  	[sflag:s18] =	ssyncset.done $0x0  }
0x13d: {  	[sflag:s18] =	ssyncadd.s32 $0xFFFFF380  }
0x13e: {  	_ =	swait.ge [sflag:s18], $0xC80  }
0x13f: {  	[sflag:s18] =	ssyncset.done $0x0  }
0x140: {  	[sflag:s18] =	ssyncadd.s32 $0xFFFFF380  }
0x141: {  	_ =	swait.ge [sflag:s18], $0xC80  }
0x142: {  	[sflag:s18] =	ssyncset.done $0x0  }
0x143: {  	[sflag:s18] =	ssyncadd.s32 $0xFFFFF380  }
0x144: {  	_ =	swait.ge [sflag:s18], $0xC80  }
0x145: {  	[sflag:s18] =	ssyncset.done $0x0  }
0x146: {  	s23 =	sadd.s32 $0xFFFFFE70, s21;
	[sflag:s18] =	ssyncadd.s32 $0xFFFFF380  }
0x147: {  	[tilespmem:s2], [sflag:$0x6] =	stream.indirect.gather [hbm4b:s26+s31], $0x40, s23, s31, $0xb8;
	[tilespmem:$0x1F400] =	vst v63  }
0x148: {  	_ =	swait.ge [sflag:s19], $0xC80  }
0x149: {  	[sflag:s19] =	ssyncset.done $0x0  }
0x14a: {  	[sflag:s19] =	ssyncadd.s32 $0xFFFFF380  }
0x14b: {  	_ =	swait.ge [sflag:s19], $0xC80  }
0x14c: {  	[sflag:s19] =	ssyncset.done $0x0  }
0x14d: {  	[sflag:s19] =	ssyncadd.s32 $0xFFFFF380  }
0x14e: {  	_ =	swait.ge [sflag:s19], $0xC80  }
0x14f: {  	[sflag:s19] =	ssyncset.done $0x0  }
0x150: {  	[sflag:s19] =	ssyncadd.s32 $0xFFFFF380  }
0x151: {  	_ =	swait.ge [sflag:s19], $0xC80  }
0x152: {  	[sflag:s19] =	ssyncset.done $0x0  }
0x153: {  	s25 =	sadd.s32 $0xFFFFFF38, s21;
	[sflag:s19] =	ssyncadd.s32 $0xFFFFF380  }
0x154: {  	[tilespmem:s3], [sflag:$0x7] =	stream.indirect.gather [hbm4b:s26+s31], $0x40, s25, s31, $0xb8;
	[tilespmem:$0x1F400] =	vst v63  }
0x155: {  	_ =	swait.ge [sflag:s20], $0xC80  }
0x156: {  	[sflag:s20] =	ssyncset.done $0x0  }
0x157: {  	[sflag:s20] =	ssyncadd.s32 $0xFFFFF380  }
0x158: {  	_ =	swait.ge [sflag:s20], $0xC80  }
0x159: {  	[sflag:s20] =	ssyncset.done $0x0  }
0x15a: {  	[sflag:s20] =	ssyncadd.s32 $0xFFFFF380  }
0x15b: {  	_ =	swait.ge [sflag:s20], $0xC80  }
0x15c: {  	[sflag:s20] =	ssyncset.done $0x0  }
0x15d: {  	s22 =	sadd.s32 $0x3200, s22;
	s30 =	simm.s32 $0xFA00;
	[sflag:s20] =	ssyncadd.s32 $0xFFFFF380  }
.Ltmp3:
0x15e: {  	s0 =	simm.s32 $0x6400;
	_ =	swait.ge [sflag:s20], $0xC80;
	(pc) =	sbr.rel .LBB2_2-.Ltmp3, $4  }
0x15f: {  	s28 =	simm.s32 $0x9600;
	s5 =	simm.s32 $0x1C200;
	[sflag:s20] =	ssyncset.done $0x0  }
0x160: {  	s29 =	simm.s32 $0xC800;
	s2 =	simm.s32 $0x12C00;
	[sflag:s20] =	ssyncadd.s32 $0xFFFFF380  }
0x161: {  	[tilespmem:s4], [sflag:$0x8] =	stream.indirect.gather [hbm4b:s26+s31], $0x40, s21, s31, $0xb8;
	[tilespmem:$0x1F400] =	vst v63  }
0x162: {  	s3 =	simm.s32 $0x15E00;
	s21 =	sadd.s32 $0x640, s21;
	s4 =	simm.s32 $0x19000  }
.LBB2_5:
0x163: {  	_ =	sfence.sel $0x180000  }
0x164: {  	[bflag:$0x0] =	sbarrier.arrive $0xFFFF  }
0x165: {  	_ =	strace $0x90000047  }
0x166: {  	s0 =	stileid.u32;
	[bflag:$0x2] =	sbarrier.arrive $0xFFFF  }
0x167: {  	p0 =	sne.s32 s0, $0x0;
	s0 =	rddreg [dreg:$0x2]  }
0x168: {  	s0 =	sadd.s32 @!p0 $0x100000, s0  }
0x169: {  	[sflag:s0] =	ssyncadd.tile.s32 @!p0 $0x1;
	_ =	shalt  }
.Lfunc_end2:
_tile_overlayer_lowered:
.L_overlay_start_2:
0x16a: {  	(tag) =	ssettag $0x2  }
0x16b: {  	s0 =	rddreg [dreg:$0x0];
	s2 =	stileid.u32  }
0x16c: {  	s1 =	rddreg [dreg:$0x1];
	p0 =	sne.s32 s2, $0x0  }
0x16d: {  	s3 =	rddreg [dreg:$0x2];
	[bflag:$0x3] =	sbarrier.arrive $0xFFFF;
	s2 =	simm.s32 @!p0 $0x1C11  }
0x16e: {  	[timem:s3], [sflag:s2] =	dma.local @!p0 [hbm:s0], s1  }
0x16f: {  	s0 =	simm.s32 @!p0 $0x11  }
0x170: {  	_ =	swait.ge @!p0 [sflag:s0], s1  }
0x171: {  	s1 =	ssub.s32 @!p0 $0x0, s1;
	[sflag:s0] =	ssyncset.done @!p0 $0x0  }
0x172: {  	[sflag:s0] =	ssyncadd.s32 @!p0 s1  }
0x173: {  	[bflag:$0x3] =	sbarrier.arrive $0xFFFF  }
0x174: {  	_ =	shalt  }

// kernel: sparse-core-data-format-call.cloned.1.call-start
scs
called_computation_lowered:
.L_overlay_start_0:
0x0: {  	s2 =	sld [smem:$0x3FD9]  }
0x1: {  	s3 =	sld [smem:$0x3FFE];
	_ =	sdelay $0x1  }
0x2: {  	s1 =	srdreg.scid  }
0x3: {  	s0 =	sand.u32 $0x1, s1  }
0x4: {  	s18 =	sshll.u32 s0, $0xA;
	s2 =	sadd.s32 s3, s2  }
0x5: {  	s2 =	sadd.s32 s2, s18  }
0x6: {  	[smem:$0x3FC6] =	sst s2  }
0x7: {  	_ = 	snop  }
0x8: {  	s2 =	sld [smem:$0x3FD0];
	(tm) =	ssettm $0x1  }
0x9: {  	s19 =	sld [smem:$0x3FFB];
	_ =	sdelay $0x3  }
0xa: {  	_ =	strace s19  }
0xb: {  	s3 =	sld [smem:$0x3FFC];
	_ =	sdelay $0x3  }
0xc: {  	_ =	strace s3  }
0xd: {  	s3 =	sld [smem:$0x3FFD];
	_ =	sdelay $0x3  }
0xe: {  	_ =	strace s3  }
0xf: {  	_ =	strace $0x8FFFFFFF  }
0x10: {  	s20 =	sld [smem:$0x3FDB];
	_ =	sdelay $0x1  }
0x11: {  	s4 =	simm.s32 $_scs_section_size  }
0x12: {  	s5 =	simm.s32 $_size__tile_overlayer_lowered;
	s6 =	simm.s32 $_tile_overlayer_lowered  }
0x13: {  	s23 =	simm.s32 $0x1BFF;
	s22 =	sshll.u32 s6, $0x1;
	s3 =	sadd.s32 s4, s20  }
0x14: {  	s7 =	simm.s32 $0x0;
	s21 =	sshll.u32 s5, $0x1;
	s5 =	sadd.s32 s22, s3  }
0x15: {  	[timem:s7], [sflag:s23] =	dma.local [hbm:s5], s21  }
0x16: {  	_ =	swait.ge [sflag:s23], s21  }
0x17: {  	s4 =	ssub.s32 $0x0, s21;
	[sflag:s23] =	ssyncset.done $0x0  }
0x18: {  	[sflag:s23] =	ssyncadd.s32 s4;
	_ =	sdelay $0x1  }
0x19: {  	s24 =	simm.s32 $0x1B8B  }
0x1a: {  	_ =	swait.ge [sflag:s24], $0x1  }
0x1b: {  	[sflag:s24] =	ssyncset.done $0x0  }
0x1c: {  	s26 =	simm.s32 $0x1B8E;
	s25 =	sld [smem:$0x3FFE];
	[sflag:s24] =	ssyncadd.s32 $0xFFFFFFFF  }
0x1d: {  	s27 =	simm.s32 $execute0_lowered;
	[smem:$0x3FD2] =	sst s26  }
0x1e: {  	s5 =	sshll.u32 s27, $0x1;
	_ =	strace $0x80000049;
	[dreg:$0x1] =	wrdreg $0xFFFFFFFF  }
0x1f: {  	s28 =	simm.s32 $_size_execute0_lowered;
	s3 =	sadd.s32 s3, s5;
	[dreg:$0x0] =	wrdreg $0x0  }
0x20: {  	s5 =	sshll.u32 s28, $0x1;
	[dreg:$0x2] =	wrdreg s3  }
0x21: {  	[dreg:$0x3] =	wrdreg s5  }
0x22: {  	[dreg:$0x4] =	wrdreg $0xC0  }
0x23: {  	_ =	task [dreg:s7], $0x5FFFF  }
0x24: {  	[dreg:$0x1] =	wrdreg $0xFFFFFFFF  }
0x25: {  	[dreg:$0x0] =	wrdreg $0x60  }
0x26: {  	[dreg:$0x2] =	wrdreg s25  }
0x27: {  	[dreg:$0x3] =	wrdreg s2  }
0x28: {  	[dreg:$0x4] =	wrdreg $0x9  }
0x29: {  	_ =	task.clear_ibuf [dreg:s7], $0x5FFFF;
	_ =	strace $0x90000049  }
0x2a: {  	s29 =	simm.s32 $0x9;
	_ =	strace $0x8000004B  }
0x2b: {  	_ =	swait.ge [sflag:s29], $0x1  }
0x2c: {  	[sflag:s29] =	ssyncadd.s32 $0xFFFFFFFF  }
0x2d: {  	_ =	strace $0x9000004B  }
0x2e: {  	_ =	sfence  }
0x2f: {  	s30 =	sld [smem:$0x0];
	_ =	sdelay $0x2  }
0x30: {  	s31 =	sshll.u32 s1, $0xD;
	s1 =	sshrl.u32 s1, $0x2  }
0x31: {  	s3 =	sand.u32 $0x4000, s31;
	s1 =	sadd.s32 s1, s30  }
0x32: {  	s0 =	sor.u32 s3, s0;
	s1 =	sshll.u32 s1, $0x11  }
0x33: {  	s0 =	sor.u32 s1, s0  }
0x34: {  	s0 =	sadd.s32 $0x8F2B, s0  }
0x35: {  	[sflag:s0] =	ssyncadd.remote.s32 $0x1  }
0x36: {  	_ =	sfence.sel $0xFFFF  }
0x37: {  	[dreg:$0x0] =	wrdreg $0xFFFFFFFF;
	(pc) =	sbr.abs _section_cstart, $3  }
0x38: {  	[dreg:$0x1] =	wrdreg $0xFFFFFFFF  }
0x39: {  	_ =	task.clear_ibuf [dreg:s7], $0x2FFFF;
	_ =	strace $0x9FFFFFFF  }
0x3a: {  	(tm) =	ssettm $0x7FFFFFFF  }
0x3b: {  	_ =	shalt  }
tec
execute0_lowered:
.L_overlay_start_1:
0x0: {  	(tag) =	ssettag $0x1  }
0x1: {  	s0 =	srdreg.scid  }
0x2: {  	s1 =	sshll.u32 s0, $0x4  }
0x3: {  	s0 =	stileid.u32;
	s1 =	sand.u32 $0x10, s1  }
0x4: {  	s1 =	sor.u32 s0, s1  }
0x5: {  	s6 =	rddreg [dreg:$0x0];
	s4 =	simm.s32 $0x1;
	s2 =	sshll.u32 s1, $0x7  }
0x6: {  	s7 =	simm.s32 $0x2;
	s12 =	simm.s32 $0x0;
	s1 =	ssub.s32 $0x4000, s2  }
0x7: {  	s8 =	simm.s32 $0x20000;
	s13 =	simm.s32 $0x0;
	s3 =	sand.u32 $0xF80, s1  }
0x8: {  	s9 =	simm.s32 $0x0;
	s5 =	sshrl.u32 s1, $0xC;
	p0 =	sne.s32 s3, $0x0  }
.Ltmp0:
0x9: {  	s1 =	rddreg [dreg:$0x2];
	s4 =	simm.s32 @!p0 $0x0;
	(pc) =	sbr.rel .LBB1_1-.Ltmp0, $4  }
0xa: {  	s11 =	simm.s32 $0x0;
	s3 =	rddreg [dreg:$0x1];
	s5 =	sadd.s32 s4, s5  }
0xb: {  	_ =	strace $0x8000004A;
	s4 =	simm.s32 $0x1;
	s5 =	smul.u32 $0x32, s5  }
0xc: {  	s6 =	sadd.s32 $0xA00, s6;
	s10 =	smov.u32 s2;
	[sflag:s4] =	ssyncpa.u1 $0x0  }
0xd: {  	p0 =	por $0x0, $0x0;
	[sflag:s7] =	ssyncpa.u1 $0x0;
	s7 =	sor.u32 $0x1, s5  }
.LBB1_4:
0xe: {  	s16 =	sshll.u32 s13, $0x3;
	s17 =	sand.u32 $0x78, s13  }
0xf: {  	s30 =	sand.u32 $0x1F800, s13;
	s12 =	sshll.u32 s12, $0x11;
	s16 =	sand.u32 $0x3C00, s16  }
0x10: {  	[tilespmem:s15+$0x810 ss:$0x81] =	vst.msk $0xffff, v2;
	s31 =	sand.u32 $0x7, s13;
	s16 =	sor.u32 s17, s16;
	s17 =	sadd.s32 s3, s30  }
0x11: {  	[tilespmem:s15+$0x1020 ss:$0x81] =	vst.msk $0xffff, v0;
	s13 =	sshll.u32 s31, $0x12;
	s12 =	sadd.s32 s12, s17;
	s16 =	sshrl.u32 s16, $0x3  }
0x12: {  	[tilespmem:s15+$0x0 ss:$0x81] =	vst.msk $0xffff, v1;
	s13 =	sor.u32 $0x400, s13;
	s12 =	sadd.s32 s16, s12  }
0x13: {  	[hbm4b:s12+s13] =	stream.strided.scatter [tilespmem:s14], [sflag:$0x2], $0x2000, s8, s13, $0x20;
	[tilespmem:$0x8080] =	vst v63  }
.LBB1_5:
0x14: {  	s14 =	sadd.s32 $0x1, s9  }
0x15: {  	s12 =	sadd.s32 $0x1000, s10;
	s16 =	smov.u32 s10;
	p2 =	sgt.s32 s14, $0x31  }
0x16: {  	s16 =	smov.u32 @p2 s12  }
0x17: {  	s14 =	simm.s32 @p2 $0x0;
	p2 =	sgt.s32 s16, $0x3FFF  }
0x18: {  	s16 =	smov.u32 @p2 s2;
	p2 =	sne.s32 s11, s7  }
.Ltmp1:
0x19: {  	p1 =	slt.u32 s11, $0x2;
	(pc) =	sbr.rel @!p2 .LBB1_6-.Ltmp1, $4  }
0x1a: {  	s15 =	simm.s32 @!p1 $0x2  }
0x1b: {  	s13 =	smov.u32 s10;
	p0 =	por !p0, !p0;
	_ =	swait.ge @!p1 [sflag:s15], $0x2000  }
0x1c: {  	s12 =	smov.u32 s9;
	[sflag:s15] =	ssyncset.done @!p1 $0x0;
	s9 =	smov.u32 s14  }
0x1d: {  	s11 =	sadd.s32 $0x1, s11;
	[sflag:s15] =	ssyncadd.s32 @!p1 $0xFFFFE000;
	s10 =	smov.u32 s16  }
.LBB1_1:
0x1e: {  	p1 =	sge.u32 s11, s5  }
0x1f: {  	s14 =	sand.u32 @!p1 $0x1FFFFFF, s9  }
0x20: {  	s15 =	smulhi.u32 @!p1 $0x4924925, s14;
	_ =	sdelay $0x1  }
0x21: {  	s15 =	smul.u32 @!p1 $0x38, s15  }
0x22: {  	s16 =	sxor.u32 @!p1 $0xFFFFFFFF, s11;
	s17 =	smul.u32 @!p1 $0x380, s10  }
0x23: {  	s31 =	sadd.s32 $0xFFFFFFFF, s11;
	s16 =	sshll.u32 @!p1 s16, $0xD;
	s14 =	ssub.s32 @!p1 s14, s15  }
0x24: {  	s15 =	sand.u32 @!p1 $0x2000, s16;
	s16 =	sadd.s32 @!p1 s6, s17;
	s14 =	sshll.u32 @!p1 s14, $0x4  }
0x25: {  	s17 =	simm.s32 @!p1 $0x1C00;
	s14 =	sadd.s32 @!p1 s14, s16;
	s16 =	simm.s32 @!p1 $0x40  }
0x26: {  	[tilespmem:s15], [sflag:$0x1] =	stream.strided.gather @!p1 [hbm4b:s14+s16], $0x2000, s17, s16, $0x38;
	[tilespmem:$0x8080] =	vst v63  }
0x27: {  	p1 =	sge.u32 s31, s5  }
.Ltmp2:
0x28: {  	_ = 	snop;
	(pc) =	sbr.rel @p1 .LBB1_5-.Ltmp2, $1  }
0x29: {  	_ =	sdelay $0x3  }
0x2a: {  	s14 =	simm.s32 $0x1  }
0x2b: {  	_ =	swait.ge [sflag:s4], $0x2000;
	s14 =	simm.s32 @!p0 $0x0  }
0x2c: {  	[sflag:s4] =	ssyncset.done $0x0;
	s15 =	sshll.u32 s14, $0xD  }
0x2d: {  	[sflag:s4] =	ssyncadd.s32 $0xFFFFE000;
	s18 =	sor.u32 $0x20, s15  }
0x2e: {  	s14 =	smul.u32 $0x8100, s14;
	v3 =	vld [tilespmem:s18+$0x10]  }
0x2f: {  	s30 =	sand.u32 $0x1, s11;
	v2 =	vld [tilespmem:s18+$0xFFFFFFF0]  }
0x30: {  	s15 =	smul.u32 $0x8100, s30;
	s14 =	sshrl.u32 s14, $0x2;
	v0 =	vld [tilespmem:s18+$0x0]  }
0x31: {  	v1 =	vld [tilespmem:s18+$0xFFFFFFE0];
	s16 =	sor.u32 $0x4000, s14  }
0x32: {  	s31 =	sshrl.u32 s15, $0x2;
	s15 =	sadd.s32 $0x0, s16  }
0x33: {  	s17 =	simm.s32 $0x4;
	s18 =	sadd.s32 $0x40, s18;
	s14 =	sor.u32 $0x4000, s31;
	[tilespmem:s15+$0x1830 ss:$0x81] =	vst.msk $0xffff, v3  }
.LBB1_3:
0x34: {  	v3 =	vld [tilespmem:s18+$0x10];
	p1 =	sne.s32 s17, $0x1FC;
	[tilespmem:s15+$0x810 ss:$0x81] =	vst.msk $0xffff, v2;
	s19 =	smov.u32 s17;
	s17 =	sadd.s32 $0x4, s17  }
.Ltmp3:
0x35: {  	v2 =	vld [tilespmem:s18+$0xFFFFFFF0];
	[tilespmem:s15+$0x1020 ss:$0x81] =	vst.msk $0xffff, v0;
	(pc) =	sbr.rel @p1 .LBB1_3-.Ltmp3, $4  }
0x36: {  	v0 =	vld [tilespmem:s18+$0x0];
	[tilespmem:s15+$0x0 ss:$0x81] =	vst.msk $0xffff, v1  }
0x37: {  	s15 =	sshra.s32 s19, $0x2;
	v1 =	vld [tilespmem:s18+$0xFFFFFFE0]  }
0x38: {  	s15 =	sadd.s32 s15, s16  }
0x39: {  	s18 =	sadd.s32 $0x40, s18;
	[tilespmem:s15+$0x1830 ss:$0x81] =	vst.msk $0xffff, v3  }
.Ltmp4:
0x3a: {  	_ = 	snop;
	(pc) =	sbr.rel .LBB1_4-.Ltmp4, $1  }
0x3b: {  	_ =	sdelay $0x3  }
.LBB1_6:
0x3c: {  	_ =	sfence.sel $0x180000  }
0x3d: {  	s2 =	simm.s32 $0x1;
	[bflag:$0x0] =	sbarrier.arrive $0xFFFF  }
0x3e: {  	s31 =	simm.s32 $0x2;
	[sflag:s2] =	ssyncpa.u1 $0x1  }
0x3f: {  	[sflag:s31] =	ssyncpa.u1 $0x1  }
0x40: {  	p0 =	sne.s32 s0, $0x0;
	_ =	strace $0x9000004A  }
0x41: {  	s0 =	sadd.s32 @!p0 $0x100000, s1;
	[bflag:$0x2] =	sbarrier.arrive $0xFFFF  }
0x42: {  	[sflag:s0] =	ssyncadd.tile.s32 @!p0 $0x1;
	_ =	shalt  }
.Lfunc_end1:
_tile_overlayer_lowered:
.L_overlay_start_2:
0x43: {  	(tag) =	ssettag $0x2  }
0x44: {  	s0 =	rddreg [dreg:$0x0];
	s2 =	stileid.u32  }
0x45: {  	s1 =	rddreg [dreg:$0x1];
	p0 =	sne.s32 s2, $0x0  }
0x46: {  	s3 =	rddreg [dreg:$0x2];
	[bflag:$0x3] =	sbarrier.arrive $0xFFFF;
	s2 =	simm.s32 @!p0 $0x1C01  }
0x47: {  	[timem:s3], [sflag:s2] =	dma.local @!p0 [hbm:s0], s1  }
0x48: {  	s0 =	simm.s32 @!p0 $0x1  }
0x49: {  	_ =	swait.ge @!p0 [sflag:s0], s1  }
0x4a: {  	s1 =	ssub.s32 @!p0 $0x0, s1;
	[sflag:s0] =	ssyncset.done @!p0 $0x0  }
0x4b: {  	[sflag:s0] =	ssyncadd.s32 @!p0 s1  }
0x4c: {  	[bflag:$0x3] =	sbarrier.arrive $0xFFFF  }
0x4d: {  	_ =	shalt  }

</sc_bundles>
